<compile_context>
chip_gen: v7x
topology: tpu7x:2x2x1
jax: 0.10.2.dev20260603
libtpu: 0.0.44.dev20260713+nightly
codegen_flags: <defaults>
</compile_context>

<pallas_src>
import jax
import jax.numpy as jnp
from jax import lax
from jax.experimental import pallas as pl
from jax.experimental.pallas import tpu as pltpu
from jax.experimental.pallas import tpu_sc as plsc

_N_CLS = 1000
_FEAT = 512
_BATCH = 1024
_M = 0.95
_TEMP = 0.1
_BASE_TEMP = 0.1

_NW = 32
_NS = 16
_PAD_CLS = 1024
_RPW = _PAD_CLS // _NW
_LAST_RPW = _N_CLS - (_NW - 1) * _RPW
_L = 16
_SROWS = _BATCH // _NS


def _sc_ema_body(feat_hbm, protos_hbm, labels_hbm, out_hbm,
                 labels_v, midx, mrow, xrow, ptile, feats_sh, sem,
                 semA, semB, semP):
    cid = lax.axis_index("c")
    sid = lax.axis_index("s")
    wid = sid * 2 + cid
    base = wid * _RPW

    stage = pltpu.async_copy(
        feat_hbm.at[pl.ds(sid * _SROWS, _SROWS)],
        feats_sh.at[pl.ds(sid * _SROWS, _SROWS)], sem)

    @pl.when(wid < _NW - 1)
    def _():
        pltpu.make_async_copy(protos_hbm.at[pl.ds(base, _RPW)], ptile, semP).start()

    @pl.when(wid == _NW - 1)
    def _():
        pltpu.make_async_copy(protos_hbm.at[pl.ds(base, _LAST_RPW)],
                              ptile.at[pl.ds(0, _LAST_RPW)], semP).start()

    pltpu.sync_copy(labels_hbm, labels_v.at[pl.ds(0, _BATCH)])

    iota16 = lax.iota(jnp.int32, _L)

    def scan_g(g, off_c):
        lab16 = labels_v[pl.ds(g * _L, _L)]
        rel = lab16 - base
        m = jnp.logical_and(rel >= 0, rel < _RPW)
        plsc.store_compressed(midx.at[pl.ds(off_c, _L)], iota16 + g * _L, mask=m)
        plsc.store_compressed(mrow.at[pl.ds(off_c, _L)], rel, mask=m)
        return off_c + plsc.all_reduce_population_count(m)[0]

    off = lax.fori_loop(0, _BATCH // _L, scan_g, jnp.int32(0), unroll=4)

    stage.wait()
    plsc.subcore_barrier()

    @pl.when(wid < _NW - 1)
    def _():
        pltpu.make_async_copy(protos_hbm.at[pl.ds(base, _RPW)], ptile, semP).wait()

    @pl.when(wid == _NW - 1)
    def _():
        pltpu.make_async_copy(protos_hbm.at[pl.ds(base, _LAST_RPW)],
                              ptile.at[pl.ds(0, _LAST_RPW)], semP).wait()

    def fetch(s, buf, sem_b):
        i = midx[pl.ds(s, _L)][0]
        pltpu.make_async_copy(feats_sh.at[i], xrow.at[buf], sem_b).start()

    @pl.when(off > 0)
    def _():
        fetch(0, 0, semA)

    @pl.when(off > 1)
    def _():
        fetch(1, 1, semB)

    def upd(s, buf, sem_b):
        pltpu.make_async_copy(feat_hbm.at[0], xrow.at[buf], sem_b).wait()
        r = mrow[pl.ds(s, _L)][0]
        accs = [jnp.zeros((_L,), jnp.float32) for _ in range(4)]
        ys = []
        for j in range(_FEAT // _L):
            pj = ptile[r, pl.ds(j * _L, _L)]
            xj = xrow[buf, pl.ds(j * _L, _L)]
            y = pj * _M + xj * (1.0 - _M)
            ys.append(y)
            accs[j % 4] = accs[j % 4] + y * y
        ss = jnp.sum((accs[0] + accs[1]) + (accs[2] + accs[3]))
        sv = jnp.full((_L,), ss, jnp.float32)
        iv = plsc.bitcast(sv, jnp.int32)
        y0 = plsc.bitcast(jnp.int32(0x5F3759DF) - (iv >> 1), jnp.float32)
        y = y0
        for _ in range(4):
            y = y * (1.5 - 0.5 * sv * y * y)
        normv = sv * y
        scale = jnp.where(normv > 1e-12, y, 1e12)
        for j in range(_FEAT // _L):
            ptile[r, pl.ds(j * _L, _L)] = ys[j] * scale

        @pl.when(s + 2 < off)
        def _():
            fetch(s + 2, buf, sem_b)

    def pair(t, carry):
        s0 = 2 * t
        upd(s0, 0, semA)

        @pl.when(s0 + 1 < off)
        def _():
            upd(s0 + 1, 1, semB)

        return carry

    lax.fori_loop(0, (off + 1) // 2, pair, 0, unroll=False)

    @pl.when(wid < _NW - 1)
    def _():
        pltpu.sync_copy(ptile, out_hbm.at[pl.ds(base, _RPW)])

    @pl.when(wid == _NW - 1)
    def _():
        pltpu.sync_copy(ptile.at[pl.ds(0, _LAST_RPW)],
                        out_hbm.at[pl.ds(base, _LAST_RPW)])


def _loss_body(protos_ref, out_ref):
    protos = protos_ref[...]
    hi = protos.astype(jnp.bfloat16)
    lo = (protos - hi.astype(jnp.float32)).astype(jnp.bfloat16)
    dims = (((1,), (1,)), ((), ()))
    dot = lambda a, b: lax.dot_general(a, b, dims,
                                       preferred_element_type=jnp.float32)
    logits = (dot(hi, hi) + (dot(hi, lo) + dot(lo, hi))) * (1.0 / _TEMP)
    e = jnp.exp(logits)
    r = lax.broadcasted_iota(jnp.int32, (_N_CLS, _N_CLS), 0)
    c = lax.broadcasted_iota(jnp.int32, (_N_CLS, _N_CLS), 1)
    e = jnp.where(r == c, 0.0, e)
    s = jnp.sum(e, axis=1)
    mpn = jnp.log(s * (1.0 / (_N_CLS - 1)))
    out_ref[0, 0] = (_TEMP / _BASE_TEMP) * jnp.sum(mpn) * (1.0 / _N_CLS)


def kernel(features, prototypes, labels):
    ema = pl.kernel(
        _sc_ema_body,
        out_type=jax.ShapeDtypeStruct((_N_CLS, _FEAT), jnp.float32),
        mesh=plsc.VectorSubcoreMesh(core_axis_name="c", subcore_axis_name="s"),
        compiler_params=pltpu.CompilerParams(needs_layout_passes=False),
        scratch_types=[
            pltpu.VMEM((_BATCH + _L,), jnp.int32),
            pltpu.VMEM((_BATCH + _L,), jnp.int32),
            pltpu.VMEM((_BATCH + _L,), jnp.int32),
            pltpu.VMEM((2, _FEAT), jnp.float32),
            pltpu.VMEM((_RPW, _FEAT), jnp.float32),
            pltpu.VMEM_SHARED((_BATCH, _FEAT), jnp.float32),
            pltpu.SemaphoreType.DMA,
            pltpu.SemaphoreType.DMA,
            pltpu.SemaphoreType.DMA,
            pltpu.SemaphoreType.DMA,
        ],
    )
    protos_new = ema(features, prototypes, labels)

    out = pl.pallas_call(
        _loss_body,
        out_shape=jax.ShapeDtypeStruct((1, 1), jnp.float32),
        in_specs=[pl.BlockSpec(memory_space=pltpu.VMEM)],
        out_specs=pl.BlockSpec(memory_space=pltpu.SMEM),
    )(protos_new)
    return out[0, 0]

# --- scband reference (transcript-rebuilt; emitter-appended) ---
"""Pipeline reference for scband-dis-loss-50594714746907 (READ-ONLY COPY).

The authoritative reference and input builder live on the scoring server;
editing this copy changes nothing except your own understanding.
"""

import jax, jax.numpy as jnp
import numpy as np

N_CLS = 1000
FEAT_DIM = 512
PROTO_M = 0.95
TEMP = 0.1
BASE_TEMP = 0.1
BATCH = 1024


def setup_inputs(seed: int = 0) -> dict:
    key = jax.random.key(seed)
    k1, k2, k3 = jax.random.split(key, 3)
    features = jax.random.normal(k1, (BATCH, FEAT_DIM), dtype=jnp.float32)
    labels = jax.random.randint(k2, (BATCH,), 0, N_CLS, dtype=jnp.int32)
    # prototypes buffer: init_class_prototypes produces row-normalized class means;
    # emulate with normalized random rows.
    prototypes = jax.random.normal(k3, (N_CLS, FEAT_DIM), dtype=jnp.float32)
    prototypes = prototypes / jnp.maximum(
        jnp.linalg.norm(prototypes, axis=1, keepdims=True), 1e-12)
    return {"features": features, "prototypes": prototypes, "labels": labels}


def reference(features, prototypes, labels):
    # Sequential EMA prototype update (faithful to the per-sample python loop;
    # later samples with the same label see earlier updates).
    def step(protos, xl):
        x, l = xl
        row = protos[l] * PROTO_M + x * (1.0 - PROTO_M)
        row = row / jnp.maximum(jnp.linalg.norm(row), 1e-12)  # F.normalize(dim=0)
        return protos.at[l].set(row), None

    protos, _ = jax.lax.scan(step, prototypes, (features, labels))

    # labels = arange(n_cls) => eq(labels, labels.T) is the identity matrix
    eye = jnp.eye(N_CLS, dtype=jnp.float32)
    mask = 1.0 - eye
    logits = (protos @ protos.T) / TEMP
    logits_mask = 1.0 - eye  # scatter(ones, 1, arange.view(-1,1), 0)
    mask = mask * logits_mask
    denom = mask.sum(axis=1)
    mean_prob_neg = jnp.log((mask * jnp.exp(logits)).sum(axis=1) / denom)
    # NaN filtering (mean_prob_neg[~isnan]) done in a jit-safe way
    valid = ~jnp.isnan(mean_prob_neg)
    safe = jnp.where(valid, mean_prob_neg, 0.0)
    loss = (TEMP / BASE_TEMP) * (safe.sum() / jnp.maximum(valid.sum(), 1).astype(jnp.float32))
    return loss

if __name__ == "__main__":
    import jax
    _d = setup_inputs()
    print(jax.jit(kernel)(*tuple(_d.values())))

</pallas_src>

<mosaic_0001>
#map = affine_map<(d0, d1) -> (0, 0)>
#map1 = affine_map<(d0, d1) -> (0)>
module attributes {stable_mosaic.version = 14 : i64} {
  func.func @_sc_ema_body(%arg0: i32, %arg1: i32, %arg2: memref<1024x512xf32, #tpu.memory_space<hbm>>, %arg3: memref<1000x512xf32, #tpu.memory_space<hbm>>, %arg4: memref<1024xi32, #tpu.memory_space<hbm>>, %arg5: memref<1000x512xf32, #tpu.memory_space<hbm>>, %arg6: memref<1040xi32, #tpu.memory_space<vmem>>, %arg7: memref<1040xi32, #tpu.memory_space<vmem>>, %arg8: memref<1040xi32, #tpu.memory_space<vmem>>, %arg9: memref<2x512xf32, #tpu.memory_space<vmem>>, %arg10: memref<32x512xf32, #tpu.memory_space<vmem>>, %arg11: memref<1024x512xf32, #tpu.memory_space<vmem_shared>>, %arg12: memref<!tpu.dma_semaphore, #tpu.memory_space<semaphore_mem>>, %arg13: memref<!tpu.dma_semaphore, #tpu.memory_space<semaphore_mem>>, %arg14: memref<!tpu.dma_semaphore, #tpu.memory_space<semaphore_mem>>, %arg15: memref<!tpu.dma_semaphore, #tpu.memory_space<semaphore_mem>>) attributes {dimension_semantics = [#tpu.dimension_semantics<core_parallel>, #tpu.dimension_semantics<subcore_parallel>], iteration_bounds = array<i64: 2, 16>, scalar_prefetch = 0 : i64, scratch_operands = 10 : i64, tpu.core_type = #tpu.core_type<sc_vector_subcore>, window_params = [{transform_indices = #map}, {transform_indices = #map}, {transform_indices = #map1}, {transform_indices = #map}]} {
    %mul3A = arith.constant 2 : i32
    %mul3A_0 = arith.muli %arg1, %mul3A : i32
    %add3A = arith.addi %mul3A_0, %arg0 : i32
    %mul3A_1 = arith.constant 32 : i32
    %mul3A_2 = arith.muli %add3A, %mul3A_1 : i32
    %mul3A_3 = arith.constant 64 : i32
    %mul3A_4 = arith.muli %arg1, %mul3A_3 : i32
    %mul3A_5 = arith.constant 64 : i32
    %mul3A_6 = arith.muli %arg1, %mul3A_5 : i32
    %dma_start3A = arith.constant 0 : i32
    %dma_start3A_7 = tpu.memref_slice %arg11[%mul3A_6, %dma_start3A] : memref<1024x512xf32, #tpu.memory_space<vmem_shared>> -> memref<64x512xf32, #tpu.memory_space<vmem_shared>>
    %dma_start3A_8 = arith.constant 0 : i32
    %dma_start3A_9 = tpu.memref_slice %arg2[%mul3A_4, %dma_start3A_8] : memref<1024x512xf32, #tpu.memory_space<hbm>> -> memref<64x512xf32, #tpu.memory_space<hbm>>
    tpu.enqueue_dma source(%dma_start3A_9 : memref<64x512xf32, #tpu.memory_space<hbm>>) target(%dma_start3A_7 : memref<64x512xf32, #tpu.memory_space<vmem_shared>>) target_semaphore(%arg12 : memref<!tpu.dma_semaphore, #tpu.memory_space<semaphore_mem>>)
    %lt3A = arith.constant 31 : i32
    %lt3A_10 = arith.cmpi slt, %add3A, %lt3A : i32
    %convert_element_type3A = arith.extui %lt3A_10 : i1 to i32
    %cond3A = arith.constant 0 : i32
    %cond3A_11 = arith.cmpi ne, %convert_element_type3A, %cond3A : i32
    scf.if %cond3A_11 {
      %dma_start3A_81 = arith.constant 0 : i32
      %dma_start3A_82 = tpu.memref_slice %arg3[%mul3A_2, %dma_start3A_81] : memref<1000x512xf32, #tpu.memory_space<hbm>> -> memref<32x512xf32, #tpu.memory_space<hbm>>
      %dma_start3A_83 = arith.constant 0 : i32
      %dma_start3A_84 = tpu.memref_slice %arg3[%mul3A_2, %dma_start3A_83] : memref<1000x512xf32, #tpu.memory_space<hbm>> -> memref<32x512xf32, #tpu.memory_space<hbm>>
      tpu.enqueue_dma source(%dma_start3A_84 : memref<32x512xf32, #tpu.memory_space<hbm>>) target(%arg10 : memref<32x512xf32, #tpu.memory_space<vmem>>) target_semaphore(%arg15 : memref<!tpu.dma_semaphore, #tpu.memory_space<semaphore_mem>>)
    } else {
    }
    %eq3A = arith.constant 31 : i32
    %eq3A_12 = arith.cmpi eq, %add3A, %eq3A : i32
    %convert_element_type3A_13 = arith.extui %eq3A_12 : i1 to i32
    %cond3A_14 = arith.constant 0 : i32
    %cond3A_15 = arith.cmpi ne, %convert_element_type3A_13, %cond3A_14 : i32
    scf.if %cond3A_15 {
      %dma_start3A_81 = arith.constant 0 : i32
      %dma_start3A_82 = arith.constant 0 : i32
      %dma_start3A_83 = tpu.memref_slice %arg10[%dma_start3A_81, %dma_start3A_82] : memref<32x512xf32, #tpu.memory_space<vmem>> -> memref<8x512xf32, #tpu.memory_space<vmem>>
      %dma_start3A_84 = arith.constant 0 : i32
      %dma_start3A_85 = tpu.memref_slice %arg3[%mul3A_2, %dma_start3A_84] : memref<1000x512xf32, #tpu.memory_space<hbm>> -> memref<8x512xf32, #tpu.memory_space<hbm>>
      %dma_start3A_86 = arith.constant 0 : i32
      %dma_start3A_87 = arith.constant 0 : i32
      %dma_start3A_88 = tpu.memref_slice %arg10[%dma_start3A_86, %dma_start3A_87] : memref<32x512xf32, #tpu.memory_space<vmem>> -> memref<8x512xf32, #tpu.memory_space<vmem>>
      %dma_start3A_89 = arith.constant 0 : i32
      %dma_start3A_90 = tpu.memref_slice %arg3[%mul3A_2, %dma_start3A_89] : memref<1000x512xf32, #tpu.memory_space<hbm>> -> memref<8x512xf32, #tpu.memory_space<hbm>>
      tpu.enqueue_dma source(%dma_start3A_90 : memref<8x512xf32, #tpu.memory_space<hbm>>) target(%dma_start3A_88 : memref<8x512xf32, #tpu.memory_space<vmem>>) target_semaphore(%arg15 : memref<!tpu.dma_semaphore, #tpu.memory_space<semaphore_mem>>)
    } else {
    }
    "tpu.region"() ({
      %run_scoped3A = tpu.sem_alloc : memref<!tpu.dma_semaphore, #tpu.memory_space<semaphore_mem>>
      %dma_start3A_81 = arith.constant 0 : i32
      %dma_start3A_82 = tpu.memref_slice %arg6[%dma_start3A_81] : memref<1040xi32, #tpu.memory_space<vmem>> -> memref<1024xi32, #tpu.memory_space<vmem>>
      %dma_start3A_83 = arith.constant 0 : i32
      %dma_start3A_84 = tpu.memref_slice %arg6[%dma_start3A_83] : memref<1040xi32, #tpu.memory_space<vmem>> -> memref<1024xi32, #tpu.memory_space<vmem>>
      tpu.enqueue_dma source(%arg4 : memref<1024xi32, #tpu.memory_space<hbm>>) target(%dma_start3A_84 : memref<1024xi32, #tpu.memory_space<vmem>>) target_semaphore(%run_scoped3A : memref<!tpu.dma_semaphore, #tpu.memory_space<semaphore_mem>>)
      %dma_wait3A_85 = arith.constant 0 : i32
      %dma_wait3A_86 = tpu.memref_slice %arg6[%dma_wait3A_85] : memref<1040xi32, #tpu.memory_space<vmem>> -> memref<1024xi32, #tpu.memory_space<vmem>>
      %dma_wait3A_87 = arith.constant 0 : i32
      %dma_wait3A_88 = tpu.memref_slice %arg6[%dma_wait3A_87] : memref<1040xi32, #tpu.memory_space<vmem>> -> memref<1024xi32, #tpu.memory_space<vmem>>
      tpu.wait_dma2 semaphore(%run_scoped3A : memref<!tpu.dma_semaphore, #tpu.memory_space<semaphore_mem>>) src(%arg4 : memref<1024xi32, #tpu.memory_space<hbm>>) dst(%dma_wait3A_88 : memref<1024xi32, #tpu.memory_space<vmem>>)
      tpu.yield
    }) : () -> ()
    %iota3A = tpu.iota {dimensions = array<i32: 0>} : vector<16xi32>
    %scan3A = arith.constant 0 : i32
    %scan3A_16 = arith.constant 0 : i32
    %scan3A_17 = arith.constant 64 : i32
    %scan3A_18 = arith.addi %scan3A_16, %scan3A_17 : i32
    %scan3A_19 = arith.constant 4 : i32
    %scan3A_20 = scf.for %scan3A_81 = %scan3A_16 to %scan3A_18 step %scan3A_19 iter_args(%scan3A_82 = %scan3A) -> (i32)  : i32 {
      %mul3A_83 = arith.constant 16 : i32
      %mul3A_84 = arith.muli %scan3A_81, %mul3A_83 : i32
      %get3A = arith.index_cast %mul3A_84 : i32 to index
      %get3A_85 = tpu.vector_load %arg6[%get3A] {strides = array<i32>} : memref<1040xi32, #tpu.memory_space<vmem>>, vector<16xi32>,
      %sub3A_86 = vector.broadcast %mul3A_2 : i32 to vector<16xi32>
      %sub3A_87 = arith.subi %get3A_85, %sub3A_86 : vector<16xi32>
      %ge3A = arith.constant 0 : i32
      %ge3A_88 = vector.broadcast %ge3A : i32 to vector<16xi32>
      %ge3A_89 = arith.cmpi sge, %sub3A_87, %ge3A_88 : vector<16xi32>
      %lt3A_90 = arith.constant 32 : i32
      %lt3A_91 = vector.broadcast %lt3A_90 : i32 to vector<16xi32>
      %lt3A_92 = arith.cmpi slt, %sub3A_87, %lt3A_91 : vector<16xi32>
      %and3A_93 = arith.andi %ge3A_89, %lt3A_92 : vector<16xi1>
      %mul3A_94 = arith.constant 16 : i32
      %mul3A_95 = arith.muli %scan3A_81, %mul3A_94 : i32
      %add3A_96 = vector.broadcast %mul3A_95 : i32 to vector<16xi32>
      %add3A_97 = arith.addi %iota3A, %add3A_96 : vector<16xi32>
      %swap3A = arith.index_cast %scan3A_82 : i32 to index
      %swap3A_98 = tpu.vector_load %arg7[%swap3A] masked %and3A_93 {strides = array<i32>} : memref<1040xi32, #tpu.memory_space<vmem>>, vector<16xi32>, vector<16xi1>
      tpu.vector_store %arg7[%swap3A], %add3A_97 masked %and3A_93 {strides = array<i32>} : memref<1040xi32, #tpu.memory_space<vmem>>, vector<16xi32>, vector<16xi1>
      %swap3A_99 = arith.index_cast %scan3A_82 : i32 to index
      %swap3A_100 = tpu.vector_load %arg8[%swap3A_99] masked %and3A_93 {strides = array<i32>} : memref<1040xi32, #tpu.memory_space<vmem>>, vector<16xi32>, vector<16xi1>
      tpu.vector_store %arg8[%swap3A_99], %sub3A_87 masked %and3A_93 {strides = array<i32>} : memref<1040xi32, #tpu.memory_space<vmem>>, vector<16xi32>, vector<16xi1>
      %all_reduce_population_count3A = tpu.all_reduce %and3A_93 {dim = 0 : i64, kind = #tpu.reduction_kind<sum>} : vector<16xi1> -> vector<16xi32>
      %slice3A = vector.extract_strided_slice %all_reduce_population_count3A {offsets = [0], sizes = [1], strides = [1]} : vector<16xi32> to vector<1xi32>
      %squeeze3A = vector.extract %slice3A[0] : i32 from vector<1xi32>
      %add3A_101 = arith.addi %scan3A_82, %squeeze3A : i32
      %scan3A_102 = arith.constant 1 : i32
      %scan3A_103 = arith.addi %scan3A_81, %scan3A_102 : i32
      %mul3A_104 = arith.constant 16 : i32
      %mul3A_105 = arith.muli %scan3A_103, %mul3A_104 : i32
      %get3A_106 = arith.index_cast %mul3A_105 : i32 to index
      %get3A_107 = tpu.vector_load %arg6[%get3A_106] {strides = array<i32>} : memref<1040xi32, #tpu.memory_space<vmem>>, vector<16xi32>,
      %sub3A_108 = vector.broadcast %mul3A_2 : i32 to vector<16xi32>
      %sub3A_109 = arith.subi %get3A_107, %sub3A_108 : vector<16xi32>
      %ge3A_110 = arith.constant 0 : i32
      %ge3A_111 = vector.broadcast %ge3A_110 : i32 to vector<16xi32>
      %ge3A_112 = arith.cmpi sge, %sub3A_109, %ge3A_111 : vector<16xi32>
      %lt3A_113 = arith.constant 32 : i32
      %lt3A_114 = vector.broadcast %lt3A_113 : i32 to vector<16xi32>
      %lt3A_115 = arith.cmpi slt, %sub3A_109, %lt3A_114 : vector<16xi32>
      %and3A_116 = arith.andi %ge3A_112, %lt3A_115 : vector<16xi1>
      %mul3A_117 = arith.constant 16 : i32
      %mul3A_118 = arith.muli %scan3A_103, %mul3A_117 : i32
      %add3A_119 = vector.broadcast %mul3A_118 : i32 to vector<16xi32>
      %add3A_120 = arith.addi %iota3A, %add3A_119 : vector<16xi32>
      %swap3A_121 = arith.index_cast %add3A_101 : i32 to index
      %swap3A_122 = tpu.vector_load %arg7[%swap3A_121] masked %and3A_116 {strides = array<i32>} : memref<1040xi32, #tpu.memory_space<vmem>>, vector<16xi32>, vector<16xi1>
      tpu.vector_store %arg7[%swap3A_121], %add3A_120 masked %and3A_116 {strides = array<i32>} : memref<1040xi32, #tpu.memory_space<vmem>>, vector<16xi32>, vector<16xi1>
      %swap3A_123 = arith.index_cast %add3A_101 : i32 to index
      %swap3A_124 = tpu.vector_load %arg8[%swap3A_123] masked %and3A_116 {strides = array<i32>} : memref<1040xi32, #tpu.memory_space<vmem>>, vector<16xi32>, vector<16xi1>
      tpu.vector_store %arg8[%swap3A_123], %sub3A_109 masked %and3A_116 {strides = array<i32>} : memref<1040xi32, #tpu.memory_space<vmem>>, vector<16xi32>, vector<16xi1>
      %all_reduce_population_count3A_125 = tpu.all_reduce %and3A_116 {dim = 0 : i64, kind = #tpu.reduction_kind<sum>} : vector<16xi1> -> vector<16xi32>
      %slice3A_126 = vector.extract_strided_slice %all_reduce_population_count3A_125 {offsets = [0], sizes = [1], strides = [1]} : vector<16xi32> to vector<1xi32>
      %squeeze3A_127 = vector.extract %slice3A_126[0] : i32 from vector<1xi32>
      %add3A_128 = arith.addi %add3A_101, %squeeze3A_127 : i32
      %scan3A_129 = arith.constant 2 : i32
      %scan3A_130 = arith.addi %scan3A_81, %scan3A_129 : i32
      %mul3A_131 = arith.constant 16 : i32
      %mul3A_132 = arith.muli %scan3A_130, %mul3A_131 : i32
      %get3A_133 = arith.index_cast %mul3A_132 : i32 to index
      %get3A_134 = tpu.vector_load %arg6[%get3A_133] {strides = array<i32>} : memref<1040xi32, #tpu.memory_space<vmem>>, vector<16xi32>,
      %sub3A_135 = vector.broadcast %mul3A_2 : i32 to vector<16xi32>
      %sub3A_136 = arith.subi %get3A_134, %sub3A_135 : vector<16xi32>
      %ge3A_137 = arith.constant 0 : i32
      %ge3A_138 = vector.broadcast %ge3A_137 : i32 to vector<16xi32>
      %ge3A_139 = arith.cmpi sge, %sub3A_136, %ge3A_138 : vector<16xi32>
      %lt3A_140 = arith.constant 32 : i32
      %lt3A_141 = vector.broadcast %lt3A_140 : i32 to vector<16xi32>
      %lt3A_142 = arith.cmpi slt, %sub3A_136, %lt3A_141 : vector<16xi32>
      %and3A_143 = arith.andi %ge3A_139, %lt3A_142 : vector<16xi1>
      %mul3A_144 = arith.constant 16 : i32
      %mul3A_145 = arith.muli %scan3A_130, %mul3A_144 : i32
      %add3A_146 = vector.broadcast %mul3A_145 : i32 to vector<16xi32>
      %add3A_147 = arith.addi %iota3A, %add3A_146 : vector<16xi32>
      %swap3A_148 = arith.index_cast %add3A_128 : i32 to index
      %swap3A_149 = tpu.vector_load %arg7[%swap3A_148] masked %and3A_143 {strides = array<i32>} : memref<1040xi32, #tpu.memory_space<vmem>>, vector<16xi32>, vector<16xi1>
      tpu.vector_store %arg7[%swap3A_148], %add3A_147 masked %and3A_143 {strides = array<i32>} : memref<1040xi32, #tpu.memory_space<vmem>>, vector<16xi32>, vector<16xi1>
      %swap3A_150 = arith.index_cast %add3A_128 : i32 to index
      %swap3A_151 = tpu.vector_load %arg8[%swap3A_150] masked %and3A_143 {strides = array<i32>} : memref<1040xi32, #tpu.memory_space<vmem>>, vector<16xi32>, vector<16xi1>
      tpu.vector_store %arg8[%swap3A_150], %sub3A_136 masked %and3A_143 {strides = array<i32>} : memref<1040xi32, #tpu.memory_space<vmem>>, vector<16xi32>, vector<16xi1>
      %all_reduce_population_count3A_152 = tpu.all_reduce %and3A_143 {dim = 0 : i64, kind = #tpu.reduction_kind<sum>} : vector<16xi1> -> vector<16xi32>
      %slice3A_153 = vector.extract_strided_slice %all_reduce_population_count3A_152 {offsets = [0], sizes = [1], strides = [1]} : vector<16xi32> to vector<1xi32>
      %squeeze3A_154 = vector.extract %slice3A_153[0] : i32 from vector<1xi32>
      %add3A_155 = arith.addi %add3A_128, %squeeze3A_154 : i32
      %scan3A_156 = arith.constant 3 : i32
      %scan3A_157 = arith.addi %scan3A_81, %scan3A_156 : i32
      %mul3A_158 = arith.constant 16 : i32
      %mul3A_159 = arith.muli %scan3A_157, %mul3A_158 : i32
      %get3A_160 = arith.index_cast %mul3A_159 : i32 to index
      %get3A_161 = tpu.vector_load %arg6[%get3A_160] {strides = array<i32>} : memref<1040xi32, #tpu.memory_space<vmem>>, vector<16xi32>,
      %sub3A_162 = vector.broadcast %mul3A_2 : i32 to vector<16xi32>
      %sub3A_163 = arith.subi %get3A_161, %sub3A_162 : vector<16xi32>
      %ge3A_164 = arith.constant 0 : i32
      %ge3A_165 = vector.broadcast %ge3A_164 : i32 to vector<16xi32>
      %ge3A_166 = arith.cmpi sge, %sub3A_163, %ge3A_165 : vector<16xi32>
      %lt3A_167 = arith.constant 32 : i32
      %lt3A_168 = vector.broadcast %lt3A_167 : i32 to vector<16xi32>
      %lt3A_169 = arith.cmpi slt, %sub3A_163, %lt3A_168 : vector<16xi32>
      %and3A_170 = arith.andi %ge3A_166, %lt3A_169 : vector<16xi1>
      %mul3A_171 = arith.constant 16 : i32
      %mul3A_172 = arith.muli %scan3A_157, %mul3A_171 : i32
      %add3A_173 = vector.broadcast %mul3A_172 : i32 to vector<16xi32>
      %add3A_174 = arith.addi %iota3A, %add3A_173 : vector<16xi32>
      %swap3A_175 = arith.index_cast %add3A_155 : i32 to index
      %swap3A_176 = tpu.vector_load %arg7[%swap3A_175] masked %and3A_170 {strides = array<i32>} : memref<1040xi32, #tpu.memory_space<vmem>>, vector<16xi32>, vector<16xi1>
      tpu.vector_store %arg7[%swap3A_175], %add3A_174 masked %and3A_170 {strides = array<i32>} : memref<1040xi32, #tpu.memory_space<vmem>>, vector<16xi32>, vector<16xi1>
      %swap3A_177 = arith.index_cast %add3A_155 : i32 to index
      %swap3A_178 = tpu.vector_load %arg8[%swap3A_177] masked %and3A_170 {strides = array<i32>} : memref<1040xi32, #tpu.memory_space<vmem>>, vector<16xi32>, vector<16xi1>
      tpu.vector_store %arg8[%swap3A_177], %sub3A_163 masked %and3A_170 {strides = array<i32>} : memref<1040xi32, #tpu.memory_space<vmem>>, vector<16xi32>, vector<16xi1>
      %all_reduce_population_count3A_179 = tpu.all_reduce %and3A_170 {dim = 0 : i64, kind = #tpu.reduction_kind<sum>} : vector<16xi1> -> vector<16xi32>
      %slice3A_180 = vector.extract_strided_slice %all_reduce_population_count3A_179 {offsets = [0], sizes = [1], strides = [1]} : vector<16xi32> to vector<1xi32>
      %squeeze3A_181 = vector.extract %slice3A_180[0] : i32 from vector<1xi32>
      %add3A_182 = arith.addi %add3A_155, %squeeze3A_181 : i32
      scf.yield %add3A_182 : i32
    }
    %scan3A_21 = arith.constant 64 : i32
    %dma_wait3A = arith.constant 0 : i32
    %dma_wait3A_22 = tpu.memref_slice %arg11[%mul3A_6, %dma_wait3A] : memref<1024x512xf32, #tpu.memory_space<vmem_shared>> -> memref<64x512xf32, #tpu.memory_space<vmem_shared>>
    %dma_wait3A_23 = arith.constant 0 : i32
    %dma_wait3A_24 = tpu.memref_slice %arg2[%mul3A_4, %dma_wait3A_23] : memref<1024x512xf32, #tpu.memory_space<hbm>> -> memref<64x512xf32, #tpu.memory_space<hbm>>
    tpu.wait_dma2 semaphore(%arg12 : memref<!tpu.dma_semaphore, #tpu.memory_space<semaphore_mem>>) src(%dma_wait3A_24 : memref<64x512xf32, #tpu.memory_space<hbm>>) dst(%dma_wait3A_22 : memref<64x512xf32, #tpu.memory_space<vmem_shared>>)
    %barrier3A = arith.constant 0 : index
    tpu.barrier barrier_id(%barrier3A)
    %lt3A_25 = arith.constant 31 : i32
    %lt3A_26 = arith.cmpi slt, %add3A, %lt3A_25 : i32
    %convert_element_type3A_27 = arith.extui %lt3A_26 : i1 to i32
    %cond3A_28 = arith.constant 0 : i32
    %cond3A_29 = arith.cmpi ne, %convert_element_type3A_27, %cond3A_28 : i32
    scf.if %cond3A_29 {
      %dma_wait3A_81 = arith.constant 0 : i32
      %dma_wait3A_82 = tpu.memref_slice %arg3[%mul3A_2, %dma_wait3A_81] : memref<1000x512xf32, #tpu.memory_space<hbm>> -> memref<32x512xf32, #tpu.memory_space<hbm>>
      %dma_wait3A_83 = arith.constant 0 : i32
      %dma_wait3A_84 = tpu.memref_slice %arg3[%mul3A_2, %dma_wait3A_83] : memref<1000x512xf32, #tpu.memory_space<hbm>> -> memref<32x512xf32, #tpu.memory_space<hbm>>
      tpu.wait_dma2 semaphore(%arg15 : memref<!tpu.dma_semaphore, #tpu.memory_space<semaphore_mem>>) src(%dma_wait3A_84 : memref<32x512xf32, #tpu.memory_space<hbm>>) dst(%arg10 : memref<32x512xf32, #tpu.memory_space<vmem>>)
    } else {
    }
    %eq3A_30 = arith.constant 31 : i32
    %eq3A_31 = arith.cmpi eq, %add3A, %eq3A_30 : i32
    %convert_element_type3A_32 = arith.extui %eq3A_31 : i1 to i32
    %cond3A_33 = arith.constant 0 : i32
    %cond3A_34 = arith.cmpi ne, %convert_element_type3A_32, %cond3A_33 : i32
    scf.if %cond3A_34 {
      %dma_wait3A_81 = arith.constant 0 : i32
      %dma_wait3A_82 = arith.constant 0 : i32
      %dma_wait3A_83 = tpu.memref_slice %arg10[%dma_wait3A_81, %dma_wait3A_82] : memref<32x512xf32, #tpu.memory_space<vmem>> -> memref<8x512xf32, #tpu.memory_space<vmem>>
      %dma_wait3A_84 = arith.constant 0 : i32
      %dma_wait3A_85 = tpu.memref_slice %arg3[%mul3A_2, %dma_wait3A_84] : memref<1000x512xf32, #tpu.memory_space<hbm>> -> memref<8x512xf32, #tpu.memory_space<hbm>>
      %dma_wait3A_86 = arith.constant 0 : i32
      %dma_wait3A_87 = arith.constant 0 : i32
      %dma_wait3A_88 = tpu.memref_slice %arg10[%dma_wait3A_86, %dma_wait3A_87] : memref<32x512xf32, #tpu.memory_space<vmem>> -> memref<8x512xf32, #tpu.memory_space<vmem>>
      %dma_wait3A_89 = arith.constant 0 : i32
      %dma_wait3A_90 = tpu.memref_slice %arg3[%mul3A_2, %dma_wait3A_89] : memref<1000x512xf32, #tpu.memory_space<hbm>> -> memref<8x512xf32, #tpu.memory_space<hbm>>
      tpu.wait_dma2 semaphore(%arg15 : memref<!tpu.dma_semaphore, #tpu.memory_space<semaphore_mem>>) src(%dma_wait3A_90 : memref<8x512xf32, #tpu.memory_space<hbm>>) dst(%dma_wait3A_88 : memref<8x512xf32, #tpu.memory_space<vmem>>)
    } else {
    }
    %gt3A = arith.constant 0 : i32
    %gt3A_35 = arith.cmpi sgt, %scan3A_20, %gt3A : i32
    %convert_element_type3A_36 = arith.extui %gt3A_35 : i1 to i32
    %cond3A_37 = arith.constant 0 : i32
    %cond3A_38 = arith.cmpi ne, %convert_element_type3A_36, %cond3A_37 : i32
    scf.if %cond3A_38 {
      %get3A = arith.constant 0 : index
      %get3A_81 = tpu.vector_load %arg7[%get3A] {strides = array<i32>} : memref<1040xi32, #tpu.memory_space<vmem>>, vector<16xi32>,
      %slice3A = vector.extract_strided_slice %get3A_81 {offsets = [0], sizes = [1], strides = [1]} : vector<16xi32> to vector<1xi32>
      %squeeze3A = vector.extract %slice3A[0] : i32 from vector<1xi32>
      %dma_start3A_82 = arith.constant 0 : i32
      %dma_start3A_83 = arith.constant 0 : i32
      %dma_start3A_84 = tpu.memref_slice %arg9[%dma_start3A_82, %dma_start3A_83] : memref<2x512xf32, #tpu.memory_space<vmem>> -> memref<1x512xf32, #tpu.memory_space<vmem>>
      %dma_start3A_85 = tpu.memref_squeeze %dma_start3A_84 : memref<1x512xf32, #tpu.memory_space<vmem>> -> memref<512xf32, #tpu.memory_space<vmem>>
      %dma_start3A_86 = arith.constant 0 : i32
      %dma_start3A_87 = tpu.memref_slice %arg11[%squeeze3A, %dma_start3A_86] : memref<1024x512xf32, #tpu.memory_space<vmem_shared>> -> memref<1x512xf32, #tpu.memory_space<vmem_shared>>
      %dma_start3A_88 = tpu.memref_squeeze %dma_start3A_87 : memref<1x512xf32, #tpu.memory_space<vmem_shared>> -> memref<512xf32, #tpu.memory_space<vmem_shared>>
      %dma_start3A_89 = arith.constant 0 : i32
      %dma_start3A_90 = tpu.memref_slice %arg9[%dma_start3A_82, %dma_start3A_89] : memref<2x512xf32, #tpu.memory_space<vmem>> -> memref<1x512xf32, #tpu.memory_space<vmem>>
      %dma_start3A_91 = tpu.memref_squeeze %dma_start3A_90 : memref<1x512xf32, #tpu.memory_space<vmem>> -> memref<512xf32, #tpu.memory_space<vmem>>
      %dma_start3A_92 = arith.constant 0 : i32
      %dma_start3A_93 = tpu.memref_slice %arg11[%squeeze3A, %dma_start3A_92] : memref<1024x512xf32, #tpu.memory_space<vmem_shared>> -> memref<1x512xf32, #tpu.memory_space<vmem_shared>>
      %dma_start3A_94 = tpu.memref_squeeze %dma_start3A_93 : memref<1x512xf32, #tpu.memory_space<vmem_shared>> -> memref<512xf32, #tpu.memory_space<vmem_shared>>
      tpu.enqueue_dma source(%dma_start3A_94 : memref<512xf32, #tpu.memory_space<vmem_shared>>) target(%dma_start3A_91 : memref<512xf32, #tpu.memory_space<vmem>>) target_semaphore(%arg13 : memref<!tpu.dma_semaphore, #tpu.memory_space<semaphore_mem>>)
    } else {
    }
    %gt3A_39 = arith.constant 1 : i32
    %gt3A_40 = arith.cmpi sgt, %scan3A_20, %gt3A_39 : i32
    %convert_element_type3A_41 = arith.extui %gt3A_40 : i1 to i32
    %cond3A_42 = arith.constant 0 : i32
    %cond3A_43 = arith.cmpi ne, %convert_element_type3A_41, %cond3A_42 : i32
    scf.if %cond3A_43 {
      %get3A = arith.constant 1 : index
      %get3A_81 = tpu.vector_load %arg7[%get3A] {strides = array<i32>} : memref<1040xi32, #tpu.memory_space<vmem>>, vector<16xi32>,
      %slice3A = vector.extract_strided_slice %get3A_81 {offsets = [0], sizes = [1], strides = [1]} : vector<16xi32> to vector<1xi32>
      %squeeze3A = vector.extract %slice3A[0] : i32 from vector<1xi32>
      %dma_start3A_82 = arith.constant 1 : i32
      %dma_start3A_83 = arith.constant 0 : i32
      %dma_start3A_84 = tpu.memref_slice %arg9[%dma_start3A_82, %dma_start3A_83] : memref<2x512xf32, #tpu.memory_space<vmem>> -> memref<1x512xf32, #tpu.memory_space<vmem>>
      %dma_start3A_85 = tpu.memref_squeeze %dma_start3A_84 : memref<1x512xf32, #tpu.memory_space<vmem>> -> memref<512xf32, #tpu.memory_space<vmem>>
      %dma_start3A_86 = arith.constant 0 : i32
      %dma_start3A_87 = tpu.memref_slice %arg11[%squeeze3A, %dma_start3A_86] : memref<1024x512xf32, #tpu.memory_space<vmem_shared>> -> memref<1x512xf32, #tpu.memory_space<vmem_shared>>
      %dma_start3A_88 = tpu.memref_squeeze %dma_start3A_87 : memref<1x512xf32, #tpu.memory_space<vmem_shared>> -> memref<512xf32, #tpu.memory_space<vmem_shared>>
      %dma_start3A_89 = arith.constant 0 : i32
      %dma_start3A_90 = tpu.memref_slice %arg9[%dma_start3A_82, %dma_start3A_89] : memref<2x512xf32, #tpu.memory_space<vmem>> -> memref<1x512xf32, #tpu.memory_space<vmem>>
      %dma_start3A_91 = tpu.memref_squeeze %dma_start3A_90 : memref<1x512xf32, #tpu.memory_space<vmem>> -> memref<512xf32, #tpu.memory_space<vmem>>
      %dma_start3A_92 = arith.constant 0 : i32
      %dma_start3A_93 = tpu.memref_slice %arg11[%squeeze3A, %dma_start3A_92] : memref<1024x512xf32, #tpu.memory_space<vmem_shared>> -> memref<1x512xf32, #tpu.memory_space<vmem_shared>>
      %dma_start3A_94 = tpu.memref_squeeze %dma_start3A_93 : memref<1x512xf32, #tpu.memory_space<vmem_shared>> -> memref<512xf32, #tpu.memory_space<vmem_shared>>
      tpu.enqueue_dma source(%dma_start3A_94 : memref<512xf32, #tpu.memory_space<vmem_shared>>) target(%dma_start3A_91 : memref<512xf32, #tpu.memory_space<vmem>>) target_semaphore(%arg14 : memref<!tpu.dma_semaphore, #tpu.memory_space<semaphore_mem>>)
    } else {
    }
    %add3A_44 = arith.constant 1 : i32
    %add3A_45 = arith.addi %scan3A_20, %add3A_44 : i32
    %jit3A = arith.constant 2 : i32
    %div3A = arith.divsi %add3A_45, %jit3A : i32
    %sign3A = arith.constant 0 : i32
    %sign3A_46 = arith.cmpi sgt, %add3A_45, %sign3A : i32
    %sign3A_47 = arith.extui %sign3A_46 : i1 to i32
    %sign3A_48 = arith.constant 0 : i32
    %sign3A_49 = arith.cmpi slt, %add3A_45, %sign3A_48 : i32
    %sign3A_50 = arith.extui %sign3A_49 : i1 to i32
    %sign3A_51 = arith.subi %sign3A_47, %sign3A_50 : i32
    %sign3A_52 = arith.constant 0 : i32
    %sign3A_53 = arith.cmpi sgt, %jit3A, %sign3A_52 : i32
    %sign3A_54 = arith.extui %sign3A_53 : i1 to i32
    %sign3A_55 = arith.constant 0 : i32
    %sign3A_56 = arith.cmpi slt, %jit3A, %sign3A_55 : i32
    %sign3A_57 = arith.extui %sign3A_56 : i1 to i32
    %sign3A_58 = arith.subi %sign3A_54, %sign3A_57 : i32
    %ne3A = arith.cmpi ne, %sign3A_51, %sign3A_58 : i32
    %rem3A = arith.remsi %add3A_45, %jit3A : i32
    %ne3A_59 = arith.constant 0 : i32
    %ne3A_60 = arith.cmpi ne, %rem3A, %ne3A_59 : i32
    %and3A = arith.andi %ne3A, %ne3A_60 : i1
    %sub3A = arith.constant 1 : i32
    %sub3A_61 = arith.subi %div3A, %sub3A : i32
    %select_n3A = arith.select %and3A, %sub3A_61, %div3A : i32
    %while3A = arith.constant 0 : i32
    %while3A_62 = arith.constant 0 : i32
    %while3A_63 = arith.subi %select_n3A, %while3A_62 : i32
    %while3A_64 = arith.addi %while3A_62, %while3A_63 : i32
    %while3A_65 = arith.constant 1 : i32
    %while3A_66 = arith.divsi %while3A_63, %while3A_65 : i32
    %while3A_67 = arith.muli %while3A_66, %while3A_65 : i32
    %while3A_68 = arith.addi %while3A_62, %while3A_67 : i32
    %while3A_69 = arith.constant 1 : i32
    scf.for %while3A_81 = %while3A_62 to %while3A_68 step %while3A_69  : i32 {
      %mul3A_82 = arith.constant 2 : i32
      %mul3A_83 = arith.muli %mul3A_82, %while3A_81 : i32
      %dma_wait3A_84 = arith.constant 0 : i32
      %dma_wait3A_85 = arith.constant 0 : i32
      %dma_wait3A_86 = arith.constant 0 : i32
      %dma_wait3A_87 = tpu.memref_slice %arg9[%dma_wait3A_85, %dma_wait3A_86] : memref<2x512xf32, #tpu.memory_space<vmem>> -> memref<1x512xf32, #tpu.memory_space<vmem>>
      %dma_wait3A_88 = tpu.memref_squeeze %dma_wait3A_87 : memref<1x512xf32, #tpu.memory_space<vmem>> -> memref<512xf32, #tpu.memory_space<vmem>>
      %dma_wait3A_89 = arith.constant 0 : i32
      %dma_wait3A_90 = tpu.memref_slice %arg2[%dma_wait3A_84, %dma_wait3A_89] : memref<1024x512xf32, #tpu.memory_space<hbm>> -> memref<1x512xf32, #tpu.memory_space<hbm>>
      %dma_wait3A_91 = tpu.memref_squeeze %dma_wait3A_90 : memref<1x512xf32, #tpu.memory_space<hbm>> -> memref<512xf32, #tpu.memory_space<hbm>>
      %dma_wait3A_92 = arith.constant 0 : i32
      %dma_wait3A_93 = tpu.memref_slice %arg9[%dma_wait3A_85, %dma_wait3A_92] : memref<2x512xf32, #tpu.memory_space<vmem>> -> memref<1x512xf32, #tpu.memory_space<vmem>>
      %dma_wait3A_94 = tpu.memref_squeeze %dma_wait3A_93 : memref<1x512xf32, #tpu.memory_space<vmem>> -> memref<512xf32, #tpu.memory_space<vmem>>
      %dma_wait3A_95 = arith.constant 0 : i32
      %dma_wait3A_96 = tpu.memref_slice %arg2[%dma_wait3A_84, %dma_wait3A_95] : memref<1024x512xf32, #tpu.memory_space<hbm>> -> memref<1x512xf32, #tpu.memory_space<hbm>>
      %dma_wait3A_97 = tpu.memref_squeeze %dma_wait3A_96 : memref<1x512xf32, #tpu.memory_space<hbm>> -> memref<512xf32, #tpu.memory_space<hbm>>
      tpu.wait_dma2 semaphore(%arg13 : memref<!tpu.dma_semaphore, #tpu.memory_space<semaphore_mem>>) src(%dma_wait3A_97 : memref<512xf32, #tpu.memory_space<hbm>>) dst(%dma_wait3A_94 : memref<512xf32, #tpu.memory_space<vmem>>)
      %get3A = arith.index_cast %mul3A_83 : i32 to index
      %get3A_98 = tpu.vector_load %arg8[%get3A] {strides = array<i32>} : memref<1040xi32, #tpu.memory_space<vmem>>, vector<16xi32>,
      %slice3A = vector.extract_strided_slice %get3A_98 {offsets = [0], sizes = [1], strides = [1]} : vector<16xi32> to vector<1xi32>
      %squeeze3A = vector.extract %slice3A[0] : i32 from vector<1xi32>
      %broadcast_in_dim3A = arith.constant 0.000000e+00 : f32
      %broadcast_in_dim3A_99 = vector.broadcast %broadcast_in_dim3A : f32 to vector<16xf32>
      %broadcast_in_dim3A_100 = arith.constant 0.000000e+00 : f32
      %broadcast_in_dim3A_101 = vector.broadcast %broadcast_in_dim3A_100 : f32 to vector<16xf32>
      %broadcast_in_dim3A_102 = arith.constant 0.000000e+00 : f32
      %broadcast_in_dim3A_103 = vector.broadcast %broadcast_in_dim3A_102 : f32 to vector<16xf32>
      %broadcast_in_dim3A_104 = arith.constant 0.000000e+00 : f32
      %broadcast_in_dim3A_105 = vector.broadcast %broadcast_in_dim3A_104 : f32 to vector<16xf32>
      %get3A_106 = arith.index_cast %squeeze3A : i32 to index
      %get3A_107 = arith.constant 0 : index
      %get3A_108 = tpu.vector_load %arg10[%get3A_106, %get3A_107] {strides = array<i32>} : memref<32x512xf32, #tpu.memory_space<vmem>>, vector<16xf32>,
      %get3A_109 = arith.constant 0 : i32
      %get3A_110 = arith.index_cast %get3A_109 : i32 to index
      %get3A_111 = arith.constant 0 : index
      %get3A_112 = tpu.vector_load %arg9[%get3A_110, %get3A_111] {strides = array<i32>} : memref<2x512xf32, #tpu.memory_space<vmem>>, vector<16xf32>,
      %mul3A_113 = arith.constant 0.949999988 : f32
      %mul3A_114 = vector.broadcast %mul3A_113 : f32 to vector<16xf32>
      %mul3A_115 = arith.mulf %get3A_108, %mul3A_114 : vector<16xf32>
      %mul3A_116 = arith.constant 5.000000e-02 : f32
      %mul3A_117 = vector.broadcast %mul3A_116 : f32 to vector<16xf32>
      %mul3A_118 = arith.mulf %get3A_112, %mul3A_117 : vector<16xf32>
      %add3A_119 = arith.addf %mul3A_115, %mul3A_118 : vector<16xf32>
      %mul3A_120 = arith.mulf %add3A_119, %add3A_119 : vector<16xf32>
      %add3A_121 = arith.addf %broadcast_in_dim3A_99, %mul3A_120 : vector<16xf32>
      %get3A_122 = arith.index_cast %squeeze3A : i32 to index
      %get3A_123 = arith.constant 16 : index
      %get3A_124 = tpu.vector_load %arg10[%get3A_122, %get3A_123] {strides = array<i32>} : memref<32x512xf32, #tpu.memory_space<vmem>>, vector<16xf32>,
      %get3A_125 = arith.constant 0 : i32
      %get3A_126 = arith.index_cast %get3A_125 : i32 to index
      %get3A_127 = arith.constant 16 : index
      %get3A_128 = tpu.vector_load %arg9[%get3A_126, %get3A_127] {strides = array<i32>} : memref<2x512xf32, #tpu.memory_space<vmem>>, vector<16xf32>,
      %mul3A_129 = arith.constant 0.949999988 : f32
      %mul3A_130 = vector.broadcast %mul3A_129 : f32 to vector<16xf32>
      %mul3A_131 = arith.mulf %get3A_124, %mul3A_130 : vector<16xf32>
      %mul3A_132 = arith.constant 5.000000e-02 : f32
      %mul3A_133 = vector.broadcast %mul3A_132 : f32 to vector<16xf32>
      %mul3A_134 = arith.mulf %get3A_128, %mul3A_133 : vector<16xf32>
      %add3A_135 = arith.addf %mul3A_131, %mul3A_134 : vector<16xf32>
      %mul3A_136 = arith.mulf %add3A_135, %add3A_135 : vector<16xf32>
      %add3A_137 = arith.addf %broadcast_in_dim3A_101, %mul3A_136 : vector<16xf32>
      %get3A_138 = arith.index_cast %squeeze3A : i32 to index
      %get3A_139 = arith.constant 32 : index
      %get3A_140 = tpu.vector_load %arg10[%get3A_138, %get3A_139] {strides = array<i32>} : memref<32x512xf32, #tpu.memory_space<vmem>>, vector<16xf32>,
      %get3A_141 = arith.constant 0 : i32
      %get3A_142 = arith.index_cast %get3A_141 : i32 to index
      %get3A_143 = arith.constant 32 : index
      %get3A_144 = tpu.vector_load %arg9[%get3A_142, %get3A_143] {strides = array<i32>} : memref<2x512xf32, #tpu.memory_space<vmem>>, vector<16xf32>,
      %mul3A_145 = arith.constant 0.949999988 : f32
      %mul3A_146 = vector.broadcast %mul3A_145 : f32 to vector<16xf32>
      %mul3A_147 = arith.mulf %get3A_140, %mul3A_146 : vector<16xf32>
      %mul3A_148 = arith.constant 5.000000e-02 : f32
      %mul3A_149 = vector.broadcast %mul3A_148 : f32 to vector<16xf32>
      %mul3A_150 = arith.mulf %get3A_144, %mul3A_149 : vector<16xf32>
      %add3A_151 = arith.addf %mul3A_147, %mul3A_150 : vector<16xf32>
      %mul3A_152 = arith.mulf %add3A_151, %add3A_151 : vector<16xf32>
      %add3A_153 = arith.addf %broadcast_in_dim3A_103, %mul3A_152 : vector<16xf32>
      %get3A_154 = arith.index_cast %squeeze3A : i32 to index
      %get3A_155 = arith.constant 48 : index
      %get3A_156 = tpu.vector_load %arg10[%get3A_154, %get3A_155] {strides = array<i32>} : memref<32x512xf32, #tpu.memory_space<vmem>>, vector<16xf32>,
      %get3A_157 = arith.constant 0 : i32
      %get3A_158 = arith.index_cast %get3A_157 : i32 to index
      %get3A_159 = arith.constant 48 : index
      %get3A_160 = tpu.vector_load %arg9[%get3A_158, %get3A_159] {strides = array<i32>} : memref<2x512xf32, #tpu.memory_space<vmem>>, vector<16xf32>,
      %mul3A_161 = arith.constant 0.949999988 : f32
      %mul3A_162 = vector.broadcast %mul3A_161 : f32 to vector<16xf32>
      %mul3A_163 = arith.mulf %get3A_156, %mul3A_162 : vector<16xf32>
      %mul3A_164 = arith.constant 5.000000e-02 : f32
      %mul3A_165 = vector.broadcast %mul3A_164 : f32 to vector<16xf32>
      %mul3A_166 = arith.mulf %get3A_160, %mul3A_165 : vector<16xf32>
      %add3A_167 = arith.addf %mul3A_163, %mul3A_166 : vector<16xf32>
      %mul3A_168 = arith.mulf %add3A_167, %add3A_167 : vector<16xf32>
      %add3A_169 = arith.addf %broadcast_in_dim3A_105, %mul3A_168 : vector<16xf32>
      %get3A_170 = arith.index_cast %squeeze3A : i32 to index
      %get3A_171 = arith.constant 64 : index
      %get3A_172 = tpu.vector_load %arg10[%get3A_170, %get3A_171] {strides = array<i32>} : memref<32x512xf32, #tpu.memory_space<vmem>>, vector<16xf32>,
      %get3A_173 = arith.constant 0 : i32
      %get3A_174 = arith.index_cast %get3A_173 : i32 to index
      %get3A_175 = arith.constant 64 : index
      %get3A_176 = tpu.vector_load %arg9[%get3A_174, %get3A_175] {strides = array<i32>} : memref<2x512xf32, #tpu.memory_space<vmem>>, vector<16xf32>,
      %mul3A_177 = arith.constant 0.949999988 : f32
      %mul3A_178 = vector.broadcast %mul3A_177 : f32 to vector<16xf32>
      %mul3A_179 = arith.mulf %get3A_172, %mul3A_178 : vector<16xf32>
      %mul3A_180 = arith.constant 5.000000e-02 : f32
      %mul3A_181 = vector.broadcast %mul3A_180 : f32 to vector<16xf32>
      %mul3A_182 = arith.mulf %get3A_176, %mul3A_181 : vector<16xf32>
      %add3A_183 = arith.addf %mul3A_179, %mul3A_182 : vector<16xf32>
      %mul3A_184 = arith.mulf %add3A_183, %add3A_183 : vector<16xf32>
      %add3A_185 = arith.addf %add3A_121, %mul3A_184 : vector<16xf32>
      %get3A_186 = arith.index_cast %squeeze3A : i32 to index
      %get3A_187 = arith.constant 80 : index
      %get3A_188 = tpu.vector_load %arg10[%get3A_186, %get3A_187] {strides = array<i32>} : memref<32x512xf32, #tpu.memory_space<vmem>>, vector<16xf32>,
      %get3A_189 = arith.constant 0 : i32
      %get3A_190 = arith.index_cast %get3A_189 : i32 to index
      %get3A_191 = arith.constant 80 : index
      %get3A_192 = tpu.vector_load %arg9[%get3A_190, %get3A_191] {strides = array<i32>} : memref<2x512xf32, #tpu.memory_space<vmem>>, vector<16xf32>,
      %mul3A_193 = arith.constant 0.949999988 : f32
      %mul3A_194 = vector.broadcast %mul3A_193 : f32 to vector<16xf32>
      %mul3A_195 = arith.mulf %get3A_188, %mul3A_194 : vector<16xf32>
      %mul3A_196 = arith.constant 5.000000e-02 : f32
      %mul3A_197 = vector.broadcast %mul3A_196 : f32 to vector<16xf32>
      %mul3A_198 = arith.mulf %get3A_192, %mul3A_197 : vector<16xf32>
      %add3A_199 = arith.addf %mul3A_195, %mul3A_198 : vector<16xf32>
      %mul3A_200 = arith.mulf %add3A_199, %add3A_199 : vector<16xf32>
      %add3A_201 = arith.addf %add3A_137, %mul3A_200 : vector<16xf32>
      %get3A_202 = arith.index_cast %squeeze3A : i32 to index
      %get3A_203 = arith.constant 96 : index
      %get3A_204 = tpu.vector_load %arg10[%get3A_202, %get3A_203] {strides = array<i32>} : memref<32x512xf32, #tpu.memory_space<vmem>>, vector<16xf32>,
      %get3A_205 = arith.constant 0 : i32
      %get3A_206 = arith.index_cast %get3A_205 : i32 to index
      %get3A_207 = arith.constant 96 : index
      %get3A_208 = tpu.vector_load %arg9[%get3A_206, %get3A_207] {strides = array<i32>} : memref<2x512xf32, #tpu.memory_space<vmem>>, vector<16xf32>,
      %mul3A_209 = arith.constant 0.949999988 : f32
      %mul3A_210 = vector.broadcast %mul3A_209 : f32 to vector<16xf32>
      %mul3A_211 = arith.mulf %get3A_204, %mul3A_210 : vector<16xf32>
      %mul3A_212 = arith.constant 5.000000e-02 : f32
      %mul3A_213 = vector.broadcast %mul3A_212 : f32 to vector<16xf32>
      %mul3A_214 = arith.mulf %get3A_208, %mul3A_213 : vector<16xf32>
      %add3A_215 = arith.addf %mul3A_211, %mul3A_214 : vector<16xf32>
      %mul3A_216 = arith.mulf %add3A_215, %add3A_215 : vector<16xf32>
      %add3A_217 = arith.addf %add3A_153, %mul3A_216 : vector<16xf32>
      %get3A_218 = arith.index_cast %squeeze3A : i32 to index
      %get3A_219 = arith.constant 112 : index
      %get3A_220 = tpu.vector_load %arg10[%get3A_218, %get3A_219] {strides = array<i32>} : memref<32x512xf32, #tpu.memory_space<vmem>>, vector<16xf32>,
      %get3A_221 = arith.constant 0 : i32
      %get3A_222 = arith.index_cast %get3A_221 : i32 to index
      %get3A_223 = arith.constant 112 : index
      %get3A_224 = tpu.vector_load %arg9[%get3A_222, %get3A_223] {strides = array<i32>} : memref<2x512xf32, #tpu.memory_space<vmem>>, vector<16xf32>,
      %mul3A_225 = arith.constant 0.949999988 : f32
      %mul3A_226 = vector.broadcast %mul3A_225 : f32 to vector<16xf32>
      %mul3A_227 = arith.mulf %get3A_220, %mul3A_226 : vector<16xf32>
      %mul3A_228 = arith.constant 5.000000e-02 : f32
      %mul3A_229 = vector.broadcast %mul3A_228 : f32 to vector<16xf32>
      %mul3A_230 = arith.mulf %get3A_224, %mul3A_229 : vector<16xf32>
      %add3A_231 = arith.addf %mul3A_227, %mul3A_230 : vector<16xf32>
      %mul3A_232 = arith.mulf %add3A_231, %add3A_231 : vector<16xf32>
      %add3A_233 = arith.addf %add3A_169, %mul3A_232 : vector<16xf32>
      %get3A_234 = arith.index_cast %squeeze3A : i32 to index
      %get3A_235 = arith.constant 128 : index
      %get3A_236 = tpu.vector_load %arg10[%get3A_234, %get3A_235] {strides = array<i32>} : memref<32x512xf32, #tpu.memory_space<vmem>>, vector<16xf32>,
      %get3A_237 = arith.constant 0 : i32
      %get3A_238 = arith.index_cast %get3A_237 : i32 to index
      %get3A_239 = arith.constant 128 : index
      %get3A_240 = tpu.vector_load %arg9[%get3A_238, %get3A_239] {strides = array<i32>} : memref<2x512xf32, #tpu.memory_space<vmem>>, vector<16xf32>,
      %mul3A_241 = arith.constant 0.949999988 : f32
      %mul3A_242 = vector.broadcast %mul3A_241 : f32 to vector<16xf32>
      %mul3A_243 = arith.mulf %get3A_236, %mul3A_242 : vector<16xf32>
      %mul3A_244 = arith.constant 5.000000e-02 : f32
      %mul3A_245 = vector.broadcast %mul3A_244 : f32 to vector<16xf32>
      %mul3A_246 = arith.mulf %get3A_240, %mul3A_245 : vector<16xf32>
      %add3A_247 = arith.addf %mul3A_243, %mul3A_246 : vector<16xf32>
      %mul3A_248 = arith.mulf %add3A_247, %add3A_247 : vector<16xf32>
      %add3A_249 = arith.addf %add3A_185, %mul3A_248 : vector<16xf32>
      %get3A_250 = arith.index_cast %squeeze3A : i32 to index
      %get3A_251 = arith.constant 144 : index
      %get3A_252 = tpu.vector_load %arg10[%get3A_250, %get3A_251] {strides = array<i32>} : memref<32x512xf32, #tpu.memory_space<vmem>>, vector<16xf32>,
      %get3A_253 = arith.constant 0 : i32
      %get3A_254 = arith.index_cast %get3A_253 : i32 to index
      %get3A_255 = arith.constant 144 : index
      %get3A_256 = tpu.vector_load %arg9[%get3A_254, %get3A_255] {strides = array<i32>} : memref<2x512xf32, #tpu.memory_space<vmem>>, vector<16xf32>,
      %mul3A_257 = arith.constant 0.949999988 : f32
      %mul3A_258 = vector.broadcast %mul3A_257 : f32 to vector<16xf32>
      %mul3A_259 = arith.mulf %get3A_252, %mul3A_258 : vector<16xf32>
      %mul3A_260 = arith.constant 5.000000e-02 : f32
      %mul3A_261 = vector.broadcast %mul3A_260 : f32 to vector<16xf32>
      %mul3A_262 = arith.mulf %get3A_256, %mul3A_261 : vector<16xf32>
      %add3A_263 = arith.addf %mul3A_259, %mul3A_262 : vector<16xf32>
      %mul3A_264 = arith.mulf %add3A_263, %add3A_263 : vector<16xf32>
      %add3A_265 = arith.addf %add3A_201, %mul3A_264 : vector<16xf32>
      %get3A_266 = arith.index_cast %squeeze3A : i32 to index
      %get3A_267 = arith.constant 160 : index
      %get3A_268 = tpu.vector_load %arg10[%get3A_266, %get3A_267] {strides = array<i32>} : memref<32x512xf32, #tpu.memory_space<vmem>>, vector<16xf32>,
      %get3A_269 = arith.constant 0 : i32
      %get3A_270 = arith.index_cast %get3A_269 : i32 to index
      %get3A_271 = arith.constant 160 : index
      %get3A_272 = tpu.vector_load %arg9[%get3A_270, %get3A_271] {strides = array<i32>} : memref<2x512xf32, #tpu.memory_space<vmem>>, vector<16xf32>,
      %mul3A_273 = arith.constant 0.949999988 : f32
      %mul3A_274 = vector.broadcast %mul3A_273 : f32 to vector<16xf32>
      %mul3A_275 = arith.mulf %get3A_268, %mul3A_274 : vector<16xf32>
      %mul3A_276 = arith.constant 5.000000e-02 : f32
      %mul3A_277 = vector.broadcast %mul3A_276 : f32 to vector<16xf32>
      %mul3A_278 = arith.mulf %get3A_272, %mul3A_277 : vector<16xf32>
      %add3A_279 = arith.addf %mul3A_275, %mul3A_278 : vector<16xf32>
      %mul3A_280 = arith.mulf %add3A_279, %add3A_279 : vector<16xf32>
      %add3A_281 = arith.addf %add3A_217, %mul3A_280 : vector<16xf32>
      %get3A_282 = arith.index_cast %squeeze3A : i32 to index
      %get3A_283 = arith.constant 176 : index
      %get3A_284 = tpu.vector_load %arg10[%get3A_282, %get3A_283] {strides = array<i32>} : memref<32x512xf32, #tpu.memory_space<vmem>>, vector<16xf32>,
      %get3A_285 = arith.constant 0 : i32
      %get3A_286 = arith.index_cast %get3A_285 : i32 to index
      %get3A_287 = arith.constant 176 : index
      %get3A_288 = tpu.vector_load %arg9[%get3A_286, %get3A_287] {strides = array<i32>} : memref<2x512xf32, #tpu.memory_space<vmem>>, vector<16xf32>,
      %mul3A_289 = arith.constant 0.949999988 : f32
      %mul3A_290 = vector.broadcast %mul3A_289 : f32 to vector<16xf32>
      %mul3A_291 = arith.mulf %get3A_284, %mul3A_290 : vector<16xf32>
      %mul3A_292 = arith.constant 5.000000e-02 : f32
      %mul3A_293 = vector.broadcast %mul3A_292 : f32 to vector<16xf32>
      %mul3A_294 = arith.mulf %get3A_288, %mul3A_293 : vector<16xf32>
      %add3A_295 = arith.addf %mul3A_291, %mul3A_294 : vector<16xf32>
      %mul3A_296 = arith.mulf %add3A_295, %add3A_295 : vector<16xf32>
      %add3A_297 = arith.addf %add3A_233, %mul3A_296 : vector<16xf32>
      %get3A_298 = arith.index_cast %squeeze3A : i32 to index
      %get3A_299 = arith.constant 192 : index
      %get3A_300 = tpu.vector_load %arg10[%get3A_298, %get3A_299] {strides = array<i32>} : memref<32x512xf32, #tpu.memory_space<vmem>>, vector<16xf32>,
      %get3A_301 = arith.constant 0 : i32
      %get3A_302 = arith.index_cast %get3A_301 : i32 to index
      %get3A_303 = arith.constant 192 : index
      %get3A_304 = tpu.vector_load %arg9[%get3A_302, %get3A_303] {strides = array<i32>} : memref<2x512xf32, #tpu.memory_space<vmem>>, vector<16xf32>,
      %mul3A_305 = arith.constant 0.949999988 : f32
      %mul3A_306 = vector.broadcast %mul3A_305 : f32 to vector<16xf32>
      %mul3A_307 = arith.mulf %get3A_300, %mul3A_306 : vector<16xf32>
      %mul3A_308 = arith.constant 5.000000e-02 : f32
      %mul3A_309 = vector.broadcast %mul3A_308 : f32 to vector<16xf32>
      %mul3A_310 = arith.mulf %get3A_304, %mul3A_309 : vector<16xf32>
      %add3A_311 = arith.addf %mul3A_307, %mul3A_310 : vector<16xf32>
      %mul3A_312 = arith.mulf %add3A_311, %add3A_311 : vector<16xf32>
      %add3A_313 = arith.addf %add3A_249, %mul3A_312 : vector<16xf32>
      %get3A_314 = arith.index_cast %squeeze3A : i32 to index
      %get3A_315 = arith.constant 208 : index
      %get3A_316 = tpu.vector_load %arg10[%get3A_314, %get3A_315] {strides = array<i32>} : memref<32x512xf32, #tpu.memory_space<vmem>>, vector<16xf32>,
      %get3A_317 = arith.constant 0 : i32
      %get3A_318 = arith.index_cast %get3A_317 : i32 to index
      %get3A_319 = arith.constant 208 : index
      %get3A_320 = tpu.vector_load %arg9[%get3A_318, %get3A_319] {strides = array<i32>} : memref<2x512xf32, #tpu.memory_space<vmem>>, vector<16xf32>,
      %mul3A_321 = arith.constant 0.949999988 : f32
      %mul3A_322 = vector.broadcast %mul3A_321 : f32 to vector<16xf32>
      %mul3A_323 = arith.mulf %get3A_316, %mul3A_322 : vector<16xf32>
      %mul3A_324 = arith.constant 5.000000e-02 : f32
      %mul3A_325 = vector.broadcast %mul3A_324 : f32 to vector<16xf32>
      %mul3A_326 = arith.mulf %get3A_320, %mul3A_325 : vector<16xf32>
      %add3A_327 = arith.addf %mul3A_323, %mul3A_326 : vector<16xf32>
      %mul3A_328 = arith.mulf %add3A_327, %add3A_327 : vector<16xf32>
      %add3A_329 = arith.addf %add3A_265, %mul3A_328 : vector<16xf32>
      %get3A_330 = arith.index_cast %squeeze3A : i32 to index
      %get3A_331 = arith.constant 224 : index
      %get3A_332 = tpu.vector_load %arg10[%get3A_330, %get3A_331] {strides = array<i32>} : memref<32x512xf32, #tpu.memory_space<vmem>>, vector<16xf32>,
      %get3A_333 = arith.constant 0 : i32
      %get3A_334 = arith.index_cast %get3A_333 : i32 to index
      %get3A_335 = arith.constant 224 : index
      %get3A_336 = tpu.vector_load %arg9[%get3A_334, %get3A_335] {strides = array<i32>} : memref<2x512xf32, #tpu.memory_space<vmem>>, vector<16xf32>,
      %mul3A_337 = arith.constant 0.949999988 : f32
      %mul3A_338 = vector.broadcast %mul3A_337 : f32 to vector<16xf32>
      %mul3A_339 = arith.mulf %get3A_332, %mul3A_338 : vector<16xf32>
      %mul3A_340 = arith.constant 5.000000e-02 : f32
      %mul3A_341 = vector.broadcast %mul3A_340 : f32 to vector<16xf32>
      %mul3A_342 = arith.mulf %get3A_336, %mul3A_341 : vector<16xf32>
      %add3A_343 = arith.addf %mul3A_339, %mul3A_342 : vector<16xf32>
      %mul3A_344 = arith.mulf %add3A_343, %add3A_343 : vector<16xf32>
      %add3A_345 = arith.addf %add3A_281, %mul3A_344 : vector<16xf32>
      %get3A_346 = arith.index_cast %squeeze3A : i32 to index
      %get3A_347 = arith.constant 240 : index
      %get3A_348 = tpu.vector_load %arg10[%get3A_346, %get3A_347] {strides = array<i32>} : memref<32x512xf32, #tpu.memory_space<vmem>>, vector<16xf32>,
      %get3A_349 = arith.constant 0 : i32
      %get3A_350 = arith.index_cast %get3A_349 : i32 to index
      %get3A_351 = arith.constant 240 : index
      %get3A_352 = tpu.vector_load %arg9[%get3A_350, %get3A_351] {strides = array<i32>} : memref<2x512xf32, #tpu.memory_space<vmem>>, vector<16xf32>,
      %mul3A_353 = arith.constant 0.949999988 : f32
      %mul3A_354 = vector.broadcast %mul3A_353 : f32 to vector<16xf32>
      %mul3A_355 = arith.mulf %get3A_348, %mul3A_354 : vector<16xf32>
      %mul3A_356 = arith.constant 5.000000e-02 : f32
      %mul3A_357 = vector.broadcast %mul3A_356 : f32 to vector<16xf32>
      %mul3A_358 = arith.mulf %get3A_352, %mul3A_357 : vector<16xf32>
      %add3A_359 = arith.addf %mul3A_355, %mul3A_358 : vector<16xf32>
      %mul3A_360 = arith.mulf %add3A_359, %add3A_359 : vector<16xf32>
      %add3A_361 = arith.addf %add3A_297, %mul3A_360 : vector<16xf32>
      %get3A_362 = arith.index_cast %squeeze3A : i32 to index
      %get3A_363 = arith.constant 256 : index
      %get3A_364 = tpu.vector_load %arg10[%get3A_362, %get3A_363] {strides = array<i32>} : memref<32x512xf32, #tpu.memory_space<vmem>>, vector<16xf32>,
      %get3A_365 = arith.constant 0 : i32
      %get3A_366 = arith.index_cast %get3A_365 : i32 to index
      %get3A_367 = arith.constant 256 : index
      %get3A_368 = tpu.vector_load %arg9[%get3A_366, %get3A_367] {strides = array<i32>} : memref<2x512xf32, #tpu.memory_space<vmem>>, vector<16xf32>,
      %mul3A_369 = arith.constant 0.949999988 : f32
      %mul3A_370 = vector.broadcast %mul3A_369 : f32 to vector<16xf32>
      %mul3A_371 = arith.mulf %get3A_364, %mul3A_370 : vector<16xf32>
      %mul3A_372 = arith.constant 5.000000e-02 : f32
      %mul3A_373 = vector.broadcast %mul3A_372 : f32 to vector<16xf32>
      %mul3A_374 = arith.mulf %get3A_368, %mul3A_373 : vector<16xf32>
      %add3A_375 = arith.addf %mul3A_371, %mul3A_374 : vector<16xf32>
      %mul3A_376 = arith.mulf %add3A_375, %add3A_375 : vector<16xf32>
      %add3A_377 = arith.addf %add3A_313, %mul3A_376 : vector<16xf32>
      %get3A_378 = arith.index_cast %squeeze3A : i32 to index
      %get3A_379 = arith.constant 272 : index
      %get3A_380 = tpu.vector_load %arg10[%get3A_378, %get3A_379] {strides = array<i32>} : memref<32x512xf32, #tpu.memory_space<vmem>>, vector<16xf32>,
      %get3A_381 = arith.constant 0 : i32
      %get3A_382 = arith.index_cast %get3A_381 : i32 to index
      %get3A_383 = arith.constant 272 : index
      %get3A_384 = tpu.vector_load %arg9[%get3A_382, %get3A_383] {strides = array<i32>} : memref<2x512xf32, #tpu.memory_space<vmem>>, vector<16xf32>,
      %mul3A_385 = arith.constant 0.949999988 : f32
      %mul3A_386 = vector.broadcast %mul3A_385 : f32 to vector<16xf32>
      %mul3A_387 = arith.mulf %get3A_380, %mul3A_386 : vector<16xf32>
      %mul3A_388 = arith.constant 5.000000e-02 : f32
      %mul3A_389 = vector.broadcast %mul3A_388 : f32 to vector<16xf32>
      %mul3A_390 = arith.mulf %get3A_384, %mul3A_389 : vector<16xf32>
      %add3A_391 = arith.addf %mul3A_387, %mul3A_390 : vector<16xf32>
      %mul3A_392 = arith.mulf %add3A_391, %add3A_391 : vector<16xf32>
      %add3A_393 = arith.addf %add3A_329, %mul3A_392 : vector<16xf32>
      %get3A_394 = arith.index_cast %squeeze3A : i32 to index
      %get3A_395 = arith.constant 288 : index
      %get3A_396 = tpu.vector_load %arg10[%get3A_394, %get3A_395] {strides = array<i32>} : memref<32x512xf32, #tpu.memory_space<vmem>>, vector<16xf32>,
      %get3A_397 = arith.constant 0 : i32
      %get3A_398 = arith.index_cast %get3A_397 : i32 to index
      %get3A_399 = arith.constant 288 : index
      %get3A_400 = tpu.vector_load %arg9[%get3A_398, %get3A_399] {strides = array<i32>} : memref<2x512xf32, #tpu.memory_space<vmem>>, vector<16xf32>,
      %mul3A_401 = arith.constant 0.949999988 : f32
      %mul3A_402 = vector.broadcast %mul3A_401 : f32 to vector<16xf32>
      %mul3A_403 = arith.mulf %get3A_396, %mul3A_402 : vector<16xf32>
      %mul3A_404 = arith.constant 5.000000e-02 : f32
      %mul3A_405 = vector.broadcast %mul3A_404 : f32 to vector<16xf32>
      %mul3A_406 = arith.mulf %get3A_400, %mul3A_405 : vector<16xf32>
      %add3A_407 = arith.addf %mul3A_403, %mul3A_406 : vector<16xf32>
      %mul3A_408 = arith.mulf %add3A_407, %add3A_407 : vector<16xf32>
      %add3A_409 = arith.addf %add3A_345, %mul3A_408 : vector<16xf32>
      %get3A_410 = arith.index_cast %squeeze3A : i32 to index
      %get3A_411 = arith.constant 304 : index
      %get3A_412 = tpu.vector_load %arg10[%get3A_410, %get3A_411] {strides = array<i32>} : memref<32x512xf32, #tpu.memory_space<vmem>>, vector<16xf32>,
      %get3A_413 = arith.constant 0 : i32
      %get3A_414 = arith.index_cast %get3A_413 : i32 to index
      %get3A_415 = arith.constant 304 : index
      %get3A_416 = tpu.vector_load %arg9[%get3A_414, %get3A_415] {strides = array<i32>} : memref<2x512xf32, #tpu.memory_space<vmem>>, vector<16xf32>,
      %mul3A_417 = arith.constant 0.949999988 : f32
      %mul3A_418 = vector.broadcast %mul3A_417 : f32 to vector<16xf32>
      %mul3A_419 = arith.mulf %get3A_412, %mul3A_418 : vector<16xf32>
      %mul3A_420 = arith.constant 5.000000e-02 : f32
      %mul3A_421 = vector.broadcast %mul3A_420 : f32 to vector<16xf32>
      %mul3A_422 = arith.mulf %get3A_416, %mul3A_421 : vector<16xf32>
      %add3A_423 = arith.addf %mul3A_419, %mul3A_422 : vector<16xf32>
      %mul3A_424 = arith.mulf %add3A_423, %add3A_423 : vector<16xf32>
      %add3A_425 = arith.addf %add3A_361, %mul3A_424 : vector<16xf32>
      %get3A_426 = arith.index_cast %squeeze3A : i32 to index
      %get3A_427 = arith.constant 320 : index
      %get3A_428 = tpu.vector_load %arg10[%get3A_426, %get3A_427] {strides = array<i32>} : memref<32x512xf32, #tpu.memory_space<vmem>>, vector<16xf32>,
      %get3A_429 = arith.constant 0 : i32
      %get3A_430 = arith.index_cast %get3A_429 : i32 to index
      %get3A_431 = arith.constant 320 : index
      %get3A_432 = tpu.vector_load %arg9[%get3A_430, %get3A_431] {strides = array<i32>} : memref<2x512xf32, #tpu.memory_space<vmem>>, vector<16xf32>,
      %mul3A_433 = arith.constant 0.949999988 : f32
      %mul3A_434 = vector.broadcast %mul3A_433 : f32 to vector<16xf32>
      %mul3A_435 = arith.mulf %get3A_428, %mul3A_434 : vector<16xf32>
      %mul3A_436 = arith.constant 5.000000e-02 : f32
      %mul3A_437 = vector.broadcast %mul3A_436 : f32 to vector<16xf32>
      %mul3A_438 = arith.mulf %get3A_432, %mul3A_437 : vector<16xf32>
      %add3A_439 = arith.addf %mul3A_435, %mul3A_438 : vector<16xf32>
      %mul3A_440 = arith.mulf %add3A_439, %add3A_439 : vector<16xf32>
      %add3A_441 = arith.addf %add3A_377, %mul3A_440 : vector<16xf32>
      %get3A_442 = arith.index_cast %squeeze3A : i32 to index
      %get3A_443 = arith.constant 336 : index
      %get3A_444 = tpu.vector_load %arg10[%get3A_442, %get3A_443] {strides = array<i32>} : memref<32x512xf32, #tpu.memory_space<vmem>>, vector<16xf32>,
      %get3A_445 = arith.constant 0 : i32
      %get3A_446 = arith.index_cast %get3A_445 : i32 to index
      %get3A_447 = arith.constant 336 : index
      %get3A_448 = tpu.vector_load %arg9[%get3A_446, %get3A_447] {strides = array<i32>} : memref<2x512xf32, #tpu.memory_space<vmem>>, vector<16xf32>,
      %mul3A_449 = arith.constant 0.949999988 : f32
      %mul3A_450 = vector.broadcast %mul3A_449 : f32 to vector<16xf32>
      %mul3A_451 = arith.mulf %get3A_444, %mul3A_450 : vector<16xf32>
      %mul3A_452 = arith.constant 5.000000e-02 : f32
      %mul3A_453 = vector.broadcast %mul3A_452 : f32 to vector<16xf32>
      %mul3A_454 = arith.mulf %get3A_448, %mul3A_453 : vector<16xf32>
      %add3A_455 = arith.addf %mul3A_451, %mul3A_454 : vector<16xf32>
      %mul3A_456 = arith.mulf %add3A_455, %add3A_455 : vector<16xf32>
      %add3A_457 = arith.addf %add3A_393, %mul3A_456 : vector<16xf32>
      %get3A_458 = arith.index_cast %squeeze3A : i32 to index
      %get3A_459 = arith.constant 352 : index
      %get3A_460 = tpu.vector_load %arg10[%get3A_458, %get3A_459] {strides = array<i32>} : memref<32x512xf32, #tpu.memory_space<vmem>>, vector<16xf32>,
      %get3A_461 = arith.constant 0 : i32
      %get3A_462 = arith.index_cast %get3A_461 : i32 to index
      %get3A_463 = arith.constant 352 : index
      %get3A_464 = tpu.vector_load %arg9[%get3A_462, %get3A_463] {strides = array<i32>} : memref<2x512xf32, #tpu.memory_space<vmem>>, vector<16xf32>,
      %mul3A_465 = arith.constant 0.949999988 : f32
      %mul3A_466 = vector.broadcast %mul3A_465 : f32 to vector<16xf32>
      %mul3A_467 = arith.mulf %get3A_460, %mul3A_466 : vector<16xf32>
      %mul3A_468 = arith.constant 5.000000e-02 : f32
      %mul3A_469 = vector.broadcast %mul3A_468 : f32 to vector<16xf32>
      %mul3A_470 = arith.mulf %get3A_464, %mul3A_469 : vector<16xf32>
      %add3A_471 = arith.addf %mul3A_467, %mul3A_470 : vector<16xf32>
      %mul3A_472 = arith.mulf %add3A_471, %add3A_471 : vector<16xf32>
      %add3A_473 = arith.addf %add3A_409, %mul3A_472 : vector<16xf32>
      %get3A_474 = arith.index_cast %squeeze3A : i32 to index
      %get3A_475 = arith.constant 368 : index
      %get3A_476 = tpu.vector_load %arg10[%get3A_474, %get3A_475] {strides = array<i32>} : memref<32x512xf32, #tpu.memory_space<vmem>>, vector<16xf32>,
      %get3A_477 = arith.constant 0 : i32
      %get3A_478 = arith.index_cast %get3A_477 : i32 to index
      %get3A_479 = arith.constant 368 : index
      %get3A_480 = tpu.vector_load %arg9[%get3A_478, %get3A_479] {strides = array<i32>} : memref<2x512xf32, #tpu.memory_space<vmem>>, vector<16xf32>,
      %mul3A_481 = arith.constant 0.949999988 : f32
      %mul3A_482 = vector.broadcast %mul3A_481 : f32 to vector<16xf32>
      %mul3A_483 = arith.mulf %get3A_476, %mul3A_482 : vector<16xf32>
      %mul3A_484 = arith.constant 5.000000e-02 : f32
      %mul3A_485 = vector.broadcast %mul3A_484 : f32 to vector<16xf32>
      %mul3A_486 = arith.mulf %get3A_480, %mul3A_485 : vector<16xf32>
      %add3A_487 = arith.addf %mul3A_483, %mul3A_486 : vector<16xf32>
      %mul3A_488 = arith.mulf %add3A_487, %add3A_487 : vector<16xf32>
      %add3A_489 = arith.addf %add3A_425, %mul3A_488 : vector<16xf32>
      %get3A_490 = arith.index_cast %squeeze3A : i32 to index
      %get3A_491 = arith.constant 384 : index
      %get3A_492 = tpu.vector_load %arg10[%get3A_490, %get3A_491] {strides = array<i32>} : memref<32x512xf32, #tpu.memory_space<vmem>>, vector<16xf32>,
      %get3A_493 = arith.constant 0 : i32
      %get3A_494 = arith.index_cast %get3A_493 : i32 to index
      %get3A_495 = arith.constant 384 : index
      %get3A_496 = tpu.vector_load %arg9[%get3A_494, %get3A_495] {strides = array<i32>} : memref<2x512xf32, #tpu.memory_space<vmem>>, vector<16xf32>,
      %mul3A_497 = arith.constant 0.949999988 : f32
      %mul3A_498 = vector.broadcast %mul3A_497 : f32 to vector<16xf32>
      %mul3A_499 = arith.mulf %get3A_492, %mul3A_498 : vector<16xf32>
      %mul3A_500 = arith.constant 5.000000e-02 : f32
      %mul3A_501 = vector.broadcast %mul3A_500 : f32 to vector<16xf32>
      %mul3A_502 = arith.mulf %get3A_496, %mul3A_501 : vector<16xf32>
      %add3A_503 = arith.addf %mul3A_499, %mul3A_502 : vector<16xf32>
      %mul3A_504 = arith.mulf %add3A_503, %add3A_503 : vector<16xf32>
      %add3A_505 = arith.addf %add3A_441, %mul3A_504 : vector<16xf32>
      %get3A_506 = arith.index_cast %squeeze3A : i32 to index
      %get3A_507 = arith.constant 400 : index
      %get3A_508 = tpu.vector_load %arg10[%get3A_506, %get3A_507] {strides = array<i32>} : memref<32x512xf32, #tpu.memory_space<vmem>>, vector<16xf32>,
      %get3A_509 = arith.constant 0 : i32
      %get3A_510 = arith.index_cast %get3A_509 : i32 to index
      %get3A_511 = arith.constant 400 : index
      %get3A_512 = tpu.vector_load %arg9[%get3A_510, %get3A_511] {strides = array<i32>} : memref<2x512xf32, #tpu.memory_space<vmem>>, vector<16xf32>,
      %mul3A_513 = arith.constant 0.949999988 : f32
      %mul3A_514 = vector.broadcast %mul3A_513 : f32 to vector<16xf32>
      %mul3A_515 = arith.mulf %get3A_508, %mul3A_514 : vector<16xf32>
      %mul3A_516 = arith.constant 5.000000e-02 : f32
      %mul3A_517 = vector.broadcast %mul3A_516 : f32 to vector<16xf32>
      %mul3A_518 = arith.mulf %get3A_512, %mul3A_517 : vector<16xf32>
      %add3A_519 = arith.addf %mul3A_515, %mul3A_518 : vector<16xf32>
      %mul3A_520 = arith.mulf %add3A_519, %add3A_519 : vector<16xf32>
      %add3A_521 = arith.addf %add3A_457, %mul3A_520 : vector<16xf32>
      %get3A_522 = arith.index_cast %squeeze3A : i32 to index
      %get3A_523 = arith.constant 416 : index
      %get3A_524 = tpu.vector_load %arg10[%get3A_522, %get3A_523] {strides = array<i32>} : memref<32x512xf32, #tpu.memory_space<vmem>>, vector<16xf32>,
      %get3A_525 = arith.constant 0 : i32
      %get3A_526 = arith.index_cast %get3A_525 : i32 to index
      %get3A_527 = arith.constant 416 : index
      %get3A_528 = tpu.vector_load %arg9[%get3A_526, %get3A_527] {strides = array<i32>} : memref<2x512xf32, #tpu.memory_space<vmem>>, vector<16xf32>,
      %mul3A_529 = arith.constant 0.949999988 : f32
      %mul3A_530 = vector.broadcast %mul3A_529 : f32 to vector<16xf32>
      %mul3A_531 = arith.mulf %get3A_524, %mul3A_530 : vector<16xf32>
      %mul3A_532 = arith.constant 5.000000e-02 : f32
      %mul3A_533 = vector.broadcast %mul3A_532 : f32 to vector<16xf32>
      %mul3A_534 = arith.mulf %get3A_528, %mul3A_533 : vector<16xf32>
      %add3A_535 = arith.addf %mul3A_531, %mul3A_534 : vector<16xf32>
      %mul3A_536 = arith.mulf %add3A_535, %add3A_535 : vector<16xf32>
      %add3A_537 = arith.addf %add3A_473, %mul3A_536 : vector<16xf32>
      %get3A_538 = arith.index_cast %squeeze3A : i32 to index
      %get3A_539 = arith.constant 432 : index
      %get3A_540 = tpu.vector_load %arg10[%get3A_538, %get3A_539] {strides = array<i32>} : memref<32x512xf32, #tpu.memory_space<vmem>>, vector<16xf32>,
      %get3A_541 = arith.constant 0 : i32
      %get3A_542 = arith.index_cast %get3A_541 : i32 to index
      %get3A_543 = arith.constant 432 : index
      %get3A_544 = tpu.vector_load %arg9[%get3A_542, %get3A_543] {strides = array<i32>} : memref<2x512xf32, #tpu.memory_space<vmem>>, vector<16xf32>,
      %mul3A_545 = arith.constant 0.949999988 : f32
      %mul3A_546 = vector.broadcast %mul3A_545 : f32 to vector<16xf32>
      %mul3A_547 = arith.mulf %get3A_540, %mul3A_546 : vector<16xf32>
      %mul3A_548 = arith.constant 5.000000e-02 : f32
      %mul3A_549 = vector.broadcast %mul3A_548 : f32 to vector<16xf32>
      %mul3A_550 = arith.mulf %get3A_544, %mul3A_549 : vector<16xf32>
      %add3A_551 = arith.addf %mul3A_547, %mul3A_550 : vector<16xf32>
      %mul3A_552 = arith.mulf %add3A_551, %add3A_551 : vector<16xf32>
      %add3A_553 = arith.addf %add3A_489, %mul3A_552 : vector<16xf32>
      %get3A_554 = arith.index_cast %squeeze3A : i32 to index
      %get3A_555 = arith.constant 448 : index
      %get3A_556 = tpu.vector_load %arg10[%get3A_554, %get3A_555] {strides = array<i32>} : memref<32x512xf32, #tpu.memory_space<vmem>>, vector<16xf32>,
      %get3A_557 = arith.constant 0 : i32
      %get3A_558 = arith.index_cast %get3A_557 : i32 to index
      %get3A_559 = arith.constant 448 : index
      %get3A_560 = tpu.vector_load %arg9[%get3A_558, %get3A_559] {strides = array<i32>} : memref<2x512xf32, #tpu.memory_space<vmem>>, vector<16xf32>,
      %mul3A_561 = arith.constant 0.949999988 : f32
      %mul3A_562 = vector.broadcast %mul3A_561 : f32 to vector<16xf32>
      %mul3A_563 = arith.mulf %get3A_556, %mul3A_562 : vector<16xf32>
      %mul3A_564 = arith.constant 5.000000e-02 : f32
      %mul3A_565 = vector.broadcast %mul3A_564 : f32 to vector<16xf32>
      %mul3A_566 = arith.mulf %get3A_560, %mul3A_565 : vector<16xf32>
      %add3A_567 = arith.addf %mul3A_563, %mul3A_566 : vector<16xf32>
      %mul3A_568 = arith.mulf %add3A_567, %add3A_567 : vector<16xf32>
      %add3A_569 = arith.addf %add3A_505, %mul3A_568 : vector<16xf32>
      %get3A_570 = arith.index_cast %squeeze3A : i32 to index
      %get3A_571 = arith.constant 464 : index
      %get3A_572 = tpu.vector_load %arg10[%get3A_570, %get3A_571] {strides = array<i32>} : memref<32x512xf32, #tpu.memory_space<vmem>>, vector<16xf32>,
      %get3A_573 = arith.constant 0 : i32
      %get3A_574 = arith.index_cast %get3A_573 : i32 to index
      %get3A_575 = arith.constant 464 : index
      %get3A_576 = tpu.vector_load %arg9[%get3A_574, %get3A_575] {strides = array<i32>} : memref<2x512xf32, #tpu.memory_space<vmem>>, vector<16xf32>,
      %mul3A_577 = arith.constant 0.949999988 : f32
      %mul3A_578 = vector.broadcast %mul3A_577 : f32 to vector<16xf32>
      %mul3A_579 = arith.mulf %get3A_572, %mul3A_578 : vector<16xf32>
      %mul3A_580 = arith.constant 5.000000e-02 : f32
      %mul3A_581 = vector.broadcast %mul3A_580 : f32 to vector<16xf32>
      %mul3A_582 = arith.mulf %get3A_576, %mul3A_581 : vector<16xf32>
      %add3A_583 = arith.addf %mul3A_579, %mul3A_582 : vector<16xf32>
      %mul3A_584 = arith.mulf %add3A_583, %add3A_583 : vector<16xf32>
      %add3A_585 = arith.addf %add3A_521, %mul3A_584 : vector<16xf32>
      %get3A_586 = arith.index_cast %squeeze3A : i32 to index
      %get3A_587 = arith.constant 480 : index
      %get3A_588 = tpu.vector_load %arg10[%get3A_586, %get3A_587] {strides = array<i32>} : memref<32x512xf32, #tpu.memory_space<vmem>>, vector<16xf32>,
      %get3A_589 = arith.constant 0 : i32
      %get3A_590 = arith.index_cast %get3A_589 : i32 to index
      %get3A_591 = arith.constant 480 : index
      %get3A_592 = tpu.vector_load %arg9[%get3A_590, %get3A_591] {strides = array<i32>} : memref<2x512xf32, #tpu.memory_space<vmem>>, vector<16xf32>,
      %mul3A_593 = arith.constant 0.949999988 : f32
      %mul3A_594 = vector.broadcast %mul3A_593 : f32 to vector<16xf32>
      %mul3A_595 = arith.mulf %get3A_588, %mul3A_594 : vector<16xf32>
      %mul3A_596 = arith.constant 5.000000e-02 : f32
      %mul3A_597 = vector.broadcast %mul3A_596 : f32 to vector<16xf32>
      %mul3A_598 = arith.mulf %get3A_592, %mul3A_597 : vector<16xf32>
      %add3A_599 = arith.addf %mul3A_595, %mul3A_598 : vector<16xf32>
      %mul3A_600 = arith.mulf %add3A_599, %add3A_599 : vector<16xf32>
      %add3A_601 = arith.addf %add3A_537, %mul3A_600 : vector<16xf32>
      %get3A_602 = arith.index_cast %squeeze3A : i32 to index
      %get3A_603 = arith.constant 496 : index
      %get3A_604 = tpu.vector_load %arg10[%get3A_602, %get3A_603] {strides = array<i32>} : memref<32x512xf32, #tpu.memory_space<vmem>>, vector<16xf32>,
      %get3A_605 = arith.constant 0 : i32
      %get3A_606 = arith.index_cast %get3A_605 : i32 to index
      %get3A_607 = arith.constant 496 : index
      %get3A_608 = tpu.vector_load %arg9[%get3A_606, %get3A_607] {strides = array<i32>} : memref<2x512xf32, #tpu.memory_space<vmem>>, vector<16xf32>,
      %mul3A_609 = arith.constant 0.949999988 : f32
      %mul3A_610 = vector.broadcast %mul3A_609 : f32 to vector<16xf32>
      %mul3A_611 = arith.mulf %get3A_604, %mul3A_610 : vector<16xf32>
      %mul3A_612 = arith.constant 5.000000e-02 : f32
      %mul3A_613 = vector.broadcast %mul3A_612 : f32 to vector<16xf32>
      %mul3A_614 = arith.mulf %get3A_608, %mul3A_613 : vector<16xf32>
      %add3A_615 = arith.addf %mul3A_611, %mul3A_614 : vector<16xf32>
      %mul3A_616 = arith.mulf %add3A_615, %add3A_615 : vector<16xf32>
      %add3A_617 = arith.addf %add3A_553, %mul3A_616 : vector<16xf32>
      %add3A_618 = arith.addf %add3A_569, %add3A_585 : vector<16xf32>
      %add3A_619 = arith.addf %add3A_601, %add3A_617 : vector<16xf32>
      %add3A_620 = arith.addf %add3A_618, %add3A_619 : vector<16xf32>
      %reduce_sum3A = arith.constant true
      %reduce_sum3A_621 = vector.broadcast %reduce_sum3A : i1 to vector<16xi1>
      %reduce_sum3A_622 = tpu.scan <sum>, %add3A_620 masked %reduce_sum3A_621 : vector<16xf32>, vector<16xi1> -> vector<16xf32>
      %reduce_sum3A_623 = vector.extract %reduce_sum3A_622[15] : f32 from vector<16xf32>
      %broadcast_in_dim3A_624 = vector.broadcast %reduce_sum3A_623 : f32 to vector<16xf32>
      %bitcast3A = vector.bitcast %broadcast_in_dim3A_624 : vector<16xf32> to vector<16xi32>
      %shift_right_arithmetic3A = arith.constant 1 : i32
      %shift_right_arithmetic3A_625 = vector.broadcast %shift_right_arithmetic3A : i32 to vector<16xi32>
      %shift_right_arithmetic3A_626 = arith.shrsi %bitcast3A, %shift_right_arithmetic3A_625 : vector<16xi32>
      %sub3A_627 = arith.constant 1597463007 : i32
      %sub3A_628 = vector.broadcast %sub3A_627 : i32 to vector<16xi32>
      %sub3A_629 = arith.subi %sub3A_628, %shift_right_arithmetic3A_626 : vector<16xi32>
      %bitcast3A_630 = vector.bitcast %sub3A_629 : vector<16xi32> to vector<16xf32>
      %mul3A_631 = arith.constant 5.000000e-01 : f32
      %mul3A_632 = vector.broadcast %mul3A_631 : f32 to vector<16xf32>
      %mul3A_633 = arith.mulf %mul3A_632, %broadcast_in_dim3A_624 : vector<16xf32>
      %mul3A_634 = arith.mulf %mul3A_633, %bitcast3A_630 : vector<16xf32>
      %mul3A_635 = arith.mulf %mul3A_634, %bitcast3A_630 : vector<16xf32>
      %sub3A_636 = arith.constant 1.500000e+00 : f32
      %sub3A_637 = vector.broadcast %sub3A_636 : f32 to vector<16xf32>
      %sub3A_638 = arith.subf %sub3A_637, %mul3A_635 : vector<16xf32>
      %mul3A_639 = arith.mulf %bitcast3A_630, %sub3A_638 : vector<16xf32>
      %mul3A_640 = arith.constant 5.000000e-01 : f32
      %mul3A_641 = vector.broadcast %mul3A_640 : f32 to vector<16xf32>
      %mul3A_642 = arith.mulf %mul3A_641, %broadcast_in_dim3A_624 : vector<16xf32>
      %mul3A_643 = arith.mulf %mul3A_642, %mul3A_639 : vector<16xf32>
      %mul3A_644 = arith.mulf %mul3A_643, %mul3A_639 : vector<16xf32>
      %sub3A_645 = arith.constant 1.500000e+00 : f32
      %sub3A_646 = vector.broadcast %sub3A_645 : f32 to vector<16xf32>
      %sub3A_647 = arith.subf %sub3A_646, %mul3A_644 : vector<16xf32>
      %mul3A_648 = arith.mulf %mul3A_639, %sub3A_647 : vector<16xf32>
      %mul3A_649 = arith.constant 5.000000e-01 : f32
      %mul3A_650 = vector.broadcast %mul3A_649 : f32 to vector<16xf32>
      %mul3A_651 = arith.mulf %mul3A_650, %broadcast_in_dim3A_624 : vector<16xf32>
      %mul3A_652 = arith.mulf %mul3A_651, %mul3A_648 : vector<16xf32>
      %mul3A_653 = arith.mulf %mul3A_652, %mul3A_648 : vector<16xf32>
      %sub3A_654 = arith.constant 1.500000e+00 : f32
      %sub3A_655 = vector.broadcast %sub3A_654 : f32 to vector<16xf32>
      %sub3A_656 = arith.subf %sub3A_655, %mul3A_653 : vector<16xf32>
      %mul3A_657 = arith.mulf %mul3A_648, %sub3A_656 : vector<16xf32>
      %mul3A_658 = arith.constant 5.000000e-01 : f32
      %mul3A_659 = vector.broadcast %mul3A_658 : f32 to vector<16xf32>
      %mul3A_660 = arith.mulf %mul3A_659, %broadcast_in_dim3A_624 : vector<16xf32>
      %mul3A_661 = arith.mulf %mul3A_660, %mul3A_657 : vector<16xf32>
      %mul3A_662 = arith.mulf %mul3A_661, %mul3A_657 : vector<16xf32>
      %sub3A_663 = arith.constant 1.500000e+00 : f32
      %sub3A_664 = vector.broadcast %sub3A_663 : f32 to vector<16xf32>
      %sub3A_665 = arith.subf %sub3A_664, %mul3A_662 : vector<16xf32>
      %mul3A_666 = arith.mulf %mul3A_657, %sub3A_665 : vector<16xf32>
      %mul3A_667 = arith.mulf %broadcast_in_dim3A_624, %mul3A_666 : vector<16xf32>
      %gt3A_668 = arith.constant 9.99999996E-13 : f32
      %gt3A_669 = vector.broadcast %gt3A_668 : f32 to vector<16xf32>
      %gt3A_670 = arith.cmpf ogt, %mul3A_667, %gt3A_669 : vector<16xf32>
      %jit3A_671 = arith.constant 9.99999995E+11 : f32
      %broadcast_in_dim3A_672 = vector.broadcast %jit3A_671 : f32 to vector<16xf32>
      %select_n3A_673 = arith.select %gt3A_670, %mul3A_666, %broadcast_in_dim3A_672 : vector<16xi1>, vector<16xf32>
      %mul3A_674 = arith.mulf %add3A_119, %select_n3A_673 : vector<16xf32>
      %swap3A = arith.index_cast %squeeze3A : i32 to index
      %swap3A_675 = arith.constant 0 : index
      %swap3A_676 = tpu.vector_load %arg10[%swap3A, %swap3A_675] {strides = array<i32>} : memref<32x512xf32, #tpu.memory_space<vmem>>, vector<16xf32>,
      tpu.vector_store %arg10[%swap3A, %swap3A_675], %mul3A_674 {strides = array<i32>} : memref<32x512xf32, #tpu.memory_space<vmem>>, vector<16xf32>,
      %mul3A_677 = arith.mulf %add3A_135, %select_n3A_673 : vector<16xf32>
      %swap3A_678 = arith.index_cast %squeeze3A : i32 to index
      %swap3A_679 = arith.constant 16 : index
      %swap3A_680 = tpu.vector_load %arg10[%swap3A_678, %swap3A_679] {strides = array<i32>} : memref<32x512xf32, #tpu.memory_space<vmem>>, vector<16xf32>,
      tpu.vector_store %arg10[%swap3A_678, %swap3A_679], %mul3A_677 {strides = array<i32>} : memref<32x512xf32, #tpu.memory_space<vmem>>, vector<16xf32>,
      %mul3A_681 = arith.mulf %add3A_151, %select_n3A_673 : vector<16xf32>
      %swap3A_682 = arith.index_cast %squeeze3A : i32 to index
      %swap3A_683 = arith.constant 32 : index
      %swap3A_684 = tpu.vector_load %arg10[%swap3A_682, %swap3A_683] {strides = array<i32>} : memref<32x512xf32, #tpu.memory_space<vmem>>, vector<16xf32>,
      tpu.vector_store %arg10[%swap3A_682, %swap3A_683], %mul3A_681 {strides = array<i32>} : memref<32x512xf32, #tpu.memory_space<vmem>>, vector<16xf32>,
      %mul3A_685 = arith.mulf %add3A_167, %select_n3A_673 : vector<16xf32>
      %swap3A_686 = arith.index_cast %squeeze3A : i32 to index
      %swap3A_687 = arith.constant 48 : index
      %swap3A_688 = tpu.vector_load %arg10[%swap3A_686, %swap3A_687] {strides = array<i32>} : memref<32x512xf32, #tpu.memory_space<vmem>>, vector<16xf32>,
      tpu.vector_store %arg10[%swap3A_686, %swap3A_687], %mul3A_685 {strides = array<i32>} : memref<32x512xf32, #tpu.memory_space<vmem>>, vector<16xf32>,
      %mul3A_689 = arith.mulf %add3A_183, %select_n3A_673 : vector<16xf32>
      %swap3A_690 = arith.index_cast %squeeze3A : i32 to index
      %swap3A_691 = arith.constant 64 : index
      %swap3A_692 = tpu.vector_load %arg10[%swap3A_690, %swap3A_691] {strides = array<i32>} : memref<32x512xf32, #tpu.memory_space<vmem>>, vector<16xf32>,
      tpu.vector_store %arg10[%swap3A_690, %swap3A_691], %mul3A_689 {strides = array<i32>} : memref<32x512xf32, #tpu.memory_space<vmem>>, vector<16xf32>,
      %mul3A_693 = arith.mulf %add3A_199, %select_n3A_673 : vector<16xf32>
      %swap3A_694 = arith.index_cast %squeeze3A : i32 to index
      %swap3A_695 = arith.constant 80 : index
      %swap3A_696 = tpu.vector_load %arg10[%swap3A_694, %swap3A_695] {strides = array<i32>} : memref<32x512xf32, #tpu.memory_space<vmem>>, vector<16xf32>,
      tpu.vector_store %arg10[%swap3A_694, %swap3A_695], %mul3A_693 {strides = array<i32>} : memref<32x512xf32, #tpu.memory_space<vmem>>, vector<16xf32>,
      %mul3A_697 = arith.mulf %add3A_215, %select_n3A_673 : vector<16xf32>
      %swap3A_698 = arith.index_cast %squeeze3A : i32 to index
      %swap3A_699 = arith.constant 96 : index
      %swap3A_700 = tpu.vector_load %arg10[%swap3A_698, %swap3A_699] {strides = array<i32>} : memref<32x512xf32, #tpu.memory_space<vmem>>, vector<16xf32>,
      tpu.vector_store %arg10[%swap3A_698, %swap3A_699], %mul3A_697 {strides = array<i32>} : memref<32x512xf32, #tpu.memory_space<vmem>>, vector<16xf32>,
      %mul3A_701 = arith.mulf %add3A_231, %select_n3A_673 : vector<16xf32>
      %swap3A_702 = arith.index_cast %squeeze3A : i32 to index
      %swap3A_703 = arith.constant 112 : index
      %swap3A_704 = tpu.vector_load %arg10[%swap3A_702, %swap3A_703] {strides = array<i32>} : memref<32x512xf32, #tpu.memory_space<vmem>>, vector<16xf32>,
      tpu.vector_store %arg10[%swap3A_702, %swap3A_703], %mul3A_701 {strides = array<i32>} : memref<32x512xf32, #tpu.memory_space<vmem>>, vector<16xf32>,
      %mul3A_705 = arith.mulf %add3A_247, %select_n3A_673 : vector<16xf32>
      %swap3A_706 = arith.index_cast %squeeze3A : i32 to index
      %swap3A_707 = arith.constant 128 : index
      %swap3A_708 = tpu.vector_load %arg10[%swap3A_706, %swap3A_707] {strides = array<i32>} : memref<32x512xf32, #tpu.memory_space<vmem>>, vector<16xf32>,
      tpu.vector_store %arg10[%swap3A_706, %swap3A_707], %mul3A_705 {strides = array<i32>} : memref<32x512xf32, #tpu.memory_space<vmem>>, vector<16xf32>,
      %mul3A_709 = arith.mulf %add3A_263, %select_n3A_673 : vector<16xf32>
      %swap3A_710 = arith.index_cast %squeeze3A : i32 to index
      %swap3A_711 = arith.constant 144 : index
      %swap3A_712 = tpu.vector_load %arg10[%swap3A_710, %swap3A_711] {strides = array<i32>} : memref<32x512xf32, #tpu.memory_space<vmem>>, vector<16xf32>,
      tpu.vector_store %arg10[%swap3A_710, %swap3A_711], %mul3A_709 {strides = array<i32>} : memref<32x512xf32, #tpu.memory_space<vmem>>, vector<16xf32>,
      %mul3A_713 = arith.mulf %add3A_279, %select_n3A_673 : vector<16xf32>
      %swap3A_714 = arith.index_cast %squeeze3A : i32 to index
      %swap3A_715 = arith.constant 160 : index
      %swap3A_716 = tpu.vector_load %arg10[%swap3A_714, %swap3A_715] {strides = array<i32>} : memref<32x512xf32, #tpu.memory_space<vmem>>, vector<16xf32>,
      tpu.vector_store %arg10[%swap3A_714, %swap3A_715], %mul3A_713 {strides = array<i32>} : memref<32x512xf32, #tpu.memory_space<vmem>>, vector<16xf32>,
      %mul3A_717 = arith.mulf %add3A_295, %select_n3A_673 : vector<16xf32>
      %swap3A_718 = arith.index_cast %squeeze3A : i32 to index
      %swap3A_719 = arith.constant 176 : index
      %swap3A_720 = tpu.vector_load %arg10[%swap3A_718, %swap3A_719] {strides = array<i32>} : memref<32x512xf32, #tpu.memory_space<vmem>>, vector<16xf32>,
      tpu.vector_store %arg10[%swap3A_718, %swap3A_719], %mul3A_717 {strides = array<i32>} : memref<32x512xf32, #tpu.memory_space<vmem>>, vector<16xf32>,
      %mul3A_721 = arith.mulf %add3A_311, %select_n3A_673 : vector<16xf32>
      %swap3A_722 = arith.index_cast %squeeze3A : i32 to index
      %swap3A_723 = arith.constant 192 : index
      %swap3A_724 = tpu.vector_load %arg10[%swap3A_722, %swap3A_723] {strides = array<i32>} : memref<32x512xf32, #tpu.memory_space<vmem>>, vector<16xf32>,
      tpu.vector_store %arg10[%swap3A_722, %swap3A_723], %mul3A_721 {strides = array<i32>} : memref<32x512xf32, #tpu.memory_space<vmem>>, vector<16xf32>,
      %mul3A_725 = arith.mulf %add3A_327, %select_n3A_673 : vector<16xf32>
      %swap3A_726 = arith.index_cast %squeeze3A : i32 to index
      %swap3A_727 = arith.constant 208 : index
      %swap3A_728 = tpu.vector_load %arg10[%swap3A_726, %swap3A_727] {strides = array<i32>} : memref<32x512xf32, #tpu.memory_space<vmem>>, vector<16xf32>,
      tpu.vector_store %arg10[%swap3A_726, %swap3A_727], %mul3A_725 {strides = array<i32>} : memref<32x512xf32, #tpu.memory_space<vmem>>, vector<16xf32>,
      %mul3A_729 = arith.mulf %add3A_343, %select_n3A_673 : vector<16xf32>
      %swap3A_730 = arith.index_cast %squeeze3A : i32 to index
      %swap3A_731 = arith.constant 224 : index
      %swap3A_732 = tpu.vector_load %arg10[%swap3A_730, %swap3A_731] {strides = array<i32>} : memref<32x512xf32, #tpu.memory_space<vmem>>, vector<16xf32>,
      tpu.vector_store %arg10[%swap3A_730, %swap3A_731], %mul3A_729 {strides = array<i32>} : memref<32x512xf32, #tpu.memory_space<vmem>>, vector<16xf32>,
      %mul3A_733 = arith.mulf %add3A_359, %select_n3A_673 : vector<16xf32>
      %swap3A_734 = arith.index_cast %squeeze3A : i32 to index
      %swap3A_735 = arith.constant 240 : index
      %swap3A_736 = tpu.vector_load %arg10[%swap3A_734, %swap3A_735] {strides = array<i32>} : memref<32x512xf32, #tpu.memory_space<vmem>>, vector<16xf32>,
      tpu.vector_store %arg10[%swap3A_734, %swap3A_735], %mul3A_733 {strides = array<i32>} : memref<32x512xf32, #tpu.memory_space<vmem>>, vector<16xf32>,
      %mul3A_737 = arith.mulf %add3A_375, %select_n3A_673 : vector<16xf32>
      %swap3A_738 = arith.index_cast %squeeze3A : i32 to index
      %swap3A_739 = arith.constant 256 : index
      %swap3A_740 = tpu.vector_load %arg10[%swap3A_738, %swap3A_739] {strides = array<i32>} : memref<32x512xf32, #tpu.memory_space<vmem>>, vector<16xf32>,
      tpu.vector_store %arg10[%swap3A_738, %swap3A_739], %mul3A_737 {strides = array<i32>} : memref<32x512xf32, #tpu.memory_space<vmem>>, vector<16xf32>,
      %mul3A_741 = arith.mulf %add3A_391, %select_n3A_673 : vector<16xf32>
      %swap3A_742 = arith.index_cast %squeeze3A : i32 to index
      %swap3A_743 = arith.constant 272 : index
      %swap3A_744 = tpu.vector_load %arg10[%swap3A_742, %swap3A_743] {strides = array<i32>} : memref<32x512xf32, #tpu.memory_space<vmem>>, vector<16xf32>,
      tpu.vector_store %arg10[%swap3A_742, %swap3A_743], %mul3A_741 {strides = array<i32>} : memref<32x512xf32, #tpu.memory_space<vmem>>, vector<16xf32>,
      %mul3A_745 = arith.mulf %add3A_407, %select_n3A_673 : vector<16xf32>
      %swap3A_746 = arith.index_cast %squeeze3A : i32 to index
      %swap3A_747 = arith.constant 288 : index
      %swap3A_748 = tpu.vector_load %arg10[%swap3A_746, %swap3A_747] {strides = array<i32>} : memref<32x512xf32, #tpu.memory_space<vmem>>, vector<16xf32>,
      tpu.vector_store %arg10[%swap3A_746, %swap3A_747], %mul3A_745 {strides = array<i32>} : memref<32x512xf32, #tpu.memory_space<vmem>>, vector<16xf32>,
      %mul3A_749 = arith.mulf %add3A_423, %select_n3A_673 : vector<16xf32>
      %swap3A_750 = arith.index_cast %squeeze3A : i32 to index
      %swap3A_751 = arith.constant 304 : index
      %swap3A_752 = tpu.vector_load %arg10[%swap3A_750, %swap3A_751] {strides = array<i32>} : memref<32x512xf32, #tpu.memory_space<vmem>>, vector<16xf32>,
      tpu.vector_store %arg10[%swap3A_750, %swap3A_751], %mul3A_749 {strides = array<i32>} : memref<32x512xf32, #tpu.memory_space<vmem>>, vector<16xf32>,
      %mul3A_753 = arith.mulf %add3A_439, %select_n3A_673 : vector<16xf32>
      %swap3A_754 = arith.index_cast %squeeze3A : i32 to index
      %swap3A_755 = arith.constant 320 : index
      %swap3A_756 = tpu.vector_load %arg10[%swap3A_754, %swap3A_755] {strides = array<i32>} : memref<32x512xf32, #tpu.memory_space<vmem>>, vector<16xf32>,
      tpu.vector_store %arg10[%swap3A_754, %swap3A_755], %mul3A_753 {strides = array<i32>} : memref<32x512xf32, #tpu.memory_space<vmem>>, vector<16xf32>,
      %mul3A_757 = arith.mulf %add3A_455, %select_n3A_673 : vector<16xf32>
      %swap3A_758 = arith.index_cast %squeeze3A : i32 to index
      %swap3A_759 = arith.constant 336 : index
      %swap3A_760 = tpu.vector_load %arg10[%swap3A_758, %swap3A_759] {strides = array<i32>} : memref<32x512xf32, #tpu.memory_space<vmem>>, vector<16xf32>,
      tpu.vector_store %arg10[%swap3A_758, %swap3A_759], %mul3A_757 {strides = array<i32>} : memref<32x512xf32, #tpu.memory_space<vmem>>, vector<16xf32>,
      %mul3A_761 = arith.mulf %add3A_471, %select_n3A_673 : vector<16xf32>
      %swap3A_762 = arith.index_cast %squeeze3A : i32 to index
      %swap3A_763 = arith.constant 352 : index
      %swap3A_764 = tpu.vector_load %arg10[%swap3A_762, %swap3A_763] {strides = array<i32>} : memref<32x512xf32, #tpu.memory_space<vmem>>, vector<16xf32>,
      tpu.vector_store %arg10[%swap3A_762, %swap3A_763], %mul3A_761 {strides = array<i32>} : memref<32x512xf32, #tpu.memory_space<vmem>>, vector<16xf32>,
      %mul3A_765 = arith.mulf %add3A_487, %select_n3A_673 : vector<16xf32>
      %swap3A_766 = arith.index_cast %squeeze3A : i32 to index
      %swap3A_767 = arith.constant 368 : index
      %swap3A_768 = tpu.vector_load %arg10[%swap3A_766, %swap3A_767] {strides = array<i32>} : memref<32x512xf32, #tpu.memory_space<vmem>>, vector<16xf32>,
      tpu.vector_store %arg10[%swap3A_766, %swap3A_767], %mul3A_765 {strides = array<i32>} : memref<32x512xf32, #tpu.memory_space<vmem>>, vector<16xf32>,
      %mul3A_769 = arith.mulf %add3A_503, %select_n3A_673 : vector<16xf32>
      %swap3A_770 = arith.index_cast %squeeze3A : i32 to index
      %swap3A_771 = arith.constant 384 : index
      %swap3A_772 = tpu.vector_load %arg10[%swap3A_770, %swap3A_771] {strides = array<i32>} : memref<32x512xf32, #tpu.memory_space<vmem>>, vector<16xf32>,
      tpu.vector_store %arg10[%swap3A_770, %swap3A_771], %mul3A_769 {strides = array<i32>} : memref<32x512xf32, #tpu.memory_space<vmem>>, vector<16xf32>,
      %mul3A_773 = arith.mulf %add3A_519, %select_n3A_673 : vector<16xf32>
      %swap3A_774 = arith.index_cast %squeeze3A : i32 to index
      %swap3A_775 = arith.constant 400 : index
      %swap3A_776 = tpu.vector_load %arg10[%swap3A_774, %swap3A_775] {strides = array<i32>} : memref<32x512xf32, #tpu.memory_space<vmem>>, vector<16xf32>,
      tpu.vector_store %arg10[%swap3A_774, %swap3A_775], %mul3A_773 {strides = array<i32>} : memref<32x512xf32, #tpu.memory_space<vmem>>, vector<16xf32>,
      %mul3A_777 = arith.mulf %add3A_535, %select_n3A_673 : vector<16xf32>
      %swap3A_778 = arith.index_cast %squeeze3A : i32 to index
      %swap3A_779 = arith.constant 416 : index
      %swap3A_780 = tpu.vector_load %arg10[%swap3A_778, %swap3A_779] {strides = array<i32>} : memref<32x512xf32, #tpu.memory_space<vmem>>, vector<16xf32>,
      tpu.vector_store %arg10[%swap3A_778, %swap3A_779], %mul3A_777 {strides = array<i32>} : memref<32x512xf32, #tpu.memory_space<vmem>>, vector<16xf32>,
      %mul3A_781 = arith.mulf %add3A_551, %select_n3A_673 : vector<16xf32>
      %swap3A_782 = arith.index_cast %squeeze3A : i32 to index
      %swap3A_783 = arith.constant 432 : index
      %swap3A_784 = tpu.vector_load %arg10[%swap3A_782, %swap3A_783] {strides = array<i32>} : memref<32x512xf32, #tpu.memory_space<vmem>>, vector<16xf32>,
      tpu.vector_store %arg10[%swap3A_782, %swap3A_783], %mul3A_781 {strides = array<i32>} : memref<32x512xf32, #tpu.memory_space<vmem>>, vector<16xf32>,
      %mul3A_785 = arith.mulf %add3A_567, %select_n3A_673 : vector<16xf32>
      %swap3A_786 = arith.index_cast %squeeze3A : i32 to index
      %swap3A_787 = arith.constant 448 : index
      %swap3A_788 = tpu.vector_load %arg10[%swap3A_786, %swap3A_787] {strides = array<i32>} : memref<32x512xf32, #tpu.memory_space<vmem>>, vector<16xf32>,
      tpu.vector_store %arg10[%swap3A_786, %swap3A_787], %mul3A_785 {strides = array<i32>} : memref<32x512xf32, #tpu.memory_space<vmem>>, vector<16xf32>,
      %mul3A_789 = arith.mulf %add3A_583, %select_n3A_673 : vector<16xf32>
      %swap3A_790 = arith.index_cast %squeeze3A : i32 to index
      %swap3A_791 = arith.constant 464 : index
      %swap3A_792 = tpu.vector_load %arg10[%swap3A_790, %swap3A_791] {strides = array<i32>} : memref<32x512xf32, #tpu.memory_space<vmem>>, vector<16xf32>,
      tpu.vector_store %arg10[%swap3A_790, %swap3A_791], %mul3A_789 {strides = array<i32>} : memref<32x512xf32, #tpu.memory_space<vmem>>, vector<16xf32>,
      %mul3A_793 = arith.mulf %add3A_599, %select_n3A_673 : vector<16xf32>
      %swap3A_794 = arith.index_cast %squeeze3A : i32 to index
      %swap3A_795 = arith.constant 480 : index
      %swap3A_796 = tpu.vector_load %arg10[%swap3A_794, %swap3A_795] {strides = array<i32>} : memref<32x512xf32, #tpu.memory_space<vmem>>, vector<16xf32>,
      tpu.vector_store %arg10[%swap3A_794, %swap3A_795], %mul3A_793 {strides = array<i32>} : memref<32x512xf32, #tpu.memory_space<vmem>>, vector<16xf32>,
      %mul3A_797 = arith.mulf %add3A_615, %select_n3A_673 : vector<16xf32>
      %swap3A_798 = arith.index_cast %squeeze3A : i32 to index
      %swap3A_799 = arith.constant 496 : index
      %swap3A_800 = tpu.vector_load %arg10[%swap3A_798, %swap3A_799] {strides = array<i32>} : memref<32x512xf32, #tpu.memory_space<vmem>>, vector<16xf32>,
      tpu.vector_store %arg10[%swap3A_798, %swap3A_799], %mul3A_797 {strides = array<i32>} : memref<32x512xf32, #tpu.memory_space<vmem>>, vector<16xf32>,
      %add3A_801 = arith.constant 2 : i32
      %add3A_802 = arith.addi %mul3A_83, %add3A_801 : i32
      %lt3A_803 = arith.cmpi slt, %add3A_802, %scan3A_20 : i32
      %convert_element_type3A_804 = arith.extui %lt3A_803 : i1 to i32
      %cond3A_805 = arith.constant 0 : i32
      %cond3A_806 = arith.cmpi ne, %convert_element_type3A_804, %cond3A_805 : i32
      scf.if %cond3A_806 {
        %add3A_813 = arith.constant 2 : i32
        %add3A_814 = arith.addi %mul3A_83, %add3A_813 : i32
        %get3A_815 = arith.index_cast %add3A_814 : i32 to index
        %get3A_816 = tpu.vector_load %arg7[%get3A_815] {strides = array<i32>} : memref<1040xi32, #tpu.memory_space<vmem>>, vector<16xi32>,
        %slice3A_817 = vector.extract_strided_slice %get3A_816 {offsets = [0], sizes = [1], strides = [1]} : vector<16xi32> to vector<1xi32>
        %squeeze3A_818 = vector.extract %slice3A_817[0] : i32 from vector<1xi32>
        %dma_start3A_819 = arith.constant 0 : i32
        %dma_start3A_820 = arith.constant 0 : i32
        %dma_start3A_821 = tpu.memref_slice %arg9[%dma_start3A_819, %dma_start3A_820] : memref<2x512xf32, #tpu.memory_space<vmem>> -> memref<1x512xf32, #tpu.memory_space<vmem>>
        %dma_start3A_822 = tpu.memref_squeeze %dma_start3A_821 : memref<1x512xf32, #tpu.memory_space<vmem>> -> memref<512xf32, #tpu.memory_space<vmem>>
        %dma_start3A_823 = arith.constant 0 : i32
        %dma_start3A_824 = tpu.memref_slice %arg11[%squeeze3A_818, %dma_start3A_823] : memref<1024x512xf32, #tpu.memory_space<vmem_shared>> -> memref<1x512xf32, #tpu.memory_space<vmem_shared>>
        %dma_start3A_825 = tpu.memref_squeeze %dma_start3A_824 : memref<1x512xf32, #tpu.memory_space<vmem_shared>> -> memref<512xf32, #tpu.memory_space<vmem_shared>>
        %dma_start3A_826 = arith.constant 0 : i32
        %dma_start3A_827 = tpu.memref_slice %arg9[%dma_start3A_819, %dma_start3A_826] : memref<2x512xf32, #tpu.memory_space<vmem>> -> memref<1x512xf32, #tpu.memory_space<vmem>>
        %dma_start3A_828 = tpu.memref_squeeze %dma_start3A_827 : memref<1x512xf32, #tpu.memory_space<vmem>> -> memref<512xf32, #tpu.memory_space<vmem>>
        %dma_start3A_829 = arith.constant 0 : i32
        %dma_start3A_830 = tpu.memref_slice %arg11[%squeeze3A_818, %dma_start3A_829] : memref<1024x512xf32, #tpu.memory_space<vmem_shared>> -> memref<1x512xf32, #tpu.memory_space<vmem_shared>>
        %dma_start3A_831 = tpu.memref_squeeze %dma_start3A_830 : memref<1x512xf32, #tpu.memory_space<vmem_shared>> -> memref<512xf32, #tpu.memory_space<vmem_shared>>
        tpu.enqueue_dma source(%dma_start3A_831 : memref<512xf32, #tpu.memory_space<vmem_shared>>) target(%dma_start3A_828 : memref<512xf32, #tpu.memory_space<vmem>>) target_semaphore(%arg13 : memref<!tpu.dma_semaphore, #tpu.memory_space<semaphore_mem>>)
      } else {
      }
      %add3A_807 = arith.constant 1 : i32
      %add3A_808 = arith.addi %mul3A_83, %add3A_807 : i32
      %lt3A_809 = arith.cmpi slt, %add3A_808, %scan3A_20 : i32
      %convert_element_type3A_810 = arith.extui %lt3A_809 : i1 to i32
      %cond3A_811 = arith.constant 0 : i32
      %cond3A_812 = arith.cmpi ne, %convert_element_type3A_810, %cond3A_811 : i32
      scf.if %cond3A_812 {
        %add3A_813 = arith.constant 1 : i32
        %add3A_814 = arith.addi %mul3A_83, %add3A_813 : i32
        %dma_wait3A_815 = arith.constant 0 : i32
        %dma_wait3A_816 = arith.constant 1 : i32
        %dma_wait3A_817 = arith.constant 0 : i32
        %dma_wait3A_818 = tpu.memref_slice %arg9[%dma_wait3A_816, %dma_wait3A_817] : memref<2x512xf32, #tpu.memory_space<vmem>> -> memref<1x512xf32, #tpu.memory_space<vmem>>
        %dma_wait3A_819 = tpu.memref_squeeze %dma_wait3A_818 : memref<1x512xf32, #tpu.memory_space<vmem>> -> memref<512xf32, #tpu.memory_space<vmem>>
        %dma_wait3A_820 = arith.constant 0 : i32
        %dma_wait3A_821 = tpu.memref_slice %arg2[%dma_wait3A_815, %dma_wait3A_820] : memref<1024x512xf32, #tpu.memory_space<hbm>> -> memref<1x512xf32, #tpu.memory_space<hbm>>
        %dma_wait3A_822 = tpu.memref_squeeze %dma_wait3A_821 : memref<1x512xf32, #tpu.memory_space<hbm>> -> memref<512xf32, #tpu.memory_space<hbm>>
        %dma_wait3A_823 = arith.constant 0 : i32
        %dma_wait3A_824 = tpu.memref_slice %arg9[%dma_wait3A_816, %dma_wait3A_823] : memref<2x512xf32, #tpu.memory_space<vmem>> -> memref<1x512xf32, #tpu.memory_space<vmem>>
        %dma_wait3A_825 = tpu.memref_squeeze %dma_wait3A_824 : memref<1x512xf32, #tpu.memory_space<vmem>> -> memref<512xf32, #tpu.memory_space<vmem>>
        %dma_wait3A_826 = arith.constant 0 : i32
        %dma_wait3A_827 = tpu.memref_slice %arg2[%dma_wait3A_815, %dma_wait3A_826] : memref<1024x512xf32, #tpu.memory_space<hbm>> -> memref<1x512xf32, #tpu.memory_space<hbm>>
        %dma_wait3A_828 = tpu.memref_squeeze %dma_wait3A_827 : memref<1x512xf32, #tpu.memory_space<hbm>> -> memref<512xf32, #tpu.memory_space<hbm>>
        tpu.wait_dma2 semaphore(%arg14 : memref<!tpu.dma_semaphore, #tpu.memory_space<semaphore_mem>>) src(%dma_wait3A_828 : memref<512xf32, #tpu.memory_space<hbm>>) dst(%dma_wait3A_825 : memref<512xf32, #tpu.memory_space<vmem>>)
        %get3A_829 = arith.index_cast %add3A_814 : i32 to index
        %get3A_830 = tpu.vector_load %arg8[%get3A_829] {strides = array<i32>} : memref<1040xi32, #tpu.memory_space<vmem>>, vector<16xi32>,
        %slice3A_831 = vector.extract_strided_slice %get3A_830 {offsets = [0], sizes = [1], strides = [1]} : vector<16xi32> to vector<1xi32>
        %squeeze3A_832 = vector.extract %slice3A_831[0] : i32 from vector<1xi32>
        %broadcast_in_dim3A_833 = arith.constant 0.000000e+00 : f32
        %broadcast_in_dim3A_834 = vector.broadcast %broadcast_in_dim3A_833 : f32 to vector<16xf32>
        %broadcast_in_dim3A_835 = arith.constant 0.000000e+00 : f32
        %broadcast_in_dim3A_836 = vector.broadcast %broadcast_in_dim3A_835 : f32 to vector<16xf32>
        %broadcast_in_dim3A_837 = arith.constant 0.000000e+00 : f32
        %broadcast_in_dim3A_838 = vector.broadcast %broadcast_in_dim3A_837 : f32 to vector<16xf32>
        %broadcast_in_dim3A_839 = arith.constant 0.000000e+00 : f32
        %broadcast_in_dim3A_840 = vector.broadcast %broadcast_in_dim3A_839 : f32 to vector<16xf32>
        %get3A_841 = arith.index_cast %squeeze3A_832 : i32 to index
        %get3A_842 = arith.constant 0 : index
        %get3A_843 = tpu.vector_load %arg10[%get3A_841, %get3A_842] {strides = array<i32>} : memref<32x512xf32, #tpu.memory_space<vmem>>, vector<16xf32>,
        %get3A_844 = arith.constant 1 : i32
        %get3A_845 = arith.index_cast %get3A_844 : i32 to index
        %get3A_846 = arith.constant 0 : index
        %get3A_847 = tpu.vector_load %arg9[%get3A_845, %get3A_846] {strides = array<i32>} : memref<2x512xf32, #tpu.memory_space<vmem>>, vector<16xf32>,
        %mul3A_848 = arith.constant 0.949999988 : f32
        %mul3A_849 = vector.broadcast %mul3A_848 : f32 to vector<16xf32>
        %mul3A_850 = arith.mulf %get3A_843, %mul3A_849 : vector<16xf32>
        %mul3A_851 = arith.constant 5.000000e-02 : f32
        %mul3A_852 = vector.broadcast %mul3A_851 : f32 to vector<16xf32>
        %mul3A_853 = arith.mulf %get3A_847, %mul3A_852 : vector<16xf32>
        %add3A_854 = arith.addf %mul3A_850, %mul3A_853 : vector<16xf32>
        %mul3A_855 = arith.mulf %add3A_854, %add3A_854 : vector<16xf32>
        %add3A_856 = arith.addf %broadcast_in_dim3A_834, %mul3A_855 : vector<16xf32>
        %get3A_857 = arith.index_cast %squeeze3A_832 : i32 to index
        %get3A_858 = arith.constant 16 : index
        %get3A_859 = tpu.vector_load %arg10[%get3A_857, %get3A_858] {strides = array<i32>} : memref<32x512xf32, #tpu.memory_space<vmem>>, vector<16xf32>,
        %get3A_860 = arith.constant 1 : i32
        %get3A_861 = arith.index_cast %get3A_860 : i32 to index
        %get3A_862 = arith.constant 16 : index
        %get3A_863 = tpu.vector_load %arg9[%get3A_861, %get3A_862] {strides = array<i32>} : memref<2x512xf32, #tpu.memory_space<vmem>>, vector<16xf32>,
        %mul3A_864 = arith.constant 0.949999988 : f32
        %mul3A_865 = vector.broadcast %mul3A_864 : f32 to vector<16xf32>
        %mul3A_866 = arith.mulf %get3A_859, %mul3A_865 : vector<16xf32>
        %mul3A_867 = arith.constant 5.000000e-02 : f32
        %mul3A_868 = vector.broadcast %mul3A_867 : f32 to vector<16xf32>
        %mul3A_869 = arith.mulf %get3A_863, %mul3A_868 : vector<16xf32>
        %add3A_870 = arith.addf %mul3A_866, %mul3A_869 : vector<16xf32>
        %mul3A_871 = arith.mulf %add3A_870, %add3A_870 : vector<16xf32>
        %add3A_872 = arith.addf %broadcast_in_dim3A_836, %mul3A_871 : vector<16xf32>
        %get3A_873 = arith.index_cast %squeeze3A_832 : i32 to index
        %get3A_874 = arith.constant 32 : index
        %get3A_875 = tpu.vector_load %arg10[%get3A_873, %get3A_874] {strides = array<i32>} : memref<32x512xf32, #tpu.memory_space<vmem>>, vector<16xf32>,
        %get3A_876 = arith.constant 1 : i32
        %get3A_877 = arith.index_cast %get3A_876 : i32 to index
        %get3A_878 = arith.constant 32 : index
        %get3A_879 = tpu.vector_load %arg9[%get3A_877, %get3A_878] {strides = array<i32>} : memref<2x512xf32, #tpu.memory_space<vmem>>, vector<16xf32>,
        %mul3A_880 = arith.constant 0.949999988 : f32
        %mul3A_881 = vector.broadcast %mul3A_880 : f32 to vector<16xf32>
        %mul3A_882 = arith.mulf %get3A_875, %mul3A_881 : vector<16xf32>
        %mul3A_883 = arith.constant 5.000000e-02 : f32
        %mul3A_884 = vector.broadcast %mul3A_883 : f32 to vector<16xf32>
        %mul3A_885 = arith.mulf %get3A_879, %mul3A_884 : vector<16xf32>
        %add3A_886 = arith.addf %mul3A_882, %mul3A_885 : vector<16xf32>
        %mul3A_887 = arith.mulf %add3A_886, %add3A_886 : vector<16xf32>
        %add3A_888 = arith.addf %broadcast_in_dim3A_838, %mul3A_887 : vector<16xf32>
        %get3A_889 = arith.index_cast %squeeze3A_832 : i32 to index
        %get3A_890 = arith.constant 48 : index
        %get3A_891 = tpu.vector_load %arg10[%get3A_889, %get3A_890] {strides = array<i32>} : memref<32x512xf32, #tpu.memory_space<vmem>>, vector<16xf32>,
        %get3A_892 = arith.constant 1 : i32
        %get3A_893 = arith.index_cast %get3A_892 : i32 to index
        %get3A_894 = arith.constant 48 : index
        %get3A_895 = tpu.vector_load %arg9[%get3A_893, %get3A_894] {strides = array<i32>} : memref<2x512xf32, #tpu.memory_space<vmem>>, vector<16xf32>,
        %mul3A_896 = arith.constant 0.949999988 : f32
        %mul3A_897 = vector.broadcast %mul3A_896 : f32 to vector<16xf32>
        %mul3A_898 = arith.mulf %get3A_891, %mul3A_897 : vector<16xf32>
        %mul3A_899 = arith.constant 5.000000e-02 : f32
        %mul3A_900 = vector.broadcast %mul3A_899 : f32 to vector<16xf32>
        %mul3A_901 = arith.mulf %get3A_895, %mul3A_900 : vector<16xf32>
        %add3A_902 = arith.addf %mul3A_898, %mul3A_901 : vector<16xf32>
        %mul3A_903 = arith.mulf %add3A_902, %add3A_902 : vector<16xf32>
        %add3A_904 = arith.addf %broadcast_in_dim3A_840, %mul3A_903 : vector<16xf32>
        %get3A_905 = arith.index_cast %squeeze3A_832 : i32 to index
        %get3A_906 = arith.constant 64 : index
        %get3A_907 = tpu.vector_load %arg10[%get3A_905, %get3A_906] {strides = array<i32>} : memref<32x512xf32, #tpu.memory_space<vmem>>, vector<16xf32>,
        %get3A_908 = arith.constant 1 : i32
        %get3A_909 = arith.index_cast %get3A_908 : i32 to index
        %get3A_910 = arith.constant 64 : index
        %get3A_911 = tpu.vector_load %arg9[%get3A_909, %get3A_910] {strides = array<i32>} : memref<2x512xf32, #tpu.memory_space<vmem>>, vector<16xf32>,
        %mul3A_912 = arith.constant 0.949999988 : f32
        %mul3A_913 = vector.broadcast %mul3A_912 : f32 to vector<16xf32>
        %mul3A_914 = arith.mulf %get3A_907, %mul3A_913 : vector<16xf32>
        %mul3A_915 = arith.constant 5.000000e-02 : f32
        %mul3A_916 = vector.broadcast %mul3A_915 : f32 to vector<16xf32>
        %mul3A_917 = arith.mulf %get3A_911, %mul3A_916 : vector<16xf32>
        %add3A_918 = arith.addf %mul3A_914, %mul3A_917 : vector<16xf32>
        %mul3A_919 = arith.mulf %add3A_918, %add3A_918 : vector<16xf32>
        %add3A_920 = arith.addf %add3A_856, %mul3A_919 : vector<16xf32>
        %get3A_921 = arith.index_cast %squeeze3A_832 : i32 to index
        %get3A_922 = arith.constant 80 : index
        %get3A_923 = tpu.vector_load %arg10[%get3A_921, %get3A_922] {strides = array<i32>} : memref<32x512xf32, #tpu.memory_space<vmem>>, vector<16xf32>,
        %get3A_924 = arith.constant 1 : i32
        %get3A_925 = arith.index_cast %get3A_924 : i32 to index
        %get3A_926 = arith.constant 80 : index
        %get3A_927 = tpu.vector_load %arg9[%get3A_925, %get3A_926] {strides = array<i32>} : memref<2x512xf32, #tpu.memory_space<vmem>>, vector<16xf32>,
        %mul3A_928 = arith.constant 0.949999988 : f32
        %mul3A_929 = vector.broadcast %mul3A_928 : f32 to vector<16xf32>
        %mul3A_930 = arith.mulf %get3A_923, %mul3A_929 : vector<16xf32>
        %mul3A_931 = arith.constant 5.000000e-02 : f32
        %mul3A_932 = vector.broadcast %mul3A_931 : f32 to vector<16xf32>
        %mul3A_933 = arith.mulf %get3A_927, %mul3A_932 : vector<16xf32>
        %add3A_934 = arith.addf %mul3A_930, %mul3A_933 : vector<16xf32>
        %mul3A_935 = arith.mulf %add3A_934, %add3A_934 : vector<16xf32>
        %add3A_936 = arith.addf %add3A_872, %mul3A_935 : vector<16xf32>
        %get3A_937 = arith.index_cast %squeeze3A_832 : i32 to index
        %get3A_938 = arith.constant 96 : index
        %get3A_939 = tpu.vector_load %arg10[%get3A_937, %get3A_938] {strides = array<i32>} : memref<32x512xf32, #tpu.memory_space<vmem>>, vector<16xf32>,
        %get3A_940 = arith.constant 1 : i32
        %get3A_941 = arith.index_cast %get3A_940 : i32 to index
        %get3A_942 = arith.constant 96 : index
        %get3A_943 = tpu.vector_load %arg9[%get3A_941, %get3A_942] {strides = array<i32>} : memref<2x512xf32, #tpu.memory_space<vmem>>, vector<16xf32>,
        %mul3A_944 = arith.constant 0.949999988 : f32
        %mul3A_945 = vector.broadcast %mul3A_944 : f32 to vector<16xf32>
        %mul3A_946 = arith.mulf %get3A_939, %mul3A_945 : vector<16xf32>
        %mul3A_947 = arith.constant 5.000000e-02 : f32
        %mul3A_948 = vector.broadcast %mul3A_947 : f32 to vector<16xf32>
        %mul3A_949 = arith.mulf %get3A_943, %mul3A_948 : vector<16xf32>
        %add3A_950 = arith.addf %mul3A_946, %mul3A_949 : vector<16xf32>
        %mul3A_951 = arith.mulf %add3A_950, %add3A_950 : vector<16xf32>
        %add3A_952 = arith.addf %add3A_888, %mul3A_951 : vector<16xf32>
        %get3A_953 = arith.index_cast %squeeze3A_832 : i32 to index
        %get3A_954 = arith.constant 112 : index
        %get3A_955 = tpu.vector_load %arg10[%get3A_953, %get3A_954] {strides = array<i32>} : memref<32x512xf32, #tpu.memory_space<vmem>>, vector<16xf32>,
        %get3A_956 = arith.constant 1 : i32
        %get3A_957 = arith.index_cast %get3A_956 : i32 to index
        %get3A_958 = arith.constant 112 : index
        %get3A_959 = tpu.vector_load %arg9[%get3A_957, %get3A_958] {strides = array<i32>} : memref<2x512xf32, #tpu.memory_space<vmem>>, vector<16xf32>,
        %mul3A_960 = arith.constant 0.949999988 : f32
        %mul3A_961 = vector.broadcast %mul3A_960 : f32 to vector<16xf32>
        %mul3A_962 = arith.mulf %get3A_955, %mul3A_961 : vector<16xf32>
        %mul3A_963 = arith.constant 5.000000e-02 : f32
        %mul3A_964 = vector.broadcast %mul3A_963 : f32 to vector<16xf32>
        %mul3A_965 = arith.mulf %get3A_959, %mul3A_964 : vector<16xf32>
        %add3A_966 = arith.addf %mul3A_962, %mul3A_965 : vector<16xf32>
        %mul3A_967 = arith.mulf %add3A_966, %add3A_966 : vector<16xf32>
        %add3A_968 = arith.addf %add3A_904, %mul3A_967 : vector<16xf32>
        %get3A_969 = arith.index_cast %squeeze3A_832 : i32 to index
        %get3A_970 = arith.constant 128 : index
        %get3A_971 = tpu.vector_load %arg10[%get3A_969, %get3A_970] {strides = array<i32>} : memref<32x512xf32, #tpu.memory_space<vmem>>, vector<16xf32>,
        %get3A_972 = arith.constant 1 : i32
        %get3A_973 = arith.index_cast %get3A_972 : i32 to index
        %get3A_974 = arith.constant 128 : index
        %get3A_975 = tpu.vector_load %arg9[%get3A_973, %get3A_974] {strides = array<i32>} : memref<2x512xf32, #tpu.memory_space<vmem>>, vector<16xf32>,
        %mul3A_976 = arith.constant 0.949999988 : f32
        %mul3A_977 = vector.broadcast %mul3A_976 : f32 to vector<16xf32>
        %mul3A_978 = arith.mulf %get3A_971, %mul3A_977 : vector<16xf32>
        %mul3A_979 = arith.constant 5.000000e-02 : f32
        %mul3A_980 = vector.broadcast %mul3A_979 : f32 to vector<16xf32>
        %mul3A_981 = arith.mulf %get3A_975, %mul3A_980 : vector<16xf32>
        %add3A_982 = arith.addf %mul3A_978, %mul3A_981 : vector<16xf32>
        %mul3A_983 = arith.mulf %add3A_982, %add3A_982 : vector<16xf32>
        %add3A_984 = arith.addf %add3A_920, %mul3A_983 : vector<16xf32>
        %get3A_985 = arith.index_cast %squeeze3A_832 : i32 to index
        %get3A_986 = arith.constant 144 : index
        %get3A_987 = tpu.vector_load %arg10[%get3A_985, %get3A_986] {strides = array<i32>} : memref<32x512xf32, #tpu.memory_space<vmem>>, vector<16xf32>,
        %get3A_988 = arith.constant 1 : i32
        %get3A_989 = arith.index_cast %get3A_988 : i32 to index
        %get3A_990 = arith.constant 144 : index
        %get3A_991 = tpu.vector_load %arg9[%get3A_989, %get3A_990] {strides = array<i32>} : memref<2x512xf32, #tpu.memory_space<vmem>>, vector<16xf32>,
        %mul3A_992 = arith.constant 0.949999988 : f32
        %mul3A_993 = vector.broadcast %mul3A_992 : f32 to vector<16xf32>
        %mul3A_994 = arith.mulf %get3A_987, %mul3A_993 : vector<16xf32>
        %mul3A_995 = arith.constant 5.000000e-02 : f32
        %mul3A_996 = vector.broadcast %mul3A_995 : f32 to vector<16xf32>
        %mul3A_997 = arith.mulf %get3A_991, %mul3A_996 : vector<16xf32>
        %add3A_998 = arith.addf %mul3A_994, %mul3A_997 : vector<16xf32>
        %mul3A_999 = arith.mulf %add3A_998, %add3A_998 : vector<16xf32>
        %add3A_1000 = arith.addf %add3A_936, %mul3A_999 : vector<16xf32>
        %get3A_1001 = arith.index_cast %squeeze3A_832 : i32 to index
        %get3A_1002 = arith.constant 160 : index
        %get3A_1003 = tpu.vector_load %arg10[%get3A_1001, %get3A_1002] {strides = array<i32>} : memref<32x512xf32, #tpu.memory_space<vmem>>, vector<16xf32>,
        %get3A_1004 = arith.constant 1 : i32
        %get3A_1005 = arith.index_cast %get3A_1004 : i32 to index
        %get3A_1006 = arith.constant 160 : index
        %get3A_1007 = tpu.vector_load %arg9[%get3A_1005, %get3A_1006] {strides = array<i32>} : memref<2x512xf32, #tpu.memory_space<vmem>>, vector<16xf32>,
        %mul3A_1008 = arith.constant 0.949999988 : f32
        %mul3A_1009 = vector.broadcast %mul3A_1008 : f32 to vector<16xf32>
        %mul3A_1010 = arith.mulf %get3A_1003, %mul3A_1009 : vector<16xf32>
        %mul3A_1011 = arith.constant 5.000000e-02 : f32
        %mul3A_1012 = vector.broadcast %mul3A_1011 : f32 to vector<16xf32>
        %mul3A_1013 = arith.mulf %get3A_1007, %mul3A_1012 : vector<16xf32>
        %add3A_1014 = arith.addf %mul3A_1010, %mul3A_1013 : vector<16xf32>
        %mul3A_1015 = arith.mulf %add3A_1014, %add3A_1014 : vector<16xf32>
        %add3A_1016 = arith.addf %add3A_952, %mul3A_1015 : vector<16xf32>
        %get3A_1017 = arith.index_cast %squeeze3A_832 : i32 to index
        %get3A_1018 = arith.constant 176 : index
        %get3A_1019 = tpu.vector_load %arg10[%get3A_1017, %get3A_1018] {strides = array<i32>} : memref<32x512xf32, #tpu.memory_space<vmem>>, vector<16xf32>,
        %get3A_1020 = arith.constant 1 : i32
        %get3A_1021 = arith.index_cast %get3A_1020 : i32 to index
        %get3A_1022 = arith.constant 176 : index
        %get3A_1023 = tpu.vector_load %arg9[%get3A_1021, %get3A_1022] {strides = array<i32>} : memref<2x512xf32, #tpu.memory_space<vmem>>, vector<16xf32>,
        %mul3A_1024 = arith.constant 0.949999988 : f32
        %mul3A_1025 = vector.broadcast %mul3A_1024 : f32 to vector<16xf32>
        %mul3A_1026 = arith.mulf %get3A_1019, %mul3A_1025 : vector<16xf32>
        %mul3A_1027 = arith.constant 5.000000e-02 : f32
        %mul3A_1028 = vector.broadcast %mul3A_1027 : f32 to vector<16xf32>
        %mul3A_1029 = arith.mulf %get3A_1023, %mul3A_1028 : vector<16xf32>
        %add3A_1030 = arith.addf %mul3A_1026, %mul3A_1029 : vector<16xf32>
        %mul3A_1031 = arith.mulf %add3A_1030, %add3A_1030 : vector<16xf32>
        %add3A_1032 = arith.addf %add3A_968, %mul3A_1031 : vector<16xf32>
        %get3A_1033 = arith.index_cast %squeeze3A_832 : i32 to index
        %get3A_1034 = arith.constant 192 : index
        %get3A_1035 = tpu.vector_load %arg10[%get3A_1033, %get3A_1034] {strides = array<i32>} : memref<32x512xf32, #tpu.memory_space<vmem>>, vector<16xf32>,
        %get3A_1036 = arith.constant 1 : i32
        %get3A_1037 = arith.index_cast %get3A_1036 : i32 to index
        %get3A_1038 = arith.constant 192 : index
        %get3A_1039 = tpu.vector_load %arg9[%get3A_1037, %get3A_1038] {strides = array<i32>} : memref<2x512xf32, #tpu.memory_space<vmem>>, vector<16xf32>,
        %mul3A_1040 = arith.constant 0.949999988 : f32
        %mul3A_1041 = vector.broadcast %mul3A_1040 : f32 to vector<16xf32>
        %mul3A_1042 = arith.mulf %get3A_1035, %mul3A_1041 : vector<16xf32>
        %mul3A_1043 = arith.constant 5.000000e-02 : f32
        %mul3A_1044 = vector.broadcast %mul3A_1043 : f32 to vector<16xf32>
        %mul3A_1045 = arith.mulf %get3A_1039, %mul3A_1044 : vector<16xf32>
        %add3A_1046 = arith.addf %mul3A_1042, %mul3A_1045 : vector<16xf32>
        %mul3A_1047 = arith.mulf %add3A_1046, %add3A_1046 : vector<16xf32>
        %add3A_1048 = arith.addf %add3A_984, %mul3A_1047 : vector<16xf32>
        %get3A_1049 = arith.index_cast %squeeze3A_832 : i32 to index
        %get3A_1050 = arith.constant 208 : index
        %get3A_1051 = tpu.vector_load %arg10[%get3A_1049, %get3A_1050] {strides = array<i32>} : memref<32x512xf32, #tpu.memory_space<vmem>>, vector<16xf32>,
        %get3A_1052 = arith.constant 1 : i32
        %get3A_1053 = arith.index_cast %get3A_1052 : i32 to index
        %get3A_1054 = arith.constant 208 : index
        %get3A_1055 = tpu.vector_load %arg9[%get3A_1053, %get3A_1054] {strides = array<i32>} : memref<2x512xf32, #tpu.memory_space<vmem>>, vector<16xf32>,
        %mul3A_1056 = arith.constant 0.949999988 : f32
        %mul3A_1057 = vector.broadcast %mul3A_1056 : f32 to vector<16xf32>
        %mul3A_1058 = arith.mulf %get3A_1051, %mul3A_1057 : vector<16xf32>
        %mul3A_1059 = arith.constant 5.000000e-02 : f32
        %mul3A_1060 = vector.broadcast %mul3A_1059 : f32 to vector<16xf32>
        %mul3A_1061 = arith.mulf %get3A_1055, %mul3A_1060 : vector<16xf32>
        %add3A_1062 = arith.addf %mul3A_1058, %mul3A_1061 : vector<16xf32>
        %mul3A_1063 = arith.mulf %add3A_1062, %add3A_1062 : vector<16xf32>
        %add3A_1064 = arith.addf %add3A_1000, %mul3A_1063 : vector<16xf32>
        %get3A_1065 = arith.index_cast %squeeze3A_832 : i32 to index
        %get3A_1066 = arith.constant 224 : index
        %get3A_1067 = tpu.vector_load %arg10[%get3A_1065, %get3A_1066] {strides = array<i32>} : memref<32x512xf32, #tpu.memory_space<vmem>>, vector<16xf32>,
        %get3A_1068 = arith.constant 1 : i32
        %get3A_1069 = arith.index_cast %get3A_1068 : i32 to index
        %get3A_1070 = arith.constant 224 : index
        %get3A_1071 = tpu.vector_load %arg9[%get3A_1069, %get3A_1070] {strides = array<i32>} : memref<2x512xf32, #tpu.memory_space<vmem>>, vector<16xf32>,
        %mul3A_1072 = arith.constant 0.949999988 : f32
        %mul3A_1073 = vector.broadcast %mul3A_1072 : f32 to vector<16xf32>
        %mul3A_1074 = arith.mulf %get3A_1067, %mul3A_1073 : vector<16xf32>
        %mul3A_1075 = arith.constant 5.000000e-02 : f32
        %mul3A_1076 = vector.broadcast %mul3A_1075 : f32 to vector<16xf32>
        %mul3A_1077 = arith.mulf %get3A_1071, %mul3A_1076 : vector<16xf32>
        %add3A_1078 = arith.addf %mul3A_1074, %mul3A_1077 : vector<16xf32>
        %mul3A_1079 = arith.mulf %add3A_1078, %add3A_1078 : vector<16xf32>
        %add3A_1080 = arith.addf %add3A_1016, %mul3A_1079 : vector<16xf32>
        %get3A_1081 = arith.index_cast %squeeze3A_832 : i32 to index
        %get3A_1082 = arith.constant 240 : index
        %get3A_1083 = tpu.vector_load %arg10[%get3A_1081, %get3A_1082] {strides = array<i32>} : memref<32x512xf32, #tpu.memory_space<vmem>>, vector<16xf32>,
        %get3A_1084 = arith.constant 1 : i32
        %get3A_1085 = arith.index_cast %get3A_1084 : i32 to index
        %get3A_1086 = arith.constant 240 : index
        %get3A_1087 = tpu.vector_load %arg9[%get3A_1085, %get3A_1086] {strides = array<i32>} : memref<2x512xf32, #tpu.memory_space<vmem>>, vector<16xf32>,
        %mul3A_1088 = arith.constant 0.949999988 : f32
        %mul3A_1089 = vector.broadcast %mul3A_1088 : f32 to vector<16xf32>
        %mul3A_1090 = arith.mulf %get3A_1083, %mul3A_1089 : vector<16xf32>
        %mul3A_1091 = arith.constant 5.000000e-02 : f32
        %mul3A_1092 = vector.broadcast %mul3A_1091 : f32 to vector<16xf32>
        %mul3A_1093 = arith.mulf %get3A_1087, %mul3A_1092 : vector<16xf32>
        %add3A_1094 = arith.addf %mul3A_1090, %mul3A_1093 : vector<16xf32>
        %mul3A_1095 = arith.mulf %add3A_1094, %add3A_1094 : vector<16xf32>
        %add3A_1096 = arith.addf %add3A_1032, %mul3A_1095 : vector<16xf32>
        %get3A_1097 = arith.index_cast %squeeze3A_832 : i32 to index
        %get3A_1098 = arith.constant 256 : index
        %get3A_1099 = tpu.vector_load %arg10[%get3A_1097, %get3A_1098] {strides = array<i32>} : memref<32x512xf32, #tpu.memory_space<vmem>>, vector<16xf32>,
        %get3A_1100 = arith.constant 1 : i32
        %get3A_1101 = arith.index_cast %get3A_1100 : i32 to index
        %get3A_1102 = arith.constant 256 : index
        %get3A_1103 = tpu.vector_load %arg9[%get3A_1101, %get3A_1102] {strides = array<i32>} : memref<2x512xf32, #tpu.memory_space<vmem>>, vector<16xf32>,
        %mul3A_1104 = arith.constant 0.949999988 : f32
        %mul3A_1105 = vector.broadcast %mul3A_1104 : f32 to vector<16xf32>
        %mul3A_1106 = arith.mulf %get3A_1099, %mul3A_1105 : vector<16xf32>
        %mul3A_1107 = arith.constant 5.000000e-02 : f32
        %mul3A_1108 = vector.broadcast %mul3A_1107 : f32 to vector<16xf32>
        %mul3A_1109 = arith.mulf %get3A_1103, %mul3A_1108 : vector<16xf32>
        %add3A_1110 = arith.addf %mul3A_1106, %mul3A_1109 : vector<16xf32>
        %mul3A_1111 = arith.mulf %add3A_1110, %add3A_1110 : vector<16xf32>
        %add3A_1112 = arith.addf %add3A_1048, %mul3A_1111 : vector<16xf32>
        %get3A_1113 = arith.index_cast %squeeze3A_832 : i32 to index
        %get3A_1114 = arith.constant 272 : index
        %get3A_1115 = tpu.vector_load %arg10[%get3A_1113, %get3A_1114] {strides = array<i32>} : memref<32x512xf32, #tpu.memory_space<vmem>>, vector<16xf32>,
        %get3A_1116 = arith.constant 1 : i32
        %get3A_1117 = arith.index_cast %get3A_1116 : i32 to index
        %get3A_1118 = arith.constant 272 : index
        %get3A_1119 = tpu.vector_load %arg9[%get3A_1117, %get3A_1118] {strides = array<i32>} : memref<2x512xf32, #tpu.memory_space<vmem>>, vector<16xf32>,
        %mul3A_1120 = arith.constant 0.949999988 : f32
        %mul3A_1121 = vector.broadcast %mul3A_1120 : f32 to vector<16xf32>
        %mul3A_1122 = arith.mulf %get3A_1115, %mul3A_1121 : vector<16xf32>
        %mul3A_1123 = arith.constant 5.000000e-02 : f32
        %mul3A_1124 = vector.broadcast %mul3A_1123 : f32 to vector<16xf32>
        %mul3A_1125 = arith.mulf %get3A_1119, %mul3A_1124 : vector<16xf32>
        %add3A_1126 = arith.addf %mul3A_1122, %mul3A_1125 : vector<16xf32>
        %mul3A_1127 = arith.mulf %add3A_1126, %add3A_1126 : vector<16xf32>
        %add3A_1128 = arith.addf %add3A_1064, %mul3A_1127 : vector<16xf32>
        %get3A_1129 = arith.index_cast %squeeze3A_832 : i32 to index
        %get3A_1130 = arith.constant 288 : index
        %get3A_1131 = tpu.vector_load %arg10[%get3A_1129, %get3A_1130] {strides = array<i32>} : memref<32x512xf32, #tpu.memory_space<vmem>>, vector<16xf32>,
        %get3A_1132 = arith.constant 1 : i32
        %get3A_1133 = arith.index_cast %get3A_1132 : i32 to index
        %get3A_1134 = arith.constant 288 : index
        %get3A_1135 = tpu.vector_load %arg9[%get3A_1133, %get3A_1134] {strides = array<i32>} : memref<2x512xf32, #tpu.memory_space<vmem>>, vector<16xf32>,
        %mul3A_1136 = arith.constant 0.949999988 : f32
        %mul3A_1137 = vector.broadcast %mul3A_1136 : f32 to vector<16xf32>
        %mul3A_1138 = arith.mulf %get3A_1131, %mul3A_1137 : vector<16xf32>
        %mul3A_1139 = arith.constant 5.000000e-02 : f32
        %mul3A_1140 = vector.broadcast %mul3A_1139 : f32 to vector<16xf32>
        %mul3A_1141 = arith.mulf %get3A_1135, %mul3A_1140 : vector<16xf32>
        %add3A_1142 = arith.addf %mul3A_1138, %mul3A_1141 : vector<16xf32>
        %mul3A_1143 = arith.mulf %add3A_1142, %add3A_1142 : vector<16xf32>
        %add3A_1144 = arith.addf %add3A_1080, %mul3A_1143 : vector<16xf32>
        %get3A_1145 = arith.index_cast %squeeze3A_832 : i32 to index
        %get3A_1146 = arith.constant 304 : index
        %get3A_1147 = tpu.vector_load %arg10[%get3A_1145, %get3A_1146] {strides = array<i32>} : memref<32x512xf32, #tpu.memory_space<vmem>>, vector<16xf32>,
        %get3A_1148 = arith.constant 1 : i32
        %get3A_1149 = arith.index_cast %get3A_1148 : i32 to index
        %get3A_1150 = arith.constant 304 : index
        %get3A_1151 = tpu.vector_load %arg9[%get3A_1149, %get3A_1150] {strides = array<i32>} : memref<2x512xf32, #tpu.memory_space<vmem>>, vector<16xf32>,
        %mul3A_1152 = arith.constant 0.949999988 : f32
        %mul3A_1153 = vector.broadcast %mul3A_1152 : f32 to vector<16xf32>
        %mul3A_1154 = arith.mulf %get3A_1147, %mul3A_1153 : vector<16xf32>
        %mul3A_1155 = arith.constant 5.000000e-02 : f32
        %mul3A_1156 = vector.broadcast %mul3A_1155 : f32 to vector<16xf32>
        %mul3A_1157 = arith.mulf %get3A_1151, %mul3A_1156 : vector<16xf32>
        %add3A_1158 = arith.addf %mul3A_1154, %mul3A_1157 : vector<16xf32>
        %mul3A_1159 = arith.mulf %add3A_1158, %add3A_1158 : vector<16xf32>
        %add3A_1160 = arith.addf %add3A_1096, %mul3A_1159 : vector<16xf32>
        %get3A_1161 = arith.index_cast %squeeze3A_832 : i32 to index
        %get3A_1162 = arith.constant 320 : index
        %get3A_1163 = tpu.vector_load %arg10[%get3A_1161, %get3A_1162] {strides = array<i32>} : memref<32x512xf32, #tpu.memory_space<vmem>>, vector<16xf32>,
        %get3A_1164 = arith.constant 1 : i32
        %get3A_1165 = arith.index_cast %get3A_1164 : i32 to index
        %get3A_1166 = arith.constant 320 : index
        %get3A_1167 = tpu.vector_load %arg9[%get3A_1165, %get3A_1166] {strides = array<i32>} : memref<2x512xf32, #tpu.memory_space<vmem>>, vector<16xf32>,
        %mul3A_1168 = arith.constant 0.949999988 : f32
        %mul3A_1169 = vector.broadcast %mul3A_1168 : f32 to vector<16xf32>
        %mul3A_1170 = arith.mulf %get3A_1163, %mul3A_1169 : vector<16xf32>
        %mul3A_1171 = arith.constant 5.000000e-02 : f32
        %mul3A_1172 = vector.broadcast %mul3A_1171 : f32 to vector<16xf32>
        %mul3A_1173 = arith.mulf %get3A_1167, %mul3A_1172 : vector<16xf32>
        %add3A_1174 = arith.addf %mul3A_1170, %mul3A_1173 : vector<16xf32>
        %mul3A_1175 = arith.mulf %add3A_1174, %add3A_1174 : vector<16xf32>
        %add3A_1176 = arith.addf %add3A_1112, %mul3A_1175 : vector<16xf32>
        %get3A_1177 = arith.index_cast %squeeze3A_832 : i32 to index
        %get3A_1178 = arith.constant 336 : index
        %get3A_1179 = tpu.vector_load %arg10[%get3A_1177, %get3A_1178] {strides = array<i32>} : memref<32x512xf32, #tpu.memory_space<vmem>>, vector<16xf32>,
        %get3A_1180 = arith.constant 1 : i32
        %get3A_1181 = arith.index_cast %get3A_1180 : i32 to index
        %get3A_1182 = arith.constant 336 : index
        %get3A_1183 = tpu.vector_load %arg9[%get3A_1181, %get3A_1182] {strides = array<i32>} : memref<2x512xf32, #tpu.memory_space<vmem>>, vector<16xf32>,
        %mul3A_1184 = arith.constant 0.949999988 : f32
        %mul3A_1185 = vector.broadcast %mul3A_1184 : f32 to vector<16xf32>
        %mul3A_1186 = arith.mulf %get3A_1179, %mul3A_1185 : vector<16xf32>
        %mul3A_1187 = arith.constant 5.000000e-02 : f32
        %mul3A_1188 = vector.broadcast %mul3A_1187 : f32 to vector<16xf32>
        %mul3A_1189 = arith.mulf %get3A_1183, %mul3A_1188 : vector<16xf32>
        %add3A_1190 = arith.addf %mul3A_1186, %mul3A_1189 : vector<16xf32>
        %mul3A_1191 = arith.mulf %add3A_1190, %add3A_1190 : vector<16xf32>
        %add3A_1192 = arith.addf %add3A_1128, %mul3A_1191 : vector<16xf32>
        %get3A_1193 = arith.index_cast %squeeze3A_832 : i32 to index
        %get3A_1194 = arith.constant 352 : index
        %get3A_1195 = tpu.vector_load %arg10[%get3A_1193, %get3A_1194] {strides = array<i32>} : memref<32x512xf32, #tpu.memory_space<vmem>>, vector<16xf32>,
        %get3A_1196 = arith.constant 1 : i32
        %get3A_1197 = arith.index_cast %get3A_1196 : i32 to index
        %get3A_1198 = arith.constant 352 : index
        %get3A_1199 = tpu.vector_load %arg9[%get3A_1197, %get3A_1198] {strides = array<i32>} : memref<2x512xf32, #tpu.memory_space<vmem>>, vector<16xf32>,
        %mul3A_1200 = arith.constant 0.949999988 : f32
        %mul3A_1201 = vector.broadcast %mul3A_1200 : f32 to vector<16xf32>
        %mul3A_1202 = arith.mulf %get3A_1195, %mul3A_1201 : vector<16xf32>
        %mul3A_1203 = arith.constant 5.000000e-02 : f32
        %mul3A_1204 = vector.broadcast %mul3A_1203 : f32 to vector<16xf32>
        %mul3A_1205 = arith.mulf %get3A_1199, %mul3A_1204 : vector<16xf32>
        %add3A_1206 = arith.addf %mul3A_1202, %mul3A_1205 : vector<16xf32>
        %mul3A_1207 = arith.mulf %add3A_1206, %add3A_1206 : vector<16xf32>
        %add3A_1208 = arith.addf %add3A_1144, %mul3A_1207 : vector<16xf32>
        %get3A_1209 = arith.index_cast %squeeze3A_832 : i32 to index
        %get3A_1210 = arith.constant 368 : index
        %get3A_1211 = tpu.vector_load %arg10[%get3A_1209, %get3A_1210] {strides = array<i32>} : memref<32x512xf32, #tpu.memory_space<vmem>>, vector<16xf32>,
        %get3A_1212 = arith.constant 1 : i32
        %get3A_1213 = arith.index_cast %get3A_1212 : i32 to index
        %get3A_1214 = arith.constant 368 : index
        %get3A_1215 = tpu.vector_load %arg9[%get3A_1213, %get3A_1214] {strides = array<i32>} : memref<2x512xf32, #tpu.memory_space<vmem>>, vector<16xf32>,
        %mul3A_1216 = arith.constant 0.949999988 : f32
        %mul3A_1217 = vector.broadcast %mul3A_1216 : f32 to vector<16xf32>
        %mul3A_1218 = arith.mulf %get3A_1211, %mul3A_1217 : vector<16xf32>
        %mul3A_1219 = arith.constant 5.000000e-02 : f32
        %mul3A_1220 = vector.broadcast %mul3A_1219 : f32 to vector<16xf32>
        %mul3A_1221 = arith.mulf %get3A_1215, %mul3A_1220 : vector<16xf32>
        %add3A_1222 = arith.addf %mul3A_1218, %mul3A_1221 : vector<16xf32>
        %mul3A_1223 = arith.mulf %add3A_1222, %add3A_1222 : vector<16xf32>
        %add3A_1224 = arith.addf %add3A_1160, %mul3A_1223 : vector<16xf32>
        %get3A_1225 = arith.index_cast %squeeze3A_832 : i32 to index
        %get3A_1226 = arith.constant 384 : index
        %get3A_1227 = tpu.vector_load %arg10[%get3A_1225, %get3A_1226] {strides = array<i32>} : memref<32x512xf32, #tpu.memory_space<vmem>>, vector<16xf32>,
        %get3A_1228 = arith.constant 1 : i32
        %get3A_1229 = arith.index_cast %get3A_1228 : i32 to index
        %get3A_1230 = arith.constant 384 : index
        %get3A_1231 = tpu.vector_load %arg9[%get3A_1229, %get3A_1230] {strides = array<i32>} : memref<2x512xf32, #tpu.memory_space<vmem>>, vector<16xf32>,
        %mul3A_1232 = arith.constant 0.949999988 : f32
        %mul3A_1233 = vector.broadcast %mul3A_1232 : f32 to vector<16xf32>
        %mul3A_1234 = arith.mulf %get3A_1227, %mul3A_1233 : vector<16xf32>
        %mul3A_1235 = arith.constant 5.000000e-02 : f32
        %mul3A_1236 = vector.broadcast %mul3A_1235 : f32 to vector<16xf32>
        %mul3A_1237 = arith.mulf %get3A_1231, %mul3A_1236 : vector<16xf32>
        %add3A_1238 = arith.addf %mul3A_1234, %mul3A_1237 : vector<16xf32>
        %mul3A_1239 = arith.mulf %add3A_1238, %add3A_1238 : vector<16xf32>
        %add3A_1240 = arith.addf %add3A_1176, %mul3A_1239 : vector<16xf32>
        %get3A_1241 = arith.index_cast %squeeze3A_832 : i32 to index
        %get3A_1242 = arith.constant 400 : index
        %get3A_1243 = tpu.vector_load %arg10[%get3A_1241, %get3A_1242] {strides = array<i32>} : memref<32x512xf32, #tpu.memory_space<vmem>>, vector<16xf32>,
        %get3A_1244 = arith.constant 1 : i32
        %get3A_1245 = arith.index_cast %get3A_1244 : i32 to index
        %get3A_1246 = arith.constant 400 : index
        %get3A_1247 = tpu.vector_load %arg9[%get3A_1245, %get3A_1246] {strides = array<i32>} : memref<2x512xf32, #tpu.memory_space<vmem>>, vector<16xf32>,
        %mul3A_1248 = arith.constant 0.949999988 : f32
        %mul3A_1249 = vector.broadcast %mul3A_1248 : f32 to vector<16xf32>
        %mul3A_1250 = arith.mulf %get3A_1243, %mul3A_1249 : vector<16xf32>
        %mul3A_1251 = arith.constant 5.000000e-02 : f32
        %mul3A_1252 = vector.broadcast %mul3A_1251 : f32 to vector<16xf32>
        %mul3A_1253 = arith.mulf %get3A_1247, %mul3A_1252 : vector<16xf32>
        %add3A_1254 = arith.addf %mul3A_1250, %mul3A_1253 : vector<16xf32>
        %mul3A_1255 = arith.mulf %add3A_1254, %add3A_1254 : vector<16xf32>
        %add3A_1256 = arith.addf %add3A_1192, %mul3A_1255 : vector<16xf32>
        %get3A_1257 = arith.index_cast %squeeze3A_832 : i32 to index
        %get3A_1258 = arith.constant 416 : index
        %get3A_1259 = tpu.vector_load %arg10[%get3A_1257, %get3A_1258] {strides = array<i32>} : memref<32x512xf32, #tpu.memory_space<vmem>>, vector<16xf32>,
        %get3A_1260 = arith.constant 1 : i32
        %get3A_1261 = arith.index_cast %get3A_1260 : i32 to index
        %get3A_1262 = arith.constant 416 : index
        %get3A_1263 = tpu.vector_load %arg9[%get3A_1261, %get3A_1262] {strides = array<i32>} : memref<2x512xf32, #tpu.memory_space<vmem>>, vector<16xf32>,
        %mul3A_1264 = arith.constant 0.949999988 : f32
        %mul3A_1265 = vector.broadcast %mul3A_1264 : f32 to vector<16xf32>
        %mul3A_1266 = arith.mulf %get3A_1259, %mul3A_1265 : vector<16xf32>
        %mul3A_1267 = arith.constant 5.000000e-02 : f32
        %mul3A_1268 = vector.broadcast %mul3A_1267 : f32 to vector<16xf32>
        %mul3A_1269 = arith.mulf %get3A_1263, %mul3A_1268 : vector<16xf32>
        %add3A_1270 = arith.addf %mul3A_1266, %mul3A_1269 : vector<16xf32>
        %mul3A_1271 = arith.mulf %add3A_1270, %add3A_1270 : vector<16xf32>
        %add3A_1272 = arith.addf %add3A_1208, %mul3A_1271 : vector<16xf32>
        %get3A_1273 = arith.index_cast %squeeze3A_832 : i32 to index
        %get3A_1274 = arith.constant 432 : index
        %get3A_1275 = tpu.vector_load %arg10[%get3A_1273, %get3A_1274] {strides = array<i32>} : memref<32x512xf32, #tpu.memory_space<vmem>>, vector<16xf32>,
        %get3A_1276 = arith.constant 1 : i32
        %get3A_1277 = arith.index_cast %get3A_1276 : i32 to index
        %get3A_1278 = arith.constant 432 : index
        %get3A_1279 = tpu.vector_load %arg9[%get3A_1277, %get3A_1278] {strides = array<i32>} : memref<2x512xf32, #tpu.memory_space<vmem>>, vector<16xf32>,
        %mul3A_1280 = arith.constant 0.949999988 : f32
        %mul3A_1281 = vector.broadcast %mul3A_1280 : f32 to vector<16xf32>
        %mul3A_1282 = arith.mulf %get3A_1275, %mul3A_1281 : vector<16xf32>
        %mul3A_1283 = arith.constant 5.000000e-02 : f32
        %mul3A_1284 = vector.broadcast %mul3A_1283 : f32 to vector<16xf32>
        %mul3A_1285 = arith.mulf %get3A_1279, %mul3A_1284 : vector<16xf32>
        %add3A_1286 = arith.addf %mul3A_1282, %mul3A_1285 : vector<16xf32>
        %mul3A_1287 = arith.mulf %add3A_1286, %add3A_1286 : vector<16xf32>
        %add3A_1288 = arith.addf %add3A_1224, %mul3A_1287 : vector<16xf32>
        %get3A_1289 = arith.index_cast %squeeze3A_832 : i32 to index
        %get3A_1290 = arith.constant 448 : index
        %get3A_1291 = tpu.vector_load %arg10[%get3A_1289, %get3A_1290] {strides = array<i32>} : memref<32x512xf32, #tpu.memory_space<vmem>>, vector<16xf32>,
        %get3A_1292 = arith.constant 1 : i32
        %get3A_1293 = arith.index_cast %get3A_1292 : i32 to index
        %get3A_1294 = arith.constant 448 : index
        %get3A_1295 = tpu.vector_load %arg9[%get3A_1293, %get3A_1294] {strides = array<i32>} : memref<2x512xf32, #tpu.memory_space<vmem>>, vector<16xf32>,
        %mul3A_1296 = arith.constant 0.949999988 : f32
        %mul3A_1297 = vector.broadcast %mul3A_1296 : f32 to vector<16xf32>
        %mul3A_1298 = arith.mulf %get3A_1291, %mul3A_1297 : vector<16xf32>
        %mul3A_1299 = arith.constant 5.000000e-02 : f32
        %mul3A_1300 = vector.broadcast %mul3A_1299 : f32 to vector<16xf32>
        %mul3A_1301 = arith.mulf %get3A_1295, %mul3A_1300 : vector<16xf32>
        %add3A_1302 = arith.addf %mul3A_1298, %mul3A_1301 : vector<16xf32>
        %mul3A_1303 = arith.mulf %add3A_1302, %add3A_1302 : vector<16xf32>
        %add3A_1304 = arith.addf %add3A_1240, %mul3A_1303 : vector<16xf32>
        %get3A_1305 = arith.index_cast %squeeze3A_832 : i32 to index
        %get3A_1306 = arith.constant 464 : index
        %get3A_1307 = tpu.vector_load %arg10[%get3A_1305, %get3A_1306] {strides = array<i32>} : memref<32x512xf32, #tpu.memory_space<vmem>>, vector<16xf32>,
        %get3A_1308 = arith.constant 1 : i32
        %get3A_1309 = arith.index_cast %get3A_1308 : i32 to index
        %get3A_1310 = arith.constant 464 : index
        %get3A_1311 = tpu.vector_load %arg9[%get3A_1309, %get3A_1310] {strides = array<i32>} : memref<2x512xf32, #tpu.memory_space<vmem>>, vector<16xf32>,
        %mul3A_1312 = arith.constant 0.949999988 : f32
        %mul3A_1313 = vector.broadcast %mul3A_1312 : f32 to vector<16xf32>
        %mul3A_1314 = arith.mulf %get3A_1307, %mul3A_1313 : vector<16xf32>
        %mul3A_1315 = arith.constant 5.000000e-02 : f32
        %mul3A_1316 = vector.broadcast %mul3A_1315 : f32 to vector<16xf32>
        %mul3A_1317 = arith.mulf %get3A_1311, %mul3A_1316 : vector<16xf32>
        %add3A_1318 = arith.addf %mul3A_1314, %mul3A_1317 : vector<16xf32>
        %mul3A_1319 = arith.mulf %add3A_1318, %add3A_1318 : vector<16xf32>
        %add3A_1320 = arith.addf %add3A_1256, %mul3A_1319 : vector<16xf32>
        %get3A_1321 = arith.index_cast %squeeze3A_832 : i32 to index
        %get3A_1322 = arith.constant 480 : index
        %get3A_1323 = tpu.vector_load %arg10[%get3A_1321, %get3A_1322] {strides = array<i32>} : memref<32x512xf32, #tpu.memory_space<vmem>>, vector<16xf32>,
        %get3A_1324 = arith.constant 1 : i32
        %get3A_1325 = arith.index_cast %get3A_1324 : i32 to index
        %get3A_1326 = arith.constant 480 : index
        %get3A_1327 = tpu.vector_load %arg9[%get3A_1325, %get3A_1326] {strides = array<i32>} : memref<2x512xf32, #tpu.memory_space<vmem>>, vector<16xf32>,
        %mul3A_1328 = arith.constant 0.949999988 : f32
        %mul3A_1329 = vector.broadcast %mul3A_1328 : f32 to vector<16xf32>
        %mul3A_1330 = arith.mulf %get3A_1323, %mul3A_1329 : vector<16xf32>
        %mul3A_1331 = arith.constant 5.000000e-02 : f32
        %mul3A_1332 = vector.broadcast %mul3A_1331 : f32 to vector<16xf32>
        %mul3A_1333 = arith.mulf %get3A_1327, %mul3A_1332 : vector<16xf32>
        %add3A_1334 = arith.addf %mul3A_1330, %mul3A_1333 : vector<16xf32>
        %mul3A_1335 = arith.mulf %add3A_1334, %add3A_1334 : vector<16xf32>
        %add3A_1336 = arith.addf %add3A_1272, %mul3A_1335 : vector<16xf32>
        %get3A_1337 = arith.index_cast %squeeze3A_832 : i32 to index
        %get3A_1338 = arith.constant 496 : index
        %get3A_1339 = tpu.vector_load %arg10[%get3A_1337, %get3A_1338] {strides = array<i32>} : memref<32x512xf32, #tpu.memory_space<vmem>>, vector<16xf32>,
        %get3A_1340 = arith.constant 1 : i32
        %get3A_1341 = arith.index_cast %get3A_1340 : i32 to index
        %get3A_1342 = arith.constant 496 : index
        %get3A_1343 = tpu.vector_load %arg9[%get3A_1341, %get3A_1342] {strides = array<i32>} : memref<2x512xf32, #tpu.memory_space<vmem>>, vector<16xf32>,
        %mul3A_1344 = arith.constant 0.949999988 : f32
        %mul3A_1345 = vector.broadcast %mul3A_1344 : f32 to vector<16xf32>
        %mul3A_1346 = arith.mulf %get3A_1339, %mul3A_1345 : vector<16xf32>
        %mul3A_1347 = arith.constant 5.000000e-02 : f32
        %mul3A_1348 = vector.broadcast %mul3A_1347 : f32 to vector<16xf32>
        %mul3A_1349 = arith.mulf %get3A_1343, %mul3A_1348 : vector<16xf32>
        %add3A_1350 = arith.addf %mul3A_1346, %mul3A_1349 : vector<16xf32>
        %mul3A_1351 = arith.mulf %add3A_1350, %add3A_1350 : vector<16xf32>
        %add3A_1352 = arith.addf %add3A_1288, %mul3A_1351 : vector<16xf32>
        %add3A_1353 = arith.addf %add3A_1304, %add3A_1320 : vector<16xf32>
        %add3A_1354 = arith.addf %add3A_1336, %add3A_1352 : vector<16xf32>
        %add3A_1355 = arith.addf %add3A_1353, %add3A_1354 : vector<16xf32>
        %reduce_sum3A_1356 = arith.constant true
        %reduce_sum3A_1357 = vector.broadcast %reduce_sum3A_1356 : i1 to vector<16xi1>
        %reduce_sum3A_1358 = tpu.scan <sum>, %add3A_1355 masked %reduce_sum3A_1357 : vector<16xf32>, vector<16xi1> -> vector<16xf32>
        %reduce_sum3A_1359 = vector.extract %reduce_sum3A_1358[15] : f32 from vector<16xf32>
        %broadcast_in_dim3A_1360 = vector.broadcast %reduce_sum3A_1359 : f32 to vector<16xf32>
        %bitcast3A_1361 = vector.bitcast %broadcast_in_dim3A_1360 : vector<16xf32> to vector<16xi32>
        %shift_right_arithmetic3A_1362 = arith.constant 1 : i32
        %shift_right_arithmetic3A_1363 = vector.broadcast %shift_right_arithmetic3A_1362 : i32 to vector<16xi32>
        %shift_right_arithmetic3A_1364 = arith.shrsi %bitcast3A_1361, %shift_right_arithmetic3A_1363 : vector<16xi32>
        %sub3A_1365 = arith.constant 1597463007 : i32
        %sub3A_1366 = vector.broadcast %sub3A_1365 : i32 to vector<16xi32>
        %sub3A_1367 = arith.subi %sub3A_1366, %shift_right_arithmetic3A_1364 : vector<16xi32>
        %bitcast3A_1368 = vector.bitcast %sub3A_1367 : vector<16xi32> to vector<16xf32>
        %mul3A_1369 = arith.constant 5.000000e-01 : f32
        %mul3A_1370 = vector.broadcast %mul3A_1369 : f32 to vector<16xf32>
        %mul3A_1371 = arith.mulf %mul3A_1370, %broadcast_in_dim3A_1360 : vector<16xf32>
        %mul3A_1372 = arith.mulf %mul3A_1371, %bitcast3A_1368 : vector<16xf32>
        %mul3A_1373 = arith.mulf %mul3A_1372, %bitcast3A_1368 : vector<16xf32>
        %sub3A_1374 = arith.constant 1.500000e+00 : f32
        %sub3A_1375 = vector.broadcast %sub3A_1374 : f32 to vector<16xf32>
        %sub3A_1376 = arith.subf %sub3A_1375, %mul3A_1373 : vector<16xf32>
        %mul3A_1377 = arith.mulf %bitcast3A_1368, %sub3A_1376 : vector<16xf32>
        %mul3A_1378 = arith.constant 5.000000e-01 : f32
        %mul3A_1379 = vector.broadcast %mul3A_1378 : f32 to vector<16xf32>
        %mul3A_1380 = arith.mulf %mul3A_1379, %broadcast_in_dim3A_1360 : vector<16xf32>
        %mul3A_1381 = arith.mulf %mul3A_1380, %mul3A_1377 : vector<16xf32>
        %mul3A_1382 = arith.mulf %mul3A_1381, %mul3A_1377 : vector<16xf32>
        %sub3A_1383 = arith.constant 1.500000e+00 : f32
        %sub3A_1384 = vector.broadcast %sub3A_1383 : f32 to vector<16xf32>
        %sub3A_1385 = arith.subf %sub3A_1384, %mul3A_1382 : vector<16xf32>
        %mul3A_1386 = arith.mulf %mul3A_1377, %sub3A_1385 : vector<16xf32>
        %mul3A_1387 = arith.constant 5.000000e-01 : f32
        %mul3A_1388 = vector.broadcast %mul3A_1387 : f32 to vector<16xf32>
        %mul3A_1389 = arith.mulf %mul3A_1388, %broadcast_in_dim3A_1360 : vector<16xf32>
        %mul3A_1390 = arith.mulf %mul3A_1389, %mul3A_1386 : vector<16xf32>
        %mul3A_1391 = arith.mulf %mul3A_1390, %mul3A_1386 : vector<16xf32>
        %sub3A_1392 = arith.constant 1.500000e+00 : f32
        %sub3A_1393 = vector.broadcast %sub3A_1392 : f32 to vector<16xf32>
        %sub3A_1394 = arith.subf %sub3A_1393, %mul3A_1391 : vector<16xf32>
        %mul3A_1395 = arith.mulf %mul3A_1386, %sub3A_1394 : vector<16xf32>
        %mul3A_1396 = arith.constant 5.000000e-01 : f32
        %mul3A_1397 = vector.broadcast %mul3A_1396 : f32 to vector<16xf32>
        %mul3A_1398 = arith.mulf %mul3A_1397, %broadcast_in_dim3A_1360 : vector<16xf32>
        %mul3A_1399 = arith.mulf %mul3A_1398, %mul3A_1395 : vector<16xf32>
        %mul3A_1400 = arith.mulf %mul3A_1399, %mul3A_1395 : vector<16xf32>
        %sub3A_1401 = arith.constant 1.500000e+00 : f32
        %sub3A_1402 = vector.broadcast %sub3A_1401 : f32 to vector<16xf32>
        %sub3A_1403 = arith.subf %sub3A_1402, %mul3A_1400 : vector<16xf32>
        %mul3A_1404 = arith.mulf %mul3A_1395, %sub3A_1403 : vector<16xf32>
        %mul3A_1405 = arith.mulf %broadcast_in_dim3A_1360, %mul3A_1404 : vector<16xf32>
        %gt3A_1406 = arith.constant 9.99999996E-13 : f32
        %gt3A_1407 = vector.broadcast %gt3A_1406 : f32 to vector<16xf32>
        %gt3A_1408 = arith.cmpf ogt, %mul3A_1405, %gt3A_1407 : vector<16xf32>
        %jit3A_1409 = arith.constant 9.99999995E+11 : f32
        %broadcast_in_dim3A_1410 = vector.broadcast %jit3A_1409 : f32 to vector<16xf32>
        %select_n3A_1411 = arith.select %gt3A_1408, %mul3A_1404, %broadcast_in_dim3A_1410 : vector<16xi1>, vector<16xf32>
        %mul3A_1412 = arith.mulf %add3A_854, %select_n3A_1411 : vector<16xf32>
        %swap3A_1413 = arith.index_cast %squeeze3A_832 : i32 to index
        %swap3A_1414 = arith.constant 0 : index
        %swap3A_1415 = tpu.vector_load %arg10[%swap3A_1413, %swap3A_1414] {strides = array<i32>} : memref<32x512xf32, #tpu.memory_space<vmem>>, vector<16xf32>,
        tpu.vector_store %arg10[%swap3A_1413, %swap3A_1414], %mul3A_1412 {strides = array<i32>} : memref<32x512xf32, #tpu.memory_space<vmem>>, vector<16xf32>,
        %mul3A_1416 = arith.mulf %add3A_870, %select_n3A_1411 : vector<16xf32>
        %swap3A_1417 = arith.index_cast %squeeze3A_832 : i32 to index
        %swap3A_1418 = arith.constant 16 : index
        %swap3A_1419 = tpu.vector_load %arg10[%swap3A_1417, %swap3A_1418] {strides = array<i32>} : memref<32x512xf32, #tpu.memory_space<vmem>>, vector<16xf32>,
        tpu.vector_store %arg10[%swap3A_1417, %swap3A_1418], %mul3A_1416 {strides = array<i32>} : memref<32x512xf32, #tpu.memory_space<vmem>>, vector<16xf32>,
        %mul3A_1420 = arith.mulf %add3A_886, %select_n3A_1411 : vector<16xf32>
        %swap3A_1421 = arith.index_cast %squeeze3A_832 : i32 to index
        %swap3A_1422 = arith.constant 32 : index
        %swap3A_1423 = tpu.vector_load %arg10[%swap3A_1421, %swap3A_1422] {strides = array<i32>} : memref<32x512xf32, #tpu.memory_space<vmem>>, vector<16xf32>,
        tpu.vector_store %arg10[%swap3A_1421, %swap3A_1422], %mul3A_1420 {strides = array<i32>} : memref<32x512xf32, #tpu.memory_space<vmem>>, vector<16xf32>,
        %mul3A_1424 = arith.mulf %add3A_902, %select_n3A_1411 : vector<16xf32>
        %swap3A_1425 = arith.index_cast %squeeze3A_832 : i32 to index
        %swap3A_1426 = arith.constant 48 : index
        %swap3A_1427 = tpu.vector_load %arg10[%swap3A_1425, %swap3A_1426] {strides = array<i32>} : memref<32x512xf32, #tpu.memory_space<vmem>>, vector<16xf32>,
        tpu.vector_store %arg10[%swap3A_1425, %swap3A_1426], %mul3A_1424 {strides = array<i32>} : memref<32x512xf32, #tpu.memory_space<vmem>>, vector<16xf32>,
        %mul3A_1428 = arith.mulf %add3A_918, %select_n3A_1411 : vector<16xf32>
        %swap3A_1429 = arith.index_cast %squeeze3A_832 : i32 to index
        %swap3A_1430 = arith.constant 64 : index
        %swap3A_1431 = tpu.vector_load %arg10[%swap3A_1429, %swap3A_1430] {strides = array<i32>} : memref<32x512xf32, #tpu.memory_space<vmem>>, vector<16xf32>,
        tpu.vector_store %arg10[%swap3A_1429, %swap3A_1430], %mul3A_1428 {strides = array<i32>} : memref<32x512xf32, #tpu.memory_space<vmem>>, vector<16xf32>,
        %mul3A_1432 = arith.mulf %add3A_934, %select_n3A_1411 : vector<16xf32>
        %swap3A_1433 = arith.index_cast %squeeze3A_832 : i32 to index
        %swap3A_1434 = arith.constant 80 : index
        %swap3A_1435 = tpu.vector_load %arg10[%swap3A_1433, %swap3A_1434] {strides = array<i32>} : memref<32x512xf32, #tpu.memory_space<vmem>>, vector<16xf32>,
        tpu.vector_store %arg10[%swap3A_1433, %swap3A_1434], %mul3A_1432 {strides = array<i32>} : memref<32x512xf32, #tpu.memory_space<vmem>>, vector<16xf32>,
        %mul3A_1436 = arith.mulf %add3A_950, %select_n3A_1411 : vector<16xf32>
        %swap3A_1437 = arith.index_cast %squeeze3A_832 : i32 to index
        %swap3A_1438 = arith.constant 96 : index
        %swap3A_1439 = tpu.vector_load %arg10[%swap3A_1437, %swap3A_1438] {strides = array<i32>} : memref<32x512xf32, #tpu.memory_space<vmem>>, vector<16xf32>,
        tpu.vector_store %arg10[%swap3A_1437, %swap3A_1438], %mul3A_1436 {strides = array<i32>} : memref<32x512xf32, #tpu.memory_space<vmem>>, vector<16xf32>,
        %mul3A_1440 = arith.mulf %add3A_966, %select_n3A_1411 : vector<16xf32>
        %swap3A_1441 = arith.index_cast %squeeze3A_832 : i32 to index
        %swap3A_1442 = arith.constant 112 : index
        %swap3A_1443 = tpu.vector_load %arg10[%swap3A_1441, %swap3A_1442] {strides = array<i32>} : memref<32x512xf32, #tpu.memory_space<vmem>>, vector<16xf32>,
        tpu.vector_store %arg10[%swap3A_1441, %swap3A_1442], %mul3A_1440 {strides = array<i32>} : memref<32x512xf32, #tpu.memory_space<vmem>>, vector<16xf32>,
        %mul3A_1444 = arith.mulf %add3A_982, %select_n3A_1411 : vector<16xf32>
        %swap3A_1445 = arith.index_cast %squeeze3A_832 : i32 to index
        %swap3A_1446 = arith.constant 128 : index
        %swap3A_1447 = tpu.vector_load %arg10[%swap3A_1445, %swap3A_1446] {strides = array<i32>} : memref<32x512xf32, #tpu.memory_space<vmem>>, vector<16xf32>,
        tpu.vector_store %arg10[%swap3A_1445, %swap3A_1446], %mul3A_1444 {strides = array<i32>} : memref<32x512xf32, #tpu.memory_space<vmem>>, vector<16xf32>,
        %mul3A_1448 = arith.mulf %add3A_998, %select_n3A_1411 : vector<16xf32>
        %swap3A_1449 = arith.index_cast %squeeze3A_832 : i32 to index
        %swap3A_1450 = arith.constant 144 : index
        %swap3A_1451 = tpu.vector_load %arg10[%swap3A_1449, %swap3A_1450] {strides = array<i32>} : memref<32x512xf32, #tpu.memory_space<vmem>>, vector<16xf32>,
        tpu.vector_store %arg10[%swap3A_1449, %swap3A_1450], %mul3A_1448 {strides = array<i32>} : memref<32x512xf32, #tpu.memory_space<vmem>>, vector<16xf32>,
        %mul3A_1452 = arith.mulf %add3A_1014, %select_n3A_1411 : vector<16xf32>
        %swap3A_1453 = arith.index_cast %squeeze3A_832 : i32 to index
        %swap3A_1454 = arith.constant 160 : index
        %swap3A_1455 = tpu.vector_load %arg10[%swap3A_1453, %swap3A_1454] {strides = array<i32>} : memref<32x512xf32, #tpu.memory_space<vmem>>, vector<16xf32>,
        tpu.vector_store %arg10[%swap3A_1453, %swap3A_1454], %mul3A_1452 {strides = array<i32>} : memref<32x512xf32, #tpu.memory_space<vmem>>, vector<16xf32>,
        %mul3A_1456 = arith.mulf %add3A_1030, %select_n3A_1411 : vector<16xf32>
        %swap3A_1457 = arith.index_cast %squeeze3A_832 : i32 to index
        %swap3A_1458 = arith.constant 176 : index
        %swap3A_1459 = tpu.vector_load %arg10[%swap3A_1457, %swap3A_1458] {strides = array<i32>} : memref<32x512xf32, #tpu.memory_space<vmem>>, vector<16xf32>,
        tpu.vector_store %arg10[%swap3A_1457, %swap3A_1458], %mul3A_1456 {strides = array<i32>} : memref<32x512xf32, #tpu.memory_space<vmem>>, vector<16xf32>,
        %mul3A_1460 = arith.mulf %add3A_1046, %select_n3A_1411 : vector<16xf32>
        %swap3A_1461 = arith.index_cast %squeeze3A_832 : i32 to index
        %swap3A_1462 = arith.constant 192 : index
        %swap3A_1463 = tpu.vector_load %arg10[%swap3A_1461, %swap3A_1462] {strides = array<i32>} : memref<32x512xf32, #tpu.memory_space<vmem>>, vector<16xf32>,
        tpu.vector_store %arg10[%swap3A_1461, %swap3A_1462], %mul3A_1460 {strides = array<i32>} : memref<32x512xf32, #tpu.memory_space<vmem>>, vector<16xf32>,
        %mul3A_1464 = arith.mulf %add3A_1062, %select_n3A_1411 : vector<16xf32>
        %swap3A_1465 = arith.index_cast %squeeze3A_832 : i32 to index
        %swap3A_1466 = arith.constant 208 : index
        %swap3A_1467 = tpu.vector_load %arg10[%swap3A_1465, %swap3A_1466] {strides = array<i32>} : memref<32x512xf32, #tpu.memory_space<vmem>>, vector<16xf32>,
        tpu.vector_store %arg10[%swap3A_1465, %swap3A_1466], %mul3A_1464 {strides = array<i32>} : memref<32x512xf32, #tpu.memory_space<vmem>>, vector<16xf32>,
        %mul3A_1468 = arith.mulf %add3A_1078, %select_n3A_1411 : vector<16xf32>
        %swap3A_1469 = arith.index_cast %squeeze3A_832 : i32 to index
        %swap3A_1470 = arith.constant 224 : index
        %swap3A_1471 = tpu.vector_load %arg10[%swap3A_1469, %swap3A_1470] {strides = array<i32>} : memref<32x512xf32, #tpu.memory_space<vmem>>, vector<16xf32>,
        tpu.vector_store %arg10[%swap3A_1469, %swap3A_1470], %mul3A_1468 {strides = array<i32>} : memref<32x512xf32, #tpu.memory_space<vmem>>, vector<16xf32>,
        %mul3A_1472 = arith.mulf %add3A_1094, %select_n3A_1411 : vector<16xf32>
        %swap3A_1473 = arith.index_cast %squeeze3A_832 : i32 to index
        %swap3A_1474 = arith.constant 240 : index
        %swap3A_1475 = tpu.vector_load %arg10[%swap3A_1473, %swap3A_1474] {strides = array<i32>} : memref<32x512xf32, #tpu.memory_space<vmem>>, vector<16xf32>,
        tpu.vector_store %arg10[%swap3A_1473, %swap3A_1474], %mul3A_1472 {strides = array<i32>} : memref<32x512xf32, #tpu.memory_space<vmem>>, vector<16xf32>,
        %mul3A_1476 = arith.mulf %add3A_1110, %select_n3A_1411 : vector<16xf32>
        %swap3A_1477 = arith.index_cast %squeeze3A_832 : i32 to index
        %swap3A_1478 = arith.constant 256 : index
        %swap3A_1479 = tpu.vector_load %arg10[%swap3A_1477, %swap3A_1478] {strides = array<i32>} : memref<32x512xf32, #tpu.memory_space<vmem>>, vector<16xf32>,
        tpu.vector_store %arg10[%swap3A_1477, %swap3A_1478], %mul3A_1476 {strides = array<i32>} : memref<32x512xf32, #tpu.memory_space<vmem>>, vector<16xf32>,
        %mul3A_1480 = arith.mulf %add3A_1126, %select_n3A_1411 : vector<16xf32>
        %swap3A_1481 = arith.index_cast %squeeze3A_832 : i32 to index
        %swap3A_1482 = arith.constant 272 : index
        %swap3A_1483 = tpu.vector_load %arg10[%swap3A_1481, %swap3A_1482] {strides = array<i32>} : memref<32x512xf32, #tpu.memory_space<vmem>>, vector<16xf32>,
        tpu.vector_store %arg10[%swap3A_1481, %swap3A_1482], %mul3A_1480 {strides = array<i32>} : memref<32x512xf32, #tpu.memory_space<vmem>>, vector<16xf32>,
        %mul3A_1484 = arith.mulf %add3A_1142, %select_n3A_1411 : vector<16xf32>
        %swap3A_1485 = arith.index_cast %squeeze3A_832 : i32 to index
        %swap3A_1486 = arith.constant 288 : index
        %swap3A_1487 = tpu.vector_load %arg10[%swap3A_1485, %swap3A_1486] {strides = array<i32>} : memref<32x512xf32, #tpu.memory_space<vmem>>, vector<16xf32>,
        tpu.vector_store %arg10[%swap3A_1485, %swap3A_1486], %mul3A_1484 {strides = array<i32>} : memref<32x512xf32, #tpu.memory_space<vmem>>, vector<16xf32>,
        %mul3A_1488 = arith.mulf %add3A_1158, %select_n3A_1411 : vector<16xf32>
        %swap3A_1489 = arith.index_cast %squeeze3A_832 : i32 to index
        %swap3A_1490 = arith.constant 304 : index
        %swap3A_1491 = tpu.vector_load %arg10[%swap3A_1489, %swap3A_1490] {strides = array<i32>} : memref<32x512xf32, #tpu.memory_space<vmem>>, vector<16xf32>,
        tpu.vector_store %arg10[%swap3A_1489, %swap3A_1490], %mul3A_1488 {strides = array<i32>} : memref<32x512xf32, #tpu.memory_space<vmem>>, vector<16xf32>,
        %mul3A_1492 = arith.mulf %add3A_1174, %select_n3A_1411 : vector<16xf32>
        %swap3A_1493 = arith.index_cast %squeeze3A_832 : i32 to index
        %swap3A_1494 = arith.constant 320 : index
        %swap3A_1495 = tpu.vector_load %arg10[%swap3A_1493, %swap3A_1494] {strides = array<i32>} : memref<32x512xf32, #tpu.memory_space<vmem>>, vector<16xf32>,
        tpu.vector_store %arg10[%swap3A_1493, %swap3A_1494], %mul3A_1492 {strides = array<i32>} : memref<32x512xf32, #tpu.memory_space<vmem>>, vector<16xf32>,
        %mul3A_1496 = arith.mulf %add3A_1190, %select_n3A_1411 : vector<16xf32>
        %swap3A_1497 = arith.index_cast %squeeze3A_832 : i32 to index
        %swap3A_1498 = arith.constant 336 : index
        %swap3A_1499 = tpu.vector_load %arg10[%swap3A_1497, %swap3A_1498] {strides = array<i32>} : memref<32x512xf32, #tpu.memory_space<vmem>>, vector<16xf32>,
        tpu.vector_store %arg10[%swap3A_1497, %swap3A_1498], %mul3A_1496 {strides = array<i32>} : memref<32x512xf32, #tpu.memory_space<vmem>>, vector<16xf32>,
        %mul3A_1500 = arith.mulf %add3A_1206, %select_n3A_1411 : vector<16xf32>
        %swap3A_1501 = arith.index_cast %squeeze3A_832 : i32 to index
        %swap3A_1502 = arith.constant 352 : index
        %swap3A_1503 = tpu.vector_load %arg10[%swap3A_1501, %swap3A_1502] {strides = array<i32>} : memref<32x512xf32, #tpu.memory_space<vmem>>, vector<16xf32>,
        tpu.vector_store %arg10[%swap3A_1501, %swap3A_1502], %mul3A_1500 {strides = array<i32>} : memref<32x512xf32, #tpu.memory_space<vmem>>, vector<16xf32>,
        %mul3A_1504 = arith.mulf %add3A_1222, %select_n3A_1411 : vector<16xf32>
        %swap3A_1505 = arith.index_cast %squeeze3A_832 : i32 to index
        %swap3A_1506 = arith.constant 368 : index
        %swap3A_1507 = tpu.vector_load %arg10[%swap3A_1505, %swap3A_1506] {strides = array<i32>} : memref<32x512xf32, #tpu.memory_space<vmem>>, vector<16xf32>,
        tpu.vector_store %arg10[%swap3A_1505, %swap3A_1506], %mul3A_1504 {strides = array<i32>} : memref<32x512xf32, #tpu.memory_space<vmem>>, vector<16xf32>,
        %mul3A_1508 = arith.mulf %add3A_1238, %select_n3A_1411 : vector<16xf32>
        %swap3A_1509 = arith.index_cast %squeeze3A_832 : i32 to index
        %swap3A_1510 = arith.constant 384 : index
        %swap3A_1511 = tpu.vector_load %arg10[%swap3A_1509, %swap3A_1510] {strides = array<i32>} : memref<32x512xf32, #tpu.memory_space<vmem>>, vector<16xf32>,
        tpu.vector_store %arg10[%swap3A_1509, %swap3A_1510], %mul3A_1508 {strides = array<i32>} : memref<32x512xf32, #tpu.memory_space<vmem>>, vector<16xf32>,
        %mul3A_1512 = arith.mulf %add3A_1254, %select_n3A_1411 : vector<16xf32>
        %swap3A_1513 = arith.index_cast %squeeze3A_832 : i32 to index
        %swap3A_1514 = arith.constant 400 : index
        %swap3A_1515 = tpu.vector_load %arg10[%swap3A_1513, %swap3A_1514] {strides = array<i32>} : memref<32x512xf32, #tpu.memory_space<vmem>>, vector<16xf32>,
        tpu.vector_store %arg10[%swap3A_1513, %swap3A_1514], %mul3A_1512 {strides = array<i32>} : memref<32x512xf32, #tpu.memory_space<vmem>>, vector<16xf32>,
        %mul3A_1516 = arith.mulf %add3A_1270, %select_n3A_1411 : vector<16xf32>
        %swap3A_1517 = arith.index_cast %squeeze3A_832 : i32 to index
        %swap3A_1518 = arith.constant 416 : index
        %swap3A_1519 = tpu.vector_load %arg10[%swap3A_1517, %swap3A_1518] {strides = array<i32>} : memref<32x512xf32, #tpu.memory_space<vmem>>, vector<16xf32>,
        tpu.vector_store %arg10[%swap3A_1517, %swap3A_1518], %mul3A_1516 {strides = array<i32>} : memref<32x512xf32, #tpu.memory_space<vmem>>, vector<16xf32>,
        %mul3A_1520 = arith.mulf %add3A_1286, %select_n3A_1411 : vector<16xf32>
        %swap3A_1521 = arith.index_cast %squeeze3A_832 : i32 to index
        %swap3A_1522 = arith.constant 432 : index
        %swap3A_1523 = tpu.vector_load %arg10[%swap3A_1521, %swap3A_1522] {strides = array<i32>} : memref<32x512xf32, #tpu.memory_space<vmem>>, vector<16xf32>,
        tpu.vector_store %arg10[%swap3A_1521, %swap3A_1522], %mul3A_1520 {strides = array<i32>} : memref<32x512xf32, #tpu.memory_space<vmem>>, vector<16xf32>,
        %mul3A_1524 = arith.mulf %add3A_1302, %select_n3A_1411 : vector<16xf32>
        %swap3A_1525 = arith.index_cast %squeeze3A_832 : i32 to index
        %swap3A_1526 = arith.constant 448 : index
        %swap3A_1527 = tpu.vector_load %arg10[%swap3A_1525, %swap3A_1526] {strides = array<i32>} : memref<32x512xf32, #tpu.memory_space<vmem>>, vector<16xf32>,
        tpu.vector_store %arg10[%swap3A_1525, %swap3A_1526], %mul3A_1524 {strides = array<i32>} : memref<32x512xf32, #tpu.memory_space<vmem>>, vector<16xf32>,
        %mul3A_1528 = arith.mulf %add3A_1318, %select_n3A_1411 : vector<16xf32>
        %swap3A_1529 = arith.index_cast %squeeze3A_832 : i32 to index
        %swap3A_1530 = arith.constant 464 : index
        %swap3A_1531 = tpu.vector_load %arg10[%swap3A_1529, %swap3A_1530] {strides = array<i32>} : memref<32x512xf32, #tpu.memory_space<vmem>>, vector<16xf32>,
        tpu.vector_store %arg10[%swap3A_1529, %swap3A_1530], %mul3A_1528 {strides = array<i32>} : memref<32x512xf32, #tpu.memory_space<vmem>>, vector<16xf32>,
        %mul3A_1532 = arith.mulf %add3A_1334, %select_n3A_1411 : vector<16xf32>
        %swap3A_1533 = arith.index_cast %squeeze3A_832 : i32 to index
        %swap3A_1534 = arith.constant 480 : index
        %swap3A_1535 = tpu.vector_load %arg10[%swap3A_1533, %swap3A_1534] {strides = array<i32>} : memref<32x512xf32, #tpu.memory_space<vmem>>, vector<16xf32>,
        tpu.vector_store %arg10[%swap3A_1533, %swap3A_1534], %mul3A_1532 {strides = array<i32>} : memref<32x512xf32, #tpu.memory_space<vmem>>, vector<16xf32>,
        %mul3A_1536 = arith.mulf %add3A_1350, %select_n3A_1411 : vector<16xf32>
        %swap3A_1537 = arith.index_cast %squeeze3A_832 : i32 to index
        %swap3A_1538 = arith.constant 496 : index
        %swap3A_1539 = tpu.vector_load %arg10[%swap3A_1537, %swap3A_1538] {strides = array<i32>} : memref<32x512xf32, #tpu.memory_space<vmem>>, vector<16xf32>,
        tpu.vector_store %arg10[%swap3A_1537, %swap3A_1538], %mul3A_1536 {strides = array<i32>} : memref<32x512xf32, #tpu.memory_space<vmem>>, vector<16xf32>,
        %add3A_1540 = arith.constant 2 : i32
        %add3A_1541 = arith.addi %add3A_814, %add3A_1540 : i32
        %lt3A_1542 = arith.cmpi slt, %add3A_1541, %scan3A_20 : i32
        %convert_element_type3A_1543 = arith.extui %lt3A_1542 : i1 to i32
        %cond3A_1544 = arith.constant 0 : i32
        %cond3A_1545 = arith.cmpi ne, %convert_element_type3A_1543, %cond3A_1544 : i32
        scf.if %cond3A_1545 {
          %add3A_1546 = arith.constant 2 : i32
          %add3A_1547 = arith.addi %add3A_814, %add3A_1546 : i32
          %get3A_1548 = arith.index_cast %add3A_1547 : i32 to index
          %get3A_1549 = tpu.vector_load %arg7[%get3A_1548] {strides = array<i32>} : memref<1040xi32, #tpu.memory_space<vmem>>, vector<16xi32>,
          %slice3A_1550 = vector.extract_strided_slice %get3A_1549 {offsets = [0], sizes = [1], strides = [1]} : vector<16xi32> to vector<1xi32>
          %squeeze3A_1551 = vector.extract %slice3A_1550[0] : i32 from vector<1xi32>
          %dma_start3A_1552 = arith.constant 1 : i32
          %dma_start3A_1553 = arith.constant 0 : i32
          %dma_start3A_1554 = tpu.memref_slice %arg9[%dma_start3A_1552, %dma_start3A_1553] : memref<2x512xf32, #tpu.memory_space<vmem>> -> memref<1x512xf32, #tpu.memory_space<vmem>>
          %dma_start3A_1555 = tpu.memref_squeeze %dma_start3A_1554 : memref<1x512xf32, #tpu.memory_space<vmem>> -> memref<512xf32, #tpu.memory_space<vmem>>
          %dma_start3A_1556 = arith.constant 0 : i32
          %dma_start3A_1557 = tpu.memref_slice %arg11[%squeeze3A_1551, %dma_start3A_1556] : memref<1024x512xf32, #tpu.memory_space<vmem_shared>> -> memref<1x512xf32, #tpu.memory_space<vmem_shared>>
          %dma_start3A_1558 = tpu.memref_squeeze %dma_start3A_1557 : memref<1x512xf32, #tpu.memory_space<vmem_shared>> -> memref<512xf32, #tpu.memory_space<vmem_shared>>
          %dma_start3A_1559 = arith.constant 0 : i32
          %dma_start3A_1560 = tpu.memref_slice %arg9[%dma_start3A_1552, %dma_start3A_1559] : memref<2x512xf32, #tpu.memory_space<vmem>> -> memref<1x512xf32, #tpu.memory_space<vmem>>
          %dma_start3A_1561 = tpu.memref_squeeze %dma_start3A_1560 : memref<1x512xf32, #tpu.memory_space<vmem>> -> memref<512xf32, #tpu.memory_space<vmem>>
          %dma_start3A_1562 = arith.constant 0 : i32
          %dma_start3A_1563 = tpu.memref_slice %arg11[%squeeze3A_1551, %dma_start3A_1562] : memref<1024x512xf32, #tpu.memory_space<vmem_shared>> -> memref<1x512xf32, #tpu.memory_space<vmem_shared>>
          %dma_start3A_1564 = tpu.memref_squeeze %dma_start3A_1563 : memref<1x512xf32, #tpu.memory_space<vmem_shared>> -> memref<512xf32, #tpu.memory_space<vmem_shared>>
          tpu.enqueue_dma source(%dma_start3A_1564 : memref<512xf32, #tpu.memory_space<vmem_shared>>) target(%dma_start3A_1561 : memref<512xf32, #tpu.memory_space<vmem>>) target_semaphore(%arg14 : memref<!tpu.dma_semaphore, #tpu.memory_space<semaphore_mem>>)
        } else {
        }
      } else {
      }
    }
    %while3A_70 = arith.constant 1 : i32
    scf.for %while3A_81 = %while3A_68 to %while3A_64 step %while3A_70  : i32 {
      %mul3A_82 = arith.constant 2 : i32
      %mul3A_83 = arith.muli %mul3A_82, %while3A_81 : i32
      %dma_wait3A_84 = arith.constant 0 : i32
      %dma_wait3A_85 = arith.constant 0 : i32
      %dma_wait3A_86 = arith.constant 0 : i32
      %dma_wait3A_87 = tpu.memref_slice %arg9[%dma_wait3A_85, %dma_wait3A_86] : memref<2x512xf32, #tpu.memory_space<vmem>> -> memref<1x512xf32, #tpu.memory_space<vmem>>
      %dma_wait3A_88 = tpu.memref_squeeze %dma_wait3A_87 : memref<1x512xf32, #tpu.memory_space<vmem>> -> memref<512xf32, #tpu.memory_space<vmem>>
      %dma_wait3A_89 = arith.constant 0 : i32
      %dma_wait3A_90 = tpu.memref_slice %arg2[%dma_wait3A_84, %dma_wait3A_89] : memref<1024x512xf32, #tpu.memory_space<hbm>> -> memref<1x512xf32, #tpu.memory_space<hbm>>
      %dma_wait3A_91 = tpu.memref_squeeze %dma_wait3A_90 : memref<1x512xf32, #tpu.memory_space<hbm>> -> memref<512xf32, #tpu.memory_space<hbm>>
      %dma_wait3A_92 = arith.constant 0 : i32
      %dma_wait3A_93 = tpu.memref_slice %arg9[%dma_wait3A_85, %dma_wait3A_92] : memref<2x512xf32, #tpu.memory_space<vmem>> -> memref<1x512xf32, #tpu.memory_space<vmem>>
      %dma_wait3A_94 = tpu.memref_squeeze %dma_wait3A_93 : memref<1x512xf32, #tpu.memory_space<vmem>> -> memref<512xf32, #tpu.memory_space<vmem>>
      %dma_wait3A_95 = arith.constant 0 : i32
      %dma_wait3A_96 = tpu.memref_slice %arg2[%dma_wait3A_84, %dma_wait3A_95] : memref<1024x512xf32, #tpu.memory_space<hbm>> -> memref<1x512xf32, #tpu.memory_space<hbm>>
      %dma_wait3A_97 = tpu.memref_squeeze %dma_wait3A_96 : memref<1x512xf32, #tpu.memory_space<hbm>> -> memref<512xf32, #tpu.memory_space<hbm>>
      tpu.wait_dma2 semaphore(%arg13 : memref<!tpu.dma_semaphore, #tpu.memory_space<semaphore_mem>>) src(%dma_wait3A_97 : memref<512xf32, #tpu.memory_space<hbm>>) dst(%dma_wait3A_94 : memref<512xf32, #tpu.memory_space<vmem>>)
      %get3A = arith.index_cast %mul3A_83 : i32 to index
      %get3A_98 = tpu.vector_load %arg8[%get3A] {strides = array<i32>} : memref<1040xi32, #tpu.memory_space<vmem>>, vector<16xi32>,
      %slice3A = vector.extract_strided_slice %get3A_98 {offsets = [0], sizes = [1], strides = [1]} : vector<16xi32> to vector<1xi32>
      %squeeze3A = vector.extract %slice3A[0] : i32 from vector<1xi32>
      %broadcast_in_dim3A = arith.constant 0.000000e+00 : f32
      %broadcast_in_dim3A_99 = vector.broadcast %broadcast_in_dim3A : f32 to vector<16xf32>
      %broadcast_in_dim3A_100 = arith.constant 0.000000e+00 : f32
      %broadcast_in_dim3A_101 = vector.broadcast %broadcast_in_dim3A_100 : f32 to vector<16xf32>
      %broadcast_in_dim3A_102 = arith.constant 0.000000e+00 : f32
      %broadcast_in_dim3A_103 = vector.broadcast %broadcast_in_dim3A_102 : f32 to vector<16xf32>
      %broadcast_in_dim3A_104 = arith.constant 0.000000e+00 : f32
      %broadcast_in_dim3A_105 = vector.broadcast %broadcast_in_dim3A_104 : f32 to vector<16xf32>
      %get3A_106 = arith.index_cast %squeeze3A : i32 to index
      %get3A_107 = arith.constant 0 : index
      %get3A_108 = tpu.vector_load %arg10[%get3A_106, %get3A_107] {strides = array<i32>} : memref<32x512xf32, #tpu.memory_space<vmem>>, vector<16xf32>,
      %get3A_109 = arith.constant 0 : i32
      %get3A_110 = arith.index_cast %get3A_109 : i32 to index
      %get3A_111 = arith.constant 0 : index
      %get3A_112 = tpu.vector_load %arg9[%get3A_110, %get3A_111] {strides = array<i32>} : memref<2x512xf32, #tpu.memory_space<vmem>>, vector<16xf32>,
      %mul3A_113 = arith.constant 0.949999988 : f32
      %mul3A_114 = vector.broadcast %mul3A_113 : f32 to vector<16xf32>
      %mul3A_115 = arith.mulf %get3A_108, %mul3A_114 : vector<16xf32>
      %mul3A_116 = arith.constant 5.000000e-02 : f32
      %mul3A_117 = vector.broadcast %mul3A_116 : f32 to vector<16xf32>
      %mul3A_118 = arith.mulf %get3A_112, %mul3A_117 : vector<16xf32>
      %add3A_119 = arith.addf %mul3A_115, %mul3A_118 : vector<16xf32>
      %mul3A_120 = arith.mulf %add3A_119, %add3A_119 : vector<16xf32>
      %add3A_121 = arith.addf %broadcast_in_dim3A_99, %mul3A_120 : vector<16xf32>
      %get3A_122 = arith.index_cast %squeeze3A : i32 to index
      %get3A_123 = arith.constant 16 : index
      %get3A_124 = tpu.vector_load %arg10[%get3A_122, %get3A_123] {strides = array<i32>} : memref<32x512xf32, #tpu.memory_space<vmem>>, vector<16xf32>,
      %get3A_125 = arith.constant 0 : i32
      %get3A_126 = arith.index_cast %get3A_125 : i32 to index
      %get3A_127 = arith.constant 16 : index
      %get3A_128 = tpu.vector_load %arg9[%get3A_126, %get3A_127] {strides = array<i32>} : memref<2x512xf32, #tpu.memory_space<vmem>>, vector<16xf32>,
      %mul3A_129 = arith.constant 0.949999988 : f32
      %mul3A_130 = vector.broadcast %mul3A_129 : f32 to vector<16xf32>
      %mul3A_131 = arith.mulf %get3A_124, %mul3A_130 : vector<16xf32>
      %mul3A_132 = arith.constant 5.000000e-02 : f32
      %mul3A_133 = vector.broadcast %mul3A_132 : f32 to vector<16xf32>
      %mul3A_134 = arith.mulf %get3A_128, %mul3A_133 : vector<16xf32>
      %add3A_135 = arith.addf %mul3A_131, %mul3A_134 : vector<16xf32>
      %mul3A_136 = arith.mulf %add3A_135, %add3A_135 : vector<16xf32>
      %add3A_137 = arith.addf %broadcast_in_dim3A_101, %mul3A_136 : vector<16xf32>
      %get3A_138 = arith.index_cast %squeeze3A : i32 to index
      %get3A_139 = arith.constant 32 : index
      %get3A_140 = tpu.vector_load %arg10[%get3A_138, %get3A_139] {strides = array<i32>} : memref<32x512xf32, #tpu.memory_space<vmem>>, vector<16xf32>,
      %get3A_141 = arith.constant 0 : i32
      %get3A_142 = arith.index_cast %get3A_141 : i32 to index
      %get3A_143 = arith.constant 32 : index
      %get3A_144 = tpu.vector_load %arg9[%get3A_142, %get3A_143] {strides = array<i32>} : memref<2x512xf32, #tpu.memory_space<vmem>>, vector<16xf32>,
      %mul3A_145 = arith.constant 0.949999988 : f32
      %mul3A_146 = vector.broadcast %mul3A_145 : f32 to vector<16xf32>
      %mul3A_147 = arith.mulf %get3A_140, %mul3A_146 : vector<16xf32>
      %mul3A_148 = arith.constant 5.000000e-02 : f32
      %mul3A_149 = vector.broadcast %mul3A_148 : f32 to vector<16xf32>
      %mul3A_150 = arith.mulf %get3A_144, %mul3A_149 : vector<16xf32>
      %add3A_151 = arith.addf %mul3A_147, %mul3A_150 : vector<16xf32>
      %mul3A_152 = arith.mulf %add3A_151, %add3A_151 : vector<16xf32>
      %add3A_153 = arith.addf %broadcast_in_dim3A_103, %mul3A_152 : vector<16xf32>
      %get3A_154 = arith.index_cast %squeeze3A : i32 to index
      %get3A_155 = arith.constant 48 : index
      %get3A_156 = tpu.vector_load %arg10[%get3A_154, %get3A_155] {strides = array<i32>} : memref<32x512xf32, #tpu.memory_space<vmem>>, vector<16xf32>,
      %get3A_157 = arith.constant 0 : i32
      %get3A_158 = arith.index_cast %get3A_157 : i32 to index
      %get3A_159 = arith.constant 48 : index
      %get3A_160 = tpu.vector_load %arg9[%get3A_158, %get3A_159] {strides = array<i32>} : memref<2x512xf32, #tpu.memory_space<vmem>>, vector<16xf32>,
      %mul3A_161 = arith.constant 0.949999988 : f32
      %mul3A_162 = vector.broadcast %mul3A_161 : f32 to vector<16xf32>
      %mul3A_163 = arith.mulf %get3A_156, %mul3A_162 : vector<16xf32>
      %mul3A_164 = arith.constant 5.000000e-02 : f32
      %mul3A_165 = vector.broadcast %mul3A_164 : f32 to vector<16xf32>
      %mul3A_166 = arith.mulf %get3A_160, %mul3A_165 : vector<16xf32>
      %add3A_167 = arith.addf %mul3A_163, %mul3A_166 : vector<16xf32>
      %mul3A_168 = arith.mulf %add3A_167, %add3A_167 : vector<16xf32>
      %add3A_169 = arith.addf %broadcast_in_dim3A_105, %mul3A_168 : vector<16xf32>
      %get3A_170 = arith.index_cast %squeeze3A : i32 to index
      %get3A_171 = arith.constant 64 : index
      %get3A_172 = tpu.vector_load %arg10[%get3A_170, %get3A_171] {strides = array<i32>} : memref<32x512xf32, #tpu.memory_space<vmem>>, vector<16xf32>,
      %get3A_173 = arith.constant 0 : i32
      %get3A_174 = arith.index_cast %get3A_173 : i32 to index
      %get3A_175 = arith.constant 64 : index
      %get3A_176 = tpu.vector_load %arg9[%get3A_174, %get3A_175] {strides = array<i32>} : memref<2x512xf32, #tpu.memory_space<vmem>>, vector<16xf32>,
      %mul3A_177 = arith.constant 0.949999988 : f32
      %mul3A_178 = vector.broadcast %mul3A_177 : f32 to vector<16xf32>
      %mul3A_179 = arith.mulf %get3A_172, %mul3A_178 : vector<16xf32>
      %mul3A_180 = arith.constant 5.000000e-02 : f32
      %mul3A_181 = vector.broadcast %mul3A_180 : f32 to vector<16xf32>
      %mul3A_182 = arith.mulf %get3A_176, %mul3A_181 : vector<16xf32>
      %add3A_183 = arith.addf %mul3A_179, %mul3A_182 : vector<16xf32>
      %mul3A_184 = arith.mulf %add3A_183, %add3A_183 : vector<16xf32>
      %add3A_185 = arith.addf %add3A_121, %mul3A_184 : vector<16xf32>
      %get3A_186 = arith.index_cast %squeeze3A : i32 to index
      %get3A_187 = arith.constant 80 : index
      %get3A_188 = tpu.vector_load %arg10[%get3A_186, %get3A_187] {strides = array<i32>} : memref<32x512xf32, #tpu.memory_space<vmem>>, vector<16xf32>,
      %get3A_189 = arith.constant 0 : i32
      %get3A_190 = arith.index_cast %get3A_189 : i32 to index
      %get3A_191 = arith.constant 80 : index
      %get3A_192 = tpu.vector_load %arg9[%get3A_190, %get3A_191] {strides = array<i32>} : memref<2x512xf32, #tpu.memory_space<vmem>>, vector<16xf32>,
      %mul3A_193 = arith.constant 0.949999988 : f32
      %mul3A_194 = vector.broadcast %mul3A_193 : f32 to vector<16xf32>
      %mul3A_195 = arith.mulf %get3A_188, %mul3A_194 : vector<16xf32>
      %mul3A_196 = arith.constant 5.000000e-02 : f32
      %mul3A_197 = vector.broadcast %mul3A_196 : f32 to vector<16xf32>
      %mul3A_198 = arith.mulf %get3A_192, %mul3A_197 : vector<16xf32>
      %add3A_199 = arith.addf %mul3A_195, %mul3A_198 : vector<16xf32>
      %mul3A_200 = arith.mulf %add3A_199, %add3A_199 : vector<16xf32>
      %add3A_201 = arith.addf %add3A_137, %mul3A_200 : vector<16xf32>
      %get3A_202 = arith.index_cast %squeeze3A : i32 to index
      %get3A_203 = arith.constant 96 : index
      %get3A_204 = tpu.vector_load %arg10[%get3A_202, %get3A_203] {strides = array<i32>} : memref<32x512xf32, #tpu.memory_space<vmem>>, vector<16xf32>,
      %get3A_205 = arith.constant 0 : i32
      %get3A_206 = arith.index_cast %get3A_205 : i32 to index
      %get3A_207 = arith.constant 96 : index
      %get3A_208 = tpu.vector_load %arg9[%get3A_206, %get3A_207] {strides = array<i32>} : memref<2x512xf32, #tpu.memory_space<vmem>>, vector<16xf32>,
      %mul3A_209 = arith.constant 0.949999988 : f32
      %mul3A_210 = vector.broadcast %mul3A_209 : f32 to vector<16xf32>
      %mul3A_211 = arith.mulf %get3A_204, %mul3A_210 : vector<16xf32>
      %mul3A_212 = arith.constant 5.000000e-02 : f32
      %mul3A_213 = vector.broadcast %mul3A_212 : f32 to vector<16xf32>
      %mul3A_214 = arith.mulf %get3A_208, %mul3A_213 : vector<16xf32>
      %add3A_215 = arith.addf %mul3A_211, %mul3A_214 : vector<16xf32>
      %mul3A_216 = arith.mulf %add3A_215, %add3A_215 : vector<16xf32>
      %add3A_217 = arith.addf %add3A_153, %mul3A_216 : vector<16xf32>
      %get3A_218 = arith.index_cast %squeeze3A : i32 to index
      %get3A_219 = arith.constant 112 : index
      %get3A_220 = tpu.vector_load %arg10[%get3A_218, %get3A_219] {strides = array<i32>} : memref<32x512xf32, #tpu.memory_space<vmem>>, vector<16xf32>,
      %get3A_221 = arith.constant 0 : i32
      %get3A_222 = arith.index_cast %get3A_221 : i32 to index
      %get3A_223 = arith.constant 112 : index
      %get3A_224 = tpu.vector_load %arg9[%get3A_222, %get3A_223] {strides = array<i32>} : memref<2x512xf32, #tpu.memory_space<vmem>>, vector<16xf32>,
      %mul3A_225 = arith.constant 0.949999988 : f32
      %mul3A_226 = vector.broadcast %mul3A_225 : f32 to vector<16xf32>
      %mul3A_227 = arith.mulf %get3A_220, %mul3A_226 : vector<16xf32>
      %mul3A_228 = arith.constant 5.000000e-02 : f32
      %mul3A_229 = vector.broadcast %mul3A_228 : f32 to vector<16xf32>
      %mul3A_230 = arith.mulf %get3A_224, %mul3A_229 : vector<16xf32>
      %add3A_231 = arith.addf %mul3A_227, %mul3A_230 : vector<16xf32>
      %mul3A_232 = arith.mulf %add3A_231, %add3A_231 : vector<16xf32>
      %add3A_233 = arith.addf %add3A_169, %mul3A_232 : vector<16xf32>
      %get3A_234 = arith.index_cast %squeeze3A : i32 to index
      %get3A_235 = arith.constant 128 : index
      %get3A_236 = tpu.vector_load %arg10[%get3A_234, %get3A_235] {strides = array<i32>} : memref<32x512xf32, #tpu.memory_space<vmem>>, vector<16xf32>,
      %get3A_237 = arith.constant 0 : i32
      %get3A_238 = arith.index_cast %get3A_237 : i32 to index
      %get3A_239 = arith.constant 128 : index
      %get3A_240 = tpu.vector_load %arg9[%get3A_238, %get3A_239] {strides = array<i32>} : memref<2x512xf32, #tpu.memory_space<vmem>>, vector<16xf32>,
      %mul3A_241 = arith.constant 0.949999988 : f32
      %mul3A_242 = vector.broadcast %mul3A_241 : f32 to vector<16xf32>
      %mul3A_243 = arith.mulf %get3A_236, %mul3A_242 : vector<16xf32>
      %mul3A_244 = arith.constant 5.000000e-02 : f32
      %mul3A_245 = vector.broadcast %mul3A_244 : f32 to vector<16xf32>
      %mul3A_246 = arith.mulf %get3A_240, %mul3A_245 : vector<16xf32>
      %add3A_247 = arith.addf %mul3A_243, %mul3A_246 : vector<16xf32>
      %mul3A_248 = arith.mulf %add3A_247, %add3A_247 : vector<16xf32>
      %add3A_249 = arith.addf %add3A_185, %mul3A_248 : vector<16xf32>
      %get3A_250 = arith.index_cast %squeeze3A : i32 to index
      %get3A_251 = arith.constant 144 : index
      %get3A_252 = tpu.vector_load %arg10[%get3A_250, %get3A_251] {strides = array<i32>} : memref<32x512xf32, #tpu.memory_space<vmem>>, vector<16xf32>,
      %get3A_253 = arith.constant 0 : i32
      %get3A_254 = arith.index_cast %get3A_253 : i32 to index
      %get3A_255 = arith.constant 144 : index
      %get3A_256 = tpu.vector_load %arg9[%get3A_254, %get3A_255] {strides = array<i32>} : memref<2x512xf32, #tpu.memory_space<vmem>>, vector<16xf32>,
      %mul3A_257 = arith.constant 0.949999988 : f32
      %mul3A_258 = vector.broadcast %mul3A_257 : f32 to vector<16xf32>
      %mul3A_259 = arith.mulf %get3A_252, %mul3A_258 : vector<16xf32>
      %mul3A_260 = arith.constant 5.000000e-02 : f32
      %mul3A_261 = vector.broadcast %mul3A_260 : f32 to vector<16xf32>
      %mul3A_262 = arith.mulf %get3A_256, %mul3A_261 : vector<16xf32>
      %add3A_263 = arith.addf %mul3A_259, %mul3A_262 : vector<16xf32>
      %mul3A_264 = arith.mulf %add3A_263, %add3A_263 : vector<16xf32>
      %add3A_265 = arith.addf %add3A_201, %mul3A_264 : vector<16xf32>
      %get3A_266 = arith.index_cast %squeeze3A : i32 to index
      %get3A_267 = arith.constant 160 : index
      %get3A_268 = tpu.vector_load %arg10[%get3A_266, %get3A_267] {strides = array<i32>} : memref<32x512xf32, #tpu.memory_space<vmem>>, vector<16xf32>,
      %get3A_269 = arith.constant 0 : i32
      %get3A_270 = arith.index_cast %get3A_269 : i32 to index
      %get3A_271 = arith.constant 160 : index
      %get3A_272 = tpu.vector_load %arg9[%get3A_270, %get3A_271] {strides = array<i32>} : memref<2x512xf32, #tpu.memory_space<vmem>>, vector<16xf32>,
      %mul3A_273 = arith.constant 0.949999988 : f32
      %mul3A_274 = vector.broadcast %mul3A_273 : f32 to vector<16xf32>
      %mul3A_275 = arith.mulf %get3A_268, %mul3A_274 : vector<16xf32>
      %mul3A_276 = arith.constant 5.000000e-02 : f32
      %mul3A_277 = vector.broadcast %mul3A_276 : f32 to vector<16xf32>
      %mul3A_278 = arith.mulf %get3A_272, %mul3A_277 : vector<16xf32>
      %add3A_279 = arith.addf %mul3A_275, %mul3A_278 : vector<16xf32>
      %mul3A_280 = arith.mulf %add3A_279, %add3A_279 : vector<16xf32>
      %add3A_281 = arith.addf %add3A_217, %mul3A_280 : vector<16xf32>
      %get3A_282 = arith.index_cast %squeeze3A : i32 to index
      %get3A_283 = arith.constant 176 : index
      %get3A_284 = tpu.vector_load %arg10[%get3A_282, %get3A_283] {strides = array<i32>} : memref<32x512xf32, #tpu.memory_space<vmem>>, vector<16xf32>,
      %get3A_285 = arith.constant 0 : i32
      %get3A_286 = arith.index_cast %get3A_285 : i32 to index
      %get3A_287 = arith.constant 176 : index
      %get3A_288 = tpu.vector_load %arg9[%get3A_286, %get3A_287] {strides = array<i32>} : memref<2x512xf32, #tpu.memory_space<vmem>>, vector<16xf32>,
      %mul3A_289 = arith.constant 0.949999988 : f32
      %mul3A_290 = vector.broadcast %mul3A_289 : f32 to vector<16xf32>
      %mul3A_291 = arith.mulf %get3A_284, %mul3A_290 : vector<16xf32>
      %mul3A_292 = arith.constant 5.000000e-02 : f32
      %mul3A_293 = vector.broadcast %mul3A_292 : f32 to vector<16xf32>
      %mul3A_294 = arith.mulf %get3A_288, %mul3A_293 : vector<16xf32>
      %add3A_295 = arith.addf %mul3A_291, %mul3A_294 : vector<16xf32>
      %mul3A_296 = arith.mulf %add3A_295, %add3A_295 : vector<16xf32>
      %add3A_297 = arith.addf %add3A_233, %mul3A_296 : vector<16xf32>
      %get3A_298 = arith.index_cast %squeeze3A : i32 to index
      %get3A_299 = arith.constant 192 : index
      %get3A_300 = tpu.vector_load %arg10[%get3A_298, %get3A_299] {strides = array<i32>} : memref<32x512xf32, #tpu.memory_space<vmem>>, vector<16xf32>,
      %get3A_301 = arith.constant 0 : i32
      %get3A_302 = arith.index_cast %get3A_301 : i32 to index
      %get3A_303 = arith.constant 192 : index
      %get3A_304 = tpu.vector_load %arg9[%get3A_302, %get3A_303] {strides = array<i32>} : memref<2x512xf32, #tpu.memory_space<vmem>>, vector<16xf32>,
      %mul3A_305 = arith.constant 0.949999988 : f32
      %mul3A_306 = vector.broadcast %mul3A_305 : f32 to vector<16xf32>
      %mul3A_307 = arith.mulf %get3A_300, %mul3A_306 : vector<16xf32>
      %mul3A_308 = arith.constant 5.000000e-02 : f32
      %mul3A_309 = vector.broadcast %mul3A_308 : f32 to vector<16xf32>
      %mul3A_310 = arith.mulf %get3A_304, %mul3A_309 : vector<16xf32>
      %add3A_311 = arith.addf %mul3A_307, %mul3A_310 : vector<16xf32>
      %mul3A_312 = arith.mulf %add3A_311, %add3A_311 : vector<16xf32>
      %add3A_313 = arith.addf %add3A_249, %mul3A_312 : vector<16xf32>
      %get3A_314 = arith.index_cast %squeeze3A : i32 to index
      %get3A_315 = arith.constant 208 : index
      %get3A_316 = tpu.vector_load %arg10[%get3A_314, %get3A_315] {strides = array<i32>} : memref<32x512xf32, #tpu.memory_space<vmem>>, vector<16xf32>,
      %get3A_317 = arith.constant 0 : i32
      %get3A_318 = arith.index_cast %get3A_317 : i32 to index
      %get3A_319 = arith.constant 208 : index
      %get3A_320 = tpu.vector_load %arg9[%get3A_318, %get3A_319] {strides = array<i32>} : memref<2x512xf32, #tpu.memory_space<vmem>>, vector<16xf32>,
      %mul3A_321 = arith.constant 0.949999988 : f32
      %mul3A_322 = vector.broadcast %mul3A_321 : f32 to vector<16xf32>
      %mul3A_323 = arith.mulf %get3A_316, %mul3A_322 : vector<16xf32>
      %mul3A_324 = arith.constant 5.000000e-02 : f32
      %mul3A_325 = vector.broadcast %mul3A_324 : f32 to vector<16xf32>
      %mul3A_326 = arith.mulf %get3A_320, %mul3A_325 : vector<16xf32>
      %add3A_327 = arith.addf %mul3A_323, %mul3A_326 : vector<16xf32>
      %mul3A_328 = arith.mulf %add3A_327, %add3A_327 : vector<16xf32>
      %add3A_329 = arith.addf %add3A_265, %mul3A_328 : vector<16xf32>
      %get3A_330 = arith.index_cast %squeeze3A : i32 to index
      %get3A_331 = arith.constant 224 : index
      %get3A_332 = tpu.vector_load %arg10[%get3A_330, %get3A_331] {strides = array<i32>} : memref<32x512xf32, #tpu.memory_space<vmem>>, vector<16xf32>,
      %get3A_333 = arith.constant 0 : i32
      %get3A_334 = arith.index_cast %get3A_333 : i32 to index
      %get3A_335 = arith.constant 224 : index
      %get3A_336 = tpu.vector_load %arg9[%get3A_334, %get3A_335] {strides = array<i32>} : memref<2x512xf32, #tpu.memory_space<vmem>>, vector<16xf32>,
      %mul3A_337 = arith.constant 0.949999988 : f32
      %mul3A_338 = vector.broadcast %mul3A_337 : f32 to vector<16xf32>
      %mul3A_339 = arith.mulf %get3A_332, %mul3A_338 : vector<16xf32>
      %mul3A_340 = arith.constant 5.000000e-02 : f32
      %mul3A_341 = vector.broadcast %mul3A_340 : f32 to vector<16xf32>
      %mul3A_342 = arith.mulf %get3A_336, %mul3A_341 : vector<16xf32>
      %add3A_343 = arith.addf %mul3A_339, %mul3A_342 : vector<16xf32>
      %mul3A_344 = arith.mulf %add3A_343, %add3A_343 : vector<16xf32>
      %add3A_345 = arith.addf %add3A_281, %mul3A_344 : vector<16xf32>
      %get3A_346 = arith.index_cast %squeeze3A : i32 to index
      %get3A_347 = arith.constant 240 : index
      %get3A_348 = tpu.vector_load %arg10[%get3A_346, %get3A_347] {strides = array<i32>} : memref<32x512xf32, #tpu.memory_space<vmem>>, vector<16xf32>,
      %get3A_349 = arith.constant 0 : i32
      %get3A_350 = arith.index_cast %get3A_349 : i32 to index
      %get3A_351 = arith.constant 240 : index
      %get3A_352 = tpu.vector_load %arg9[%get3A_350, %get3A_351] {strides = array<i32>} : memref<2x512xf32, #tpu.memory_space<vmem>>, vector<16xf32>,
      %mul3A_353 = arith.constant 0.949999988 : f32
      %mul3A_354 = vector.broadcast %mul3A_353 : f32 to vector<16xf32>
      %mul3A_355 = arith.mulf %get3A_348, %mul3A_354 : vector<16xf32>
      %mul3A_356 = arith.constant 5.000000e-02 : f32
      %mul3A_357 = vector.broadcast %mul3A_356 : f32 to vector<16xf32>
      %mul3A_358 = arith.mulf %get3A_352, %mul3A_357 : vector<16xf32>
      %add3A_359 = arith.addf %mul3A_355, %mul3A_358 : vector<16xf32>
      %mul3A_360 = arith.mulf %add3A_359, %add3A_359 : vector<16xf32>
      %add3A_361 = arith.addf %add3A_297, %mul3A_360 : vector<16xf32>
      %get3A_362 = arith.index_cast %squeeze3A : i32 to index
      %get3A_363 = arith.constant 256 : index
      %get3A_364 = tpu.vector_load %arg10[%get3A_362, %get3A_363] {strides = array<i32>} : memref<32x512xf32, #tpu.memory_space<vmem>>, vector<16xf32>,
      %get3A_365 = arith.constant 0 : i32
      %get3A_366 = arith.index_cast %get3A_365 : i32 to index
      %get3A_367 = arith.constant 256 : index
      %get3A_368 = tpu.vector_load %arg9[%get3A_366, %get3A_367] {strides = array<i32>} : memref<2x512xf32, #tpu.memory_space<vmem>>, vector<16xf32>,
      %mul3A_369 = arith.constant 0.949999988 : f32
      %mul3A_370 = vector.broadcast %mul3A_369 : f32 to vector<16xf32>
      %mul3A_371 = arith.mulf %get3A_364, %mul3A_370 : vector<16xf32>
      %mul3A_372 = arith.constant 5.000000e-02 : f32
      %mul3A_373 = vector.broadcast %mul3A_372 : f32 to vector<16xf32>
      %mul3A_374 = arith.mulf %get3A_368, %mul3A_373 : vector<16xf32>
      %add3A_375 = arith.addf %mul3A_371, %mul3A_374 : vector<16xf32>
      %mul3A_376 = arith.mulf %add3A_375, %add3A_375 : vector<16xf32>
      %add3A_377 = arith.addf %add3A_313, %mul3A_376 : vector<16xf32>
      %get3A_378 = arith.index_cast %squeeze3A : i32 to index
      %get3A_379 = arith.constant 272 : index
      %get3A_380 = tpu.vector_load %arg10[%get3A_378, %get3A_379] {strides = array<i32>} : memref<32x512xf32, #tpu.memory_space<vmem>>, vector<16xf32>,
      %get3A_381 = arith.constant 0 : i32
      %get3A_382 = arith.index_cast %get3A_381 : i32 to index
      %get3A_383 = arith.constant 272 : index
      %get3A_384 = tpu.vector_load %arg9[%get3A_382, %get3A_383] {strides = array<i32>} : memref<2x512xf32, #tpu.memory_space<vmem>>, vector<16xf32>,
      %mul3A_385 = arith.constant 0.949999988 : f32
      %mul3A_386 = vector.broadcast %mul3A_385 : f32 to vector<16xf32>
      %mul3A_387 = arith.mulf %get3A_380, %mul3A_386 : vector<16xf32>
      %mul3A_388 = arith.constant 5.000000e-02 : f32
      %mul3A_389 = vector.broadcast %mul3A_388 : f32 to vector<16xf32>
      %mul3A_390 = arith.mulf %get3A_384, %mul3A_389 : vector<16xf32>
      %add3A_391 = arith.addf %mul3A_387, %mul3A_390 : vector<16xf32>
      %mul3A_392 = arith.mulf %add3A_391, %add3A_391 : vector<16xf32>
      %add3A_393 = arith.addf %add3A_329, %mul3A_392 : vector<16xf32>
      %get3A_394 = arith.index_cast %squeeze3A : i32 to index
      %get3A_395 = arith.constant 288 : index
      %get3A_396 = tpu.vector_load %arg10[%get3A_394, %get3A_395] {strides = array<i32>} : memref<32x512xf32, #tpu.memory_space<vmem>>, vector<16xf32>,
      %get3A_397 = arith.constant 0 : i32
      %get3A_398 = arith.index_cast %get3A_397 : i32 to index
      %get3A_399 = arith.constant 288 : index
      %get3A_400 = tpu.vector_load %arg9[%get3A_398, %get3A_399] {strides = array<i32>} : memref<2x512xf32, #tpu.memory_space<vmem>>, vector<16xf32>,
      %mul3A_401 = arith.constant 0.949999988 : f32
      %mul3A_402 = vector.broadcast %mul3A_401 : f32 to vector<16xf32>
      %mul3A_403 = arith.mulf %get3A_396, %mul3A_402 : vector<16xf32>
      %mul3A_404 = arith.constant 5.000000e-02 : f32
      %mul3A_405 = vector.broadcast %mul3A_404 : f32 to vector<16xf32>
      %mul3A_406 = arith.mulf %get3A_400, %mul3A_405 : vector<16xf32>
      %add3A_407 = arith.addf %mul3A_403, %mul3A_406 : vector<16xf32>
      %mul3A_408 = arith.mulf %add3A_407, %add3A_407 : vector<16xf32>
      %add3A_409 = arith.addf %add3A_345, %mul3A_408 : vector<16xf32>
      %get3A_410 = arith.index_cast %squeeze3A : i32 to index
      %get3A_411 = arith.constant 304 : index
      %get3A_412 = tpu.vector_load %arg10[%get3A_410, %get3A_411] {strides = array<i32>} : memref<32x512xf32, #tpu.memory_space<vmem>>, vector<16xf32>,
      %get3A_413 = arith.constant 0 : i32
      %get3A_414 = arith.index_cast %get3A_413 : i32 to index
      %get3A_415 = arith.constant 304 : index
      %get3A_416 = tpu.vector_load %arg9[%get3A_414, %get3A_415] {strides = array<i32>} : memref<2x512xf32, #tpu.memory_space<vmem>>, vector<16xf32>,
      %mul3A_417 = arith.constant 0.949999988 : f32
      %mul3A_418 = vector.broadcast %mul3A_417 : f32 to vector<16xf32>
      %mul3A_419 = arith.mulf %get3A_412, %mul3A_418 : vector<16xf32>
      %mul3A_420 = arith.constant 5.000000e-02 : f32
      %mul3A_421 = vector.broadcast %mul3A_420 : f32 to vector<16xf32>
      %mul3A_422 = arith.mulf %get3A_416, %mul3A_421 : vector<16xf32>
      %add3A_423 = arith.addf %mul3A_419, %mul3A_422 : vector<16xf32>
      %mul3A_424 = arith.mulf %add3A_423, %add3A_423 : vector<16xf32>
      %add3A_425 = arith.addf %add3A_361, %mul3A_424 : vector<16xf32>
      %get3A_426 = arith.index_cast %squeeze3A : i32 to index
      %get3A_427 = arith.constant 320 : index
      %get3A_428 = tpu.vector_load %arg10[%get3A_426, %get3A_427] {strides = array<i32>} : memref<32x512xf32, #tpu.memory_space<vmem>>, vector<16xf32>,
      %get3A_429 = arith.constant 0 : i32
      %get3A_430 = arith.index_cast %get3A_429 : i32 to index
      %get3A_431 = arith.constant 320 : index
      %get3A_432 = tpu.vector_load %arg9[%get3A_430, %get3A_431] {strides = array<i32>} : memref<2x512xf32, #tpu.memory_space<vmem>>, vector<16xf32>,
      %mul3A_433 = arith.constant 0.949999988 : f32
      %mul3A_434 = vector.broadcast %mul3A_433 : f32 to vector<16xf32>
      %mul3A_435 = arith.mulf %get3A_428, %mul3A_434 : vector<16xf32>
      %mul3A_436 = arith.constant 5.000000e-02 : f32
      %mul3A_437 = vector.broadcast %mul3A_436 : f32 to vector<16xf32>
      %mul3A_438 = arith.mulf %get3A_432, %mul3A_437 : vector<16xf32>
      %add3A_439 = arith.addf %mul3A_435, %mul3A_438 : vector<16xf32>
      %mul3A_440 = arith.mulf %add3A_439, %add3A_439 : vector<16xf32>
      %add3A_441 = arith.addf %add3A_377, %mul3A_440 : vector<16xf32>
      %get3A_442 = arith.index_cast %squeeze3A : i32 to index
      %get3A_443 = arith.constant 336 : index
      %get3A_444 = tpu.vector_load %arg10[%get3A_442, %get3A_443] {strides = array<i32>} : memref<32x512xf32, #tpu.memory_space<vmem>>, vector<16xf32>,
      %get3A_445 = arith.constant 0 : i32
      %get3A_446 = arith.index_cast %get3A_445 : i32 to index
      %get3A_447 = arith.constant 336 : index
      %get3A_448 = tpu.vector_load %arg9[%get3A_446, %get3A_447] {strides = array<i32>} : memref<2x512xf32, #tpu.memory_space<vmem>>, vector<16xf32>,
      %mul3A_449 = arith.constant 0.949999988 : f32
      %mul3A_450 = vector.broadcast %mul3A_449 : f32 to vector<16xf32>
      %mul3A_451 = arith.mulf %get3A_444, %mul3A_450 : vector<16xf32>
      %mul3A_452 = arith.constant 5.000000e-02 : f32
      %mul3A_453 = vector.broadcast %mul3A_452 : f32 to vector<16xf32>
      %mul3A_454 = arith.mulf %get3A_448, %mul3A_453 : vector<16xf32>
      %add3A_455 = arith.addf %mul3A_451, %mul3A_454 : vector<16xf32>
      %mul3A_456 = arith.mulf %add3A_455, %add3A_455 : vector<16xf32>
      %add3A_457 = arith.addf %add3A_393, %mul3A_456 : vector<16xf32>
      %get3A_458 = arith.index_cast %squeeze3A : i32 to index
      %get3A_459 = arith.constant 352 : index
      %get3A_460 = tpu.vector_load %arg10[%get3A_458, %get3A_459] {strides = array<i32>} : memref<32x512xf32, #tpu.memory_space<vmem>>, vector<16xf32>,
      %get3A_461 = arith.constant 0 : i32
      %get3A_462 = arith.index_cast %get3A_461 : i32 to index
      %get3A_463 = arith.constant 352 : index
      %get3A_464 = tpu.vector_load %arg9[%get3A_462, %get3A_463] {strides = array<i32>} : memref<2x512xf32, #tpu.memory_space<vmem>>, vector<16xf32>,
      %mul3A_465 = arith.constant 0.949999988 : f32
      %mul3A_466 = vector.broadcast %mul3A_465 : f32 to vector<16xf32>
      %mul3A_467 = arith.mulf %get3A_460, %mul3A_466 : vector<16xf32>
      %mul3A_468 = arith.constant 5.000000e-02 : f32
      %mul3A_469 = vector.broadcast %mul3A_468 : f32 to vector<16xf32>
      %mul3A_470 = arith.mulf %get3A_464, %mul3A_469 : vector<16xf32>
      %add3A_471 = arith.addf %mul3A_467, %mul3A_470 : vector<16xf32>
      %mul3A_472 = arith.mulf %add3A_471, %add3A_471 : vector<16xf32>
      %add3A_473 = arith.addf %add3A_409, %mul3A_472 : vector<16xf32>
      %get3A_474 = arith.index_cast %squeeze3A : i32 to index
      %get3A_475 = arith.constant 368 : index
      %get3A_476 = tpu.vector_load %arg10[%get3A_474, %get3A_475] {strides = array<i32>} : memref<32x512xf32, #tpu.memory_space<vmem>>, vector<16xf32>,
      %get3A_477 = arith.constant 0 : i32
      %get3A_478 = arith.index_cast %get3A_477 : i32 to index
      %get3A_479 = arith.constant 368 : index
      %get3A_480 = tpu.vector_load %arg9[%get3A_478, %get3A_479] {strides = array<i32>} : memref<2x512xf32, #tpu.memory_space<vmem>>, vector<16xf32>,
      %mul3A_481 = arith.constant 0.949999988 : f32
      %mul3A_482 = vector.broadcast %mul3A_481 : f32 to vector<16xf32>
      %mul3A_483 = arith.mulf %get3A_476, %mul3A_482 : vector<16xf32>
      %mul3A_484 = arith.constant 5.000000e-02 : f32
      %mul3A_485 = vector.broadcast %mul3A_484 : f32 to vector<16xf32>
      %mul3A_486 = arith.mulf %get3A_480, %mul3A_485 : vector<16xf32>
      %add3A_487 = arith.addf %mul3A_483, %mul3A_486 : vector<16xf32>
      %mul3A_488 = arith.mulf %add3A_487, %add3A_487 : vector<16xf32>
      %add3A_489 = arith.addf %add3A_425, %mul3A_488 : vector<16xf32>
      %get3A_490 = arith.index_cast %squeeze3A : i32 to index
      %get3A_491 = arith.constant 384 : index
      %get3A_492 = tpu.vector_load %arg10[%get3A_490, %get3A_491] {strides = array<i32>} : memref<32x512xf32, #tpu.memory_space<vmem>>, vector<16xf32>,
      %get3A_493 = arith.constant 0 : i32
      %get3A_494 = arith.index_cast %get3A_493 : i32 to index
      %get3A_495 = arith.constant 384 : index
      %get3A_496 = tpu.vector_load %arg9[%get3A_494, %get3A_495] {strides = array<i32>} : memref<2x512xf32, #tpu.memory_space<vmem>>, vector<16xf32>,
      %mul3A_497 = arith.constant 0.949999988 : f32
      %mul3A_498 = vector.broadcast %mul3A_497 : f32 to vector<16xf32>
      %mul3A_499 = arith.mulf %get3A_492, %mul3A_498 : vector<16xf32>
      %mul3A_500 = arith.constant 5.000000e-02 : f32
      %mul3A_501 = vector.broadcast %mul3A_500 : f32 to vector<16xf32>
      %mul3A_502 = arith.mulf %get3A_496, %mul3A_501 : vector<16xf32>
      %add3A_503 = arith.addf %mul3A_499, %mul3A_502 : vector<16xf32>
      %mul3A_504 = arith.mulf %add3A_503, %add3A_503 : vector<16xf32>
      %add3A_505 = arith.addf %add3A_441, %mul3A_504 : vector<16xf32>
      %get3A_506 = arith.index_cast %squeeze3A : i32 to index
      %get3A_507 = arith.constant 400 : index
      %get3A_508 = tpu.vector_load %arg10[%get3A_506, %get3A_507] {strides = array<i32>} : memref<32x512xf32, #tpu.memory_space<vmem>>, vector<16xf32>,
      %get3A_509 = arith.constant 0 : i32
      %get3A_510 = arith.index_cast %get3A_509 : i32 to index
      %get3A_511 = arith.constant 400 : index
      %get3A_512 = tpu.vector_load %arg9[%get3A_510, %get3A_511] {strides = array<i32>} : memref<2x512xf32, #tpu.memory_space<vmem>>, vector<16xf32>,
      %mul3A_513 = arith.constant 0.949999988 : f32
      %mul3A_514 = vector.broadcast %mul3A_513 : f32 to vector<16xf32>
      %mul3A_515 = arith.mulf %get3A_508, %mul3A_514 : vector<16xf32>
      %mul3A_516 = arith.constant 5.000000e-02 : f32
      %mul3A_517 = vector.broadcast %mul3A_516 : f32 to vector<16xf32>
      %mul3A_518 = arith.mulf %get3A_512, %mul3A_517 : vector<16xf32>
      %add3A_519 = arith.addf %mul3A_515, %mul3A_518 : vector<16xf32>
      %mul3A_520 = arith.mulf %add3A_519, %add3A_519 : vector<16xf32>
      %add3A_521 = arith.addf %add3A_457, %mul3A_520 : vector<16xf32>
      %get3A_522 = arith.index_cast %squeeze3A : i32 to index
      %get3A_523 = arith.constant 416 : index
      %get3A_524 = tpu.vector_load %arg10[%get3A_522, %get3A_523] {strides = array<i32>} : memref<32x512xf32, #tpu.memory_space<vmem>>, vector<16xf32>,
      %get3A_525 = arith.constant 0 : i32
      %get3A_526 = arith.index_cast %get3A_525 : i32 to index
      %get3A_527 = arith.constant 416 : index
      %get3A_528 = tpu.vector_load %arg9[%get3A_526, %get3A_527] {strides = array<i32>} : memref<2x512xf32, #tpu.memory_space<vmem>>, vector<16xf32>,
      %mul3A_529 = arith.constant 0.949999988 : f32
      %mul3A_530 = vector.broadcast %mul3A_529 : f32 to vector<16xf32>
      %mul3A_531 = arith.mulf %get3A_524, %mul3A_530 : vector<16xf32>
      %mul3A_532 = arith.constant 5.000000e-02 : f32
      %mul3A_533 = vector.broadcast %mul3A_532 : f32 to vector<16xf32>
      %mul3A_534 = arith.mulf %get3A_528, %mul3A_533 : vector<16xf32>
      %add3A_535 = arith.addf %mul3A_531, %mul3A_534 : vector<16xf32>
      %mul3A_536 = arith.mulf %add3A_535, %add3A_535 : vector<16xf32>
      %add3A_537 = arith.addf %add3A_473, %mul3A_536 : vector<16xf32>
      %get3A_538 = arith.index_cast %squeeze3A : i32 to index
      %get3A_539 = arith.constant 432 : index
      %get3A_540 = tpu.vector_load %arg10[%get3A_538, %get3A_539] {strides = array<i32>} : memref<32x512xf32, #tpu.memory_space<vmem>>, vector<16xf32>,
      %get3A_541 = arith.constant 0 : i32
      %get3A_542 = arith.index_cast %get3A_541 : i32 to index
      %get3A_543 = arith.constant 432 : index
      %get3A_544 = tpu.vector_load %arg9[%get3A_542, %get3A_543] {strides = array<i32>} : memref<2x512xf32, #tpu.memory_space<vmem>>, vector<16xf32>,
      %mul3A_545 = arith.constant 0.949999988 : f32
      %mul3A_546 = vector.broadcast %mul3A_545 : f32 to vector<16xf32>
      %mul3A_547 = arith.mulf %get3A_540, %mul3A_546 : vector<16xf32>
      %mul3A_548 = arith.constant 5.000000e-02 : f32
      %mul3A_549 = vector.broadcast %mul3A_548 : f32 to vector<16xf32>
      %mul3A_550 = arith.mulf %get3A_544, %mul3A_549 : vector<16xf32>
      %add3A_551 = arith.addf %mul3A_547, %mul3A_550 : vector<16xf32>
      %mul3A_552 = arith.mulf %add3A_551, %add3A_551 : vector<16xf32>
      %add3A_553 = arith.addf %add3A_489, %mul3A_552 : vector<16xf32>
      %get3A_554 = arith.index_cast %squeeze3A : i32 to index
      %get3A_555 = arith.constant 448 : index
      %get3A_556 = tpu.vector_load %arg10[%get3A_554, %get3A_555] {strides = array<i32>} : memref<32x512xf32, #tpu.memory_space<vmem>>, vector<16xf32>,
      %get3A_557 = arith.constant 0 : i32
      %get3A_558 = arith.index_cast %get3A_557 : i32 to index
      %get3A_559 = arith.constant 448 : index
      %get3A_560 = tpu.vector_load %arg9[%get3A_558, %get3A_559] {strides = array<i32>} : memref<2x512xf32, #tpu.memory_space<vmem>>, vector<16xf32>,
      %mul3A_561 = arith.constant 0.949999988 : f32
      %mul3A_562 = vector.broadcast %mul3A_561 : f32 to vector<16xf32>
      %mul3A_563 = arith.mulf %get3A_556, %mul3A_562 : vector<16xf32>
      %mul3A_564 = arith.constant 5.000000e-02 : f32
      %mul3A_565 = vector.broadcast %mul3A_564 : f32 to vector<16xf32>
      %mul3A_566 = arith.mulf %get3A_560, %mul3A_565 : vector<16xf32>
      %add3A_567 = arith.addf %mul3A_563, %mul3A_566 : vector<16xf32>
      %mul3A_568 = arith.mulf %add3A_567, %add3A_567 : vector<16xf32>
      %add3A_569 = arith.addf %add3A_505, %mul3A_568 : vector<16xf32>
      %get3A_570 = arith.index_cast %squeeze3A : i32 to index
      %get3A_571 = arith.constant 464 : index
      %get3A_572 = tpu.vector_load %arg10[%get3A_570, %get3A_571] {strides = array<i32>} : memref<32x512xf32, #tpu.memory_space<vmem>>, vector<16xf32>,
      %get3A_573 = arith.constant 0 : i32
      %get3A_574 = arith.index_cast %get3A_573 : i32 to index
      %get3A_575 = arith.constant 464 : index
      %get3A_576 = tpu.vector_load %arg9[%get3A_574, %get3A_575] {strides = array<i32>} : memref<2x512xf32, #tpu.memory_space<vmem>>, vector<16xf32>,
      %mul3A_577 = arith.constant 0.949999988 : f32
      %mul3A_578 = vector.broadcast %mul3A_577 : f32 to vector<16xf32>
      %mul3A_579 = arith.mulf %get3A_572, %mul3A_578 : vector<16xf32>
      %mul3A_580 = arith.constant 5.000000e-02 : f32
      %mul3A_581 = vector.broadcast %mul3A_580 : f32 to vector<16xf32>
      %mul3A_582 = arith.mulf %get3A_576, %mul3A_581 : vector<16xf32>
      %add3A_583 = arith.addf %mul3A_579, %mul3A_582 : vector<16xf32>
      %mul3A_584 = arith.mulf %add3A_583, %add3A_583 : vector<16xf32>
      %add3A_585 = arith.addf %add3A_521, %mul3A_584 : vector<16xf32>
      %get3A_586 = arith.index_cast %squeeze3A : i32 to index
      %get3A_587 = arith.constant 480 : index
      %get3A_588 = tpu.vector_load %arg10[%get3A_586, %get3A_587] {strides = array<i32>} : memref<32x512xf32, #tpu.memory_space<vmem>>, vector<16xf32>,
      %get3A_589 = arith.constant 0 : i32
      %get3A_590 = arith.index_cast %get3A_589 : i32 to index
      %get3A_591 = arith.constant 480 : index
      %get3A_592 = tpu.vector_load %arg9[%get3A_590, %get3A_591] {strides = array<i32>} : memref<2x512xf32, #tpu.memory_space<vmem>>, vector<16xf32>,
      %mul3A_593 = arith.constant 0.949999988 : f32
      %mul3A_594 = vector.broadcast %mul3A_593 : f32 to vector<16xf32>
      %mul3A_595 = arith.mulf %get3A_588, %mul3A_594 : vector<16xf32>
      %mul3A_596 = arith.constant 5.000000e-02 : f32
      %mul3A_597 = vector.broadcast %mul3A_596 : f32 to vector<16xf32>
      %mul3A_598 = arith.mulf %get3A_592, %mul3A_597 : vector<16xf32>
      %add3A_599 = arith.addf %mul3A_595, %mul3A_598 : vector<16xf32>
      %mul3A_600 = arith.mulf %add3A_599, %add3A_599 : vector<16xf32>
      %add3A_601 = arith.addf %add3A_537, %mul3A_600 : vector<16xf32>
      %get3A_602 = arith.index_cast %squeeze3A : i32 to index
      %get3A_603 = arith.constant 496 : index
      %get3A_604 = tpu.vector_load %arg10[%get3A_602, %get3A_603] {strides = array<i32>} : memref<32x512xf32, #tpu.memory_space<vmem>>, vector<16xf32>,
      %get3A_605 = arith.constant 0 : i32
      %get3A_606 = arith.index_cast %get3A_605 : i32 to index
      %get3A_607 = arith.constant 496 : index
      %get3A_608 = tpu.vector_load %arg9[%get3A_606, %get3A_607] {strides = array<i32>} : memref<2x512xf32, #tpu.memory_space<vmem>>, vector<16xf32>,
      %mul3A_609 = arith.constant 0.949999988 : f32
      %mul3A_610 = vector.broadcast %mul3A_609 : f32 to vector<16xf32>
      %mul3A_611 = arith.mulf %get3A_604, %mul3A_610 : vector<16xf32>
      %mul3A_612 = arith.constant 5.000000e-02 : f32
      %mul3A_613 = vector.broadcast %mul3A_612 : f32 to vector<16xf32>
      %mul3A_614 = arith.mulf %get3A_608, %mul3A_613 : vector<16xf32>
      %add3A_615 = arith.addf %mul3A_611, %mul3A_614 : vector<16xf32>
      %mul3A_616 = arith.mulf %add3A_615, %add3A_615 : vector<16xf32>
      %add3A_617 = arith.addf %add3A_553, %mul3A_616 : vector<16xf32>
      %add3A_618 = arith.addf %add3A_569, %add3A_585 : vector<16xf32>
      %add3A_619 = arith.addf %add3A_601, %add3A_617 : vector<16xf32>
      %add3A_620 = arith.addf %add3A_618, %add3A_619 : vector<16xf32>
      %reduce_sum3A = arith.constant true
      %reduce_sum3A_621 = vector.broadcast %reduce_sum3A : i1 to vector<16xi1>
      %reduce_sum3A_622 = tpu.scan <sum>, %add3A_620 masked %reduce_sum3A_621 : vector<16xf32>, vector<16xi1> -> vector<16xf32>
      %reduce_sum3A_623 = vector.extract %reduce_sum3A_622[15] : f32 from vector<16xf32>
      %broadcast_in_dim3A_624 = vector.broadcast %reduce_sum3A_623 : f32 to vector<16xf32>
      %bitcast3A = vector.bitcast %broadcast_in_dim3A_624 : vector<16xf32> to vector<16xi32>
      %shift_right_arithmetic3A = arith.constant 1 : i32
      %shift_right_arithmetic3A_625 = vector.broadcast %shift_right_arithmetic3A : i32 to vector<16xi32>
      %shift_right_arithmetic3A_626 = arith.shrsi %bitcast3A, %shift_right_arithmetic3A_625 : vector<16xi32>
      %sub3A_627 = arith.constant 1597463007 : i32
      %sub3A_628 = vector.broadcast %sub3A_627 : i32 to vector<16xi32>
      %sub3A_629 = arith.subi %sub3A_628, %shift_right_arithmetic3A_626 : vector<16xi32>
      %bitcast3A_630 = vector.bitcast %sub3A_629 : vector<16xi32> to vector<16xf32>
      %mul3A_631 = arith.constant 5.000000e-01 : f32
      %mul3A_632 = vector.broadcast %mul3A_631 : f32 to vector<16xf32>
      %mul3A_633 = arith.mulf %mul3A_632, %broadcast_in_dim3A_624 : vector<16xf32>
      %mul3A_634 = arith.mulf %mul3A_633, %bitcast3A_630 : vector<16xf32>
      %mul3A_635 = arith.mulf %mul3A_634, %bitcast3A_630 : vector<16xf32>
      %sub3A_636 = arith.constant 1.500000e+00 : f32
      %sub3A_637 = vector.broadcast %sub3A_636 : f32 to vector<16xf32>
      %sub3A_638 = arith.subf %sub3A_637, %mul3A_635 : vector<16xf32>
      %mul3A_639 = arith.mulf %bitcast3A_630, %sub3A_638 : vector<16xf32>
      %mul3A_640 = arith.constant 5.000000e-01 : f32
      %mul3A_641 = vector.broadcast %mul3A_640 : f32 to vector<16xf32>
      %mul3A_642 = arith.mulf %mul3A_641, %broadcast_in_dim3A_624 : vector<16xf32>
      %mul3A_643 = arith.mulf %mul3A_642, %mul3A_639 : vector<16xf32>
      %mul3A_644 = arith.mulf %mul3A_643, %mul3A_639 : vector<16xf32>
      %sub3A_645 = arith.constant 1.500000e+00 : f32
      %sub3A_646 = vector.broadcast %sub3A_645 : f32 to vector<16xf32>
      %sub3A_647 = arith.subf %sub3A_646, %mul3A_644 : vector<16xf32>
      %mul3A_648 = arith.mulf %mul3A_639, %sub3A_647 : vector<16xf32>
      %mul3A_649 = arith.constant 5.000000e-01 : f32
      %mul3A_650 = vector.broadcast %mul3A_649 : f32 to vector<16xf32>
      %mul3A_651 = arith.mulf %mul3A_650, %broadcast_in_dim3A_624 : vector<16xf32>
      %mul3A_652 = arith.mulf %mul3A_651, %mul3A_648 : vector<16xf32>
      %mul3A_653 = arith.mulf %mul3A_652, %mul3A_648 : vector<16xf32>
      %sub3A_654 = arith.constant 1.500000e+00 : f32
      %sub3A_655 = vector.broadcast %sub3A_654 : f32 to vector<16xf32>
      %sub3A_656 = arith.subf %sub3A_655, %mul3A_653 : vector<16xf32>
      %mul3A_657 = arith.mulf %mul3A_648, %sub3A_656 : vector<16xf32>
      %mul3A_658 = arith.constant 5.000000e-01 : f32
      %mul3A_659 = vector.broadcast %mul3A_658 : f32 to vector<16xf32>
      %mul3A_660 = arith.mulf %mul3A_659, %broadcast_in_dim3A_624 : vector<16xf32>
      %mul3A_661 = arith.mulf %mul3A_660, %mul3A_657 : vector<16xf32>
      %mul3A_662 = arith.mulf %mul3A_661, %mul3A_657 : vector<16xf32>
      %sub3A_663 = arith.constant 1.500000e+00 : f32
      %sub3A_664 = vector.broadcast %sub3A_663 : f32 to vector<16xf32>
      %sub3A_665 = arith.subf %sub3A_664, %mul3A_662 : vector<16xf32>
      %mul3A_666 = arith.mulf %mul3A_657, %sub3A_665 : vector<16xf32>
      %mul3A_667 = arith.mulf %broadcast_in_dim3A_624, %mul3A_666 : vector<16xf32>
      %gt3A_668 = arith.constant 9.99999996E-13 : f32
      %gt3A_669 = vector.broadcast %gt3A_668 : f32 to vector<16xf32>
      %gt3A_670 = arith.cmpf ogt, %mul3A_667, %gt3A_669 : vector<16xf32>
      %jit3A_671 = arith.constant 9.99999995E+11 : f32
      %broadcast_in_dim3A_672 = vector.broadcast %jit3A_671 : f32 to vector<16xf32>
      %select_n3A_673 = arith.select %gt3A_670, %mul3A_666, %broadcast_in_dim3A_672 : vector<16xi1>, vector<16xf32>
      %mul3A_674 = arith.mulf %add3A_119, %select_n3A_673 : vector<16xf32>
      %swap3A = arith.index_cast %squeeze3A : i32 to index
      %swap3A_675 = arith.constant 0 : index
      %swap3A_676 = tpu.vector_load %arg10[%swap3A, %swap3A_675] {strides = array<i32>} : memref<32x512xf32, #tpu.memory_space<vmem>>, vector<16xf32>,
      tpu.vector_store %arg10[%swap3A, %swap3A_675], %mul3A_674 {strides = array<i32>} : memref<32x512xf32, #tpu.memory_space<vmem>>, vector<16xf32>,
      %mul3A_677 = arith.mulf %add3A_135, %select_n3A_673 : vector<16xf32>
      %swap3A_678 = arith.index_cast %squeeze3A : i32 to index
      %swap3A_679 = arith.constant 16 : index
      %swap3A_680 = tpu.vector_load %arg10[%swap3A_678, %swap3A_679] {strides = array<i32>} : memref<32x512xf32, #tpu.memory_space<vmem>>, vector<16xf32>,
      tpu.vector_store %arg10[%swap3A_678, %swap3A_679], %mul3A_677 {strides = array<i32>} : memref<32x512xf32, #tpu.memory_space<vmem>>, vector<16xf32>,
      %mul3A_681 = arith.mulf %add3A_151, %select_n3A_673 : vector<16xf32>
      %swap3A_682 = arith.index_cast %squeeze3A : i32 to index
      %swap3A_683 = arith.constant 32 : index
      %swap3A_684 = tpu.vector_load %arg10[%swap3A_682, %swap3A_683] {strides = array<i32>} : memref<32x512xf32, #tpu.memory_space<vmem>>, vector<16xf32>,
      tpu.vector_store %arg10[%swap3A_682, %swap3A_683], %mul3A_681 {strides = array<i32>} : memref<32x512xf32, #tpu.memory_space<vmem>>, vector<16xf32>,
      %mul3A_685 = arith.mulf %add3A_167, %select_n3A_673 : vector<16xf32>
      %swap3A_686 = arith.index_cast %squeeze3A : i32 to index
      %swap3A_687 = arith.constant 48 : index
      %swap3A_688 = tpu.vector_load %arg10[%swap3A_686, %swap3A_687] {strides = array<i32>} : memref<32x512xf32, #tpu.memory_space<vmem>>, vector<16xf32>,
      tpu.vector_store %arg10[%swap3A_686, %swap3A_687], %mul3A_685 {strides = array<i32>} : memref<32x512xf32, #tpu.memory_space<vmem>>, vector<16xf32>,
      %mul3A_689 = arith.mulf %add3A_183, %select_n3A_673 : vector<16xf32>
      %swap3A_690 = arith.index_cast %squeeze3A : i32 to index
      %swap3A_691 = arith.constant 64 : index
      %swap3A_692 = tpu.vector_load %arg10[%swap3A_690, %swap3A_691] {strides = array<i32>} : memref<32x512xf32, #tpu.memory_space<vmem>>, vector<16xf32>,
      tpu.vector_store %arg10[%swap3A_690, %swap3A_691], %mul3A_689 {strides = array<i32>} : memref<32x512xf32, #tpu.memory_space<vmem>>, vector<16xf32>,
      %mul3A_693 = arith.mulf %add3A_199, %select_n3A_673 : vector<16xf32>
      %swap3A_694 = arith.index_cast %squeeze3A : i32 to index
      %swap3A_695 = arith.constant 80 : index
      %swap3A_696 = tpu.vector_load %arg10[%swap3A_694, %swap3A_695] {strides = array<i32>} : memref<32x512xf32, #tpu.memory_space<vmem>>, vector<16xf32>,
      tpu.vector_store %arg10[%swap3A_694, %swap3A_695], %mul3A_693 {strides = array<i32>} : memref<32x512xf32, #tpu.memory_space<vmem>>, vector<16xf32>,
      %mul3A_697 = arith.mulf %add3A_215, %select_n3A_673 : vector<16xf32>
      %swap3A_698 = arith.index_cast %squeeze3A : i32 to index
      %swap3A_699 = arith.constant 96 : index
      %swap3A_700 = tpu.vector_load %arg10[%swap3A_698, %swap3A_699] {strides = array<i32>} : memref<32x512xf32, #tpu.memory_space<vmem>>, vector<16xf32>,
      tpu.vector_store %arg10[%swap3A_698, %swap3A_699], %mul3A_697 {strides = array<i32>} : memref<32x512xf32, #tpu.memory_space<vmem>>, vector<16xf32>,
      %mul3A_701 = arith.mulf %add3A_231, %select_n3A_673 : vector<16xf32>
      %swap3A_702 = arith.index_cast %squeeze3A : i32 to index
      %swap3A_703 = arith.constant 112 : index
      %swap3A_704 = tpu.vector_load %arg10[%swap3A_702, %swap3A_703] {strides = array<i32>} : memref<32x512xf32, #tpu.memory_space<vmem>>, vector<16xf32>,
      tpu.vector_store %arg10[%swap3A_702, %swap3A_703], %mul3A_701 {strides = array<i32>} : memref<32x512xf32, #tpu.memory_space<vmem>>, vector<16xf32>,
      %mul3A_705 = arith.mulf %add3A_247, %select_n3A_673 : vector<16xf32>
      %swap3A_706 = arith.index_cast %squeeze3A : i32 to index
      %swap3A_707 = arith.constant 128 : index
      %swap3A_708 = tpu.vector_load %arg10[%swap3A_706, %swap3A_707] {strides = array<i32>} : memref<32x512xf32, #tpu.memory_space<vmem>>, vector<16xf32>,
      tpu.vector_store %arg10[%swap3A_706, %swap3A_707], %mul3A_705 {strides = array<i32>} : memref<32x512xf32, #tpu.memory_space<vmem>>, vector<16xf32>,
      %mul3A_709 = arith.mulf %add3A_263, %select_n3A_673 : vector<16xf32>
      %swap3A_710 = arith.index_cast %squeeze3A : i32 to index
      %swap3A_711 = arith.constant 144 : index
      %swap3A_712 = tpu.vector_load %arg10[%swap3A_710, %swap3A_711] {strides = array<i32>} : memref<32x512xf32, #tpu.memory_space<vmem>>, vector<16xf32>,
      tpu.vector_store %arg10[%swap3A_710, %swap3A_711], %mul3A_709 {strides = array<i32>} : memref<32x512xf32, #tpu.memory_space<vmem>>, vector<16xf32>,
      %mul3A_713 = arith.mulf %add3A_279, %select_n3A_673 : vector<16xf32>
      %swap3A_714 = arith.index_cast %squeeze3A : i32 to index
      %swap3A_715 = arith.constant 160 : index
      %swap3A_716 = tpu.vector_load %arg10[%swap3A_714, %swap3A_715] {strides = array<i32>} : memref<32x512xf32, #tpu.memory_space<vmem>>, vector<16xf32>,
      tpu.vector_store %arg10[%swap3A_714, %swap3A_715], %mul3A_713 {strides = array<i32>} : memref<32x512xf32, #tpu.memory_space<vmem>>, vector<16xf32>,
      %mul3A_717 = arith.mulf %add3A_295, %select_n3A_673 : vector<16xf32>
      %swap3A_718 = arith.index_cast %squeeze3A : i32 to index
      %swap3A_719 = arith.constant 176 : index
      %swap3A_720 = tpu.vector_load %arg10[%swap3A_718, %swap3A_719] {strides = array<i32>} : memref<32x512xf32, #tpu.memory_space<vmem>>, vector<16xf32>,
      tpu.vector_store %arg10[%swap3A_718, %swap3A_719], %mul3A_717 {strides = array<i32>} : memref<32x512xf32, #tpu.memory_space<vmem>>, vector<16xf32>,
      %mul3A_721 = arith.mulf %add3A_311, %select_n3A_673 : vector<16xf32>
      %swap3A_722 = arith.index_cast %squeeze3A : i32 to index
      %swap3A_723 = arith.constant 192 : index
      %swap3A_724 = tpu.vector_load %arg10[%swap3A_722, %swap3A_723] {strides = array<i32>} : memref<32x512xf32, #tpu.memory_space<vmem>>, vector<16xf32>,
      tpu.vector_store %arg10[%swap3A_722, %swap3A_723], %mul3A_721 {strides = array<i32>} : memref<32x512xf32, #tpu.memory_space<vmem>>, vector<16xf32>,
      %mul3A_725 = arith.mulf %add3A_327, %select_n3A_673 : vector<16xf32>
      %swap3A_726 = arith.index_cast %squeeze3A : i32 to index
      %swap3A_727 = arith.constant 208 : index
      %swap3A_728 = tpu.vector_load %arg10[%swap3A_726, %swap3A_727] {strides = array<i32>} : memref<32x512xf32, #tpu.memory_space<vmem>>, vector<16xf32>,
      tpu.vector_store %arg10[%swap3A_726, %swap3A_727], %mul3A_725 {strides = array<i32>} : memref<32x512xf32, #tpu.memory_space<vmem>>, vector<16xf32>,
      %mul3A_729 = arith.mulf %add3A_343, %select_n3A_673 : vector<16xf32>
      %swap3A_730 = arith.index_cast %squeeze3A : i32 to index
      %swap3A_731 = arith.constant 224 : index
      %swap3A_732 = tpu.vector_load %arg10[%swap3A_730, %swap3A_731] {strides = array<i32>} : memref<32x512xf32, #tpu.memory_space<vmem>>, vector<16xf32>,
      tpu.vector_store %arg10[%swap3A_730, %swap3A_731], %mul3A_729 {strides = array<i32>} : memref<32x512xf32, #tpu.memory_space<vmem>>, vector<16xf32>,
      %mul3A_733 = arith.mulf %add3A_359, %select_n3A_673 : vector<16xf32>
      %swap3A_734 = arith.index_cast %squeeze3A : i32 to index
      %swap3A_735 = arith.constant 240 : index
      %swap3A_736 = tpu.vector_load %arg10[%swap3A_734, %swap3A_735] {strides = array<i32>} : memref<32x512xf32, #tpu.memory_space<vmem>>, vector<16xf32>,
      tpu.vector_store %arg10[%swap3A_734, %swap3A_735], %mul3A_733 {strides = array<i32>} : memref<32x512xf32, #tpu.memory_space<vmem>>, vector<16xf32>,
      %mul3A_737 = arith.mulf %add3A_375, %select_n3A_673 : vector<16xf32>
      %swap3A_738 = arith.index_cast %squeeze3A : i32 to index
      %swap3A_739 = arith.constant 256 : index
      %swap3A_740 = tpu.vector_load %arg10[%swap3A_738, %swap3A_739] {strides = array<i32>} : memref<32x512xf32, #tpu.memory_space<vmem>>, vector<16xf32>,
      tpu.vector_store %arg10[%swap3A_738, %swap3A_739], %mul3A_737 {strides = array<i32>} : memref<32x512xf32, #tpu.memory_space<vmem>>, vector<16xf32>,
      %mul3A_741 = arith.mulf %add3A_391, %select_n3A_673 : vector<16xf32>
      %swap3A_742 = arith.index_cast %squeeze3A : i32 to index
      %swap3A_743 = arith.constant 272 : index
      %swap3A_744 = tpu.vector_load %arg10[%swap3A_742, %swap3A_743] {strides = array<i32>} : memref<32x512xf32, #tpu.memory_space<vmem>>, vector<16xf32>,
      tpu.vector_store %arg10[%swap3A_742, %swap3A_743], %mul3A_741 {strides = array<i32>} : memref<32x512xf32, #tpu.memory_space<vmem>>, vector<16xf32>,
      %mul3A_745 = arith.mulf %add3A_407, %select_n3A_673 : vector<16xf32>
      %swap3A_746 = arith.index_cast %squeeze3A : i32 to index
      %swap3A_747 = arith.constant 288 : index
      %swap3A_748 = tpu.vector_load %arg10[%swap3A_746, %swap3A_747] {strides = array<i32>} : memref<32x512xf32, #tpu.memory_space<vmem>>, vector<16xf32>,
      tpu.vector_store %arg10[%swap3A_746, %swap3A_747], %mul3A_745 {strides = array<i32>} : memref<32x512xf32, #tpu.memory_space<vmem>>, vector<16xf32>,
      %mul3A_749 = arith.mulf %add3A_423, %select_n3A_673 : vector<16xf32>
      %swap3A_750 = arith.index_cast %squeeze3A : i32 to index
      %swap3A_751 = arith.constant 304 : index
      %swap3A_752 = tpu.vector_load %arg10[%swap3A_750, %swap3A_751] {strides = array<i32>} : memref<32x512xf32, #tpu.memory_space<vmem>>, vector<16xf32>,
      tpu.vector_store %arg10[%swap3A_750, %swap3A_751], %mul3A_749 {strides = array<i32>} : memref<32x512xf32, #tpu.memory_space<vmem>>, vector<16xf32>,
      %mul3A_753 = arith.mulf %add3A_439, %select_n3A_673 : vector<16xf32>
      %swap3A_754 = arith.index_cast %squeeze3A : i32 to index
      %swap3A_755 = arith.constant 320 : index
      %swap3A_756 = tpu.vector_load %arg10[%swap3A_754, %swap3A_755] {strides = array<i32>} : memref<32x512xf32, #tpu.memory_space<vmem>>, vector<16xf32>,
      tpu.vector_store %arg10[%swap3A_754, %swap3A_755], %mul3A_753 {strides = array<i32>} : memref<32x512xf32, #tpu.memory_space<vmem>>, vector<16xf32>,
      %mul3A_757 = arith.mulf %add3A_455, %select_n3A_673 : vector<16xf32>
      %swap3A_758 = arith.index_cast %squeeze3A : i32 to index
      %swap3A_759 = arith.constant 336 : index
      %swap3A_760 = tpu.vector_load %arg10[%swap3A_758, %swap3A_759] {strides = array<i32>} : memref<32x512xf32, #tpu.memory_space<vmem>>, vector<16xf32>,
      tpu.vector_store %arg10[%swap3A_758, %swap3A_759], %mul3A_757 {strides = array<i32>} : memref<32x512xf32, #tpu.memory_space<vmem>>, vector<16xf32>,
      %mul3A_761 = arith.mulf %add3A_471, %select_n3A_673 : vector<16xf32>
      %swap3A_762 = arith.index_cast %squeeze3A : i32 to index
      %swap3A_763 = arith.constant 352 : index
      %swap3A_764 = tpu.vector_load %arg10[%swap3A_762, %swap3A_763] {strides = array<i32>} : memref<32x512xf32, #tpu.memory_space<vmem>>, vector<16xf32>,
      tpu.vector_store %arg10[%swap3A_762, %swap3A_763], %mul3A_761 {strides = array<i32>} : memref<32x512xf32, #tpu.memory_space<vmem>>, vector<16xf32>,
      %mul3A_765 = arith.mulf %add3A_487, %select_n3A_673 : vector<16xf32>
      %swap3A_766 = arith.index_cast %squeeze3A : i32 to index
      %swap3A_767 = arith.constant 368 : index
      %swap3A_768 = tpu.vector_load %arg10[%swap3A_766, %swap3A_767] {strides = array<i32>} : memref<32x512xf32, #tpu.memory_space<vmem>>, vector<16xf32>,
      tpu.vector_store %arg10[%swap3A_766, %swap3A_767], %mul3A_765 {strides = array<i32>} : memref<32x512xf32, #tpu.memory_space<vmem>>, vector<16xf32>,
      %mul3A_769 = arith.mulf %add3A_503, %select_n3A_673 : vector<16xf32>
      %swap3A_770 = arith.index_cast %squeeze3A : i32 to index
      %swap3A_771 = arith.constant 384 : index
      %swap3A_772 = tpu.vector_load %arg10[%swap3A_770, %swap3A_771] {strides = array<i32>} : memref<32x512xf32, #tpu.memory_space<vmem>>, vector<16xf32>,
      tpu.vector_store %arg10[%swap3A_770, %swap3A_771], %mul3A_769 {strides = array<i32>} : memref<32x512xf32, #tpu.memory_space<vmem>>, vector<16xf32>,
      %mul3A_773 = arith.mulf %add3A_519, %select_n3A_673 : vector<16xf32>
      %swap3A_774 = arith.index_cast %squeeze3A : i32 to index
      %swap3A_775 = arith.constant 400 : index
      %swap3A_776 = tpu.vector_load %arg10[%swap3A_774, %swap3A_775] {strides = array<i32>} : memref<32x512xf32, #tpu.memory_space<vmem>>, vector<16xf32>,
      tpu.vector_store %arg10[%swap3A_774, %swap3A_775], %mul3A_773 {strides = array<i32>} : memref<32x512xf32, #tpu.memory_space<vmem>>, vector<16xf32>,
      %mul3A_777 = arith.mulf %add3A_535, %select_n3A_673 : vector<16xf32>
      %swap3A_778 = arith.index_cast %squeeze3A : i32 to index
      %swap3A_779 = arith.constant 416 : index
      %swap3A_780 = tpu.vector_load %arg10[%swap3A_778, %swap3A_779] {strides = array<i32>} : memref<32x512xf32, #tpu.memory_space<vmem>>, vector<16xf32>,
      tpu.vector_store %arg10[%swap3A_778, %swap3A_779], %mul3A_777 {strides = array<i32>} : memref<32x512xf32, #tpu.memory_space<vmem>>, vector<16xf32>,
      %mul3A_781 = arith.mulf %add3A_551, %select_n3A_673 : vector<16xf32>
      %swap3A_782 = arith.index_cast %squeeze3A : i32 to index
      %swap3A_783 = arith.constant 432 : index
      %swap3A_784 = tpu.vector_load %arg10[%swap3A_782, %swap3A_783] {strides = array<i32>} : memref<32x512xf32, #tpu.memory_space<vmem>>, vector<16xf32>,
      tpu.vector_store %arg10[%swap3A_782, %swap3A_783], %mul3A_781 {strides = array<i32>} : memref<32x512xf32, #tpu.memory_space<vmem>>, vector<16xf32>,
      %mul3A_785 = arith.mulf %add3A_567, %select_n3A_673 : vector<16xf32>
      %swap3A_786 = arith.index_cast %squeeze3A : i32 to index
      %swap3A_787 = arith.constant 448 : index
      %swap3A_788 = tpu.vector_load %arg10[%swap3A_786, %swap3A_787] {strides = array<i32>} : memref<32x512xf32, #tpu.memory_space<vmem>>, vector<16xf32>,
      tpu.vector_store %arg10[%swap3A_786, %swap3A_787], %mul3A_785 {strides = array<i32>} : memref<32x512xf32, #tpu.memory_space<vmem>>, vector<16xf32>,
      %mul3A_789 = arith.mulf %add3A_583, %select_n3A_673 : vector<16xf32>
      %swap3A_790 = arith.index_cast %squeeze3A : i32 to index
      %swap3A_791 = arith.constant 464 : index
      %swap3A_792 = tpu.vector_load %arg10[%swap3A_790, %swap3A_791] {strides = array<i32>} : memref<32x512xf32, #tpu.memory_space<vmem>>, vector<16xf32>,
      tpu.vector_store %arg10[%swap3A_790, %swap3A_791], %mul3A_789 {strides = array<i32>} : memref<32x512xf32, #tpu.memory_space<vmem>>, vector<16xf32>,
      %mul3A_793 = arith.mulf %add3A_599, %select_n3A_673 : vector<16xf32>
      %swap3A_794 = arith.index_cast %squeeze3A : i32 to index
      %swap3A_795 = arith.constant 480 : index
      %swap3A_796 = tpu.vector_load %arg10[%swap3A_794, %swap3A_795] {strides = array<i32>} : memref<32x512xf32, #tpu.memory_space<vmem>>, vector<16xf32>,
      tpu.vector_store %arg10[%swap3A_794, %swap3A_795], %mul3A_793 {strides = array<i32>} : memref<32x512xf32, #tpu.memory_space<vmem>>, vector<16xf32>,
      %mul3A_797 = arith.mulf %add3A_615, %select_n3A_673 : vector<16xf32>
      %swap3A_798 = arith.index_cast %squeeze3A : i32 to index
      %swap3A_799 = arith.constant 496 : index
      %swap3A_800 = tpu.vector_load %arg10[%swap3A_798, %swap3A_799] {strides = array<i32>} : memref<32x512xf32, #tpu.memory_space<vmem>>, vector<16xf32>,
      tpu.vector_store %arg10[%swap3A_798, %swap3A_799], %mul3A_797 {strides = array<i32>} : memref<32x512xf32, #tpu.memory_space<vmem>>, vector<16xf32>,
      %add3A_801 = arith.constant 2 : i32
      %add3A_802 = arith.addi %mul3A_83, %add3A_801 : i32
      %lt3A_803 = arith.cmpi slt, %add3A_802, %scan3A_20 : i32
      %convert_element_type3A_804 = arith.extui %lt3A_803 : i1 to i32
      %cond3A_805 = arith.constant 0 : i32
      %cond3A_806 = arith.cmpi ne, %convert_element_type3A_804, %cond3A_805 : i32
      scf.if %cond3A_806 {
        %add3A_813 = arith.constant 2 : i32
        %add3A_814 = arith.addi %mul3A_83, %add3A_813 : i32
        %get3A_815 = arith.index_cast %add3A_814 : i32 to index
        %get3A_816 = tpu.vector_load %arg7[%get3A_815] {strides = array<i32>} : memref<1040xi32, #tpu.memory_space<vmem>>, vector<16xi32>,
        %slice3A_817 = vector.extract_strided_slice %get3A_816 {offsets = [0], sizes = [1], strides = [1]} : vector<16xi32> to vector<1xi32>
        %squeeze3A_818 = vector.extract %slice3A_817[0] : i32 from vector<1xi32>
        %dma_start3A_819 = arith.constant 0 : i32
        %dma_start3A_820 = arith.constant 0 : i32
        %dma_start3A_821 = tpu.memref_slice %arg9[%dma_start3A_819, %dma_start3A_820] : memref<2x512xf32, #tpu.memory_space<vmem>> -> memref<1x512xf32, #tpu.memory_space<vmem>>
        %dma_start3A_822 = tpu.memref_squeeze %dma_start3A_821 : memref<1x512xf32, #tpu.memory_space<vmem>> -> memref<512xf32, #tpu.memory_space<vmem>>
        %dma_start3A_823 = arith.constant 0 : i32
        %dma_start3A_824 = tpu.memref_slice %arg11[%squeeze3A_818, %dma_start3A_823] : memref<1024x512xf32, #tpu.memory_space<vmem_shared>> -> memref<1x512xf32, #tpu.memory_space<vmem_shared>>
        %dma_start3A_825 = tpu.memref_squeeze %dma_start3A_824 : memref<1x512xf32, #tpu.memory_space<vmem_shared>> -> memref<512xf32, #tpu.memory_space<vmem_shared>>
        %dma_start3A_826 = arith.constant 0 : i32
        %dma_start3A_827 = tpu.memref_slice %arg9[%dma_start3A_819, %dma_start3A_826] : memref<2x512xf32, #tpu.memory_space<vmem>> -> memref<1x512xf32, #tpu.memory_space<vmem>>
        %dma_start3A_828 = tpu.memref_squeeze %dma_start3A_827 : memref<1x512xf32, #tpu.memory_space<vmem>> -> memref<512xf32, #tpu.memory_space<vmem>>
        %dma_start3A_829 = arith.constant 0 : i32
        %dma_start3A_830 = tpu.memref_slice %arg11[%squeeze3A_818, %dma_start3A_829] : memref<1024x512xf32, #tpu.memory_space<vmem_shared>> -> memref<1x512xf32, #tpu.memory_space<vmem_shared>>
        %dma_start3A_831 = tpu.memref_squeeze %dma_start3A_830 : memref<1x512xf32, #tpu.memory_space<vmem_shared>> -> memref<512xf32, #tpu.memory_space<vmem_shared>>
        tpu.enqueue_dma source(%dma_start3A_831 : memref<512xf32, #tpu.memory_space<vmem_shared>>) target(%dma_start3A_828 : memref<512xf32, #tpu.memory_space<vmem>>) target_semaphore(%arg13 : memref<!tpu.dma_semaphore, #tpu.memory_space<semaphore_mem>>)
      } else {
      }
      %add3A_807 = arith.constant 1 : i32
      %add3A_808 = arith.addi %mul3A_83, %add3A_807 : i32
      %lt3A_809 = arith.cmpi slt, %add3A_808, %scan3A_20 : i32
      %convert_element_type3A_810 = arith.extui %lt3A_809 : i1 to i32
      %cond3A_811 = arith.constant 0 : i32
      %cond3A_812 = arith.cmpi ne, %convert_element_type3A_810, %cond3A_811 : i32
      scf.if %cond3A_812 {
        %add3A_813 = arith.constant 1 : i32
        %add3A_814 = arith.addi %mul3A_83, %add3A_813 : i32
        %dma_wait3A_815 = arith.constant 0 : i32
        %dma_wait3A_816 = arith.constant 1 : i32
        %dma_wait3A_817 = arith.constant 0 : i32
        %dma_wait3A_818 = tpu.memref_slice %arg9[%dma_wait3A_816, %dma_wait3A_817] : memref<2x512xf32, #tpu.memory_space<vmem>> -> memref<1x512xf32, #tpu.memory_space<vmem>>
        %dma_wait3A_819 = tpu.memref_squeeze %dma_wait3A_818 : memref<1x512xf32, #tpu.memory_space<vmem>> -> memref<512xf32, #tpu.memory_space<vmem>>
        %dma_wait3A_820 = arith.constant 0 : i32
        %dma_wait3A_821 = tpu.memref_slice %arg2[%dma_wait3A_815, %dma_wait3A_820] : memref<1024x512xf32, #tpu.memory_space<hbm>> -> memref<1x512xf32, #tpu.memory_space<hbm>>
        %dma_wait3A_822 = tpu.memref_squeeze %dma_wait3A_821 : memref<1x512xf32, #tpu.memory_space<hbm>> -> memref<512xf32, #tpu.memory_space<hbm>>
        %dma_wait3A_823 = arith.constant 0 : i32
        %dma_wait3A_824 = tpu.memref_slice %arg9[%dma_wait3A_816, %dma_wait3A_823] : memref<2x512xf32, #tpu.memory_space<vmem>> -> memref<1x512xf32, #tpu.memory_space<vmem>>
        %dma_wait3A_825 = tpu.memref_squeeze %dma_wait3A_824 : memref<1x512xf32, #tpu.memory_space<vmem>> -> memref<512xf32, #tpu.memory_space<vmem>>
        %dma_wait3A_826 = arith.constant 0 : i32
        %dma_wait3A_827 = tpu.memref_slice %arg2[%dma_wait3A_815, %dma_wait3A_826] : memref<1024x512xf32, #tpu.memory_space<hbm>> -> memref<1x512xf32, #tpu.memory_space<hbm>>
        %dma_wait3A_828 = tpu.memref_squeeze %dma_wait3A_827 : memref<1x512xf32, #tpu.memory_space<hbm>> -> memref<512xf32, #tpu.memory_space<hbm>>
        tpu.wait_dma2 semaphore(%arg14 : memref<!tpu.dma_semaphore, #tpu.memory_space<semaphore_mem>>) src(%dma_wait3A_828 : memref<512xf32, #tpu.memory_space<hbm>>) dst(%dma_wait3A_825 : memref<512xf32, #tpu.memory_space<vmem>>)
        %get3A_829 = arith.index_cast %add3A_814 : i32 to index
        %get3A_830 = tpu.vector_load %arg8[%get3A_829] {strides = array<i32>} : memref<1040xi32, #tpu.memory_space<vmem>>, vector<16xi32>,
        %slice3A_831 = vector.extract_strided_slice %get3A_830 {offsets = [0], sizes = [1], strides = [1]} : vector<16xi32> to vector<1xi32>
        %squeeze3A_832 = vector.extract %slice3A_831[0] : i32 from vector<1xi32>
        %broadcast_in_dim3A_833 = arith.constant 0.000000e+00 : f32
        %broadcast_in_dim3A_834 = vector.broadcast %broadcast_in_dim3A_833 : f32 to vector<16xf32>
        %broadcast_in_dim3A_835 = arith.constant 0.000000e+00 : f32
        %broadcast_in_dim3A_836 = vector.broadcast %broadcast_in_dim3A_835 : f32 to vector<16xf32>
        %broadcast_in_dim3A_837 = arith.constant 0.000000e+00 : f32
        %broadcast_in_dim3A_838 = vector.broadcast %broadcast_in_dim3A_837 : f32 to vector<16xf32>
        %broadcast_in_dim3A_839 = arith.constant 0.000000e+00 : f32
        %broadcast_in_dim3A_840 = vector.broadcast %broadcast_in_dim3A_839 : f32 to vector<16xf32>
        %get3A_841 = arith.index_cast %squeeze3A_832 : i32 to index
        %get3A_842 = arith.constant 0 : index
        %get3A_843 = tpu.vector_load %arg10[%get3A_841, %get3A_842] {strides = array<i32>} : memref<32x512xf32, #tpu.memory_space<vmem>>, vector<16xf32>,
        %get3A_844 = arith.constant 1 : i32
        %get3A_845 = arith.index_cast %get3A_844 : i32 to index
        %get3A_846 = arith.constant 0 : index
        %get3A_847 = tpu.vector_load %arg9[%get3A_845, %get3A_846] {strides = array<i32>} : memref<2x512xf32, #tpu.memory_space<vmem>>, vector<16xf32>,
        %mul3A_848 = arith.constant 0.949999988 : f32
        %mul3A_849 = vector.broadcast %mul3A_848 : f32 to vector<16xf32>
        %mul3A_850 = arith.mulf %get3A_843, %mul3A_849 : vector<16xf32>
        %mul3A_851 = arith.constant 5.000000e-02 : f32
        %mul3A_852 = vector.broadcast %mul3A_851 : f32 to vector<16xf32>
        %mul3A_853 = arith.mulf %get3A_847, %mul3A_852 : vector<16xf32>
        %add3A_854 = arith.addf %mul3A_850, %mul3A_853 : vector<16xf32>
        %mul3A_855 = arith.mulf %add3A_854, %add3A_854 : vector<16xf32>
        %add3A_856 = arith.addf %broadcast_in_dim3A_834, %mul3A_855 : vector<16xf32>
        %get3A_857 = arith.index_cast %squeeze3A_832 : i32 to index
        %get3A_858 = arith.constant 16 : index
        %get3A_859 = tpu.vector_load %arg10[%get3A_857, %get3A_858] {strides = array<i32>} : memref<32x512xf32, #tpu.memory_space<vmem>>, vector<16xf32>,
        %get3A_860 = arith.constant 1 : i32
        %get3A_861 = arith.index_cast %get3A_860 : i32 to index
        %get3A_862 = arith.constant 16 : index
        %get3A_863 = tpu.vector_load %arg9[%get3A_861, %get3A_862] {strides = array<i32>} : memref<2x512xf32, #tpu.memory_space<vmem>>, vector<16xf32>,
        %mul3A_864 = arith.constant 0.949999988 : f32
        %mul3A_865 = vector.broadcast %mul3A_864 : f32 to vector<16xf32>
        %mul3A_866 = arith.mulf %get3A_859, %mul3A_865 : vector<16xf32>
        %mul3A_867 = arith.constant 5.000000e-02 : f32
        %mul3A_868 = vector.broadcast %mul3A_867 : f32 to vector<16xf32>
        %mul3A_869 = arith.mulf %get3A_863, %mul3A_868 : vector<16xf32>
        %add3A_870 = arith.addf %mul3A_866, %mul3A_869 : vector<16xf32>
        %mul3A_871 = arith.mulf %add3A_870, %add3A_870 : vector<16xf32>
        %add3A_872 = arith.addf %broadcast_in_dim3A_836, %mul3A_871 : vector<16xf32>
        %get3A_873 = arith.index_cast %squeeze3A_832 : i32 to index
        %get3A_874 = arith.constant 32 : index
        %get3A_875 = tpu.vector_load %arg10[%get3A_873, %get3A_874] {strides = array<i32>} : memref<32x512xf32, #tpu.memory_space<vmem>>, vector<16xf32>,
        %get3A_876 = arith.constant 1 : i32
        %get3A_877 = arith.index_cast %get3A_876 : i32 to index
        %get3A_878 = arith.constant 32 : index
        %get3A_879 = tpu.vector_load %arg9[%get3A_877, %get3A_878] {strides = array<i32>} : memref<2x512xf32, #tpu.memory_space<vmem>>, vector<16xf32>,
        %mul3A_880 = arith.constant 0.949999988 : f32
        %mul3A_881 = vector.broadcast %mul3A_880 : f32 to vector<16xf32>
        %mul3A_882 = arith.mulf %get3A_875, %mul3A_881 : vector<16xf32>
        %mul3A_883 = arith.constant 5.000000e-02 : f32
        %mul3A_884 = vector.broadcast %mul3A_883 : f32 to vector<16xf32>
        %mul3A_885 = arith.mulf %get3A_879, %mul3A_884 : vector<16xf32>
        %add3A_886 = arith.addf %mul3A_882, %mul3A_885 : vector<16xf32>
        %mul3A_887 = arith.mulf %add3A_886, %add3A_886 : vector<16xf32>
        %add3A_888 = arith.addf %broadcast_in_dim3A_838, %mul3A_887 : vector<16xf32>
        %get3A_889 = arith.index_cast %squeeze3A_832 : i32 to index
        %get3A_890 = arith.constant 48 : index
        %get3A_891 = tpu.vector_load %arg10[%get3A_889, %get3A_890] {strides = array<i32>} : memref<32x512xf32, #tpu.memory_space<vmem>>, vector<16xf32>,
        %get3A_892 = arith.constant 1 : i32
        %get3A_893 = arith.index_cast %get3A_892 : i32 to index
        %get3A_894 = arith.constant 48 : index
        %get3A_895 = tpu.vector_load %arg9[%get3A_893, %get3A_894] {strides = array<i32>} : memref<2x512xf32, #tpu.memory_space<vmem>>, vector<16xf32>,
        %mul3A_896 = arith.constant 0.949999988 : f32
        %mul3A_897 = vector.broadcast %mul3A_896 : f32 to vector<16xf32>
        %mul3A_898 = arith.mulf %get3A_891, %mul3A_897 : vector<16xf32>
        %mul3A_899 = arith.constant 5.000000e-02 : f32
        %mul3A_900 = vector.broadcast %mul3A_899 : f32 to vector<16xf32>
        %mul3A_901 = arith.mulf %get3A_895, %mul3A_900 : vector<16xf32>
        %add3A_902 = arith.addf %mul3A_898, %mul3A_901 : vector<16xf32>
        %mul3A_903 = arith.mulf %add3A_902, %add3A_902 : vector<16xf32>
        %add3A_904 = arith.addf %broadcast_in_dim3A_840, %mul3A_903 : vector<16xf32>
        %get3A_905 = arith.index_cast %squeeze3A_832 : i32 to index
        %get3A_906 = arith.constant 64 : index
        %get3A_907 = tpu.vector_load %arg10[%get3A_905, %get3A_906] {strides = array<i32>} : memref<32x512xf32, #tpu.memory_space<vmem>>, vector<16xf32>,
        %get3A_908 = arith.constant 1 : i32
        %get3A_909 = arith.index_cast %get3A_908 : i32 to index
        %get3A_910 = arith.constant 64 : index
        %get3A_911 = tpu.vector_load %arg9[%get3A_909, %get3A_910] {strides = array<i32>} : memref<2x512xf32, #tpu.memory_space<vmem>>, vector<16xf32>,
        %mul3A_912 = arith.constant 0.949999988 : f32
        %mul3A_913 = vector.broadcast %mul3A_912 : f32 to vector<16xf32>
        %mul3A_914 = arith.mulf %get3A_907, %mul3A_913 : vector<16xf32>
        %mul3A_915 = arith.constant 5.000000e-02 : f32
        %mul3A_916 = vector.broadcast %mul3A_915 : f32 to vector<16xf32>
        %mul3A_917 = arith.mulf %get3A_911, %mul3A_916 : vector<16xf32>
        %add3A_918 = arith.addf %mul3A_914, %mul3A_917 : vector<16xf32>
        %mul3A_919 = arith.mulf %add3A_918, %add3A_918 : vector<16xf32>
        %add3A_920 = arith.addf %add3A_856, %mul3A_919 : vector<16xf32>
        %get3A_921 = arith.index_cast %squeeze3A_832 : i32 to index
        %get3A_922 = arith.constant 80 : index
        %get3A_923 = tpu.vector_load %arg10[%get3A_921, %get3A_922] {strides = array<i32>} : memref<32x512xf32, #tpu.memory_space<vmem>>, vector<16xf32>,
        %get3A_924 = arith.constant 1 : i32
        %get3A_925 = arith.index_cast %get3A_924 : i32 to index
        %get3A_926 = arith.constant 80 : index
        %get3A_927 = tpu.vector_load %arg9[%get3A_925, %get3A_926] {strides = array<i32>} : memref<2x512xf32, #tpu.memory_space<vmem>>, vector<16xf32>,
        %mul3A_928 = arith.constant 0.949999988 : f32
        %mul3A_929 = vector.broadcast %mul3A_928 : f32 to vector<16xf32>
        %mul3A_930 = arith.mulf %get3A_923, %mul3A_929 : vector<16xf32>
        %mul3A_931 = arith.constant 5.000000e-02 : f32
        %mul3A_932 = vector.broadcast %mul3A_931 : f32 to vector<16xf32>
        %mul3A_933 = arith.mulf %get3A_927, %mul3A_932 : vector<16xf32>
        %add3A_934 = arith.addf %mul3A_930, %mul3A_933 : vector<16xf32>
        %mul3A_935 = arith.mulf %add3A_934, %add3A_934 : vector<16xf32>
        %add3A_936 = arith.addf %add3A_872, %mul3A_935 : vector<16xf32>
        %get3A_937 = arith.index_cast %squeeze3A_832 : i32 to index
        %get3A_938 = arith.constant 96 : index
        %get3A_939 = tpu.vector_load %arg10[%get3A_937, %get3A_938] {strides = array<i32>} : memref<32x512xf32, #tpu.memory_space<vmem>>, vector<16xf32>,
        %get3A_940 = arith.constant 1 : i32
        %get3A_941 = arith.index_cast %get3A_940 : i32 to index
        %get3A_942 = arith.constant 96 : index
        %get3A_943 = tpu.vector_load %arg9[%get3A_941, %get3A_942] {strides = array<i32>} : memref<2x512xf32, #tpu.memory_space<vmem>>, vector<16xf32>,
        %mul3A_944 = arith.constant 0.949999988 : f32
        %mul3A_945 = vector.broadcast %mul3A_944 : f32 to vector<16xf32>
        %mul3A_946 = arith.mulf %get3A_939, %mul3A_945 : vector<16xf32>
        %mul3A_947 = arith.constant 5.000000e-02 : f32
        %mul3A_948 = vector.broadcast %mul3A_947 : f32 to vector<16xf32>
        %mul3A_949 = arith.mulf %get3A_943, %mul3A_948 : vector<16xf32>
        %add3A_950 = arith.addf %mul3A_946, %mul3A_949 : vector<16xf32>
        %mul3A_951 = arith.mulf %add3A_950, %add3A_950 : vector<16xf32>
        %add3A_952 = arith.addf %add3A_888, %mul3A_951 : vector<16xf32>
        %get3A_953 = arith.index_cast %squeeze3A_832 : i32 to index
        %get3A_954 = arith.constant 112 : index
        %get3A_955 = tpu.vector_load %arg10[%get3A_953, %get3A_954] {strides = array<i32>} : memref<32x512xf32, #tpu.memory_space<vmem>>, vector<16xf32>,
        %get3A_956 = arith.constant 1 : i32
        %get3A_957 = arith.index_cast %get3A_956 : i32 to index
        %get3A_958 = arith.constant 112 : index
        %get3A_959 = tpu.vector_load %arg9[%get3A_957, %get3A_958] {strides = array<i32>} : memref<2x512xf32, #tpu.memory_space<vmem>>, vector<16xf32>,
        %mul3A_960 = arith.constant 0.949999988 : f32
        %mul3A_961 = vector.broadcast %mul3A_960 : f32 to vector<16xf32>
        %mul3A_962 = arith.mulf %get3A_955, %mul3A_961 : vector<16xf32>
        %mul3A_963 = arith.constant 5.000000e-02 : f32
        %mul3A_964 = vector.broadcast %mul3A_963 : f32 to vector<16xf32>
        %mul3A_965 = arith.mulf %get3A_959, %mul3A_964 : vector<16xf32>
        %add3A_966 = arith.addf %mul3A_962, %mul3A_965 : vector<16xf32>
        %mul3A_967 = arith.mulf %add3A_966, %add3A_966 : vector<16xf32>
        %add3A_968 = arith.addf %add3A_904, %mul3A_967 : vector<16xf32>
        %get3A_969 = arith.index_cast %squeeze3A_832 : i32 to index
        %get3A_970 = arith.constant 128 : index
        %get3A_971 = tpu.vector_load %arg10[%get3A_969, %get3A_970] {strides = array<i32>} : memref<32x512xf32, #tpu.memory_space<vmem>>, vector<16xf32>,
        %get3A_972 = arith.constant 1 : i32
        %get3A_973 = arith.index_cast %get3A_972 : i32 to index
        %get3A_974 = arith.constant 128 : index
        %get3A_975 = tpu.vector_load %arg9[%get3A_973, %get3A_974] {strides = array<i32>} : memref<2x512xf32, #tpu.memory_space<vmem>>, vector<16xf32>,
        %mul3A_976 = arith.constant 0.949999988 : f32
        %mul3A_977 = vector.broadcast %mul3A_976 : f32 to vector<16xf32>
        %mul3A_978 = arith.mulf %get3A_971, %mul3A_977 : vector<16xf32>
        %mul3A_979 = arith.constant 5.000000e-02 : f32
        %mul3A_980 = vector.broadcast %mul3A_979 : f32 to vector<16xf32>
        %mul3A_981 = arith.mulf %get3A_975, %mul3A_980 : vector<16xf32>
        %add3A_982 = arith.addf %mul3A_978, %mul3A_981 : vector<16xf32>
        %mul3A_983 = arith.mulf %add3A_982, %add3A_982 : vector<16xf32>
        %add3A_984 = arith.addf %add3A_920, %mul3A_983 : vector<16xf32>
        %get3A_985 = arith.index_cast %squeeze3A_832 : i32 to index
        %get3A_986 = arith.constant 144 : index
        %get3A_987 = tpu.vector_load %arg10[%get3A_985, %get3A_986] {strides = array<i32>} : memref<32x512xf32, #tpu.memory_space<vmem>>, vector<16xf32>,
        %get3A_988 = arith.constant 1 : i32
        %get3A_989 = arith.index_cast %get3A_988 : i32 to index
        %get3A_990 = arith.constant 144 : index
        %get3A_991 = tpu.vector_load %arg9[%get3A_989, %get3A_990] {strides = array<i32>} : memref<2x512xf32, #tpu.memory_space<vmem>>, vector<16xf32>,
        %mul3A_992 = arith.constant 0.949999988 : f32
        %mul3A_993 = vector.broadcast %mul3A_992 : f32 to vector<16xf32>
        %mul3A_994 = arith.mulf %get3A_987, %mul3A_993 : vector<16xf32>
        %mul3A_995 = arith.constant 5.000000e-02 : f32
        %mul3A_996 = vector.broadcast %mul3A_995 : f32 to vector<16xf32>
        %mul3A_997 = arith.mulf %get3A_991, %mul3A_996 : vector<16xf32>
        %add3A_998 = arith.addf %mul3A_994, %mul3A_997 : vector<16xf32>
        %mul3A_999 = arith.mulf %add3A_998, %add3A_998 : vector<16xf32>
        %add3A_1000 = arith.addf %add3A_936, %mul3A_999 : vector<16xf32>
        %get3A_1001 = arith.index_cast %squeeze3A_832 : i32 to index
        %get3A_1002 = arith.constant 160 : index
        %get3A_1003 = tpu.vector_load %arg10[%get3A_1001, %get3A_1002] {strides = array<i32>} : memref<32x512xf32, #tpu.memory_space<vmem>>, vector<16xf32>,
        %get3A_1004 = arith.constant 1 : i32
        %get3A_1005 = arith.index_cast %get3A_1004 : i32 to index
        %get3A_1006 = arith.constant 160 : index
        %get3A_1007 = tpu.vector_load %arg9[%get3A_1005, %get3A_1006] {strides = array<i32>} : memref<2x512xf32, #tpu.memory_space<vmem>>, vector<16xf32>,
        %mul3A_1008 = arith.constant 0.949999988 : f32
        %mul3A_1009 = vector.broadcast %mul3A_1008 : f32 to vector<16xf32>
        %mul3A_1010 = arith.mulf %get3A_1003, %mul3A_1009 : vector<16xf32>
        %mul3A_1011 = arith.constant 5.000000e-02 : f32
        %mul3A_1012 = vector.broadcast %mul3A_1011 : f32 to vector<16xf32>
        %mul3A_1013 = arith.mulf %get3A_1007, %mul3A_1012 : vector<16xf32>
        %add3A_1014 = arith.addf %mul3A_1010, %mul3A_1013 : vector<16xf32>
        %mul3A_1015 = arith.mulf %add3A_1014, %add3A_1014 : vector<16xf32>
        %add3A_1016 = arith.addf %add3A_952, %mul3A_1015 : vector<16xf32>
        %get3A_1017 = arith.index_cast %squeeze3A_832 : i32 to index
        %get3A_1018 = arith.constant 176 : index
        %get3A_1019 = tpu.vector_load %arg10[%get3A_1017, %get3A_1018] {strides = array<i32>} : memref<32x512xf32, #tpu.memory_space<vmem>>, vector<16xf32>,
        %get3A_1020 = arith.constant 1 : i32
        %get3A_1021 = arith.index_cast %get3A_1020 : i32 to index
        %get3A_1022 = arith.constant 176 : index
        %get3A_1023 = tpu.vector_load %arg9[%get3A_1021, %get3A_1022] {strides = array<i32>} : memref<2x512xf32, #tpu.memory_space<vmem>>, vector<16xf32>,
        %mul3A_1024 = arith.constant 0.949999988 : f32
        %mul3A_1025 = vector.broadcast %mul3A_1024 : f32 to vector<16xf32>
        %mul3A_1026 = arith.mulf %get3A_1019, %mul3A_1025 : vector<16xf32>
        %mul3A_1027 = arith.constant 5.000000e-02 : f32
        %mul3A_1028 = vector.broadcast %mul3A_1027 : f32 to vector<16xf32>
        %mul3A_1029 = arith.mulf %get3A_1023, %mul3A_1028 : vector<16xf32>
        %add3A_1030 = arith.addf %mul3A_1026, %mul3A_1029 : vector<16xf32>
        %mul3A_1031 = arith.mulf %add3A_1030, %add3A_1030 : vector<16xf32>
        %add3A_1032 = arith.addf %add3A_968, %mul3A_1031 : vector<16xf32>
        %get3A_1033 = arith.index_cast %squeeze3A_832 : i32 to index
        %get3A_1034 = arith.constant 192 : index
        %get3A_1035 = tpu.vector_load %arg10[%get3A_1033, %get3A_1034] {strides = array<i32>} : memref<32x512xf32, #tpu.memory_space<vmem>>, vector<16xf32>,
        %get3A_1036 = arith.constant 1 : i32
        %get3A_1037 = arith.index_cast %get3A_1036 : i32 to index
        %get3A_1038 = arith.constant 192 : index
        %get3A_1039 = tpu.vector_load %arg9[%get3A_1037, %get3A_1038] {strides = array<i32>} : memref<2x512xf32, #tpu.memory_space<vmem>>, vector<16xf32>,
        %mul3A_1040 = arith.constant 0.949999988 : f32
        %mul3A_1041 = vector.broadcast %mul3A_1040 : f32 to vector<16xf32>
        %mul3A_1042 = arith.mulf %get3A_1035, %mul3A_1041 : vector<16xf32>
        %mul3A_1043 = arith.constant 5.000000e-02 : f32
        %mul3A_1044 = vector.broadcast %mul3A_1043 : f32 to vector<16xf32>
        %mul3A_1045 = arith.mulf %get3A_1039, %mul3A_1044 : vector<16xf32>
        %add3A_1046 = arith.addf %mul3A_1042, %mul3A_1045 : vector<16xf32>
        %mul3A_1047 = arith.mulf %add3A_1046, %add3A_1046 : vector<16xf32>
        %add3A_1048 = arith.addf %add3A_984, %mul3A_1047 : vector<16xf32>
        %get3A_1049 = arith.index_cast %squeeze3A_832 : i32 to index
        %get3A_1050 = arith.constant 208 : index
        %get3A_1051 = tpu.vector_load %arg10[%get3A_1049, %get3A_1050] {strides = array<i32>} : memref<32x512xf32, #tpu.memory_space<vmem>>, vector<16xf32>,
        %get3A_1052 = arith.constant 1 : i32
        %get3A_1053 = arith.index_cast %get3A_1052 : i32 to index
        %get3A_1054 = arith.constant 208 : index
        %get3A_1055 = tpu.vector_load %arg9[%get3A_1053, %get3A_1054] {strides = array<i32>} : memref<2x512xf32, #tpu.memory_space<vmem>>, vector<16xf32>,
        %mul3A_1056 = arith.constant 0.949999988 : f32
        %mul3A_1057 = vector.broadcast %mul3A_1056 : f32 to vector<16xf32>
        %mul3A_1058 = arith.mulf %get3A_1051, %mul3A_1057 : vector<16xf32>
        %mul3A_1059 = arith.constant 5.000000e-02 : f32
        %mul3A_1060 = vector.broadcast %mul3A_1059 : f32 to vector<16xf32>
        %mul3A_1061 = arith.mulf %get3A_1055, %mul3A_1060 : vector<16xf32>
        %add3A_1062 = arith.addf %mul3A_1058, %mul3A_1061 : vector<16xf32>
        %mul3A_1063 = arith.mulf %add3A_1062, %add3A_1062 : vector<16xf32>
        %add3A_1064 = arith.addf %add3A_1000, %mul3A_1063 : vector<16xf32>
        %get3A_1065 = arith.index_cast %squeeze3A_832 : i32 to index
        %get3A_1066 = arith.constant 224 : index
        %get3A_1067 = tpu.vector_load %arg10[%get3A_1065, %get3A_1066] {strides = array<i32>} : memref<32x512xf32, #tpu.memory_space<vmem>>, vector<16xf32>,
        %get3A_1068 = arith.constant 1 : i32
        %get3A_1069 = arith.index_cast %get3A_1068 : i32 to index
        %get3A_1070 = arith.constant 224 : index
        %get3A_1071 = tpu.vector_load %arg9[%get3A_1069, %get3A_1070] {strides = array<i32>} : memref<2x512xf32, #tpu.memory_space<vmem>>, vector<16xf32>,
        %mul3A_1072 = arith.constant 0.949999988 : f32
        %mul3A_1073 = vector.broadcast %mul3A_1072 : f32 to vector<16xf32>
        %mul3A_1074 = arith.mulf %get3A_1067, %mul3A_1073 : vector<16xf32>
        %mul3A_1075 = arith.constant 5.000000e-02 : f32
        %mul3A_1076 = vector.broadcast %mul3A_1075 : f32 to vector<16xf32>
        %mul3A_1077 = arith.mulf %get3A_1071, %mul3A_1076 : vector<16xf32>
        %add3A_1078 = arith.addf %mul3A_1074, %mul3A_1077 : vector<16xf32>
        %mul3A_1079 = arith.mulf %add3A_1078, %add3A_1078 : vector<16xf32>
        %add3A_1080 = arith.addf %add3A_1016, %mul3A_1079 : vector<16xf32>
        %get3A_1081 = arith.index_cast %squeeze3A_832 : i32 to index
        %get3A_1082 = arith.constant 240 : index
        %get3A_1083 = tpu.vector_load %arg10[%get3A_1081, %get3A_1082] {strides = array<i32>} : memref<32x512xf32, #tpu.memory_space<vmem>>, vector<16xf32>,
        %get3A_1084 = arith.constant 1 : i32
        %get3A_1085 = arith.index_cast %get3A_1084 : i32 to index
        %get3A_1086 = arith.constant 240 : index
        %get3A_1087 = tpu.vector_load %arg9[%get3A_1085, %get3A_1086] {strides = array<i32>} : memref<2x512xf32, #tpu.memory_space<vmem>>, vector<16xf32>,
        %mul3A_1088 = arith.constant 0.949999988 : f32
        %mul3A_1089 = vector.broadcast %mul3A_1088 : f32 to vector<16xf32>
        %mul3A_1090 = arith.mulf %get3A_1083, %mul3A_1089 : vector<16xf32>
        %mul3A_1091 = arith.constant 5.000000e-02 : f32
        %mul3A_1092 = vector.broadcast %mul3A_1091 : f32 to vector<16xf32>
        %mul3A_1093 = arith.mulf %get3A_1087, %mul3A_1092 : vector<16xf32>
        %add3A_1094 = arith.addf %mul3A_1090, %mul3A_1093 : vector<16xf32>
        %mul3A_1095 = arith.mulf %add3A_1094, %add3A_1094 : vector<16xf32>
        %add3A_1096 = arith.addf %add3A_1032, %mul3A_1095 : vector<16xf32>
        %get3A_1097 = arith.index_cast %squeeze3A_832 : i32 to index
        %get3A_1098 = arith.constant 256 : index
        %get3A_1099 = tpu.vector_load %arg10[%get3A_1097, %get3A_1098] {strides = array<i32>} : memref<32x512xf32, #tpu.memory_space<vmem>>, vector<16xf32>,
        %get3A_1100 = arith.constant 1 : i32
        %get3A_1101 = arith.index_cast %get3A_1100 : i32 to index
        %get3A_1102 = arith.constant 256 : index
        %get3A_1103 = tpu.vector_load %arg9[%get3A_1101, %get3A_1102] {strides = array<i32>} : memref<2x512xf32, #tpu.memory_space<vmem>>, vector<16xf32>,
        %mul3A_1104 = arith.constant 0.949999988 : f32
        %mul3A_1105 = vector.broadcast %mul3A_1104 : f32 to vector<16xf32>
        %mul3A_1106 = arith.mulf %get3A_1099, %mul3A_1105 : vector<16xf32>
        %mul3A_1107 = arith.constant 5.000000e-02 : f32
        %mul3A_1108 = vector.broadcast %mul3A_1107 : f32 to vector<16xf32>
        %mul3A_1109 = arith.mulf %get3A_1103, %mul3A_1108 : vector<16xf32>
        %add3A_1110 = arith.addf %mul3A_1106, %mul3A_1109 : vector<16xf32>
        %mul3A_1111 = arith.mulf %add3A_1110, %add3A_1110 : vector<16xf32>
        %add3A_1112 = arith.addf %add3A_1048, %mul3A_1111 : vector<16xf32>
        %get3A_1113 = arith.index_cast %squeeze3A_832 : i32 to index
        %get3A_1114 = arith.constant 272 : index
        %get3A_1115 = tpu.vector_load %arg10[%get3A_1113, %get3A_1114] {strides = array<i32>} : memref<32x512xf32, #tpu.memory_space<vmem>>, vector<16xf32>,
        %get3A_1116 = arith.constant 1 : i32
        %get3A_1117 = arith.index_cast %get3A_1116 : i32 to index
        %get3A_1118 = arith.constant 272 : index
        %get3A_1119 = tpu.vector_load %arg9[%get3A_1117, %get3A_1118] {strides = array<i32>} : memref<2x512xf32, #tpu.memory_space<vmem>>, vector<16xf32>,
        %mul3A_1120 = arith.constant 0.949999988 : f32
        %mul3A_1121 = vector.broadcast %mul3A_1120 : f32 to vector<16xf32>
        %mul3A_1122 = arith.mulf %get3A_1115, %mul3A_1121 : vector<16xf32>
        %mul3A_1123 = arith.constant 5.000000e-02 : f32
        %mul3A_1124 = vector.broadcast %mul3A_1123 : f32 to vector<16xf32>
        %mul3A_1125 = arith.mulf %get3A_1119, %mul3A_1124 : vector<16xf32>
        %add3A_1126 = arith.addf %mul3A_1122, %mul3A_1125 : vector<16xf32>
        %mul3A_1127 = arith.mulf %add3A_1126, %add3A_1126 : vector<16xf32>
        %add3A_1128 = arith.addf %add3A_1064, %mul3A_1127 : vector<16xf32>
        %get3A_1129 = arith.index_cast %squeeze3A_832 : i32 to index
        %get3A_1130 = arith.constant 288 : index
        %get3A_1131 = tpu.vector_load %arg10[%get3A_1129, %get3A_1130] {strides = array<i32>} : memref<32x512xf32, #tpu.memory_space<vmem>>, vector<16xf32>,
        %get3A_1132 = arith.constant 1 : i32
        %get3A_1133 = arith.index_cast %get3A_1132 : i32 to index
        %get3A_1134 = arith.constant 288 : index
        %get3A_1135 = tpu.vector_load %arg9[%get3A_1133, %get3A_1134] {strides = array<i32>} : memref<2x512xf32, #tpu.memory_space<vmem>>, vector<16xf32>,
        %mul3A_1136 = arith.constant 0.949999988 : f32
        %mul3A_1137 = vector.broadcast %mul3A_1136 : f32 to vector<16xf32>
        %mul3A_1138 = arith.mulf %get3A_1131, %mul3A_1137 : vector<16xf32>
        %mul3A_1139 = arith.constant 5.000000e-02 : f32
        %mul3A_1140 = vector.broadcast %mul3A_1139 : f32 to vector<16xf32>
        %mul3A_1141 = arith.mulf %get3A_1135, %mul3A_1140 : vector<16xf32>
        %add3A_1142 = arith.addf %mul3A_1138, %mul3A_1141 : vector<16xf32>
        %mul3A_1143 = arith.mulf %add3A_1142, %add3A_1142 : vector<16xf32>
        %add3A_1144 = arith.addf %add3A_1080, %mul3A_1143 : vector<16xf32>
        %get3A_1145 = arith.index_cast %squeeze3A_832 : i32 to index
        %get3A_1146 = arith.constant 304 : index
        %get3A_1147 = tpu.vector_load %arg10[%get3A_1145, %get3A_1146] {strides = array<i32>} : memref<32x512xf32, #tpu.memory_space<vmem>>, vector<16xf32>,
        %get3A_1148 = arith.constant 1 : i32
        %get3A_1149 = arith.index_cast %get3A_1148 : i32 to index
        %get3A_1150 = arith.constant 304 : index
        %get3A_1151 = tpu.vector_load %arg9[%get3A_1149, %get3A_1150] {strides = array<i32>} : memref<2x512xf32, #tpu.memory_space<vmem>>, vector<16xf32>,
        %mul3A_1152 = arith.constant 0.949999988 : f32
        %mul3A_1153 = vector.broadcast %mul3A_1152 : f32 to vector<16xf32>
        %mul3A_1154 = arith.mulf %get3A_1147, %mul3A_1153 : vector<16xf32>
        %mul3A_1155 = arith.constant 5.000000e-02 : f32
        %mul3A_1156 = vector.broadcast %mul3A_1155 : f32 to vector<16xf32>
        %mul3A_1157 = arith.mulf %get3A_1151, %mul3A_1156 : vector<16xf32>
        %add3A_1158 = arith.addf %mul3A_1154, %mul3A_1157 : vector<16xf32>
        %mul3A_1159 = arith.mulf %add3A_1158, %add3A_1158 : vector<16xf32>
        %add3A_1160 = arith.addf %add3A_1096, %mul3A_1159 : vector<16xf32>
        %get3A_1161 = arith.index_cast %squeeze3A_832 : i32 to index
        %get3A_1162 = arith.constant 320 : index
        %get3A_1163 = tpu.vector_load %arg10[%get3A_1161, %get3A_1162] {strides = array<i32>} : memref<32x512xf32, #tpu.memory_space<vmem>>, vector<16xf32>,
        %get3A_1164 = arith.constant 1 : i32
        %get3A_1165 = arith.index_cast %get3A_1164 : i32 to index
        %get3A_1166 = arith.constant 320 : index
        %get3A_1167 = tpu.vector_load %arg9[%get3A_1165, %get3A_1166] {strides = array<i32>} : memref<2x512xf32, #tpu.memory_space<vmem>>, vector<16xf32>,
        %mul3A_1168 = arith.constant 0.949999988 : f32
        %mul3A_1169 = vector.broadcast %mul3A_1168 : f32 to vector<16xf32>
        %mul3A_1170 = arith.mulf %get3A_1163, %mul3A_1169 : vector<16xf32>
        %mul3A_1171 = arith.constant 5.000000e-02 : f32
        %mul3A_1172 = vector.broadcast %mul3A_1171 : f32 to vector<16xf32>
        %mul3A_1173 = arith.mulf %get3A_1167, %mul3A_1172 : vector<16xf32>
        %add3A_1174 = arith.addf %mul3A_1170, %mul3A_1173 : vector<16xf32>
        %mul3A_1175 = arith.mulf %add3A_1174, %add3A_1174 : vector<16xf32>
        %add3A_1176 = arith.addf %add3A_1112, %mul3A_1175 : vector<16xf32>
        %get3A_1177 = arith.index_cast %squeeze3A_832 : i32 to index
        %get3A_1178 = arith.constant 336 : index
        %get3A_1179 = tpu.vector_load %arg10[%get3A_1177, %get3A_1178] {strides = array<i32>} : memref<32x512xf32, #tpu.memory_space<vmem>>, vector<16xf32>,
        %get3A_1180 = arith.constant 1 : i32
        %get3A_1181 = arith.index_cast %get3A_1180 : i32 to index
        %get3A_1182 = arith.constant 336 : index
        %get3A_1183 = tpu.vector_load %arg9[%get3A_1181, %get3A_1182] {strides = array<i32>} : memref<2x512xf32, #tpu.memory_space<vmem>>, vector<16xf32>,
        %mul3A_1184 = arith.constant 0.949999988 : f32
        %mul3A_1185 = vector.broadcast %mul3A_1184 : f32 to vector<16xf32>
        %mul3A_1186 = arith.mulf %get3A_1179, %mul3A_1185 : vector<16xf32>
        %mul3A_1187 = arith.constant 5.000000e-02 : f32
        %mul3A_1188 = vector.broadcast %mul3A_1187 : f32 to vector<16xf32>
        %mul3A_1189 = arith.mulf %get3A_1183, %mul3A_1188 : vector<16xf32>
        %add3A_1190 = arith.addf %mul3A_1186, %mul3A_1189 : vector<16xf32>
        %mul3A_1191 = arith.mulf %add3A_1190, %add3A_1190 : vector<16xf32>
        %add3A_1192 = arith.addf %add3A_1128, %mul3A_1191 : vector<16xf32>
        %get3A_1193 = arith.index_cast %squeeze3A_832 : i32 to index
        %get3A_1194 = arith.constant 352 : index
        %get3A_1195 = tpu.vector_load %arg10[%get3A_1193, %get3A_1194] {strides = array<i32>} : memref<32x512xf32, #tpu.memory_space<vmem>>, vector<16xf32>,
        %get3A_1196 = arith.constant 1 : i32
        %get3A_1197 = arith.index_cast %get3A_1196 : i32 to index
        %get3A_1198 = arith.constant 352 : index
        %get3A_1199 = tpu.vector_load %arg9[%get3A_1197, %get3A_1198] {strides = array<i32>} : memref<2x512xf32, #tpu.memory_space<vmem>>, vector<16xf32>,
        %mul3A_1200 = arith.constant 0.949999988 : f32
        %mul3A_1201 = vector.broadcast %mul3A_1200 : f32 to vector<16xf32>
        %mul3A_1202 = arith.mulf %get3A_1195, %mul3A_1201 : vector<16xf32>
        %mul3A_1203 = arith.constant 5.000000e-02 : f32
        %mul3A_1204 = vector.broadcast %mul3A_1203 : f32 to vector<16xf32>
        %mul3A_1205 = arith.mulf %get3A_1199, %mul3A_1204 : vector<16xf32>
        %add3A_1206 = arith.addf %mul3A_1202, %mul3A_1205 : vector<16xf32>
        %mul3A_1207 = arith.mulf %add3A_1206, %add3A_1206 : vector<16xf32>
        %add3A_1208 = arith.addf %add3A_1144, %mul3A_1207 : vector<16xf32>
        %get3A_1209 = arith.index_cast %squeeze3A_832 : i32 to index
        %get3A_1210 = arith.constant 368 : index
        %get3A_1211 = tpu.vector_load %arg10[%get3A_1209, %get3A_1210] {strides = array<i32>} : memref<32x512xf32, #tpu.memory_space<vmem>>, vector<16xf32>,
        %get3A_1212 = arith.constant 1 : i32
        %get3A_1213 = arith.index_cast %get3A_1212 : i32 to index
        %get3A_1214 = arith.constant 368 : index
        %get3A_1215 = tpu.vector_load %arg9[%get3A_1213, %get3A_1214] {strides = array<i32>} : memref<2x512xf32, #tpu.memory_space<vmem>>, vector<16xf32>,
        %mul3A_1216 = arith.constant 0.949999988 : f32
        %mul3A_1217 = vector.broadcast %mul3A_1216 : f32 to vector<16xf32>
        %mul3A_1218 = arith.mulf %get3A_1211, %mul3A_1217 : vector<16xf32>
        %mul3A_1219 = arith.constant 5.000000e-02 : f32
        %mul3A_1220 = vector.broadcast %mul3A_1219 : f32 to vector<16xf32>
        %mul3A_1221 = arith.mulf %get3A_1215, %mul3A_1220 : vector<16xf32>
        %add3A_1222 = arith.addf %mul3A_1218, %mul3A_1221 : vector<16xf32>
        %mul3A_1223 = arith.mulf %add3A_1222, %add3A_1222 : vector<16xf32>
        %add3A_1224 = arith.addf %add3A_1160, %mul3A_1223 : vector<16xf32>
        %get3A_1225 = arith.index_cast %squeeze3A_832 : i32 to index
        %get3A_1226 = arith.constant 384 : index
        %get3A_1227 = tpu.vector_load %arg10[%get3A_1225, %get3A_1226] {strides = array<i32>} : memref<32x512xf32, #tpu.memory_space<vmem>>, vector<16xf32>,
        %get3A_1228 = arith.constant 1 : i32
        %get3A_1229 = arith.index_cast %get3A_1228 : i32 to index
        %get3A_1230 = arith.constant 384 : index
        %get3A_1231 = tpu.vector_load %arg9[%get3A_1229, %get3A_1230] {strides = array<i32>} : memref<2x512xf32, #tpu.memory_space<vmem>>, vector<16xf32>,
        %mul3A_1232 = arith.constant 0.949999988 : f32
        %mul3A_1233 = vector.broadcast %mul3A_1232 : f32 to vector<16xf32>
        %mul3A_1234 = arith.mulf %get3A_1227, %mul3A_1233 : vector<16xf32>
        %mul3A_1235 = arith.constant 5.000000e-02 : f32
        %mul3A_1236 = vector.broadcast %mul3A_1235 : f32 to vector<16xf32>
        %mul3A_1237 = arith.mulf %get3A_1231, %mul3A_1236 : vector<16xf32>
        %add3A_1238 = arith.addf %mul3A_1234, %mul3A_1237 : vector<16xf32>
        %mul3A_1239 = arith.mulf %add3A_1238, %add3A_1238 : vector<16xf32>
        %add3A_1240 = arith.addf %add3A_1176, %mul3A_1239 : vector<16xf32>
        %get3A_1241 = arith.index_cast %squeeze3A_832 : i32 to index
        %get3A_1242 = arith.constant 400 : index
        %get3A_1243 = tpu.vector_load %arg10[%get3A_1241, %get3A_1242] {strides = array<i32>} : memref<32x512xf32, #tpu.memory_space<vmem>>, vector<16xf32>,
        %get3A_1244 = arith.constant 1 : i32
        %get3A_1245 = arith.index_cast %get3A_1244 : i32 to index
        %get3A_1246 = arith.constant 400 : index
        %get3A_1247 = tpu.vector_load %arg9[%get3A_1245, %get3A_1246] {strides = array<i32>} : memref<2x512xf32, #tpu.memory_space<vmem>>, vector<16xf32>,
        %mul3A_1248 = arith.constant 0.949999988 : f32
        %mul3A_1249 = vector.broadcast %mul3A_1248 : f32 to vector<16xf32>
        %mul3A_1250 = arith.mulf %get3A_1243, %mul3A_1249 : vector<16xf32>
        %mul3A_1251 = arith.constant 5.000000e-02 : f32
        %mul3A_1252 = vector.broadcast %mul3A_1251 : f32 to vector<16xf32>
        %mul3A_1253 = arith.mulf %get3A_1247, %mul3A_1252 : vector<16xf32>
        %add3A_1254 = arith.addf %mul3A_1250, %mul3A_1253 : vector<16xf32>
        %mul3A_1255 = arith.mulf %add3A_1254, %add3A_1254 : vector<16xf32>
        %add3A_1256 = arith.addf %add3A_1192, %mul3A_1255 : vector<16xf32>
        %get3A_1257 = arith.index_cast %squeeze3A_832 : i32 to index
        %get3A_1258 = arith.constant 416 : index
        %get3A_1259 = tpu.vector_load %arg10[%get3A_1257, %get3A_1258] {strides = array<i32>} : memref<32x512xf32, #tpu.memory_space<vmem>>, vector<16xf32>,
        %get3A_1260 = arith.constant 1 : i32
        %get3A_1261 = arith.index_cast %get3A_1260 : i32 to index
        %get3A_1262 = arith.constant 416 : index
        %get3A_1263 = tpu.vector_load %arg9[%get3A_1261, %get3A_1262] {strides = array<i32>} : memref<2x512xf32, #tpu.memory_space<vmem>>, vector<16xf32>,
        %mul3A_1264 = arith.constant 0.949999988 : f32
        %mul3A_1265 = vector.broadcast %mul3A_1264 : f32 to vector<16xf32>
        %mul3A_1266 = arith.mulf %get3A_1259, %mul3A_1265 : vector<16xf32>
        %mul3A_1267 = arith.constant 5.000000e-02 : f32
        %mul3A_1268 = vector.broadcast %mul3A_1267 : f32 to vector<16xf32>
        %mul3A_1269 = arith.mulf %get3A_1263, %mul3A_1268 : vector<16xf32>
        %add3A_1270 = arith.addf %mul3A_1266, %mul3A_1269 : vector<16xf32>
        %mul3A_1271 = arith.mulf %add3A_1270, %add3A_1270 : vector<16xf32>
        %add3A_1272 = arith.addf %add3A_1208, %mul3A_1271 : vector<16xf32>
        %get3A_1273 = arith.index_cast %squeeze3A_832 : i32 to index
        %get3A_1274 = arith.constant 432 : index
        %get3A_1275 = tpu.vector_load %arg10[%get3A_1273, %get3A_1274] {strides = array<i32>} : memref<32x512xf32, #tpu.memory_space<vmem>>, vector<16xf32>,
        %get3A_1276 = arith.constant 1 : i32
        %get3A_1277 = arith.index_cast %get3A_1276 : i32 to index
        %get3A_1278 = arith.constant 432 : index
        %get3A_1279 = tpu.vector_load %arg9[%get3A_1277, %get3A_1278] {strides = array<i32>} : memref<2x512xf32, #tpu.memory_space<vmem>>, vector<16xf32>,
        %mul3A_1280 = arith.constant 0.949999988 : f32
        %mul3A_1281 = vector.broadcast %mul3A_1280 : f32 to vector<16xf32>
        %mul3A_1282 = arith.mulf %get3A_1275, %mul3A_1281 : vector<16xf32>
        %mul3A_1283 = arith.constant 5.000000e-02 : f32
        %mul3A_1284 = vector.broadcast %mul3A_1283 : f32 to vector<16xf32>
        %mul3A_1285 = arith.mulf %get3A_1279, %mul3A_1284 : vector<16xf32>
        %add3A_1286 = arith.addf %mul3A_1282, %mul3A_1285 : vector<16xf32>
        %mul3A_1287 = arith.mulf %add3A_1286, %add3A_1286 : vector<16xf32>
        %add3A_1288 = arith.addf %add3A_1224, %mul3A_1287 : vector<16xf32>
        %get3A_1289 = arith.index_cast %squeeze3A_832 : i32 to index
        %get3A_1290 = arith.constant 448 : index
        %get3A_1291 = tpu.vector_load %arg10[%get3A_1289, %get3A_1290] {strides = array<i32>} : memref<32x512xf32, #tpu.memory_space<vmem>>, vector<16xf32>,
        %get3A_1292 = arith.constant 1 : i32
        %get3A_1293 = arith.index_cast %get3A_1292 : i32 to index
        %get3A_1294 = arith.constant 448 : index
        %get3A_1295 = tpu.vector_load %arg9[%get3A_1293, %get3A_1294] {strides = array<i32>} : memref<2x512xf32, #tpu.memory_space<vmem>>, vector<16xf32>,
        %mul3A_1296 = arith.constant 0.949999988 : f32
        %mul3A_1297 = vector.broadcast %mul3A_1296 : f32 to vector<16xf32>
        %mul3A_1298 = arith.mulf %get3A_1291, %mul3A_1297 : vector<16xf32>
        %mul3A_1299 = arith.constant 5.000000e-02 : f32
        %mul3A_1300 = vector.broadcast %mul3A_1299 : f32 to vector<16xf32>
        %mul3A_1301 = arith.mulf %get3A_1295, %mul3A_1300 : vector<16xf32>
        %add3A_1302 = arith.addf %mul3A_1298, %mul3A_1301 : vector<16xf32>
        %mul3A_1303 = arith.mulf %add3A_1302, %add3A_1302 : vector<16xf32>
        %add3A_1304 = arith.addf %add3A_1240, %mul3A_1303 : vector<16xf32>
        %get3A_1305 = arith.index_cast %squeeze3A_832 : i32 to index
        %get3A_1306 = arith.constant 464 : index
        %get3A_1307 = tpu.vector_load %arg10[%get3A_1305, %get3A_1306] {strides = array<i32>} : memref<32x512xf32, #tpu.memory_space<vmem>>, vector<16xf32>,
        %get3A_1308 = arith.constant 1 : i32
        %get3A_1309 = arith.index_cast %get3A_1308 : i32 to index
        %get3A_1310 = arith.constant 464 : index
        %get3A_1311 = tpu.vector_load %arg9[%get3A_1309, %get3A_1310] {strides = array<i32>} : memref<2x512xf32, #tpu.memory_space<vmem>>, vector<16xf32>,
        %mul3A_1312 = arith.constant 0.949999988 : f32
        %mul3A_1313 = vector.broadcast %mul3A_1312 : f32 to vector<16xf32>
        %mul3A_1314 = arith.mulf %get3A_1307, %mul3A_1313 : vector<16xf32>
        %mul3A_1315 = arith.constant 5.000000e-02 : f32
        %mul3A_1316 = vector.broadcast %mul3A_1315 : f32 to vector<16xf32>
        %mul3A_1317 = arith.mulf %get3A_1311, %mul3A_1316 : vector<16xf32>
        %add3A_1318 = arith.addf %mul3A_1314, %mul3A_1317 : vector<16xf32>
        %mul3A_1319 = arith.mulf %add3A_1318, %add3A_1318 : vector<16xf32>
        %add3A_1320 = arith.addf %add3A_1256, %mul3A_1319 : vector<16xf32>
        %get3A_1321 = arith.index_cast %squeeze3A_832 : i32 to index
        %get3A_1322 = arith.constant 480 : index
        %get3A_1323 = tpu.vector_load %arg10[%get3A_1321, %get3A_1322] {strides = array<i32>} : memref<32x512xf32, #tpu.memory_space<vmem>>, vector<16xf32>,
        %get3A_1324 = arith.constant 1 : i32
        %get3A_1325 = arith.index_cast %get3A_1324 : i32 to index
        %get3A_1326 = arith.constant 480 : index
        %get3A_1327 = tpu.vector_load %arg9[%get3A_1325, %get3A_1326] {strides = array<i32>} : memref<2x512xf32, #tpu.memory_space<vmem>>, vector<16xf32>,
        %mul3A_1328 = arith.constant 0.949999988 : f32
        %mul3A_1329 = vector.broadcast %mul3A_1328 : f32 to vector<16xf32>
        %mul3A_1330 = arith.mulf %get3A_1323, %mul3A_1329 : vector<16xf32>
        %mul3A_1331 = arith.constant 5.000000e-02 : f32
        %mul3A_1332 = vector.broadcast %mul3A_1331 : f32 to vector<16xf32>
        %mul3A_1333 = arith.mulf %get3A_1327, %mul3A_1332 : vector<16xf32>
        %add3A_1334 = arith.addf %mul3A_1330, %mul3A_1333 : vector<16xf32>
        %mul3A_1335 = arith.mulf %add3A_1334, %add3A_1334 : vector<16xf32>
        %add3A_1336 = arith.addf %add3A_1272, %mul3A_1335 : vector<16xf32>
        %get3A_1337 = arith.index_cast %squeeze3A_832 : i32 to index
        %get3A_1338 = arith.constant 496 : index
        %get3A_1339 = tpu.vector_load %arg10[%get3A_1337, %get3A_1338] {strides = array<i32>} : memref<32x512xf32, #tpu.memory_space<vmem>>, vector<16xf32>,
        %get3A_1340 = arith.constant 1 : i32
        %get3A_1341 = arith.index_cast %get3A_1340 : i32 to index
        %get3A_1342 = arith.constant 496 : index
        %get3A_1343 = tpu.vector_load %arg9[%get3A_1341, %get3A_1342] {strides = array<i32>} : memref<2x512xf32, #tpu.memory_space<vmem>>, vector<16xf32>,
        %mul3A_1344 = arith.constant 0.949999988 : f32
        %mul3A_1345 = vector.broadcast %mul3A_1344 : f32 to vector<16xf32>
        %mul3A_1346 = arith.mulf %get3A_1339, %mul3A_1345 : vector<16xf32>
        %mul3A_1347 = arith.constant 5.000000e-02 : f32
        %mul3A_1348 = vector.broadcast %mul3A_1347 : f32 to vector<16xf32>
        %mul3A_1349 = arith.mulf %get3A_1343, %mul3A_1348 : vector<16xf32>
        %add3A_1350 = arith.addf %mul3A_1346, %mul3A_1349 : vector<16xf32>
        %mul3A_1351 = arith.mulf %add3A_1350, %add3A_1350 : vector<16xf32>
        %add3A_1352 = arith.addf %add3A_1288, %mul3A_1351 : vector<16xf32>
        %add3A_1353 = arith.addf %add3A_1304, %add3A_1320 : vector<16xf32>
        %add3A_1354 = arith.addf %add3A_1336, %add3A_1352 : vector<16xf32>
        %add3A_1355 = arith.addf %add3A_1353, %add3A_1354 : vector<16xf32>
        %reduce_sum3A_1356 = arith.constant true
        %reduce_sum3A_1357 = vector.broadcast %reduce_sum3A_1356 : i1 to vector<16xi1>
        %reduce_sum3A_1358 = tpu.scan <sum>, %add3A_1355 masked %reduce_sum3A_1357 : vector<16xf32>, vector<16xi1> -> vector<16xf32>
        %reduce_sum3A_1359 = vector.extract %reduce_sum3A_1358[15] : f32 from vector<16xf32>
        %broadcast_in_dim3A_1360 = vector.broadcast %reduce_sum3A_1359 : f32 to vector<16xf32>
        %bitcast3A_1361 = vector.bitcast %broadcast_in_dim3A_1360 : vector<16xf32> to vector<16xi32>
        %shift_right_arithmetic3A_1362 = arith.constant 1 : i32
        %shift_right_arithmetic3A_1363 = vector.broadcast %shift_right_arithmetic3A_1362 : i32 to vector<16xi32>
        %shift_right_arithmetic3A_1364 = arith.shrsi %bitcast3A_1361, %shift_right_arithmetic3A_1363 : vector<16xi32>
        %sub3A_1365 = arith.constant 1597463007 : i32
        %sub3A_1366 = vector.broadcast %sub3A_1365 : i32 to vector<16xi32>
        %sub3A_1367 = arith.subi %sub3A_1366, %shift_right_arithmetic3A_1364 : vector<16xi32>
        %bitcast3A_1368 = vector.bitcast %sub3A_1367 : vector<16xi32> to vector<16xf32>
        %mul3A_1369 = arith.constant 5.000000e-01 : f32
        %mul3A_1370 = vector.broadcast %mul3A_1369 : f32 to vector<16xf32>
        %mul3A_1371 = arith.mulf %mul3A_1370, %broadcast_in_dim3A_1360 : vector<16xf32>
        %mul3A_1372 = arith.mulf %mul3A_1371, %bitcast3A_1368 : vector<16xf32>
        %mul3A_1373 = arith.mulf %mul3A_1372, %bitcast3A_1368 : vector<16xf32>
        %sub3A_1374 = arith.constant 1.500000e+00 : f32
        %sub3A_1375 = vector.broadcast %sub3A_1374 : f32 to vector<16xf32>
        %sub3A_1376 = arith.subf %sub3A_1375, %mul3A_1373 : vector<16xf32>
        %mul3A_1377 = arith.mulf %bitcast3A_1368, %sub3A_1376 : vector<16xf32>
        %mul3A_1378 = arith.constant 5.000000e-01 : f32
        %mul3A_1379 = vector.broadcast %mul3A_1378 : f32 to vector<16xf32>
        %mul3A_1380 = arith.mulf %mul3A_1379, %broadcast_in_dim3A_1360 : vector<16xf32>
        %mul3A_1381 = arith.mulf %mul3A_1380, %mul3A_1377 : vector<16xf32>
        %mul3A_1382 = arith.mulf %mul3A_1381, %mul3A_1377 : vector<16xf32>
        %sub3A_1383 = arith.constant 1.500000e+00 : f32
        %sub3A_1384 = vector.broadcast %sub3A_1383 : f32 to vector<16xf32>
        %sub3A_1385 = arith.subf %sub3A_1384, %mul3A_1382 : vector<16xf32>
        %mul3A_1386 = arith.mulf %mul3A_1377, %sub3A_1385 : vector<16xf32>
        %mul3A_1387 = arith.constant 5.000000e-01 : f32
        %mul3A_1388 = vector.broadcast %mul3A_1387 : f32 to vector<16xf32>
        %mul3A_1389 = arith.mulf %mul3A_1388, %broadcast_in_dim3A_1360 : vector<16xf32>
        %mul3A_1390 = arith.mulf %mul3A_1389, %mul3A_1386 : vector<16xf32>
        %mul3A_1391 = arith.mulf %mul3A_1390, %mul3A_1386 : vector<16xf32>
        %sub3A_1392 = arith.constant 1.500000e+00 : f32
        %sub3A_1393 = vector.broadcast %sub3A_1392 : f32 to vector<16xf32>
        %sub3A_1394 = arith.subf %sub3A_1393, %mul3A_1391 : vector<16xf32>
        %mul3A_1395 = arith.mulf %mul3A_1386, %sub3A_1394 : vector<16xf32>
        %mul3A_1396 = arith.constant 5.000000e-01 : f32
        %mul3A_1397 = vector.broadcast %mul3A_1396 : f32 to vector<16xf32>
        %mul3A_1398 = arith.mulf %mul3A_1397, %broadcast_in_dim3A_1360 : vector<16xf32>
        %mul3A_1399 = arith.mulf %mul3A_1398, %mul3A_1395 : vector<16xf32>
        %mul3A_1400 = arith.mulf %mul3A_1399, %mul3A_1395 : vector<16xf32>
        %sub3A_1401 = arith.constant 1.500000e+00 : f32
        %sub3A_1402 = vector.broadcast %sub3A_1401 : f32 to vector<16xf32>
        %sub3A_1403 = arith.subf %sub3A_1402, %mul3A_1400 : vector<16xf32>
        %mul3A_1404 = arith.mulf %mul3A_1395, %sub3A_1403 : vector<16xf32>
        %mul3A_1405 = arith.mulf %broadcast_in_dim3A_1360, %mul3A_1404 : vector<16xf32>
        %gt3A_1406 = arith.constant 9.99999996E-13 : f32
        %gt3A_1407 = vector.broadcast %gt3A_1406 : f32 to vector<16xf32>
        %gt3A_1408 = arith.cmpf ogt, %mul3A_1405, %gt3A_1407 : vector<16xf32>
        %jit3A_1409 = arith.constant 9.99999995E+11 : f32
        %broadcast_in_dim3A_1410 = vector.broadcast %jit3A_1409 : f32 to vector<16xf32>
        %select_n3A_1411 = arith.select %gt3A_1408, %mul3A_1404, %broadcast_in_dim3A_1410 : vector<16xi1>, vector<16xf32>
        %mul3A_1412 = arith.mulf %add3A_854, %select_n3A_1411 : vector<16xf32>
        %swap3A_1413 = arith.index_cast %squeeze3A_832 : i32 to index
        %swap3A_1414 = arith.constant 0 : index
        %swap3A_1415 = tpu.vector_load %arg10[%swap3A_1413, %swap3A_1414] {strides = array<i32>} : memref<32x512xf32, #tpu.memory_space<vmem>>, vector<16xf32>,
        tpu.vector_store %arg10[%swap3A_1413, %swap3A_1414], %mul3A_1412 {strides = array<i32>} : memref<32x512xf32, #tpu.memory_space<vmem>>, vector<16xf32>,
        %mul3A_1416 = arith.mulf %add3A_870, %select_n3A_1411 : vector<16xf32>
        %swap3A_1417 = arith.index_cast %squeeze3A_832 : i32 to index
        %swap3A_1418 = arith.constant 16 : index
        %swap3A_1419 = tpu.vector_load %arg10[%swap3A_1417, %swap3A_1418] {strides = array<i32>} : memref<32x512xf32, #tpu.memory_space<vmem>>, vector<16xf32>,
        tpu.vector_store %arg10[%swap3A_1417, %swap3A_1418], %mul3A_1416 {strides = array<i32>} : memref<32x512xf32, #tpu.memory_space<vmem>>, vector<16xf32>,
        %mul3A_1420 = arith.mulf %add3A_886, %select_n3A_1411 : vector<16xf32>
        %swap3A_1421 = arith.index_cast %squeeze3A_832 : i32 to index
        %swap3A_1422 = arith.constant 32 : index
        %swap3A_1423 = tpu.vector_load %arg10[%swap3A_1421, %swap3A_1422] {strides = array<i32>} : memref<32x512xf32, #tpu.memory_space<vmem>>, vector<16xf32>,
        tpu.vector_store %arg10[%swap3A_1421, %swap3A_1422], %mul3A_1420 {strides = array<i32>} : memref<32x512xf32, #tpu.memory_space<vmem>>, vector<16xf32>,
        %mul3A_1424 = arith.mulf %add3A_902, %select_n3A_1411 : vector<16xf32>
        %swap3A_1425 = arith.index_cast %squeeze3A_832 : i32 to index
        %swap3A_1426 = arith.constant 48 : index
        %swap3A_1427 = tpu.vector_load %arg10[%swap3A_1425, %swap3A_1426] {strides = array<i32>} : memref<32x512xf32, #tpu.memory_space<vmem>>, vector<16xf32>,
        tpu.vector_store %arg10[%swap3A_1425, %swap3A_1426], %mul3A_1424 {strides = array<i32>} : memref<32x512xf32, #tpu.memory_space<vmem>>, vector<16xf32>,
        %mul3A_1428 = arith.mulf %add3A_918, %select_n3A_1411 : vector<16xf32>
        %swap3A_1429 = arith.index_cast %squeeze3A_832 : i32 to index
        %swap3A_1430 = arith.constant 64 : index
        %swap3A_1431 = tpu.vector_load %arg10[%swap3A_1429, %swap3A_1430] {strides = array<i32>} : memref<32x512xf32, #tpu.memory_space<vmem>>, vector<16xf32>,
        tpu.vector_store %arg10[%swap3A_1429, %swap3A_1430], %mul3A_1428 {strides = array<i32>} : memref<32x512xf32, #tpu.memory_space<vmem>>, vector<16xf32>,
        %mul3A_1432 = arith.mulf %add3A_934, %select_n3A_1411 : vector<16xf32>
        %swap3A_1433 = arith.index_cast %squeeze3A_832 : i32 to index
        %swap3A_1434 = arith.constant 80 : index
        %swap3A_1435 = tpu.vector_load %arg10[%swap3A_1433, %swap3A_1434] {strides = array<i32>} : memref<32x512xf32, #tpu.memory_space<vmem>>, vector<16xf32>,
        tpu.vector_store %arg10[%swap3A_1433, %swap3A_1434], %mul3A_1432 {strides = array<i32>} : memref<32x512xf32, #tpu.memory_space<vmem>>, vector<16xf32>,
        %mul3A_1436 = arith.mulf %add3A_950, %select_n3A_1411 : vector<16xf32>
        %swap3A_1437 = arith.index_cast %squeeze3A_832 : i32 to index
        %swap3A_1438 = arith.constant 96 : index
        %swap3A_1439 = tpu.vector_load %arg10[%swap3A_1437, %swap3A_1438] {strides = array<i32>} : memref<32x512xf32, #tpu.memory_space<vmem>>, vector<16xf32>,
        tpu.vector_store %arg10[%swap3A_1437, %swap3A_1438], %mul3A_1436 {strides = array<i32>} : memref<32x512xf32, #tpu.memory_space<vmem>>, vector<16xf32>,
        %mul3A_1440 = arith.mulf %add3A_966, %select_n3A_1411 : vector<16xf32>
        %swap3A_1441 = arith.index_cast %squeeze3A_832 : i32 to index
        %swap3A_1442 = arith.constant 112 : index
        %swap3A_1443 = tpu.vector_load %arg10[%swap3A_1441, %swap3A_1442] {strides = array<i32>} : memref<32x512xf32, #tpu.memory_space<vmem>>, vector<16xf32>,
        tpu.vector_store %arg10[%swap3A_1441, %swap3A_1442], %mul3A_1440 {strides = array<i32>} : memref<32x512xf32, #tpu.memory_space<vmem>>, vector<16xf32>,
        %mul3A_1444 = arith.mulf %add3A_982, %select_n3A_1411 : vector<16xf32>
        %swap3A_1445 = arith.index_cast %squeeze3A_832 : i32 to index
        %swap3A_1446 = arith.constant 128 : index
        %swap3A_1447 = tpu.vector_load %arg10[%swap3A_1445, %swap3A_1446] {strides = array<i32>} : memref<32x512xf32, #tpu.memory_space<vmem>>, vector<16xf32>,
        tpu.vector_store %arg10[%swap3A_1445, %swap3A_1446], %mul3A_1444 {strides = array<i32>} : memref<32x512xf32, #tpu.memory_space<vmem>>, vector<16xf32>,
        %mul3A_1448 = arith.mulf %add3A_998, %select_n3A_1411 : vector<16xf32>
        %swap3A_1449 = arith.index_cast %squeeze3A_832 : i32 to index
        %swap3A_1450 = arith.constant 144 : index
        %swap3A_1451 = tpu.vector_load %arg10[%swap3A_1449, %swap3A_1450] {strides = array<i32>} : memref<32x512xf32, #tpu.memory_space<vmem>>, vector<16xf32>,
        tpu.vector_store %arg10[%swap3A_1449, %swap3A_1450], %mul3A_1448 {strides = array<i32>} : memref<32x512xf32, #tpu.memory_space<vmem>>, vector<16xf32>,
        %mul3A_1452 = arith.mulf %add3A_1014, %select_n3A_1411 : vector<16xf32>
        %swap3A_1453 = arith.index_cast %squeeze3A_832 : i32 to index
        %swap3A_1454 = arith.constant 160 : index
        %swap3A_1455 = tpu.vector_load %arg10[%swap3A_1453, %swap3A_1454] {strides = array<i32>} : memref<32x512xf32, #tpu.memory_space<vmem>>, vector<16xf32>,
        tpu.vector_store %arg10[%swap3A_1453, %swap3A_1454], %mul3A_1452 {strides = array<i32>} : memref<32x512xf32, #tpu.memory_space<vmem>>, vector<16xf32>,
        %mul3A_1456 = arith.mulf %add3A_1030, %select_n3A_1411 : vector<16xf32>
        %swap3A_1457 = arith.index_cast %squeeze3A_832 : i32 to index
        %swap3A_1458 = arith.constant 176 : index
        %swap3A_1459 = tpu.vector_load %arg10[%swap3A_1457, %swap3A_1458] {strides = array<i32>} : memref<32x512xf32, #tpu.memory_space<vmem>>, vector<16xf32>,
        tpu.vector_store %arg10[%swap3A_1457, %swap3A_1458], %mul3A_1456 {strides = array<i32>} : memref<32x512xf32, #tpu.memory_space<vmem>>, vector<16xf32>,
        %mul3A_1460 = arith.mulf %add3A_1046, %select_n3A_1411 : vector<16xf32>
        %swap3A_1461 = arith.index_cast %squeeze3A_832 : i32 to index
        %swap3A_1462 = arith.constant 192 : index
        %swap3A_1463 = tpu.vector_load %arg10[%swap3A_1461, %swap3A_1462] {strides = array<i32>} : memref<32x512xf32, #tpu.memory_space<vmem>>, vector<16xf32>,
        tpu.vector_store %arg10[%swap3A_1461, %swap3A_1462], %mul3A_1460 {strides = array<i32>} : memref<32x512xf32, #tpu.memory_space<vmem>>, vector<16xf32>,
        %mul3A_1464 = arith.mulf %add3A_1062, %select_n3A_1411 : vector<16xf32>
        %swap3A_1465 = arith.index_cast %squeeze3A_832 : i32 to index
        %swap3A_1466 = arith.constant 208 : index
        %swap3A_1467 = tpu.vector_load %arg10[%swap3A_1465, %swap3A_1466] {strides = array<i32>} : memref<32x512xf32, #tpu.memory_space<vmem>>, vector<16xf32>,
        tpu.vector_store %arg10[%swap3A_1465, %swap3A_1466], %mul3A_1464 {strides = array<i32>} : memref<32x512xf32, #tpu.memory_space<vmem>>, vector<16xf32>,
        %mul3A_1468 = arith.mulf %add3A_1078, %select_n3A_1411 : vector<16xf32>
        %swap3A_1469 = arith.index_cast %squeeze3A_832 : i32 to index
        %swap3A_1470 = arith.constant 224 : index
        %swap3A_1471 = tpu.vector_load %arg10[%swap3A_1469, %swap3A_1470] {strides = array<i32>} : memref<32x512xf32, #tpu.memory_space<vmem>>, vector<16xf32>,
        tpu.vector_store %arg10[%swap3A_1469, %swap3A_1470], %mul3A_1468 {strides = array<i32>} : memref<32x512xf32, #tpu.memory_space<vmem>>, vector<16xf32>,
        %mul3A_1472 = arith.mulf %add3A_1094, %select_n3A_1411 : vector<16xf32>
        %swap3A_1473 = arith.index_cast %squeeze3A_832 : i32 to index
        %swap3A_1474 = arith.constant 240 : index
        %swap3A_1475 = tpu.vector_load %arg10[%swap3A_1473, %swap3A_1474] {strides = array<i32>} : memref<32x512xf32, #tpu.memory_space<vmem>>, vector<16xf32>,
        tpu.vector_store %arg10[%swap3A_1473, %swap3A_1474], %mul3A_1472 {strides = array<i32>} : memref<32x512xf32, #tpu.memory_space<vmem>>, vector<16xf32>,
        %mul3A_1476 = arith.mulf %add3A_1110, %select_n3A_1411 : vector<16xf32>
        %swap3A_1477 = arith.index_cast %squeeze3A_832 : i32 to index
        %swap3A_1478 = arith.constant 256 : index
        %swap3A_1479 = tpu.vector_load %arg10[%swap3A_1477, %swap3A_1478] {strides = array<i32>} : memref<32x512xf32, #tpu.memory_space<vmem>>, vector<16xf32>,
        tpu.vector_store %arg10[%swap3A_1477, %swap3A_1478], %mul3A_1476 {strides = array<i32>} : memref<32x512xf32, #tpu.memory_space<vmem>>, vector<16xf32>,
        %mul3A_1480 = arith.mulf %add3A_1126, %select_n3A_1411 : vector<16xf32>
        %swap3A_1481 = arith.index_cast %squeeze3A_832 : i32 to index
        %swap3A_1482 = arith.constant 272 : index
        %swap3A_1483 = tpu.vector_load %arg10[%swap3A_1481, %swap3A_1482] {strides = array<i32>} : memref<32x512xf32, #tpu.memory_space<vmem>>, vector<16xf32>,
        tpu.vector_store %arg10[%swap3A_1481, %swap3A_1482], %mul3A_1480 {strides = array<i32>} : memref<32x512xf32, #tpu.memory_space<vmem>>, vector<16xf32>,
        %mul3A_1484 = arith.mulf %add3A_1142, %select_n3A_1411 : vector<16xf32>
        %swap3A_1485 = arith.index_cast %squeeze3A_832 : i32 to index
        %swap3A_1486 = arith.constant 288 : index
        %swap3A_1487 = tpu.vector_load %arg10[%swap3A_1485, %swap3A_1486] {strides = array<i32>} : memref<32x512xf32, #tpu.memory_space<vmem>>, vector<16xf32>,
        tpu.vector_store %arg10[%swap3A_1485, %swap3A_1486], %mul3A_1484 {strides = array<i32>} : memref<32x512xf32, #tpu.memory_space<vmem>>, vector<16xf32>,
        %mul3A_1488 = arith.mulf %add3A_1158, %select_n3A_1411 : vector<16xf32>
        %swap3A_1489 = arith.index_cast %squeeze3A_832 : i32 to index
        %swap3A_1490 = arith.constant 304 : index
        %swap3A_1491 = tpu.vector_load %arg10[%swap3A_1489, %swap3A_1490] {strides = array<i32>} : memref<32x512xf32, #tpu.memory_space<vmem>>, vector<16xf32>,
        tpu.vector_store %arg10[%swap3A_1489, %swap3A_1490], %mul3A_1488 {strides = array<i32>} : memref<32x512xf32, #tpu.memory_space<vmem>>, vector<16xf32>,
        %mul3A_1492 = arith.mulf %add3A_1174, %select_n3A_1411 : vector<16xf32>
        %swap3A_1493 = arith.index_cast %squeeze3A_832 : i32 to index
        %swap3A_1494 = arith.constant 320 : index
        %swap3A_1495 = tpu.vector_load %arg10[%swap3A_1493, %swap3A_1494] {strides = array<i32>} : memref<32x512xf32, #tpu.memory_space<vmem>>, vector<16xf32>,
        tpu.vector_store %arg10[%swap3A_1493, %swap3A_1494], %mul3A_1492 {strides = array<i32>} : memref<32x512xf32, #tpu.memory_space<vmem>>, vector<16xf32>,
        %mul3A_1496 = arith.mulf %add3A_1190, %select_n3A_1411 : vector<16xf32>
        %swap3A_1497 = arith.index_cast %squeeze3A_832 : i32 to index
        %swap3A_1498 = arith.constant 336 : index
        %swap3A_1499 = tpu.vector_load %arg10[%swap3A_1497, %swap3A_1498] {strides = array<i32>} : memref<32x512xf32, #tpu.memory_space<vmem>>, vector<16xf32>,
        tpu.vector_store %arg10[%swap3A_1497, %swap3A_1498], %mul3A_1496 {strides = array<i32>} : memref<32x512xf32, #tpu.memory_space<vmem>>, vector<16xf32>,
        %mul3A_1500 = arith.mulf %add3A_1206, %select_n3A_1411 : vector<16xf32>
        %swap3A_1501 = arith.index_cast %squeeze3A_832 : i32 to index
        %swap3A_1502 = arith.constant 352 : index
        %swap3A_1503 = tpu.vector_load %arg10[%swap3A_1501, %swap3A_1502] {strides = array<i32>} : memref<32x512xf32, #tpu.memory_space<vmem>>, vector<16xf32>,
        tpu.vector_store %arg10[%swap3A_1501, %swap3A_1502], %mul3A_1500 {strides = array<i32>} : memref<32x512xf32, #tpu.memory_space<vmem>>, vector<16xf32>,
        %mul3A_1504 = arith.mulf %add3A_1222, %select_n3A_1411 : vector<16xf32>
        %swap3A_1505 = arith.index_cast %squeeze3A_832 : i32 to index
        %swap3A_1506 = arith.constant 368 : index
        %swap3A_1507 = tpu.vector_load %arg10[%swap3A_1505, %swap3A_1506] {strides = array<i32>} : memref<32x512xf32, #tpu.memory_space<vmem>>, vector<16xf32>,
        tpu.vector_store %arg10[%swap3A_1505, %swap3A_1506], %mul3A_1504 {strides = array<i32>} : memref<32x512xf32, #tpu.memory_space<vmem>>, vector<16xf32>,
        %mul3A_1508 = arith.mulf %add3A_1238, %select_n3A_1411 : vector<16xf32>
        %swap3A_1509 = arith.index_cast %squeeze3A_832 : i32 to index
        %swap3A_1510 = arith.constant 384 : index
        %swap3A_1511 = tpu.vector_load %arg10[%swap3A_1509, %swap3A_1510] {strides = array<i32>} : memref<32x512xf32, #tpu.memory_space<vmem>>, vector<16xf32>,
        tpu.vector_store %arg10[%swap3A_1509, %swap3A_1510], %mul3A_1508 {strides = array<i32>} : memref<32x512xf32, #tpu.memory_space<vmem>>, vector<16xf32>,
        %mul3A_1512 = arith.mulf %add3A_1254, %select_n3A_1411 : vector<16xf32>
        %swap3A_1513 = arith.index_cast %squeeze3A_832 : i32 to index
        %swap3A_1514 = arith.constant 400 : index
        %swap3A_1515 = tpu.vector_load %arg10[%swap3A_1513, %swap3A_1514] {strides = array<i32>} : memref<32x512xf32, #tpu.memory_space<vmem>>, vector<16xf32>,
        tpu.vector_store %arg10[%swap3A_1513, %swap3A_1514], %mul3A_1512 {strides = array<i32>} : memref<32x512xf32, #tpu.memory_space<vmem>>, vector<16xf32>,
        %mul3A_1516 = arith.mulf %add3A_1270, %select_n3A_1411 : vector<16xf32>
        %swap3A_1517 = arith.index_cast %squeeze3A_832 : i32 to index
        %swap3A_1518 = arith.constant 416 : index
        %swap3A_1519 = tpu.vector_load %arg10[%swap3A_1517, %swap3A_1518] {strides = array<i32>} : memref<32x512xf32, #tpu.memory_space<vmem>>, vector<16xf32>,
        tpu.vector_store %arg10[%swap3A_1517, %swap3A_1518], %mul3A_1516 {strides = array<i32>} : memref<32x512xf32, #tpu.memory_space<vmem>>, vector<16xf32>,
        %mul3A_1520 = arith.mulf %add3A_1286, %select_n3A_1411 : vector<16xf32>
        %swap3A_1521 = arith.index_cast %squeeze3A_832 : i32 to index
        %swap3A_1522 = arith.constant 432 : index
        %swap3A_1523 = tpu.vector_load %arg10[%swap3A_1521, %swap3A_1522] {strides = array<i32>} : memref<32x512xf32, #tpu.memory_space<vmem>>, vector<16xf32>,
        tpu.vector_store %arg10[%swap3A_1521, %swap3A_1522], %mul3A_1520 {strides = array<i32>} : memref<32x512xf32, #tpu.memory_space<vmem>>, vector<16xf32>,
        %mul3A_1524 = arith.mulf %add3A_1302, %select_n3A_1411 : vector<16xf32>
        %swap3A_1525 = arith.index_cast %squeeze3A_832 : i32 to index
        %swap3A_1526 = arith.constant 448 : index
        %swap3A_1527 = tpu.vector_load %arg10[%swap3A_1525, %swap3A_1526] {strides = array<i32>} : memref<32x512xf32, #tpu.memory_space<vmem>>, vector<16xf32>,
        tpu.vector_store %arg10[%swap3A_1525, %swap3A_1526], %mul3A_1524 {strides = array<i32>} : memref<32x512xf32, #tpu.memory_space<vmem>>, vector<16xf32>,
        %mul3A_1528 = arith.mulf %add3A_1318, %select_n3A_1411 : vector<16xf32>
        %swap3A_1529 = arith.index_cast %squeeze3A_832 : i32 to index
        %swap3A_1530 = arith.constant 464 : index
        %swap3A_1531 = tpu.vector_load %arg10[%swap3A_1529, %swap3A_1530] {strides = array<i32>} : memref<32x512xf32, #tpu.memory_space<vmem>>, vector<16xf32>,
        tpu.vector_store %arg10[%swap3A_1529, %swap3A_1530], %mul3A_1528 {strides = array<i32>} : memref<32x512xf32, #tpu.memory_space<vmem>>, vector<16xf32>,
        %mul3A_1532 = arith.mulf %add3A_1334, %select_n3A_1411 : vector<16xf32>
        %swap3A_1533 = arith.index_cast %squeeze3A_832 : i32 to index
        %swap3A_1534 = arith.constant 480 : index
        %swap3A_1535 = tpu.vector_load %arg10[%swap3A_1533, %swap3A_1534] {strides = array<i32>} : memref<32x512xf32, #tpu.memory_space<vmem>>, vector<16xf32>,
        tpu.vector_store %arg10[%swap3A_1533, %swap3A_1534], %mul3A_1532 {strides = array<i32>} : memref<32x512xf32, #tpu.memory_space<vmem>>, vector<16xf32>,
        %mul3A_1536 = arith.mulf %add3A_1350, %select_n3A_1411 : vector<16xf32>
        %swap3A_1537 = arith.index_cast %squeeze3A_832 : i32 to index
        %swap3A_1538 = arith.constant 496 : index
        %swap3A_1539 = tpu.vector_load %arg10[%swap3A_1537, %swap3A_1538] {strides = array<i32>} : memref<32x512xf32, #tpu.memory_space<vmem>>, vector<16xf32>,
        tpu.vector_store %arg10[%swap3A_1537, %swap3A_1538], %mul3A_1536 {strides = array<i32>} : memref<32x512xf32, #tpu.memory_space<vmem>>, vector<16xf32>,
        %add3A_1540 = arith.constant 2 : i32
        %add3A_1541 = arith.addi %add3A_814, %add3A_1540 : i32
        %lt3A_1542 = arith.cmpi slt, %add3A_1541, %scan3A_20 : i32
        %convert_element_type3A_1543 = arith.extui %lt3A_1542 : i1 to i32
        %cond3A_1544 = arith.constant 0 : i32
        %cond3A_1545 = arith.cmpi ne, %convert_element_type3A_1543, %cond3A_1544 : i32
        scf.if %cond3A_1545 {
          %add3A_1546 = arith.constant 2 : i32
          %add3A_1547 = arith.addi %add3A_814, %add3A_1546 : i32
          %get3A_1548 = arith.index_cast %add3A_1547 : i32 to index
          %get3A_1549 = tpu.vector_load %arg7[%get3A_1548] {strides = array<i32>} : memref<1040xi32, #tpu.memory_space<vmem>>, vector<16xi32>,
          %slice3A_1550 = vector.extract_strided_slice %get3A_1549 {offsets = [0], sizes = [1], strides = [1]} : vector<16xi32> to vector<1xi32>
          %squeeze3A_1551 = vector.extract %slice3A_1550[0] : i32 from vector<1xi32>
          %dma_start3A_1552 = arith.constant 1 : i32
          %dma_start3A_1553 = arith.constant 0 : i32
          %dma_start3A_1554 = tpu.memref_slice %arg9[%dma_start3A_1552, %dma_start3A_1553] : memref<2x512xf32, #tpu.memory_space<vmem>> -> memref<1x512xf32, #tpu.memory_space<vmem>>
          %dma_start3A_1555 = tpu.memref_squeeze %dma_start3A_1554 : memref<1x512xf32, #tpu.memory_space<vmem>> -> memref<512xf32, #tpu.memory_space<vmem>>
          %dma_start3A_1556 = arith.constant 0 : i32
          %dma_start3A_1557 = tpu.memref_slice %arg11[%squeeze3A_1551, %dma_start3A_1556] : memref<1024x512xf32, #tpu.memory_space<vmem_shared>> -> memref<1x512xf32, #tpu.memory_space<vmem_shared>>
          %dma_start3A_1558 = tpu.memref_squeeze %dma_start3A_1557 : memref<1x512xf32, #tpu.memory_space<vmem_shared>> -> memref<512xf32, #tpu.memory_space<vmem_shared>>
          %dma_start3A_1559 = arith.constant 0 : i32
          %dma_start3A_1560 = tpu.memref_slice %arg9[%dma_start3A_1552, %dma_start3A_1559] : memref<2x512xf32, #tpu.memory_space<vmem>> -> memref<1x512xf32, #tpu.memory_space<vmem>>
          %dma_start3A_1561 = tpu.memref_squeeze %dma_start3A_1560 : memref<1x512xf32, #tpu.memory_space<vmem>> -> memref<512xf32, #tpu.memory_space<vmem>>
          %dma_start3A_1562 = arith.constant 0 : i32
          %dma_start3A_1563 = tpu.memref_slice %arg11[%squeeze3A_1551, %dma_start3A_1562] : memref<1024x512xf32, #tpu.memory_space<vmem_shared>> -> memref<1x512xf32, #tpu.memory_space<vmem_shared>>
          %dma_start3A_1564 = tpu.memref_squeeze %dma_start3A_1563 : memref<1x512xf32, #tpu.memory_space<vmem_shared>> -> memref<512xf32, #tpu.memory_space<vmem_shared>>
          tpu.enqueue_dma source(%dma_start3A_1564 : memref<512xf32, #tpu.memory_space<vmem_shared>>) target(%dma_start3A_1561 : memref<512xf32, #tpu.memory_space<vmem>>) target_semaphore(%arg14 : memref<!tpu.dma_semaphore, #tpu.memory_space<semaphore_mem>>)
        } else {
        }
      } else {
      }
    }
    %lt3A_71 = arith.constant 31 : i32
    %lt3A_72 = arith.cmpi slt, %add3A, %lt3A_71 : i32
    %convert_element_type3A_73 = arith.extui %lt3A_72 : i1 to i32
    %cond3A_74 = arith.constant 0 : i32
    %cond3A_75 = arith.cmpi ne, %convert_element_type3A_73, %cond3A_74 : i32
    scf.if %cond3A_75 {
      "tpu.region"() ({
        %run_scoped3A = tpu.sem_alloc : memref<!tpu.dma_semaphore, #tpu.memory_space<semaphore_mem>>
        %dma_start3A_81 = arith.constant 0 : i32
        %dma_start3A_82 = tpu.memref_slice %arg5[%mul3A_2, %dma_start3A_81] : memref<1000x512xf32, #tpu.memory_space<hbm>> -> memref<32x512xf32, #tpu.memory_space<hbm>>
        %dma_start3A_83 = arith.constant 0 : i32
        %dma_start3A_84 = tpu.memref_slice %arg5[%mul3A_2, %dma_start3A_83] : memref<1000x512xf32, #tpu.memory_space<hbm>> -> memref<32x512xf32, #tpu.memory_space<hbm>>
        tpu.enqueue_dma source(%arg10 : memref<32x512xf32, #tpu.memory_space<vmem>>) target(%dma_start3A_84 : memref<32x512xf32, #tpu.memory_space<hbm>>) target_semaphore(%run_scoped3A : memref<!tpu.dma_semaphore, #tpu.memory_space<semaphore_mem>>)
        %dma_wait3A_85 = arith.constant 0 : i32
        %dma_wait3A_86 = tpu.memref_slice %arg5[%mul3A_2, %dma_wait3A_85] : memref<1000x512xf32, #tpu.memory_space<hbm>> -> memref<32x512xf32, #tpu.memory_space<hbm>>
        %dma_wait3A_87 = arith.constant 0 : i32
        %dma_wait3A_88 = tpu.memref_slice %arg5[%mul3A_2, %dma_wait3A_87] : memref<1000x512xf32, #tpu.memory_space<hbm>> -> memref<32x512xf32, #tpu.memory_space<hbm>>
        tpu.wait_dma2 semaphore(%run_scoped3A : memref<!tpu.dma_semaphore, #tpu.memory_space<semaphore_mem>>) src(%arg10 : memref<32x512xf32, #tpu.memory_space<vmem>>) dst(%dma_wait3A_88 : memref<32x512xf32, #tpu.memory_space<hbm>>)
        tpu.yield
      }) : () -> ()
    } else {
    }
    %eq3A_76 = arith.constant 31 : i32
    %eq3A_77 = arith.cmpi eq, %add3A, %eq3A_76 : i32
    %convert_element_type3A_78 = arith.extui %eq3A_77 : i1 to i32
    %cond3A_79 = arith.constant 0 : i32
    %cond3A_80 = arith.cmpi ne, %convert_element_type3A_78, %cond3A_79 : i32
    scf.if %cond3A_80 {
      "tpu.region"() ({
        %run_scoped3A = tpu.sem_alloc : memref<!tpu.dma_semaphore, #tpu.memory_space<semaphore_mem>>
        %dma_start3A_81 = arith.constant 0 : i32
        %dma_start3A_82 = arith.constant 0 : i32
        %dma_start3A_83 = tpu.memref_slice %arg10[%dma_start3A_81, %dma_start3A_82] : memref<32x512xf32, #tpu.memory_space<vmem>> -> memref<8x512xf32, #tpu.memory_space<vmem>>
        %dma_start3A_84 = arith.constant 0 : i32
        %dma_start3A_85 = tpu.memref_slice %arg5[%mul3A_2, %dma_start3A_84] : memref<1000x512xf32, #tpu.memory_space<hbm>> -> memref<8x512xf32, #tpu.memory_space<hbm>>
        %dma_start3A_86 = arith.constant 0 : i32
        %dma_start3A_87 = tpu.memref_slice %arg5[%mul3A_2, %dma_start3A_86] : memref<1000x512xf32, #tpu.memory_space<hbm>> -> memref<8x512xf32, #tpu.memory_space<hbm>>
        %dma_start3A_88 = arith.constant 0 : i32
        %dma_start3A_89 = arith.constant 0 : i32
        %dma_start3A_90 = tpu.memref_slice %arg10[%dma_start3A_88, %dma_start3A_89] : memref<32x512xf32, #tpu.memory_space<vmem>> -> memref<8x512xf32, #tpu.memory_space<vmem>>
        tpu.enqueue_dma source(%dma_start3A_90 : memref<8x512xf32, #tpu.memory_space<vmem>>) target(%dma_start3A_87 : memref<8x512xf32, #tpu.memory_space<hbm>>) target_semaphore(%run_scoped3A : memref<!tpu.dma_semaphore, #tpu.memory_space<semaphore_mem>>)
        %dma_wait3A_91 = arith.constant 0 : i32
        %dma_wait3A_92 = arith.constant 0 : i32
        %dma_wait3A_93 = tpu.memref_slice %arg10[%dma_wait3A_91, %dma_wait3A_92] : memref<32x512xf32, #tpu.memory_space<vmem>> -> memref<8x512xf32, #tpu.memory_space<vmem>>
        %dma_wait3A_94 = arith.constant 0 : i32
        %dma_wait3A_95 = tpu.memref_slice %arg5[%mul3A_2, %dma_wait3A_94] : memref<1000x512xf32, #tpu.memory_space<hbm>> -> memref<8x512xf32, #tpu.memory_space<hbm>>
        %dma_wait3A_96 = arith.constant 0 : i32
        %dma_wait3A_97 = tpu.memref_slice %arg5[%mul3A_2, %dma_wait3A_96] : memref<1000x512xf32, #tpu.memory_space<hbm>> -> memref<8x512xf32, #tpu.memory_space<hbm>>
        %dma_wait3A_98 = arith.constant 0 : i32
        %dma_wait3A_99 = arith.constant 0 : i32
        %dma_wait3A_100 = tpu.memref_slice %arg10[%dma_wait3A_98, %dma_wait3A_99] : memref<32x512xf32, #tpu.memory_space<vmem>> -> memref<8x512xf32, #tpu.memory_space<vmem>>
        tpu.wait_dma2 semaphore(%run_scoped3A : memref<!tpu.dma_semaphore, #tpu.memory_space<semaphore_mem>>) src(%dma_wait3A_100 : memref<8x512xf32, #tpu.memory_space<vmem>>) dst(%dma_wait3A_97 : memref<8x512xf32, #tpu.memory_space<hbm>>)
        tpu.yield
      }) : () -> ()
    } else {
    }
    return
  }
}

module attributes {stable_mosaic.version = 14 : i64} {
  func.func @_loss_body(%arg0: memref<1000x512xf32, #tpu.memory_space<vmem>>, %arg1: memref<1x1xf32, #tpu.memory_space<smem>>) attributes {dimension_semantics = [], scalar_prefetch = 0 : i64, scratch_operands = 0 : i64, tpu.core_type = #tpu.core_type<tc>} {
    %get3A = arith.constant 0 : index
    %get3A_0 = arith.constant 0 : index
    %get3A_1 = vector.load %arg0[%get3A, %get3A_0] : memref<1000x512xf32, #tpu.memory_space<vmem>>, vector<1000x512xf32>
    %convert_element_type3A = arith.truncf %get3A_1 : vector<1000x512xf32> to vector<1000x512xbf16>
    %convert_element_type3A_2 = arith.extf %convert_element_type3A : vector<1000x512xbf16> to vector<1000x512xf32>
    %sub3A = arith.subf %get3A_1, %convert_element_type3A_2 : vector<1000x512xf32>
    %convert_element_type3A_3 = arith.truncf %sub3A : vector<1000x512xf32> to vector<1000x512xbf16>
    %dot_general3A = arith.constant dense<0.000000e+00> : vector<1000x1000xf32>
    %dot_general3A_4 = tpu.matmul %convert_element_type3A, %convert_element_type3A, %dot_general3A {dimension_numbers = #tpu.dot_dimension_numbers<[1], [1], [0], [0], [0, 0, 1, 0], [], []>, transpose_lhs_hint = false} : vector<1000x512xbf16>, vector<1000x512xbf16>, vector<1000x1000xf32> -> vector<1000x1000xf32>
    %dot_general3A_5 = arith.constant dense<0.000000e+00> : vector<1000x1000xf32>
    %dot_general3A_6 = tpu.matmul %convert_element_type3A, %convert_element_type3A_3, %dot_general3A_5 {dimension_numbers = #tpu.dot_dimension_numbers<[1], [1], [0], [0], [0, 0, 1, 0], [], []>, transpose_lhs_hint = false} : vector<1000x512xbf16>, vector<1000x512xbf16>, vector<1000x1000xf32> -> vector<1000x1000xf32>
    %dot_general3A_7 = arith.constant dense<0.000000e+00> : vector<1000x1000xf32>
    %dot_general3A_8 = tpu.matmul %convert_element_type3A_3, %convert_element_type3A, %dot_general3A_7 {dimension_numbers = #tpu.dot_dimension_numbers<[1], [1], [0], [0], [0, 0, 1, 0], [], []>, transpose_lhs_hint = false} : vector<1000x512xbf16>, vector<1000x512xbf16>, vector<1000x1000xf32> -> vector<1000x1000xf32>
    %add3A = arith.addf %dot_general3A_6, %dot_general3A_8 : vector<1000x1000xf32>
    %add3A_9 = arith.addf %dot_general3A_4, %add3A : vector<1000x1000xf32>
    %mul3A = arith.constant 1.000000e+01 : f32
    %mul3A_10 = vector.broadcast %mul3A : f32 to vector<1000x1000xf32>
    %mul3A_11 = arith.mulf %add3A_9, %mul3A_10 : vector<1000x1000xf32>
    %exp3A = math.exp %mul3A_11 : vector<1000x1000xf32>
    %iota3A = tpu.iota {dimensions = array<i32: 0>} : vector<1000x1000xi32>
    %iota3A_12 = tpu.iota {dimensions = array<i32: 1>} : vector<1000x1000xi32>
    %eq3A = arith.cmpi eq, %iota3A, %iota3A_12 : vector<1000x1000xi32>
    %jit3A = arith.constant 0.000000e+00 : f32
    %broadcast_in_dim3A = vector.broadcast %jit3A : f32 to vector<1000x1000xf32>
    %select_n3A = arith.select %eq3A, %broadcast_in_dim3A, %exp3A : vector<1000x1000xi1>, vector<1000x1000xf32>
    %reduce_sum3A = arith.constant dense<0.000000e+00> : vector<1000xf32>
    %reduce_sum3A_13 = vector.multi_reduction <add>, %select_n3A, %reduce_sum3A [1] : vector<1000x1000xf32> to vector<1000xf32>
    %mul3A_14 = arith.constant 0.00100100099 : f32
    %mul3A_15 = vector.broadcast %mul3A_14 : f32 to vector<1000xf32>
    %mul3A_16 = arith.mulf %reduce_sum3A_13, %mul3A_15 : vector<1000xf32>
    %log3A = math.log %mul3A_16 : vector<1000xf32>
    %reduce_sum3A_17 = vector.shape_cast %log3A : vector<1000xf32> to vector<1x1000xf32>
    %reduce_sum3A_18 = arith.constant dense<0.000000e+00> : vector<1xf32>
    %reduce_sum3A_19 = vector.multi_reduction <add>, %reduce_sum3A_17, %reduce_sum3A_18 [1] : vector<1x1000xf32> to vector<1xf32>
    %reduce_sum3A_20 = vector.shape_cast %reduce_sum3A_19 : vector<1xf32> to vector<1x1xf32>
    %reduce_sum3A_21 = vector.extract %reduce_sum3A_20[0, 0] : f32 from vector<1x1xf32>
    %mul3A_22 = arith.constant 1.000000e+00 : f32
    %mul3A_23 = arith.mulf %mul3A_22, %reduce_sum3A_21 : f32
    %mul3A_24 = arith.constant 1.000000e-03 : f32
    %mul3A_25 = arith.mulf %mul3A_23, %mul3A_24 : f32
    %swap3A = arith.constant 0 : index
    %swap3A_26 = arith.constant 0 : index
    %swap3A_27 = memref.load %arg1[%swap3A, %swap3A_26] : memref<1x1xf32, #tpu.memory_space<smem>>
    memref.store %mul3A_25, %arg1[%swap3A, %swap3A_26] : memref<1x1xf32, #tpu.memory_space<smem>>
    return
  }
}

</mosaic_0001>

<sc_bundles>
// kernel: kernel.4.cloned.1.call-start
scs
__scs_entry_jumppad:
0x0: {  	(pc) =	sbr.rel $0x88, $3  }
0x1: {  	(tag) =	ssettag $0x0;
	lr =	simm.s32 $0x1  }
0x2: {  	[smem:$0x3F9E] =	sst lr;
	_ =	strace $0xD0000000  }
0x3: {  	_ = 	snop  }
0x4: {  	_ = 	snop  }
0x5: {  	_ = 	snop  }
0x6: {  	_ = 	snop  }
0x7: {  	_ = 	snop  }
__scs_overlays_trampoline_lowered:
0x8: {  	[smem:$0x3FAD] =	sst s0  }
0x9: {  	[smem:$0x3FAE] =	sst s1  }
0xa: {  	[smem:$0x3FAF] =	sst s2  }
0xb: {  	[smem:$0x3FB0] =	sst s3  }
0xc: {  	[smem:$0x3FB1] =	sst s4  }
0xd: {  	[smem:$0x3FB2] =	sst s5  }
0xe: {  	[smem:$0x3FB3] =	sst s6  }
0xf: {  	[smem:$0x3FB4] =	sst s7  }
0x10: {  	[smem:$0x3FB5] =	sst s8  }
0x11: {  	[smem:$0x3FB6] =	sst s9;
	s0 =	simm.s32 @!p0 $0x0  }
0x12: {  	s1 =	sld [smem:$0x3F9C];
	s0 =	simm.s32 @p0 $0x1  }
0x13: {  	[smem:$0x3FB7] =	sst s0;
	s0 =	simm.s32 @!p1 $0x0  }
0x14: {  	s2 =	sld [smem:$0x3F9B];
	s0 =	simm.s32 @p1 $0x1  }
0x15: {  	[smem:$0x3FB8] =	sst s0;
	s0 =	simm.s32 @!p2 $0x0  }
0x16: {  	s3 =	sld [smem:$0x3FDB];
	s0 =	simm.s32 @p2 $0x1  }
0x17: {  	s4 =	simm.s32 $0x1BF5;
	[smem:$0x3FBA] =	sst s0  }
0x18: {  	s0 =	sld [smem:$0x3F9D];
	_ =	swait.ge [sflag:s4], $0x0  }
0x19: {  	s7 =	sld [smem:$0x3F9E]  }
0x1a: {  	s8 =	sadd.s32 $0xFFFFE003, lr  }
0x1b: {  	s9 =	sadd.s32 $0xFFFFFEF7, lr;
	s5 =	simm.s32 $0xFFFFFFFF;
	p2 =	slt.u32 s8, $0xFFFFF086  }
0x1c: {  	p1 =	slt.u32 s9, $0xF7A;
	s5 =	simm.s32 @!p2 $0x0  }
0x1d: {  	s5 =	simm.s32 @p1 $0x1;
	p0 =	seq.s32 s7, s2  }
0x1e: {  	s7 =	smul.u32 @!p0 $0xF7A, s2;
	p2 =	seq.s32 @!p0 s5, $0x0  }
0x1f: {  	s9 =	smul.u32 $0xF7A, s1;
	s8 =	simm.s32 @!p0 $0x1BF5;
	p2 =	por !p2, p0  }
0x20: {  	[sflag:s8] =	ssyncset.s32 @!p0 $0xFFFFF086;
	s6 =	sadd.s32 @!p0 s3, s7;
	s7 =	simm.s32 @!p0 $0x108  }
0x21: {  	s3 =	sadd.s32 s3, s9;
	s6 =	sadd.s32 @!p0 $0x88, s6;
	s7 =	simm.s32 @p2 $0x1082  }
0x22: {  	[simem:s7], [sflag:s8] =	dma.local @!p0 [hbm:s6], $0xF7A  }
0x23: {  	s9 =	sor.u32 $0xD0000000, s2;
	s6 =	simm.s32 $0x108;
	_ =	swait.ge @!p0 [sflag:s8], $0x0  }
0x24: {  	s3 =	sadd.s32 $0x88, s3;
	s6 =	simm.s32 @!p1 $0x1082;
	[sflag:s4] =	ssyncset.s32 $0xFFFFF086  }
0x25: {  	[simem:s6], [sflag:s4] =	dma.local [hbm:s3], $0xF7A  }
0x26: {  	[smem:$0x3F9E] =	sst s1;
	(tag) =	ssettag s2;
	_ =	strace s9  }
0x27: {  	s1 =	sld [smem:$0x3FAE]  }
0x28: {  	s2 =	sld [smem:$0x3FAF]  }
0x29: {  	s4 =	sld [smem:$0x3FB1]  }
0x2a: {  	p0 =	seq.s32 s5, $0x0;
	s5 =	sld [smem:$0x3FB2]  }
0x2b: {  	s6 =	sld [smem:$0x3FB3]  }
0x2c: {  	s7 =	sld [smem:$0x3FB4]  }
0x2d: {  	s3 =	simm.s32 $0x108;
	s8 =	sld [smem:$0x3FB5]  }
0x2e: {  	s3 =	simm.s32 @!p0 $0x1082;
	s9 =	sld [smem:$0x3FB6]  }
0x2f: {  	lr =	sadd.s32 s0, s3;
	s0 =	sld [smem:$0x3FAD]  }
0x30: {  	s3 =	sld [smem:$0x3FB0]  }
0x31: {  	[smem:$0x3FB9] =	sst s10  }
0x32: {  	s10 =	sld [smem:$0x3FB7];
	_ =	sdelay $0x3  }
0x33: {  	p0 =	seq.s32 s10, $0x1;
	s10 =	sld [smem:$0x3FB9];
	_ =	sdelay $0x3  }
0x34: {  	[smem:$0x3FB9] =	sst s10  }
0x35: {  	s10 =	sld [smem:$0x3FB8];
	_ =	sdelay $0x3  }
0x36: {  	p1 =	seq.s32 s10, $0x1;
	s10 =	sld [smem:$0x3FB9];
	_ =	sdelay $0x3  }
0x37: {  	[smem:$0x3FB9] =	sst s10  }
0x38: {  	s10 =	sld [smem:$0x3FBA]  }
0x39: {  	_ = 	snop;
	(pc) =	sbr.ind lr, $3  }
0x3a: {  	_ = 	snop  }
0x3b: {  	_ = 	snop  }
0x3c: {  	p2 =	seq.s32 s10, $0x1;
	s10 =	sld [smem:$0x3FB9]  }
0x3d: {  	_ =	shalt  }
0x3e: {  	_ =	shalt  }
0x3f: {  	_ =	shalt  }
0x40: {  	_ =	shalt  }
0x41: {  	_ =	shalt  }
0x42: {  	_ =	shalt  }
0x43: {  	_ =	shalt  }
0x44: {  	_ =	shalt  }
0x45: {  	_ =	shalt  }
0x46: {  	_ =	shalt  }
0x47: {  	_ =	shalt  }
0x48: {  	_ =	shalt  }
0x49: {  	_ =	shalt  }
0x4a: {  	_ =	shalt  }
0x4b: {  	_ =	shalt  }
0x4c: {  	_ =	shalt  }
0x4d: {  	_ =	shalt  }
0x4e: {  	_ =	shalt  }
0x4f: {  	_ =	shalt  }
0x50: {  	_ =	shalt  }
0x51: {  	_ =	shalt  }
0x52: {  	_ =	shalt  }
0x53: {  	_ =	shalt  }
0x54: {  	_ =	shalt  }
0x55: {  	_ =	shalt  }
0x56: {  	_ =	shalt  }
0x57: {  	_ =	shalt  }
0x58: {  	_ =	shalt  }
0x59: {  	_ =	shalt  }
0x5a: {  	_ =	shalt  }
0x5b: {  	_ =	shalt  }
0x5c: {  	_ =	shalt  }
0x5d: {  	_ =	shalt  }
0x5e: {  	_ =	shalt  }
0x5f: {  	_ =	shalt  }
0x60: {  	_ =	shalt  }
0x61: {  	_ =	shalt  }
0x62: {  	_ =	shalt  }
0x63: {  	_ =	shalt  }
0x64: {  	_ =	shalt  }
0x65: {  	_ =	shalt  }
0x66: {  	_ =	shalt  }
0x67: {  	_ =	shalt  }
0x68: {  	_ =	shalt  }
0x69: {  	_ =	shalt  }
0x6a: {  	_ =	shalt  }
0x6b: {  	_ =	shalt  }
0x6c: {  	_ =	shalt  }
0x6d: {  	_ =	shalt  }
0x6e: {  	_ =	shalt  }
0x6f: {  	_ =	shalt  }
0x70: {  	_ =	shalt  }
0x71: {  	_ =	shalt  }
0x72: {  	_ =	shalt  }
0x73: {  	_ =	shalt  }
0x74: {  	_ =	shalt  }
0x75: {  	_ =	shalt  }
0x76: {  	_ =	shalt  }
0x77: {  	_ =	shalt  }
0x78: {  	_ =	shalt  }
0x79: {  	_ =	shalt  }
0x7a: {  	_ =	shalt  }
0x7b: {  	_ =	shalt  }
0x7c: {  	_ =	shalt  }
0x7d: {  	_ =	shalt  }
0x7e: {  	_ =	shalt  }
0x7f: {  	_ =	shalt  }
0x80: {  	_ =	shalt  }
0x81: {  	_ =	shalt  }
0x82: {  	_ =	shalt  }
0x83: {  	_ =	shalt  }
0x84: {  	_ =	shalt  }
0x85: {  	_ =	shalt  }
0x86: {  	_ =	shalt  }
0x87: {  	_ =	shalt  }
.Lfunc_end0:
.L_simem_size_0:
called_computation_lowered:
.L_overlay_start_0:
0x88: {  	s2 =	sld [smem:$0x3FD9]  }
0x89: {  	s3 =	sld [smem:$0x3FFE];
	_ =	sdelay $0x1  }
0x8a: {  	s1 =	srdreg.scid  }
0x8b: {  	s0 =	sand.u32 $0x1, s1  }
0x8c: {  	s17 =	sshll.u32 s0, $0xA;
	s2 =	sadd.s32 s3, s2  }
0x8d: {  	s2 =	sadd.s32 s2, s17  }
0x8e: {  	[smem:$0x3FC5] =	sst s2  }
0x8f: {  	_ = 	snop  }
0x90: {  	s2 =	sld [smem:$0x3FC9]  }
0x91: {  	s18 =	sld [smem:$0x3FC8]  }
0x92: {  	s4 =	sld [smem:$0x3FC7];
	(tm) =	ssettm $0x1  }
0x93: {  	s5 =	sld [smem:$0x3FFB];
	_ =	sdelay $0x3  }
0x94: {  	_ =	strace s5  }
0x95: {  	s5 =	sld [smem:$0x3FFC];
	_ =	sdelay $0x3  }
0x96: {  	_ =	strace s5  }
0x97: {  	s5 =	sld [smem:$0x3FFD];
	_ =	sdelay $0x3  }
0x98: {  	_ =	strace s5  }
0x99: {  	_ =	strace $0x8FFFFFFF  }
0x9a: {  	s19 =	sld [smem:$0x3FDB];
	_ =	sdelay $0x1  }
0x9b: {  	s6 =	simm.s32 $_scs_section_size  }
0x9c: {  	s7 =	simm.s32 $_size__tile_overlayer_lowered;
	s8 =	simm.s32 $_tile_overlayer_lowered  }
0x9d: {  	s22 =	simm.s32 $0x1BFF;
	s21 =	sshll.u32 s8, $0x1;
	s5 =	sadd.s32 s6, s19  }
0x9e: {  	s9 =	simm.s32 $0x0;
	s20 =	sshll.u32 s7, $0x1;
	s7 =	sadd.s32 s21, s5  }
0x9f: {  	[timem:s9], [sflag:s22] =	dma.local [hbm:s7], s20  }
0xa0: {  	_ =	swait.ge [sflag:s22], s20  }
0xa1: {  	s6 =	ssub.s32 $0x0, s20;
	[sflag:s22] =	ssyncset.done $0x0  }
0xa2: {  	[sflag:s22] =	ssyncadd.s32 s6;
	_ =	sdelay $0x1  }
0xa3: {  	s23 =	simm.s32 $0x1B8B  }
0xa4: {  	_ =	swait.ge [sflag:s23], $0x1  }
0xa5: {  	[sflag:s23] =	ssyncset.done $0x0  }
0xa6: {  	s25 =	simm.s32 $0x1B8E;
	s24 =	sld [smem:$0x3FFE];
	[sflag:s23] =	ssyncadd.s32 $0xFFFFFFFF  }
0xa7: {  	s26 =	simm.s32 $execute0_lowered;
	[smem:$0x3FD2] =	sst s25  }
0xa8: {  	s7 =	sshll.u32 s26, $0x1;
	_ =	strace $0x80000046;
	[dreg:$0x1] =	wrdreg $0xFFFFFFFF  }
0xa9: {  	s28 =	simm.s32 $_size_execute0_lowered;
	s5 =	sadd.s32 s5, s7;
	[dreg:$0x0] =	wrdreg $0x0  }
0xaa: {  	s7 =	sshll.u32 s28, $0x1;
	[dreg:$0x2] =	wrdreg s5  }
0xab: {  	[dreg:$0x3] =	wrdreg s7  }
0xac: {  	[dreg:$0x4] =	wrdreg $0xC0  }
0xad: {  	_ =	task [dreg:s9], $0x5FFFF  }
0xae: {  	[dreg:$0x1] =	wrdreg $0xFFFFFFFF  }
0xaf: {  	[dreg:$0x0] =	wrdreg $0x60  }
0xb0: {  	[dreg:$0x2] =	wrdreg s2  }
0xb1: {  	[dreg:$0x3] =	wrdreg s18  }
0xb2: {  	[dreg:$0x4] =	wrdreg s4  }
0xb3: {  	[dreg:$0x5] =	wrdreg s24  }
0xb4: {  	[dreg:$0x6] =	wrdreg $0x51800  }
0xb5: {  	[dreg:$0x7] =	wrdreg $0x9  }
0xb6: {  	_ =	task.clear_ibuf [dreg:s9], $0x8FFFF;
	_ =	strace $0x90000046  }
0xb7: {  	s29 =	simm.s32 $0x9;
	_ =	strace $0x80000048  }
0xb8: {  	_ =	swait.ge [sflag:s29], $0x1  }
0xb9: {  	[sflag:s29] =	ssyncadd.s32 $0xFFFFFFFF  }
0xba: {  	_ =	strace $0x90000048  }
0xbb: {  	_ =	sfence  }
0xbc: {  	s30 =	sld [smem:$0x0];
	_ =	sdelay $0x2  }
0xbd: {  	s31 =	sshll.u32 s1, $0xD;
	s1 =	sshrl.u32 s1, $0x2  }
0xbe: {  	s3 =	sand.u32 $0x4000, s31;
	s1 =	sadd.s32 s1, s30  }
0xbf: {  	s0 =	sor.u32 s3, s0;
	s1 =	sshll.u32 s1, $0x11  }
0xc0: {  	s0 =	sor.u32 s1, s0  }
0xc1: {  	s0 =	sadd.s32 $0x8F2B, s0  }
0xc2: {  	[sflag:s0] =	ssyncadd.remote.s32 $0x1  }
0xc3: {  	_ =	sfence.sel $0xFFFF  }
0xc4: {  	[dreg:$0x0] =	wrdreg $0xFFFFFFFF;
	(pc) =	sbr.abs _section_cstart, $3  }
0xc5: {  	[dreg:$0x1] =	wrdreg $0xFFFFFFFF  }
0xc6: {  	_ =	task.clear_ibuf [dreg:s9], $0x2FFFF;
	_ =	strace $0x9FFFFFFF  }
0xc7: {  	(tm) =	ssettm $0x7FFFFFFF  }
tec
execute0_lowered:
.L_overlay_start_1:
0x0: {  	(tag) =	ssettag $0x1  }
0x1: {  	s5 =	rddreg [dreg:$0x0]  }
0x2: {  	s8 =	rddreg [dreg:$0x1]  }
0x3: {  	s1 =	rddreg [dreg:$0x2]  }
0x4: {  	s10 =	rddreg [dreg:$0x3]  }
0x5: {  	s3 =	rddreg [dreg:$0x4]  }
0x6: {  	s0 =	rddreg [dreg:$0x5]  }
0x7: {  	s6 =	srdreg.scid;
	s2 =	stileid.u32;
	s4 =	simm.s32 $0x0  }
0x8: {  	s17 =	simm.s32 $0x0;
	s6 =	sand.u32 $0x1, s6;
	s7 =	sshll.u32 s2, $0x1  }
0x9: {  	[smem:$0x7FF] =	sst s4;
	s30 =	sshll.u32 s2, $0xC;
	s31 =	sshll.u32 s2, $0xF  }
0xa: {  	s14 =	sshll.u32 s2, $0x6;
	s12 =	sor.u32 s6, s7;
	s6 =	ssub.s32 $0x2, s6  }
0xb: {  	_ =	strace $0x80000047;
	s5 =	sadd.s32 s5, s30;
	s16 =	sadd.s32 s31, s3  }
0xc: {  	s7 =	sshll.u32 s12, $0xB;
	s9 =	sshrl.u32 s6, $0x1;
	s15 =	sshll.u32 s12, $0x5  }
.Ltmp0:
0xd: {  	p0 =	seq.s32 s12, $0x1F;
	s12 =	sshrl.u32 s16, $0x3;
	(pc) =	sbr.rel .LBB2_1-.Ltmp0, $4  }
0xe: {  	s16 =	simm.s32 $0x3;
	s11 =	sadd.s32 s7, s10;
	s13 =	ssub.s32 s6, s9  }
0xf: {  	s6 =	sor.u32 $0x1C01, s14;
	s7 =	sadd.s32 s8, s7;
	s8 =	sadd.s32 $0xF800, s8  }
0x10: {  	s10 =	sadd.s32 $0xFE00, s10;
	s14 =	simm.s32 $0x1;
	v0 =	vmov s15;
	s15 =	simm.s32 $0x2  }
0x11: {  	v1 =	vlaneseq.u32;
	s9 =	sadd.s32 $0x600, s11;
	s11 =	smax.u32 s13, $0x1;
	s13 =	simm.s32 $0x5  }
.LBB2_8:
0x12: {  	s18 =	simm.s32 @p0 $0x0;
	s19 =	simm.s32 @p0 $0x1180  }
0x13: {  	[hbm4b:s10+s18] =	stream.linear.scatter @p0 [tilespmem:s19], [sflag:$0x5], $0x1000, $0x38;
	[tilespmem:$0xD180] =	vst v63  }
0x14: {  	s18 =	simm.s32 @p0 $0x5  }
0x15: {  	_ =	swait.ge @p0 [sflag:s18], $0x1000  }
0x16: {  	s17 =	sadd.s32 $0x1, s17;
	s19 =	simm.s32 @!p0 $0x1180;
	[sflag:s18] =	ssyncset.done @p0 $0x0  }
0x17: {  	p1 =	sne.s32 s17, s11;
	[sflag:s18] =	ssyncadd.s32 @p0 $0xFFFFF000;
	s18 =	simm.s32 @!p0 $0x0  }
0x18: {  	[hbm4b:s9+s18] =	stream.linear.scatter @!p0 [tilespmem:s19], [sflag:$0x5], $0x4000, $0x38;
	[tilespmem:$0xD180] =	vst v63  }
.Ltmp1:
0x19: {  	_ = 	snop;
	(pc) =	sbr.rel @!p1 .LBB2_9-.Ltmp1, $4  }
0x1a: {  	s18 =	simm.s32 @!p0 $0x5  }
0x1b: {  	_ =	swait.ge @!p0 [sflag:s18], $0x4000  }
0x1c: {  	[sflag:s18] =	ssyncset.done @!p0 $0x0  }
0x1d: {  	[sflag:s18] =	ssyncadd.s32 @!p0 $0xFFFFC000  }
.LBB2_1:
0x1e: {  	[spmem:s12], [sflag:s6] =	dma.local [hbm:s5], $0x1000  }
0x1f: {  	s18 =	simm.s32 @p0 $0x0;
	s19 =	simm.s32 @p0 $0x1180  }
0x20: {  	[tilespmem:s19], [sflag:$0x4] =	stream.linear.gather @p0 [hbm4b:s8+s18], $0x1000, $0x38;
	[tilespmem:$0xD180] =	vst v63  }
0x21: {  	s18 =	simm.s32 @!p0 $0x0;
	s19 =	simm.s32 @!p0 $0x1180  }
0x22: {  	[tilespmem:s19], [sflag:$0x4] =	stream.linear.gather @!p0 [hbm4b:s7+s18], $0x4000, $0x38;
	[tilespmem:$0xD180] =	vst v63  }
0x23: {  	_ = 	snop  }
0x24: {  	[tilespmem:s4], [sflag:$0x5] =	stream.linear.gather [hbm4b:s1+s4], $0x400, $0x38;
	[tilespmem:$0xD180] =	vst v63  }
0x25: {  	_ =	swait.ge [sflag:s13], $0x400  }
0x26: {  	[sflag:s13] =	ssyncset.done $0x0  }
0x27: {  	s26 =	simm.s32 $0x20;
	[sflag:s13] =	ssyncadd.s32 $0xFFFFFC00  }
0x28: {  	v2 =	vld [tilespmem:s26+$0xFFFFFFE0];
	_ =	sdelay $0x4  }
0x29: {  	v2 =	vsub.s32 v2, v0  }
0x2a: {  	v3 =	vor.u32 s4, v1;
	vm0 =	vlt.u32 v2, $0x20  }
0x2b: {  	[tilespmem:s4+$0x480] =	vst.msk vm0, v3;
	v3 =	vmpcnt.ones.xlane vm0  }
0x2c: {  	[tilespmem:s4+$0x900] =	vst.msk vm0, v2  }
0x2d: {  	v2 =	vld [tilespmem:s26+$0xFFFFFFF0];
	(v2sf) =	vpush v3, $0x0;
	_ =	sdelay $0x4  }
0x2e: {  	v2 =	vsub.s32 v2, v0  }
0x2f: {  	vm13 =	vlt.u32 v2, $0x20  }
0x30: {  	v3 =	vmpcnt.ones.xlane vm13;
	_ =	sdelay $0x1  }
0x31: {  	(v2sf) =	vpush v3, $0x0;
	_ =	sdelay $0x5  }
0x32: {  	s28 =	simm.s32 $0x10;
	s20 =	spop (v2sf)  }
0x33: {  	v3 =	vor.u32 s28, v1;
	s20 =	sadd.s32 $0x0, s20  }
0x34: {  	[tilespmem:s20+$0x480] =	vst.msk vm13, v3  }
0x35: {  	[tilespmem:s20+$0x900] =	vst.msk vm13, v2  }
0x36: {  	v2 =	vld [tilespmem:s26+$0x0];
	_ =	sdelay $0x4  }
0x37: {  	s29 =	simm.s32 $0x20;
	v2 =	vsub.s32 v2, v0;
	s21 =	spop (v2sf)  }
0x38: {  	v3 =	vor.u32 s29, v1;
	s20 =	sadd.s32 s20, s21;
	vm14 =	vlt.u32 v2, $0x20  }
0x39: {  	[tilespmem:s20+$0x480] =	vst.msk vm14, v3;
	v3 =	vmpcnt.ones.xlane vm14  }
0x3a: {  	[tilespmem:s20+$0x900] =	vst.msk vm14, v2  }
0x3b: {  	v2 =	vld [tilespmem:s26+$0x10];
	(v2sf) =	vpush v3, $0x0;
	_ =	sdelay $0x4  }
0x3c: {  	v2 =	vsub.s32 v2, v0  }
0x3d: {  	vm15 =	vlt.u32 v2, $0x20  }
0x3e: {  	v3 =	vmpcnt.ones.xlane vm15;
	_ =	sdelay $0x1  }
0x3f: {  	(v2sf) =	vpush v3, $0x0;
	_ =	sdelay $0x5  }
0x40: {  	s30 =	simm.s32 $0x30;
	s31 =	spop (v2sf)  }
0x41: {  	v3 =	vor.u32 s30, v1;
	s22 =	sadd.s32 s20, s31  }
0x42: {  	[tilespmem:s22+$0x480] =	vst.msk vm15, v3  }
0x43: {  	s19 =	simm.s32 $0x60;
	[tilespmem:s22+$0x900] =	vst.msk vm15, v2  }
0x44: {  	v3 =	vld [tilespmem:s19+$0xFFFFFFE0];
	_ =	sdelay $0x3  }
0x45: {  	s18 =	simm.s32 $0x40  }
0x46: {  	s21 =	simm.s32 $0x80;
	s20 =	simm.s32 $0x4;
	v2 =	vor.u32 s18, v1;
	v3 =	vsub.s32 v3, v0;
	s23 =	spop (v2sf)  }
.LBB2_2:
0x47: {  	v4 =	vor.u32 s21, v1;
	s20 =	sadd.s32 $0x4, s20;
	vm0 =	vlt.u32 v3, $0x20;
	s22 =	sadd.s32 s22, s23  }
0x48: {  	p1 =	slt.u32 s20, $0x3C;
	[tilespmem:s22+$0x480] =	vst.msk vm0, v2;
	v5 =	vmpcnt.ones.xlane vm0;
	v2 =	vmov v4  }
0x49: {  	[tilespmem:s22+$0x900] =	vst.msk vm0, v3  }
0x4a: {  	v3 =	vld [tilespmem:s19+$0xFFFFFFF0];
	(v2sf) =	vpush v5, $0x0;
	_ =	sdelay $0x4  }
0x4b: {  	v3 =	vsub.s32 v3, v0  }
0x4c: {  	vm0 =	vlt.u32 v3, $0x20  }
0x4d: {  	v4 =	vmpcnt.ones.xlane vm0;
	_ =	sdelay $0x1  }
0x4e: {  	(v2sf) =	vpush v4, $0x0;
	_ =	sdelay $0x5  }
0x4f: {  	s23 =	sadd.s32 $0x10, s18;
	s24 =	spop (v2sf)  }
0x50: {  	v4 =	vor.u32 s23, v1;
	s22 =	sadd.s32 s22, s24  }
0x51: {  	[tilespmem:s22+$0x480] =	vst.msk vm0, v4  }
0x52: {  	[tilespmem:s22+$0x900] =	vst.msk vm0, v3  }
0x53: {  	v3 =	vld [tilespmem:s19+$0x0];
	_ =	sdelay $0x4  }
0x54: {  	s23 =	sadd.s32 $0x20, s18;
	v3 =	vsub.s32 v3, v0;
	s24 =	spop (v2sf)  }
0x55: {  	v4 =	vor.u32 s23, v1;
	s22 =	sadd.s32 s22, s24;
	vm0 =	vlt.u32 v3, $0x20  }
0x56: {  	[tilespmem:s22+$0x480] =	vst.msk vm0, v4;
	v4 =	vmpcnt.ones.xlane vm0  }
0x57: {  	[tilespmem:s22+$0x900] =	vst.msk vm0, v3  }
0x58: {  	v3 =	vld [tilespmem:s19+$0x10];
	(v2sf) =	vpush v4, $0x0;
	_ =	sdelay $0x4  }
0x59: {  	v3 =	vsub.s32 v3, v0  }
0x5a: {  	vm0 =	vlt.u32 v3, $0x20  }
0x5b: {  	v4 =	vmpcnt.ones.xlane vm0;
	_ =	sdelay $0x1  }
0x5c: {  	(v2sf) =	vpush v4, $0x0;
	_ =	sdelay $0x5  }
0x5d: {  	s23 =	sadd.s32 $0x30, s18;
	s18 =	smov.u32 s21;
	s24 =	spop (v2sf)  }
0x5e: {  	v4 =	vor.u32 s23, v1;
	s22 =	sadd.s32 s22, s24  }
0x5f: {  	[tilespmem:s22+$0x480] =	vst.msk vm0, v4  }
0x60: {  	s19 =	sadd.s32 $0x40, s19;
	[tilespmem:s22+$0x900] =	vst.msk vm0, v3  }
0x61: {  	v3 =	vld [tilespmem:s19+$0xFFFFFFE0]  }
.Ltmp2:
0x62: {  	(pc) =	sbr.rel @p1 .LBB2_2-.Ltmp2, $2  }
0x63: {  	_ =	sdelay $0x2  }
0x64: {  	s21 =	sadd.s32 $0x40, s21;
	v3 =	vsub.s32 v3, v0;
	s23 =	spop (v2sf)  }
0x65: {  	vm0 =	vlt.u32 v3, $0x20;
	s20 =	sadd.s32 s22, s23  }
0x66: {  	[tilespmem:s20+$0x480] =	vst.msk vm0, v2;
	v2 =	vmpcnt.ones.xlane vm0  }
0x67: {  	[tilespmem:s20+$0x900] =	vst.msk vm0, v3  }
0x68: {  	v3 =	vld [tilespmem:s19+$0xFFFFFFF0];
	(v2sf) =	vpush v2, $0x0;
	_ =	sdelay $0x4  }
0x69: {  	v2 =	vsub.s32 v3, v0  }
0x6a: {  	vm13 =	vlt.u32 v2, $0x20  }
0x6b: {  	v3 =	vmpcnt.ones.xlane vm13;
	_ =	sdelay $0x1  }
0x6c: {  	(v2sf) =	vpush v3, $0x0;
	_ =	sdelay $0x5  }
0x6d: {  	s21 =	sadd.s32 $0x10, s18;
	s30 =	spop (v2sf)  }
0x6e: {  	v3 =	vor.u32 s21, v1;
	s20 =	sadd.s32 s20, s30  }
0x6f: {  	[tilespmem:s20+$0x480] =	vst.msk vm13, v3  }
0x70: {  	[tilespmem:s20+$0x900] =	vst.msk vm13, v2  }
0x71: {  	v2 =	vld [tilespmem:s19+$0x0];
	_ =	sdelay $0x4  }
0x72: {  	s31 =	sadd.s32 $0x20, s18;
	v2 =	vsub.s32 v2, v0;
	s23 =	spop (v2sf)  }
0x73: {  	v3 =	vor.u32 s31, v1;
	s20 =	sadd.s32 s20, s23;
	vm14 =	vlt.u32 v2, $0x20  }
0x74: {  	[tilespmem:s20+$0x480] =	vst.msk vm14, v3  }
0x75: {  	[tilespmem:s20+$0x900] =	vst.msk vm14, v2  }
0x76: {  	v2 =	vld [tilespmem:s19+$0x10];
	_ =	sdelay $0x3  }
0x77: {  	v3 =	vmpcnt.ones.xlane vm14  }
0x78: {  	v2 =	vsub.s32 v2, v0  }
0x79: {  	(v2sf) =	vpush v3, $0x0;
	vm15 =	vlt.u32 v2, $0x20  }
0x7a: {  	v3 =	vmpcnt.ones.xlane vm15;
	_ =	sdelay $0x1  }
0x7b: {  	(v2sf) =	vpush v3, $0x0;
	_ =	sdelay $0xb  }
0x7c: {  	s24 =	sadd.s32 $0x30, s18;
	s25 =	spop (v2sf)  }
0x7d: {  	v3 =	vor.u32 s24, v1;
	s19 =	sadd.s32 s20, s25  }
0x7e: {  	[tilespmem:s19+$0x480] =	vst.msk vm15, v3  }
0x7f: {  	[tilespmem:s19+$0x900] =	vst.msk vm15, v2;
	s26 =	spop (v2sf)  }
0x80: {  	_ =	swait.ge [sflag:s14], $0x1000  }
0x81: {  	[sflag:s14] =	ssyncset.done $0x0  }
0x82: {  	[sflag:s14] =	ssyncadd.s32 $0xFFFFF000  }
0x83: {  	s20 =	simm.s32 @p0 $0x4;
	[bflag:$0x0] =	sbarrier.arrive $0xFFFF  }
0x84: {  	_ =	swait.ge @p0 [sflag:s20], $0x1000  }
0x85: {  	[sflag:s20] =	ssyncset.done @p0 $0x0  }
0x86: {  	[sflag:s20] =	ssyncadd.s32 @p0 $0xFFFFF000;
	s20 =	simm.s32 @!p0 $0x4  }
0x87: {  	_ =	swait.ge @!p0 [sflag:s20], $0x4000  }
0x88: {  	s18 =	sadd.s32 s19, s26;
	[sflag:s20] =	ssyncset.done @!p0 $0x0  }
0x89: {  	p1 =	slt.s32 s18, $0x1;
	[sflag:s20] =	ssyncadd.s32 @!p0 $0xFFFFC000  }
0x8a: {  	v2 =	vld @!p1 [tilespmem:$0x480];
	_ =	sdelay $0x4  }
0x8b: {  	(v2sf) =	vpush @!p1 v2, $0x0;
	_ =	sdelay $0xe  }
0x8c: {  	s19 =	spop @!p1 (v2sf)  }
0x8d: {  	s20 =	sshll.u32 @!p1 s19, $0x9  }
0x8e: {  	s19 =	sshll.u32 @!p1 s19, $0x7;
	s20 =	sand.u32 @!p1 $0xFFFFF000, s20  }
0x8f: {  	s19 =	sand.u32 @!p1 $0x380, s19;
	s20 =	sadd.s32 @!p1 s20, s3  }
0x90: {  	s19 =	sadd.s32 @!p1 s19, s20;
	s20 =	simm.s32 @!p1 $0xD80  }
0x91: {  	[tilespmem:s20], [sflag:$0x2] =	stream.linear.gather @!p1 [spmem:s19], $0x80, $0x38;
	[tilespmem:$0xD180] =	vst v63  }
0x92: {  	s21 =	simm.s32 @!p1 $0xE80;
	s20 =	sadd.s32 @!p1 $0x400, s19  }
0x93: {  	[tilespmem:s21], [sflag:$0x2] =	stream.linear.gather @!p1 [spmem:s20], $0x80, $0x38;
	[tilespmem:$0xD180] =	vst v63  }
0x94: {  	s20 =	sadd.s32 @!p1 $0x800, s19;
	s21 =	simm.s32 @!p1 $0xF80  }
0x95: {  	[tilespmem:s21], [sflag:$0x2] =	stream.linear.gather @!p1 [spmem:s20], $0x80, $0x38;
	[tilespmem:$0xD180] =	vst v63  }
0x96: {  	p2 =	seq.s32 @!p1 s18, $0x1;
	s19 =	sadd.s32 @!p1 $0xC00, s19;
	s20 =	simm.s32 @!p1 $0x1080  }
0x97: {  	[tilespmem:s20], [sflag:$0x2] =	stream.linear.gather @!p1 [spmem:s19], $0x80, $0x38;
	[tilespmem:$0xD180] =	vst v63  }
0x98: {  	p1 =	por p2, p1  }
0x99: {  	v2 =	vld @!p1 [tilespmem:$0x481];
	_ =	sdelay $0x4  }
0x9a: {  	(v2sf) =	vpush @!p1 v2, $0x0;
	_ =	sdelay $0xe  }
0x9b: {  	s19 =	spop @!p1 (v2sf)  }
0x9c: {  	s20 =	sshll.u32 @!p1 s19, $0x9  }
0x9d: {  	s19 =	sshll.u32 @!p1 s19, $0x7;
	s20 =	sand.u32 @!p1 $0xFFFFF000, s20  }
0x9e: {  	s19 =	sand.u32 @!p1 $0x380, s19;
	s20 =	sadd.s32 @!p1 s20, s3  }
0x9f: {  	s19 =	sadd.s32 @!p1 s19, s20;
	s20 =	simm.s32 @!p1 $0xE00  }
0xa0: {  	[tilespmem:s20], [sflag:$0x3] =	stream.linear.gather @!p1 [spmem:s19], $0x80, $0x38;
	[tilespmem:$0xD180] =	vst v63  }
0xa1: {  	s21 =	simm.s32 @!p1 $0xF00;
	s20 =	sadd.s32 @!p1 $0x400, s19  }
0xa2: {  	[tilespmem:s21], [sflag:$0x3] =	stream.linear.gather @!p1 [spmem:s20], $0x80, $0x38;
	[tilespmem:$0xD180] =	vst v63  }
0xa3: {  	s20 =	sadd.s32 @!p1 $0x800, s19;
	s21 =	simm.s32 @!p1 $0x1000  }
0xa4: {  	[tilespmem:s21], [sflag:$0x3] =	stream.linear.gather @!p1 [spmem:s20], $0x80, $0x38;
	[tilespmem:$0xD180] =	vst v63  }
0xa5: {  	s19 =	sadd.s32 @!p1 $0xC00, s19;
	s20 =	simm.s32 @!p1 $0x1100  }
0xa6: {  	[tilespmem:s20], [sflag:$0x3] =	stream.linear.gather @!p1 [spmem:s19], $0x80, $0x38;
	[tilespmem:$0xD180] =	vst v63  }
0xa7: {  	s28 =	sadd.s32 $0x1, s18;
	p1 =	slt.u32 s18, $0x7FFFFFFF;
	s20 =	simm.s32 $0x1  }
0xa8: {  	s29 =	sshra.s32 s28, $0x1F;
	s20 =	simm.s32 @!p1 $0x0  }
0xa9: {  	s30 =	sand.u32 $0x1, s28;
	s20 =	sadd.s32 s20, s29  }
0xaa: {  	p6 =	seq.s32 s30, $0x1;
	p5 =	sne.s32 s20, $0x1  }
0xab: {  	s31 =	sshrl.u32 s28, $0x1F;
	p1 =	por !p5, !p6  }
0xac: {  	s19 =	sadd.s32 s31, s28;
	s20 =	simm.s32 $0x1;
	p1 =	por !p1, !p1  }
0xad: {  	s19 =	sshra.s32 s19, $0x1;
	s20 =	simm.s32 @!p1 $0x0  }
0xae: {  	s19 =	ssub.s32 s19, s20  }
0xaf: {  	p1 =	slt.s32 s19, $0x1  }
.Ltmp3:
0xb0: {  	_ = 	snop;
	(pc) =	sbr.rel @p1 .LBB2_8-.Ltmp3, $1  }
0xb1: {  	_ =	sdelay $0x3  }
.Ltmp4:
0xb2: {  	(pc) =	sbr.rel .LBB2_5-.Ltmp4, $2  }
0xb3: {  	_ =	sdelay $0x2  }
0xb4: {  	s20 =	simm.s32 $0x1;
	s21 =	simm.s32 $0x901;
	s22 =	simm.s32 $0x483  }
.LBB2_7:
0xb5: {  	s19 =	sadd.s32 $0xFFFFFFFF, s19  }
0xb6: {  	p1 =	sne.s32 s19, $0x0  }
.Ltmp5:
0xb7: {  	_ = 	snop;
	(pc) =	sbr.rel @!p1 .LBB2_8-.Ltmp5, $2  }
0xb8: {  	_ =	sdelay $0x2  }
0xb9: {  	s20 =	sadd.s32 $0x2, s20;
	s21 =	sadd.s32 $0x2, s21;
	s22 =	sadd.s32 $0x2, s22  }
.LBB2_5:
0xba: {  	_ =	swait.ge [sflag:s15], $0x200  }
0xbb: {  	[sflag:s15] =	ssyncset.done $0x0  }
0xbc: {  	[sflag:s15] =	ssyncadd.s32 $0xFFFFFE00  }
0xbd: {  	v2 =	vld [tilespmem:s21+$0xFFFFFFFF];
	_ =	sdelay $0x4  }
0xbe: {  	(v2sf) =	vpush v2, $0x0  }
0xbf: {  	v3 =	vld [tilespmem:$0xD80]  }
0xc0: {  	v5 =	vld [tilespmem:$0xD90]  }
0xc1: {  	v7 =	vld [tilespmem:$0xDA0]  }
0xc2: {  	v9 =	vld [tilespmem:$0xDB0]  }
0xc3: {  	v11 =	vld [tilespmem:$0xDC0]  }
0xc4: {  	v13 =	vld [tilespmem:$0xDD0]  }
0xc5: {  	v15 =	vld [tilespmem:$0xDE0]  }
0xc6: {  	v17 =	vld [tilespmem:$0xDF0]  }
0xc7: {  	v19 =	vld [tilespmem:$0xE80]  }
0xc8: {  	v21 =	vld [tilespmem:$0xE90]  }
0xc9: {  	v23 =	vld [tilespmem:$0xEA0]  }
0xca: {  	v27 =	vld [tilespmem:$0xEB0]  }
0xcb: {  	v50 =	vld [tilespmem:$0xEC0]  }
0xcc: {  	v29 =	vld [tilespmem:$0xED0]  }
0xcd: {  	v32 =	vld [tilespmem:$0xEF0];
	s23 =	spop (v2sf)  }
0xce: {  	v63 =	vld [tilespmem:$0xF90];
	s24 =	sshll.u32 s23, $0x9;
	s23 =	sshll.u32 s23, $0x7  }
0xcf: {  	v36 =	vld [tilespmem:$0xFA0];
	s24 =	sand.u32 $0xFFFFF000, s24;
	s23 =	sand.u32 $0x380, s23  }
0xd0: {  	v57 =	vmul.f32 $5.000000070e-02, v19;
	v19 =	vld [tilespmem:$0xF80];
	s23 =	sor.u32 s23, s24  }
0xd1: {  	v2 =	vld [tilespmem:s23+$0x1180]  }
0xd2: {  	v4 =	vld [tilespmem:s23+$0x1190]  }
0xd3: {  	v6 =	vld [tilespmem:s23+$0x11A0]  }
0xd4: {  	v8 =	vld [tilespmem:s23+$0x11B0]  }
0xd5: {  	v3 =	vmul.f32 $5.000000070e-02, v3;
	v5 =	vmul.f32 $5.000000070e-02, v5;
	v10 =	vld [tilespmem:s23+$0x11C0]  }
0xd6: {  	v45 =	vmul.f32 $5.000000070e-02, v7;
	v47 =	vmul.f32 $5.000000070e-02, v9;
	v12 =	vld [tilespmem:s23+$0x11D0]  }
0xd7: {  	v49 =	vmul.f32 $5.000000070e-02, v11;
	v52 =	vmul.f32 $5.000000070e-02, v13;
	v14 =	vld [tilespmem:s23+$0x11E0]  }
0xd8: {  	v15 =	vmul.f32 $5.000000070e-02, v15;
	v39 =	vmul.f32 $5.000000070e-02, v17;
	v16 =	vld [tilespmem:s23+$0x11F0]  }
0xd9: {  	v59 =	vmul.f32 $5.000000070e-02, v21;
	v62 =	vmul.f32 $5.000000070e-02, v23;
	v18 =	vld [tilespmem:s23+$0x1580]  }
0xda: {  	v27 =	vmul.f32 $5.000000070e-02, v27;
	v43 =	vmul.f32 $5.000000070e-02, v50;
	v20 =	vld [tilespmem:s23+$0x1590]  }
0xdb: {  	v32 =	vmul.f32 $5.000000070e-02, v32;
	v23 =	vmul.f32 $5.000000070e-02, v63;
	v22 =	vld [tilespmem:s23+$0x15A0]  }
0xdc: {  	v36 =	vmul.f32 $5.000000070e-02, v36;
	v19 =	vmul.f32 $5.000000070e-02, v19;
	v26 =	vld [tilespmem:s23+$0x15B0]  }
0xdd: {  	v28 =	vld [tilespmem:s23+$0x15C0];
	v2 =	vmul.f32 $9.499999880e-01, v2;
	v4 =	vmul.f32 $9.499999880e-01, v4  }
0xde: {  	v53 =	vld [tilespmem:s23+$0x15D0];
	v44 =	vmul.f32 $9.499999880e-01, v6;
	v46 =	vmul.f32 $9.499999880e-01, v8  }
0xdf: {  	v17 =	vld [tilespmem:s23+$0x15E0];
	v48 =	vmul.f32 $9.499999880e-01, v10;
	v51 =	vmul.f32 $9.499999880e-01, v12  }
0xe0: {  	v60 =	vld [tilespmem:s23+$0x1990];
	v14 =	vmul.f32 $9.499999880e-01, v14;
	v38 =	vmul.f32 $9.499999880e-01, v16  }
0xe1: {  	v35 =	vld [tilespmem:s23+$0x19A0];
	v56 =	vmul.f32 $9.499999880e-01, v18;
	v58 =	vmul.f32 $9.499999880e-01, v20  }
0xe2: {  	v41 =	vld [tilespmem:s23+$0x15F0];
	v61 =	vmul.f32 $9.499999880e-01, v22;
	v26 =	vmul.f32 $9.499999880e-01, v26  }
0xe3: {  	v34 =	vld [tilespmem:s23+$0x1980];
	v42 =	vmul.f32 $9.499999880e-01, v28;
	v13 =	vmul.f32 $9.499999880e-01, v53;
	v2 =	vadd.f32 v3, v2  }
0xe4: {  	v17 =	vmul.f32 $9.499999880e-01, v17;
	v3 =	vadd.f32 v5, v4;
	v4 =	vadd.f32 v45, v44  }
0xe5: {  	v21 =	vmul.f32 $9.499999880e-01, v60;
	v5 =	vadd.f32 v47, v46;
	v8 =	vadd.f32 v49, v48  }
0xe6: {  	v35 =	vmul.f32 $9.499999880e-01, v35;
	v6 =	vadd.f32 v52, v51;
	v9 =	vadd.f32 v15, v14  }
0xe7: {  	v31 =	vld [tilespmem:$0xEE0];
	v7 =	vadd.f32 v39, v38;
	v10 =	vadd.f32 v57, v56;
	v44 =	vmul.f32 $5.000000070e-02, v29  }
0xe8: {  	v63 =	vld [tilespmem:s23+$0x1D90];
	v11 =	vadd.f32 v59, v58;
	v56 =	vmul.f32 $9.499999880e-01, v41;
	v57 =	vmul.f32 $9.499999880e-01, v34  }
0xe9: {  	v60 =	vld [tilespmem:s23+$0x1D80];
	v14 =	vadd.f32 v62, v61;
	v24 =	vmul.f32 v2, v2;
	v25 =	vmul.f32 v3, v3  }
0xea: {  	v45 =	vld [tilespmem:s23+$0x19B0];
	v12 =	vadd.f32 v27, v26;
	v30 =	vmul.f32 v4, v4;
	v40 =	vmul.f32 v5, v5  }
0xeb: {  	v46 =	vld [tilespmem:$0xFB0];
	v18 =	vadd.f32 v23, v21;
	v54 =	vmul.f32 v8, v8;
	v55 =	vmul.f32 v6, v6  }
0xec: {  	v27 =	vld [tilespmem:s23+$0x19C0];
	v21 =	vadd.f32 v36, v35;
	v15 =	vmul.f32 v9, v9;
	v33 =	vmul.f32 v7, v7  }
0xed: {  	v51 =	vld [tilespmem:$0xFC0];
	v37 =	vmul.f32 v10, v10;
	v47 =	vmul.f32 v11, v11;
	v13 =	vadd.f32 v44, v13  }
0xee: {  	v58 =	vld [tilespmem:$0xFE0];
	v49 =	vmul.f32 v14, v14;
	v50 =	vmul.f32 v12, v12;
	v20 =	vadd.f32 v19, v57  }
0xef: {  	v62 =	vld [tilespmem:$0x1080];
	v36 =	vmul.f32 v21, v21;
	v24 =	vadd.f32 v54, v24;
	v25 =	vadd.f32 v55, v25  }
0xf0: {  	v38 =	vld [tilespmem:s23+$0x19D0];
	v30 =	vadd.f32 v15, v30;
	v53 =	vmul.f32 v13, v13;
	v54 =	vmul.f32 $5.000000070e-02, v31  }
0xf1: {  	v39 =	vld [tilespmem:s23+$0x19E0];
	v33 =	vadd.f32 v33, v40;
	v29 =	vmul.f32 $9.499999880e-01, v45;
	v22 =	vmul.f32 $5.000000070e-02, v46  }
0xf2: {  	v59 =	vld [tilespmem:s23+$0x19F0];
	v15 =	vadd.f32 v43, v42;
	v46 =	vmul.f32 v20, v20;
	v27 =	vmul.f32 $9.499999880e-01, v27  }
0xf3: {  	v44 =	vld [tilespmem:$0x10E0];
	v28 =	vmul.f32 $5.000000070e-02, v51;
	v34 =	vmul.f32 $5.000000070e-02, v58;
	v48 =	vadd.f32 v37, v24  }
0xf4: {  	v55 =	vld [tilespmem:$0xFD0];
	v23 =	vmul.f32 $5.000000070e-02, v62;
	v25 =	vadd.f32 v47, v25;
	v30 =	vadd.f32 v49, v30  }
0xf5: {  	v40 =	vld [tilespmem:$0xFF0];
	v52 =	vmul.f32 v15, v15;
	v24 =	vadd.f32 v50, v33;
	v16 =	vadd.f32 v54, v17  }
0xf6: {  	v42 =	vld [tilespmem:s23+$0x1DA0];
	v17 =	vadd.f32 v32, v56;
	v47 =	vmul.f32 v18, v18;
	v50 =	vmul.f32 $9.499999880e-01, v38  }
0xf7: {  	v51 =	vld [tilespmem:s23+$0x1DB0];
	v37 =	vmul.f32 $9.499999880e-01, v59;
	v19 =	vadd.f32 v22, v29;
	v22 =	vmul.f32 $9.499999880e-01, v63  }
0xf8: {  	v58 =	vld [tilespmem:s23+$0x1DD0];
	v27 =	vadd.f32 v28, v27;
	v61 =	vmul.f32 v16, v16;
	v41 =	vmul.f32 v17, v17  }
0xf9: {  	v54 =	vld [tilespmem:s23+$0x1DC0];
	v26 =	vadd.f32 v52, v48;
	v52 =	vmul.f32 $9.499999880e-01, v39;
	v49 =	vmul.f32 v19, v19  }
0xfa: {  	v56 =	vld [tilespmem:$0x10C0];
	v25 =	vadd.f32 v53, v25;
	v31 =	vmul.f32 $5.000000070e-02, v55;
	v40 =	vmul.f32 $5.000000070e-02, v40  }
0xfb: {  	v59 =	vld [tilespmem:$0x10D0];
	v55 =	vmul.f32 $9.499999880e-01, v60;
	v45 =	vadd.f32 v61, v30;
	v24 =	vadd.f32 v41, v24  }
0xfc: {  	v48 =	vld [tilespmem:$0x1090];
	v43 =	vmul.f32 v27, v27;
	v26 =	vadd.f32 v46, v26;
	v25 =	vadd.f32 v47, v25  }
0xfd: {  	v34 =	vadd.f32 v34, v52;
	v38 =	vmul.f32 $9.499999880e-01, v51;
	v35 =	vmul.f32 $9.499999880e-01, v58  }
0xfe: {  	v53 =	vld [tilespmem:$0x10B0];
	v52 =	vmul.f32 $5.000000070e-02, v44;
	v31 =	vadd.f32 v31, v50;
	v23 =	vadd.f32 v23, v55  }
0xff: {  	v30 =	vld [tilespmem:$0x10A0];
	v51 =	vmul.f32 $9.499999880e-01, v54;
	v32 =	vmul.f32 $5.000000070e-02, v56;
	v29 =	vadd.f32 v36, v45  }
0x100: {  	v61 =	vld [tilespmem:s23+$0x1DE0];
	v24 =	vadd.f32 v49, v24;
	v62 =	vmul.f32 v34, v34;
	v49 =	vmul.f32 $9.499999880e-01, v42  }
0x101: {  	v46 =	vld [tilespmem:s23+$0x1DF0];
	v36 =	vadd.f32 v40, v37;
	v37 =	vmul.f32 $5.000000070e-02, v59;
	v57 =	vmul.f32 $5.000000070e-02, v48  }
0x102: {  	v50 =	vld [tilespmem:$0x10F0];
	v26 =	vadd.f32 v43, v26;
	v60 =	vmul.f32 v31, v31;
	v48 =	vmul.f32 v23, v23  }
0x103: {  	v39 =	vmul.f32 $5.000000070e-02, v53;
	v32 =	vadd.f32 v32, v51;
	v29 =	vadd.f32 v62, v29  }
0x104: {  	v63 =	vmul.f32 v36, v36;
	v35 =	vadd.f32 v37, v35;
	v22 =	vadd.f32 v57, v22  }
0x105: {  	v25 =	vadd.f32 v60, v25;
	v30 =	vmul.f32 $5.000000070e-02, v30;
	v26 =	vadd.f32 v48, v26  }
0x106: {  	v28 =	vmul.f32 $9.499999880e-01, v61;
	v38 =	vadd.f32 v39, v38;
	v53 =	vmul.f32 $9.499999880e-01, v46  }
0x107: {  	v58 =	vmul.f32 v32, v32;
	v54 =	vmul.f32 $5.000000070e-02, v50;
	v30 =	vadd.f32 v30, v49  }
0x108: {  	v24 =	vadd.f32 v63, v24;
	v45 =	vmul.f32 v22, v22;
	v56 =	vmul.f32 v38, v38  }
0x109: {  	v28 =	vadd.f32 v52, v28;
	v57 =	vadd.f32 v54, v53;
	v55 =	vmul.f32 v30, v30  }
0x10a: {  	v59 =	vmul.f32 v35, v35;
	v25 =	vadd.f32 v45, v25;
	v24 =	vadd.f32 v56, v24  }
0x10b: {  	v60 =	vmul.f32 v28, v28;
	v41 =	vmul.f32 v57, v57;
	v29 =	vadd.f32 v55, v29  }
0x10c: {  	v26 =	vadd.f32 v58, v26;
	v25 =	vadd.f32 v59, v25  }
0x10d: {  	v24 =	vadd.f32 v41, v24;
	v29 =	vadd.f32 v60, v29;
	_ =	sdelay $0x1  }
0x10e: {  	v25 =	vadd.f32 v25, v26;
	v24 =	vadd.f32 v24, v29;
	_ =	sdelay $0x1  }
0x10f: {  	v24 =	vadd.f32 v24, v25;
	_ =	sdelay $0x1  }
0x110: {  	(xrf2) =	vadd.scan.msk.f32 $0xffff, v24;
	_ =	sdelay $0x9  }
0x111: {  	v24, _, _ =	vpop (xrf2)  }
0x112: {  	v24 =	vbroadcast v24, $0xF;
	_ =	sdelay $0x1  }
0x113: {  	v61 =	vshra.s32 v24, $0x1;
	v62 =	vmul.f32 $5.000000000e-01, v24  }
0x114: {  	v25 =	vsub.s32 $0x5F3759DF, v61  }
0x115: {  	v63 =	vmul.f32 v25, v62;
	_ =	sdelay $0x1  }
0x116: {  	v29 =	vmul.f32 v25, v63;
	_ =	sdelay $0x1  }
0x117: {  	v29 =	vsub.f32 $1.500000000e+00, v29;
	_ =	sdelay $0x1  }
0x118: {  	v25 =	vmul.f32 v25, v29;
	_ =	sdelay $0x1  }
0x119: {  	v29 =	vmul.f32 v25, v62;
	_ =	sdelay $0x1  }
0x11a: {  	v29 =	vmul.f32 v29, v25;
	_ =	sdelay $0x1  }
0x11b: {  	v29 =	vsub.f32 $1.500000000e+00, v29;
	_ =	sdelay $0x1  }
0x11c: {  	v25 =	vmul.f32 v29, v25;
	_ =	sdelay $0x1  }
0x11d: {  	v29 =	vmul.f32 v25, v62;
	_ =	sdelay $0x1  }
0x11e: {  	v29 =	vmul.f32 v29, v25;
	_ =	sdelay $0x1  }
0x11f: {  	v29 =	vsub.f32 $1.500000000e+00, v29;
	_ =	sdelay $0x1  }
0x120: {  	v25 =	vmul.f32 v29, v25;
	_ =	sdelay $0x1  }
0x121: {  	v26 =	vmul.f32 v25, v62;
	_ =	sdelay $0x1  }
0x122: {  	v26 =	vmul.f32 v26, v25;
	_ =	sdelay $0x1  }
0x123: {  	v26 =	vsub.f32 $1.500000000e+00, v26;
	_ =	sdelay $0x1  }
0x124: {  	v25 =	vmul.f32 v26, v25;
	_ =	sdelay $0x1  }
0x125: {  	v24 =	vmul.f32 v25, v24;
	_ =	sdelay $0x1  }
0x126: {  	vm0 =	vgt.f32 v24, $9.999999960e-13  }
0x127: {  	v24 =	vnsel vm0, $0x5368D4A5, v25  }
0x128: {  	v2 =	vmul.f32 v24, v2  }
0x129: {  	v3 =	vmul.f32 v24, v3  }
0x12a: {  	[tilespmem:s23+$0x1180] =	vst v2;
	v2 =	vmul.f32 v24, v4  }
0x12b: {  	[tilespmem:s23+$0x1190] =	vst v3;
	v3 =	vmul.f32 v24, v5  }
0x12c: {  	[tilespmem:s23+$0x11A0] =	vst v2;
	v2 =	vmul.f32 v24, v8  }
0x12d: {  	[tilespmem:s23+$0x11B0] =	vst v3;
	v3 =	vmul.f32 v24, v6  }
0x12e: {  	[tilespmem:s23+$0x11C0] =	vst v2;
	v2 =	vmul.f32 v24, v9  }
0x12f: {  	[tilespmem:s23+$0x11D0] =	vst v3;
	v3 =	vmul.f32 v24, v7  }
0x130: {  	[tilespmem:s23+$0x11E0] =	vst v2;
	v2 =	vmul.f32 v24, v10  }
0x131: {  	[tilespmem:s23+$0x11F0] =	vst v3;
	v3 =	vmul.f32 v24, v11  }
0x132: {  	[tilespmem:s23+$0x1580] =	vst v2;
	v2 =	vmul.f32 v24, v14  }
0x133: {  	[tilespmem:s23+$0x1590] =	vst v3;
	v3 =	vmul.f32 v24, v12  }
0x134: {  	[tilespmem:s23+$0x15A0] =	vst v2;
	v2 =	vmul.f32 v24, v15  }
0x135: {  	[tilespmem:s23+$0x15B0] =	vst v3;
	v3 =	vmul.f32 v24, v13  }
0x136: {  	[tilespmem:s23+$0x15C0] =	vst v2;
	v2 =	vmul.f32 v24, v16  }
0x137: {  	[tilespmem:s23+$0x15D0] =	vst v3;
	v3 =	vmul.f32 v24, v17  }
0x138: {  	[tilespmem:s23+$0x15E0] =	vst v2;
	v2 =	vmul.f32 v24, v20  }
0x139: {  	[tilespmem:s23+$0x15F0] =	vst v3;
	v3 =	vmul.f32 v24, v18  }
0x13a: {  	[tilespmem:s23+$0x1980] =	vst v2;
	v2 =	vmul.f32 v24, v21  }
0x13b: {  	[tilespmem:s23+$0x1990] =	vst v3;
	v3 =	vmul.f32 v24, v19  }
0x13c: {  	[tilespmem:s23+$0x19A0] =	vst v2;
	v2 =	vmul.f32 v24, v27  }
0x13d: {  	[tilespmem:s23+$0x19B0] =	vst v3;
	v3 =	vmul.f32 v24, v31  }
0x13e: {  	[tilespmem:s23+$0x19C0] =	vst v2;
	v2 =	vmul.f32 v24, v34  }
0x13f: {  	[tilespmem:s23+$0x19D0] =	vst v3;
	v3 =	vmul.f32 v24, v36  }
0x140: {  	[tilespmem:s23+$0x19E0] =	vst v2;
	v2 =	vmul.f32 v24, v23  }
0x141: {  	[tilespmem:s23+$0x19F0] =	vst v3;
	v3 =	vmul.f32 v24, v22  }
0x142: {  	[tilespmem:s23+$0x1D80] =	vst v2;
	v2 =	vmul.f32 v24, v30  }
0x143: {  	[tilespmem:s23+$0x1D90] =	vst v3;
	v3 =	vmul.f32 v24, v38  }
0x144: {  	[tilespmem:s23+$0x1DA0] =	vst v2;
	v2 =	vmul.f32 v24, v32  }
0x145: {  	[tilespmem:s23+$0x1DB0] =	vst v3;
	v3 =	vmul.f32 v24, v35  }
0x146: {  	[tilespmem:s23+$0x1DC0] =	vst v2;
	v2 =	vmul.f32 v24, v28  }
0x147: {  	[tilespmem:s23+$0x1DD0] =	vst v3;
	v3 =	vmul.f32 v24, v57  }
0x148: {  	s31 =	sadd.s32 $0x1, s20;
	[tilespmem:s23+$0x1DE0] =	vst v2  }
0x149: {  	p1 =	sge.s32 s31, s18;
	[tilespmem:s23+$0x1DF0] =	vst v3  }
0x14a: {  	v2 =	vld @!p1 [tilespmem:s22+$0xFFFFFFFF];
	_ =	sdelay $0x4  }
0x14b: {  	(v2sf) =	vpush @!p1 v2, $0x0;
	_ =	sdelay $0xe  }
0x14c: {  	s23 =	spop @!p1 (v2sf)  }
0x14d: {  	s24 =	sshll.u32 @!p1 s23, $0x9  }
0x14e: {  	s23 =	sshll.u32 @!p1 s23, $0x7;
	s24 =	sand.u32 @!p1 $0xFFFFF000, s24  }
0x14f: {  	s23 =	sand.u32 @!p1 $0x380, s23;
	s24 =	sadd.s32 @!p1 s24, s3  }
0x150: {  	s23 =	sadd.s32 @!p1 s23, s24;
	s24 =	simm.s32 @!p1 $0xD80  }
0x151: {  	[tilespmem:s24], [sflag:$0x2] =	stream.linear.gather @!p1 [spmem:s23], $0x80, $0x38;
	[tilespmem:$0xD180] =	vst v63  }
0x152: {  	s25 =	simm.s32 @!p1 $0xE80;
	s24 =	sadd.s32 @!p1 $0x400, s23  }
0x153: {  	[tilespmem:s25], [sflag:$0x2] =	stream.linear.gather @!p1 [spmem:s24], $0x80, $0x38;
	[tilespmem:$0xD180] =	vst v63  }
0x154: {  	s24 =	sadd.s32 @!p1 $0x800, s23;
	s25 =	simm.s32 @!p1 $0xF80  }
0x155: {  	[tilespmem:s25], [sflag:$0x2] =	stream.linear.gather @!p1 [spmem:s24], $0x80, $0x38;
	[tilespmem:$0xD180] =	vst v63  }
0x156: {  	s23 =	sadd.s32 @!p1 $0xC00, s23;
	s24 =	simm.s32 @!p1 $0x1080  }
0x157: {  	[tilespmem:s24], [sflag:$0x2] =	stream.linear.gather @!p1 [spmem:s23], $0x80, $0x38;
	[tilespmem:$0xD180] =	vst v63  }
0x158: {  	p1 =	sge.s32 s20, s18  }
.Ltmp6:
0x159: {  	_ = 	snop;
	(pc) =	sbr.rel @p1 .LBB2_7-.Ltmp6, $1  }
0x15a: {  	_ =	sdelay $0x3  }
0x15b: {  	_ =	swait.ge [sflag:s16], $0x200  }
0x15c: {  	[sflag:s16] =	ssyncset.done $0x0  }
0x15d: {  	[sflag:s16] =	ssyncadd.s32 $0xFFFFFE00  }
0x15e: {  	v2 =	vld [tilespmem:s21+$0x0];
	_ =	sdelay $0x4  }
0x15f: {  	(v2sf) =	vpush v2, $0x0  }
0x160: {  	v3 =	vld [tilespmem:$0xE00]  }
0x161: {  	v5 =	vld [tilespmem:$0xE10]  }
0x162: {  	v7 =	vld [tilespmem:$0xE20]  }
0x163: {  	v9 =	vld [tilespmem:$0xE30]  }
0x164: {  	v11 =	vld [tilespmem:$0xE40]  }
0x165: {  	v13 =	vld [tilespmem:$0xE50]  }
0x166: {  	v15 =	vld [tilespmem:$0xE60]  }
0x167: {  	v17 =	vld [tilespmem:$0xE70]  }
0x168: {  	v19 =	vld [tilespmem:$0xF00]  }
0x169: {  	v21 =	vld [tilespmem:$0xF10]  }
0x16a: {  	v23 =	vld [tilespmem:$0xF20]  }
0x16b: {  	v27 =	vld [tilespmem:$0xF30]  }
0x16c: {  	v50 =	vld [tilespmem:$0xF40]  }
0x16d: {  	v29 =	vld [tilespmem:$0xF50]  }
0x16e: {  	v32 =	vld [tilespmem:$0xF70];
	s23 =	spop (v2sf)  }
0x16f: {  	v63 =	vld [tilespmem:$0x1010];
	s24 =	sshll.u32 s23, $0x9;
	s23 =	sshll.u32 s23, $0x7  }
0x170: {  	v36 =	vld [tilespmem:$0x1020];
	s24 =	sand.u32 $0xFFFFF000, s24;
	s23 =	sand.u32 $0x380, s23  }
0x171: {  	v57 =	vmul.f32 $5.000000070e-02, v19;
	v19 =	vld [tilespmem:$0x1000];
	s23 =	sor.u32 s23, s24  }
0x172: {  	v2 =	vld [tilespmem:s23+$0x1180]  }
0x173: {  	v4 =	vld [tilespmem:s23+$0x1190]  }
0x174: {  	v6 =	vld [tilespmem:s23+$0x11A0]  }
0x175: {  	v8 =	vld [tilespmem:s23+$0x11B0]  }
0x176: {  	v3 =	vmul.f32 $5.000000070e-02, v3;
	v5 =	vmul.f32 $5.000000070e-02, v5;
	v10 =	vld [tilespmem:s23+$0x11C0]  }
0x177: {  	v45 =	vmul.f32 $5.000000070e-02, v7;
	v47 =	vmul.f32 $5.000000070e-02, v9;
	v12 =	vld [tilespmem:s23+$0x11D0]  }
0x178: {  	v49 =	vmul.f32 $5.000000070e-02, v11;
	v52 =	vmul.f32 $5.000000070e-02, v13;
	v14 =	vld [tilespmem:s23+$0x11E0]  }
0x179: {  	v15 =	vmul.f32 $5.000000070e-02, v15;
	v39 =	vmul.f32 $5.000000070e-02, v17;
	v16 =	vld [tilespmem:s23+$0x11F0]  }
0x17a: {  	v59 =	vmul.f32 $5.000000070e-02, v21;
	v62 =	vmul.f32 $5.000000070e-02, v23;
	v18 =	vld [tilespmem:s23+$0x1580]  }
0x17b: {  	v27 =	vmul.f32 $5.000000070e-02, v27;
	v43 =	vmul.f32 $5.000000070e-02, v50;
	v20 =	vld [tilespmem:s23+$0x1590]  }
0x17c: {  	v32 =	vmul.f32 $5.000000070e-02, v32;
	v23 =	vmul.f32 $5.000000070e-02, v63;
	v22 =	vld [tilespmem:s23+$0x15A0]  }
0x17d: {  	v36 =	vmul.f32 $5.000000070e-02, v36;
	v19 =	vmul.f32 $5.000000070e-02, v19;
	v26 =	vld [tilespmem:s23+$0x15B0]  }
0x17e: {  	v28 =	vld [tilespmem:s23+$0x15C0];
	v2 =	vmul.f32 $9.499999880e-01, v2;
	v4 =	vmul.f32 $9.499999880e-01, v4  }
0x17f: {  	v53 =	vld [tilespmem:s23+$0x15D0];
	v44 =	vmul.f32 $9.499999880e-01, v6;
	v46 =	vmul.f32 $9.499999880e-01, v8  }
0x180: {  	v17 =	vld [tilespmem:s23+$0x15E0];
	v48 =	vmul.f32 $9.499999880e-01, v10;
	v51 =	vmul.f32 $9.499999880e-01, v12  }
0x181: {  	v60 =	vld [tilespmem:s23+$0x1990];
	v14 =	vmul.f32 $9.499999880e-01, v14;
	v38 =	vmul.f32 $9.499999880e-01, v16  }
0x182: {  	v35 =	vld [tilespmem:s23+$0x19A0];
	v56 =	vmul.f32 $9.499999880e-01, v18;
	v58 =	vmul.f32 $9.499999880e-01, v20  }
0x183: {  	v41 =	vld [tilespmem:s23+$0x15F0];
	v61 =	vmul.f32 $9.499999880e-01, v22;
	v26 =	vmul.f32 $9.499999880e-01, v26  }
0x184: {  	v34 =	vld [tilespmem:s23+$0x1980];
	v42 =	vmul.f32 $9.499999880e-01, v28;
	v13 =	vmul.f32 $9.499999880e-01, v53;
	v2 =	vadd.f32 v3, v2  }
0x185: {  	v17 =	vmul.f32 $9.499999880e-01, v17;
	v3 =	vadd.f32 v5, v4;
	v4 =	vadd.f32 v45, v44  }
0x186: {  	v21 =	vmul.f32 $9.499999880e-01, v60;
	v5 =	vadd.f32 v47, v46;
	v8 =	vadd.f32 v49, v48  }
0x187: {  	v35 =	vmul.f32 $9.499999880e-01, v35;
	v6 =	vadd.f32 v52, v51;
	v9 =	vadd.f32 v15, v14  }
0x188: {  	v31 =	vld [tilespmem:$0xF60];
	v7 =	vadd.f32 v39, v38;
	v10 =	vadd.f32 v57, v56;
	v44 =	vmul.f32 $5.000000070e-02, v29  }
0x189: {  	v63 =	vld [tilespmem:s23+$0x1D90];
	v11 =	vadd.f32 v59, v58;
	v56 =	vmul.f32 $9.499999880e-01, v41;
	v57 =	vmul.f32 $9.499999880e-01, v34  }
0x18a: {  	v60 =	vld [tilespmem:s23+$0x1D80];
	v14 =	vadd.f32 v62, v61;
	v24 =	vmul.f32 v2, v2;
	v25 =	vmul.f32 v3, v3  }
0x18b: {  	v45 =	vld [tilespmem:s23+$0x19B0];
	v12 =	vadd.f32 v27, v26;
	v30 =	vmul.f32 v4, v4;
	v40 =	vmul.f32 v5, v5  }
0x18c: {  	v46 =	vld [tilespmem:$0x1030];
	v18 =	vadd.f32 v23, v21;
	v54 =	vmul.f32 v8, v8;
	v55 =	vmul.f32 v6, v6  }
0x18d: {  	v27 =	vld [tilespmem:s23+$0x19C0];
	v21 =	vadd.f32 v36, v35;
	v15 =	vmul.f32 v9, v9;
	v33 =	vmul.f32 v7, v7  }
0x18e: {  	v51 =	vld [tilespmem:$0x1040];
	v37 =	vmul.f32 v10, v10;
	v47 =	vmul.f32 v11, v11;
	v13 =	vadd.f32 v44, v13  }
0x18f: {  	v58 =	vld [tilespmem:$0x1060];
	v49 =	vmul.f32 v14, v14;
	v50 =	vmul.f32 v12, v12;
	v20 =	vadd.f32 v19, v57  }
0x190: {  	v62 =	vld [tilespmem:$0x1100];
	v36 =	vmul.f32 v21, v21;
	v24 =	vadd.f32 v54, v24;
	v25 =	vadd.f32 v55, v25  }
0x191: {  	v38 =	vld [tilespmem:s23+$0x19D0];
	v30 =	vadd.f32 v15, v30;
	v53 =	vmul.f32 v13, v13;
	v54 =	vmul.f32 $5.000000070e-02, v31  }
0x192: {  	v39 =	vld [tilespmem:s23+$0x19E0];
	v33 =	vadd.f32 v33, v40;
	v29 =	vmul.f32 $9.499999880e-01, v45;
	v22 =	vmul.f32 $5.000000070e-02, v46  }
0x193: {  	v59 =	vld [tilespmem:s23+$0x19F0];
	v15 =	vadd.f32 v43, v42;
	v46 =	vmul.f32 v20, v20;
	v27 =	vmul.f32 $9.499999880e-01, v27  }
0x194: {  	v44 =	vld [tilespmem:$0x1160];
	v28 =	vmul.f32 $5.000000070e-02, v51;
	v34 =	vmul.f32 $5.000000070e-02, v58;
	v48 =	vadd.f32 v37, v24  }
0x195: {  	v55 =	vld [tilespmem:$0x1050];
	v23 =	vmul.f32 $5.000000070e-02, v62;
	v25 =	vadd.f32 v47, v25;
	v30 =	vadd.f32 v49, v30  }
0x196: {  	v40 =	vld [tilespmem:$0x1070];
	v52 =	vmul.f32 v15, v15;
	v24 =	vadd.f32 v50, v33;
	v16 =	vadd.f32 v54, v17  }
0x197: {  	v42 =	vld [tilespmem:s23+$0x1DA0];
	v17 =	vadd.f32 v32, v56;
	v47 =	vmul.f32 v18, v18;
	v50 =	vmul.f32 $9.499999880e-01, v38  }
0x198: {  	v51 =	vld [tilespmem:s23+$0x1DB0];
	v37 =	vmul.f32 $9.499999880e-01, v59;
	v19 =	vadd.f32 v22, v29;
	v22 =	vmul.f32 $9.499999880e-01, v63  }
0x199: {  	v58 =	vld [tilespmem:s23+$0x1DD0];
	v27 =	vadd.f32 v28, v27;
	v61 =	vmul.f32 v16, v16;
	v41 =	vmul.f32 v17, v17  }
0x19a: {  	v54 =	vld [tilespmem:s23+$0x1DC0];
	v26 =	vadd.f32 v52, v48;
	v52 =	vmul.f32 $9.499999880e-01, v39;
	v49 =	vmul.f32 v19, v19  }
0x19b: {  	v56 =	vld [tilespmem:$0x1140];
	v25 =	vadd.f32 v53, v25;
	v31 =	vmul.f32 $5.000000070e-02, v55;
	v40 =	vmul.f32 $5.000000070e-02, v40  }
0x19c: {  	v59 =	vld [tilespmem:$0x1150];
	v55 =	vmul.f32 $9.499999880e-01, v60;
	v45 =	vadd.f32 v61, v30;
	v24 =	vadd.f32 v41, v24  }
0x19d: {  	v48 =	vld [tilespmem:$0x1110];
	v43 =	vmul.f32 v27, v27;
	v26 =	vadd.f32 v46, v26;
	v25 =	vadd.f32 v47, v25  }
0x19e: {  	v34 =	vadd.f32 v34, v52;
	v38 =	vmul.f32 $9.499999880e-01, v51;
	v35 =	vmul.f32 $9.499999880e-01, v58  }
0x19f: {  	v53 =	vld [tilespmem:$0x1130];
	v52 =	vmul.f32 $5.000000070e-02, v44;
	v31 =	vadd.f32 v31, v50;
	v23 =	vadd.f32 v23, v55  }
0x1a0: {  	v30 =	vld [tilespmem:$0x1120];
	v51 =	vmul.f32 $9.499999880e-01, v54;
	v32 =	vmul.f32 $5.000000070e-02, v56;
	v29 =	vadd.f32 v36, v45  }
0x1a1: {  	v61 =	vld [tilespmem:s23+$0x1DE0];
	v24 =	vadd.f32 v49, v24;
	v62 =	vmul.f32 v34, v34;
	v49 =	vmul.f32 $9.499999880e-01, v42  }
0x1a2: {  	v46 =	vld [tilespmem:s23+$0x1DF0];
	v36 =	vadd.f32 v40, v37;
	v37 =	vmul.f32 $5.000000070e-02, v59;
	v57 =	vmul.f32 $5.000000070e-02, v48  }
0x1a3: {  	v50 =	vld [tilespmem:$0x1170];
	v26 =	vadd.f32 v43, v26;
	v60 =	vmul.f32 v31, v31;
	v48 =	vmul.f32 v23, v23  }
0x1a4: {  	v39 =	vmul.f32 $5.000000070e-02, v53;
	v32 =	vadd.f32 v32, v51;
	v29 =	vadd.f32 v62, v29  }
0x1a5: {  	v63 =	vmul.f32 v36, v36;
	v35 =	vadd.f32 v37, v35;
	v22 =	vadd.f32 v57, v22  }
0x1a6: {  	v25 =	vadd.f32 v60, v25;
	v30 =	vmul.f32 $5.000000070e-02, v30;
	v26 =	vadd.f32 v48, v26  }
0x1a7: {  	v28 =	vmul.f32 $9.499999880e-01, v61;
	v38 =	vadd.f32 v39, v38;
	v53 =	vmul.f32 $9.499999880e-01, v46  }
0x1a8: {  	v58 =	vmul.f32 v32, v32;
	v54 =	vmul.f32 $5.000000070e-02, v50;
	v30 =	vadd.f32 v30, v49  }
0x1a9: {  	v24 =	vadd.f32 v63, v24;
	v45 =	vmul.f32 v22, v22;
	v56 =	vmul.f32 v38, v38  }
0x1aa: {  	v28 =	vadd.f32 v52, v28;
	v57 =	vadd.f32 v54, v53;
	v55 =	vmul.f32 v30, v30  }
0x1ab: {  	v59 =	vmul.f32 v35, v35;
	v25 =	vadd.f32 v45, v25;
	v24 =	vadd.f32 v56, v24  }
0x1ac: {  	v60 =	vmul.f32 v28, v28;
	v41 =	vmul.f32 v57, v57;
	v29 =	vadd.f32 v55, v29  }
0x1ad: {  	v26 =	vadd.f32 v58, v26;
	v25 =	vadd.f32 v59, v25  }
0x1ae: {  	v24 =	vadd.f32 v41, v24;
	v29 =	vadd.f32 v60, v29;
	_ =	sdelay $0x1  }
0x1af: {  	v25 =	vadd.f32 v25, v26;
	v24 =	vadd.f32 v24, v29;
	_ =	sdelay $0x1  }
0x1b0: {  	v24 =	vadd.f32 v24, v25;
	_ =	sdelay $0x1  }
0x1b1: {  	(xrf2) =	vadd.scan.msk.f32 $0xffff, v24;
	_ =	sdelay $0x9  }
0x1b2: {  	v24, _, _ =	vpop (xrf2)  }
0x1b3: {  	v24 =	vbroadcast v24, $0xF;
	_ =	sdelay $0x1  }
0x1b4: {  	v61 =	vshra.s32 v24, $0x1;
	v62 =	vmul.f32 $5.000000000e-01, v24  }
0x1b5: {  	v25 =	vsub.s32 $0x5F3759DF, v61  }
0x1b6: {  	v63 =	vmul.f32 v25, v62;
	_ =	sdelay $0x1  }
0x1b7: {  	v29 =	vmul.f32 v25, v63;
	_ =	sdelay $0x1  }
0x1b8: {  	v29 =	vsub.f32 $1.500000000e+00, v29;
	_ =	sdelay $0x1  }
0x1b9: {  	v25 =	vmul.f32 v25, v29;
	_ =	sdelay $0x1  }
0x1ba: {  	v29 =	vmul.f32 v25, v62;
	_ =	sdelay $0x1  }
0x1bb: {  	v29 =	vmul.f32 v29, v25;
	_ =	sdelay $0x1  }
0x1bc: {  	v29 =	vsub.f32 $1.500000000e+00, v29;
	_ =	sdelay $0x1  }
0x1bd: {  	v25 =	vmul.f32 v29, v25;
	_ =	sdelay $0x1  }
0x1be: {  	v29 =	vmul.f32 v25, v62;
	_ =	sdelay $0x1  }
0x1bf: {  	v29 =	vmul.f32 v29, v25;
	_ =	sdelay $0x1  }
0x1c0: {  	v29 =	vsub.f32 $1.500000000e+00, v29;
	_ =	sdelay $0x1  }
0x1c1: {  	v25 =	vmul.f32 v29, v25;
	_ =	sdelay $0x1  }
0x1c2: {  	v26 =	vmul.f32 v25, v62;
	_ =	sdelay $0x1  }
0x1c3: {  	v26 =	vmul.f32 v26, v25;
	_ =	sdelay $0x1  }
0x1c4: {  	v26 =	vsub.f32 $1.500000000e+00, v26;
	_ =	sdelay $0x1  }
0x1c5: {  	v25 =	vmul.f32 v26, v25;
	_ =	sdelay $0x1  }
0x1c6: {  	v24 =	vmul.f32 v25, v24;
	_ =	sdelay $0x1  }
0x1c7: {  	vm0 =	vgt.f32 v24, $9.999999960e-13  }
0x1c8: {  	v24 =	vnsel vm0, $0x5368D4A5, v25  }
0x1c9: {  	v2 =	vmul.f32 v24, v2  }
0x1ca: {  	v3 =	vmul.f32 v24, v3  }
0x1cb: {  	[tilespmem:s23+$0x1180] =	vst v2;
	v2 =	vmul.f32 v24, v4  }
0x1cc: {  	[tilespmem:s23+$0x1190] =	vst v3;
	v3 =	vmul.f32 v24, v5  }
0x1cd: {  	[tilespmem:s23+$0x11A0] =	vst v2;
	v2 =	vmul.f32 v24, v8  }
0x1ce: {  	[tilespmem:s23+$0x11B0] =	vst v3;
	v3 =	vmul.f32 v24, v6  }
0x1cf: {  	[tilespmem:s23+$0x11C0] =	vst v2;
	v2 =	vmul.f32 v24, v9  }
0x1d0: {  	[tilespmem:s23+$0x11D0] =	vst v3;
	v3 =	vmul.f32 v24, v7  }
0x1d1: {  	[tilespmem:s23+$0x11E0] =	vst v2;
	v2 =	vmul.f32 v24, v10  }
0x1d2: {  	[tilespmem:s23+$0x11F0] =	vst v3;
	v3 =	vmul.f32 v24, v11  }
0x1d3: {  	[tilespmem:s23+$0x1580] =	vst v2;
	v2 =	vmul.f32 v24, v14  }
0x1d4: {  	[tilespmem:s23+$0x1590] =	vst v3;
	v3 =	vmul.f32 v24, v12  }
0x1d5: {  	[tilespmem:s23+$0x15A0] =	vst v2;
	v2 =	vmul.f32 v24, v15  }
0x1d6: {  	[tilespmem:s23+$0x15B0] =	vst v3;
	v3 =	vmul.f32 v24, v13  }
0x1d7: {  	[tilespmem:s23+$0x15C0] =	vst v2;
	v2 =	vmul.f32 v24, v16  }
0x1d8: {  	[tilespmem:s23+$0x15D0] =	vst v3;
	v3 =	vmul.f32 v24, v17  }
0x1d9: {  	[tilespmem:s23+$0x15E0] =	vst v2;
	v2 =	vmul.f32 v24, v20  }
0x1da: {  	[tilespmem:s23+$0x15F0] =	vst v3;
	v3 =	vmul.f32 v24, v18  }
0x1db: {  	[tilespmem:s23+$0x1980] =	vst v2;
	v2 =	vmul.f32 v24, v21  }
0x1dc: {  	[tilespmem:s23+$0x1990] =	vst v3;
	v3 =	vmul.f32 v24, v19  }
0x1dd: {  	[tilespmem:s23+$0x19A0] =	vst v2;
	v2 =	vmul.f32 v24, v27  }
0x1de: {  	[tilespmem:s23+$0x19B0] =	vst v3;
	v3 =	vmul.f32 v24, v31  }
0x1df: {  	[tilespmem:s23+$0x19C0] =	vst v2;
	v2 =	vmul.f32 v24, v34  }
0x1e0: {  	[tilespmem:s23+$0x19D0] =	vst v3;
	v3 =	vmul.f32 v24, v36  }
0x1e1: {  	[tilespmem:s23+$0x19E0] =	vst v2;
	v2 =	vmul.f32 v24, v23  }
0x1e2: {  	[tilespmem:s23+$0x19F0] =	vst v3;
	v3 =	vmul.f32 v24, v22  }
0x1e3: {  	[tilespmem:s23+$0x1D80] =	vst v2;
	v2 =	vmul.f32 v24, v30  }
0x1e4: {  	[tilespmem:s23+$0x1D90] =	vst v3;
	v3 =	vmul.f32 v24, v38  }
0x1e5: {  	[tilespmem:s23+$0x1DA0] =	vst v2;
	v2 =	vmul.f32 v24, v32  }
0x1e6: {  	[tilespmem:s23+$0x1DB0] =	vst v3;
	v3 =	vmul.f32 v24, v35  }
0x1e7: {  	[tilespmem:s23+$0x1DC0] =	vst v2;
	v2 =	vmul.f32 v24, v28  }
0x1e8: {  	[tilespmem:s23+$0x1DD0] =	vst v3;
	v3 =	vmul.f32 v24, v57  }
0x1e9: {  	s31 =	sadd.s32 $0x2, s20;
	[tilespmem:s23+$0x1DE0] =	vst v2  }
0x1ea: {  	p1 =	sge.s32 s31, s18;
	[tilespmem:s23+$0x1DF0] =	vst v3  }
0x1eb: {  	v2 =	vld @!p1 [tilespmem:s22+$0x0];
	_ =	sdelay $0x4  }
0x1ec: {  	(v2sf) =	vpush @!p1 v2, $0x0;
	_ =	sdelay $0xe  }
0x1ed: {  	s23 =	spop @!p1 (v2sf)  }
0x1ee: {  	s24 =	sshll.u32 @!p1 s23, $0x9  }
0x1ef: {  	s23 =	sshll.u32 @!p1 s23, $0x7;
	s24 =	sand.u32 @!p1 $0xFFFFF000, s24  }
0x1f0: {  	s23 =	sand.u32 @!p1 $0x380, s23;
	s24 =	sadd.s32 @!p1 s24, s3  }
0x1f1: {  	s23 =	sadd.s32 @!p1 s23, s24;
	s24 =	simm.s32 @!p1 $0xE00  }
0x1f2: {  	[tilespmem:s24], [sflag:$0x3] =	stream.linear.gather @!p1 [spmem:s23], $0x80, $0x38;
	[tilespmem:$0xD180] =	vst v63  }
0x1f3: {  	s25 =	simm.s32 @!p1 $0xF00;
	s24 =	sadd.s32 @!p1 $0x400, s23  }
0x1f4: {  	[tilespmem:s25], [sflag:$0x3] =	stream.linear.gather @!p1 [spmem:s24], $0x80, $0x38;
	[tilespmem:$0xD180] =	vst v63  }
.Ltmp7:
0x1f5: {  	_ = 	snop;
	(pc) =	sbr.rel .LBB2_7-.Ltmp7, $4  }
0x1f6: {  	s24 =	sadd.s32 @!p1 $0x800, s23;
	s25 =	simm.s32 @!p1 $0x1000  }
0x1f7: {  	[tilespmem:s25], [sflag:$0x3] =	stream.linear.gather @!p1 [spmem:s24], $0x80, $0x38;
	[tilespmem:$0xD180] =	vst v63  }
0x1f8: {  	s23 =	sadd.s32 @!p1 $0xC00, s23;
	s24 =	simm.s32 @!p1 $0x1100  }
0x1f9: {  	[tilespmem:s24], [sflag:$0x3] =	stream.linear.gather @!p1 [spmem:s23], $0x80, $0x38;
	[tilespmem:$0xD180] =	vst v63  }
.LBB2_9:
0x1fa: {  	_ =	sfence.sel $0x180000  }
0x1fb: {  	[bflag:$0x0] =	sbarrier.arrive $0xFFFF  }
0x1fc: {  	p0 =	sne.s32 s2, $0x0;
	_ =	strace $0x90000047  }
0x1fd: {  	s0 =	sadd.s32 @!p0 $0x100000, s0;
	[bflag:$0x2] =	sbarrier.arrive $0xFFFF  }
0x1fe: {  	[sflag:s0] =	ssyncadd.tile.s32 @!p0 $0x1;
	_ =	shalt  }
.Lfunc_end2:
_tile_overlayer_lowered:
.L_overlay_start_2:
0x1ff: {  	(tag) =	ssettag $0x2  }
0x200: {  	s0 =	rddreg [dreg:$0x0];
	s2 =	stileid.u32  }
0x201: {  	s1 =	rddreg [dreg:$0x1];
	p0 =	sne.s32 s2, $0x0  }
0x202: {  	s3 =	rddreg [dreg:$0x2];
	[bflag:$0x3] =	sbarrier.arrive $0xFFFF;
	s2 =	simm.s32 @!p0 $0x1C05  }
0x203: {  	[timem:s3], [sflag:s2] =	dma.local @!p0 [hbm:s0], s1  }
0x204: {  	s0 =	simm.s32 @!p0 $0x5  }
0x205: {  	_ =	swait.ge @!p0 [sflag:s0], s1  }
0x206: {  	s1 =	ssub.s32 @!p0 $0x0, s1;
	[sflag:s0] =	ssyncset.done @!p0 $0x0  }
0x207: {  	[sflag:s0] =	ssyncadd.s32 @!p0 s1  }
0x208: {  	[bflag:$0x3] =	sbarrier.arrive $0xFFFF  }
0x209: {  	_ =	shalt  }

</sc_bundles>
